<compile_context>
chip_gen: v7x
topology: tpu7x:2x2x1
jax: 0.10.2.dev20260603
libtpu: 0.0.44.dev20260713+nightly
codegen_flags: <defaults>
</compile_context>

<pallas_src>
import functools

import jax
import jax.numpy as jnp
from jax import lax
from jax.experimental import pallas as pl
from jax.experimental.pallas import tpu as pltpu
from jax.experimental.pallas import tpu_sc as plsc

NUM_EXPERTS = 64
TOP_K = 8
SCALING = 32 / 8

_TM = 2048
_LANES = 16
_NW = 32
_NCHUNK = 4


def _tc1_body(x_ref, aq_ref, k_ref, z_ref, s_ref):
    y = jnp.dot(x_ref[...], aq_ref[...], preferred_element_type=jnp.float32)
    z_ref[...] = y[:, :NUM_EXPERTS]
    q = y[:, NUM_EXPERTS:]
    st = jnp.dot(k_ref[...], q.T, preferred_element_type=jnp.float32)
    ntok = s_ref.shape[2]
    nsub = y.shape[0] // ntok
    s_ref[...] = jnp.stack(
        [st[:, k * ntok : (k + 1) * ntok] for k in range(nsub)], axis=0
    )


def _sc_route_body(s_hbm, w_hbm, i_hbm, svm, wvm, ivm):
    tok = svm.shape[0] // NUM_EXPERTS
    wid = lax.axis_index("s") * 2 + lax.axis_index("c")
    chunk = NUM_EXPERTS * tok
    pltpu.sync_copy(s_hbm.at[pl.ds(wid * chunk, chunk)], svm)

    neg = jnp.full((_LANES,), -jnp.inf, jnp.float32)
    zero_i = jnp.zeros((_LANES,), jnp.int32)

    def group_body(g, acc):
        off = g * _LANES

        unroll = 4

        def e_body(eu, carry):
            ts = list(carry[:TOP_K])
            js = list(carry[TOP_K:])
            for u in range(unroll):
                e = eu * unroll + u
                v = svm[pl.ds(e * tok + off, _LANES)]
                ve = jnp.full((_LANES,), e, jnp.int32)
                cs = [v > ts[j] for j in range(TOP_K)]
                nts = [jnp.where(cs[0], v, ts[0])]
                njs = [jnp.where(cs[0], ve, js[0])]
                for j in range(1, TOP_K):
                    nts.append(
                        jnp.where(cs[j], jnp.where(cs[j - 1], ts[j - 1], v), ts[j])
                    )
                    njs.append(
                        jnp.where(cs[j], jnp.where(cs[j - 1], js[j - 1], ve), js[j])
                    )
                ts, js = nts, njs
            return tuple(ts) + tuple(js)

        init = (neg,) * TOP_K + (zero_i,) * TOP_K
        res = lax.fori_loop(0, NUM_EXPERTS // unroll, e_body, init)
        ts = res[:TOP_K]
        js = res[TOP_K:]
        m0 = ts[0]
        es = [jnp.exp(t - m0) for t in ts]
        ssum = es[0]
        for j in range(1, TOP_K):
            ssum = ssum + es[j]
        inv = 1.0 / ssum
        for j in range(TOP_K):
            wvm[pl.ds(j * tok + off, _LANES)] = es[j] * inv
            ivm[pl.ds(j * tok + off, _LANES)] = js[j]
        return acc

    lax.fori_loop(0, tok // _LANES, group_body, 0)
    ochunk = TOP_K * tok
    pltpu.sync_copy(wvm, w_hbm.at[pl.ds(wid * ochunk, ochunk)])
    pltpu.sync_copy(ivm, i_hbm.at[pl.ds(wid * ochunk, ochunk)])


def _tc2_body(z_ref, w_ref, i_ref, b_ref, o_ref):
    nsub, _, ntok = w_ref.shape
    iota = lax.broadcasted_iota(jnp.int32, (NUM_EXPERTS, ntok), 0)
    parts = []
    for k in range(nsub):
        gt = jnp.zeros((NUM_EXPERTS, ntok), jnp.float32)
        for j in range(TOP_K):
            ij = i_ref[k, j, :].reshape(1, ntok)
            wj = w_ref[k, j, :].reshape(1, ntok)
            gt = gt + jnp.where(iota == ij, wj, 0.0)
        parts.append(gt.T)
    g = jnp.concatenate(parts, axis=0)
    zg = z_ref[...] * g
    o_ref[...] = jnp.dot(zg, b_ref[...], preferred_element_type=jnp.float32) * SCALING


@jax.jit
def kernel(x, A_w, W_query_w, keys, B_w):
    bsz, ssz, in_f = x.shape
    out_f = B_w.shape[1]
    t = bsz * ssz
    xf = x.reshape(t, in_f)
    aq = jnp.concatenate([A_w, W_query_w], axis=1)

    tchunk = t // _NCHUNK
    tok = tchunk // _NW
    blocks_per_chunk = tchunk // _TM
    nsub_per_block = _TM // tok

    mesh = plsc.VectorSubcoreMesh(core_axis_name="c", subcore_axis_name="s")
    route = functools.partial(
        pl.kernel,
        out_type=[
            jax.ShapeDtypeStruct((_NW * TOP_K * tok,), jnp.float32),
            jax.ShapeDtypeStruct((_NW * TOP_K * tok,), jnp.int32),
        ],
        mesh=mesh,
        scratch_types=[
            pltpu.VMEM((NUM_EXPERTS * tok,), jnp.float32),
            pltpu.VMEM((TOP_K * tok,), jnp.float32),
            pltpu.VMEM((TOP_K * tok,), jnp.int32),
        ],
    )(_sc_route_body)

    z_parts, w_parts, i_parts = [], [], []
    for c in range(_NCHUNK):
        z_c, s_c = pl.pallas_call(
            _tc1_body,
            grid=(blocks_per_chunk,),
            in_specs=[
                pl.BlockSpec((_TM, in_f), lambda i, c=c: (c * blocks_per_chunk + i, 0)),
                pl.BlockSpec(aq.shape, lambda i: (0, 0)),
                pl.BlockSpec(keys.shape, lambda i: (0, 0)),
            ],
            out_specs=[
                pl.BlockSpec((_TM, NUM_EXPERTS), lambda i: (i, 0)),
                pl.BlockSpec((nsub_per_block, NUM_EXPERTS, tok), lambda i: (i, 0, 0)),
            ],
            out_shape=[
                jax.ShapeDtypeStruct((tchunk, NUM_EXPERTS), jnp.float32),
                jax.ShapeDtypeStruct((_NW, NUM_EXPERTS, tok), jnp.float32),
            ],
        )(xf, aq, keys)
        w_c, i_c = route(s_c.reshape(_NW * NUM_EXPERTS * tok))
        z_parts.append(z_c)
        w_parts.append(w_c)
        i_parts.append(i_c)

    z = jnp.concatenate(z_parts, axis=0)
    w = jnp.concatenate(w_parts, axis=0).reshape(_NCHUNK * _NW, TOP_K, tok)
    i = jnp.concatenate(i_parts, axis=0).reshape(_NCHUNK * _NW, TOP_K, tok)

    out = pl.pallas_call(
        _tc2_body,
        grid=(t // _TM,),
        in_specs=[
            pl.BlockSpec((_TM, NUM_EXPERTS), lambda i: (i, 0)),
            pl.BlockSpec((nsub_per_block, TOP_K, tok), lambda i: (i, 0, 0)),
            pl.BlockSpec((nsub_per_block, TOP_K, tok), lambda i: (i, 0, 0)),
            pl.BlockSpec(B_w.shape, lambda i: (0, 0)),
        ],
        out_specs=pl.BlockSpec((_TM, out_f), lambda i: (i, 0)),
        out_shape=jax.ShapeDtypeStruct((t, out_f), jnp.float32),
    )(z, w, i, B_w)
    return out.reshape(bsz, ssz, out_f)

# --- scband reference (transcript-rebuilt; emitter-appended) ---
"""Pipeline reference for scband-routed-lo-ra-58634893525637 (READ-ONLY COPY).

The authoritative reference and input builder live on the scoring server;
editing this copy changes nothing except your own understanding.
"""

import jax, jax.numpy as jnp
import numpy as np

NUM_EXPERTS = 64
TOP_K = 8
RANK = 1
ALPHA = 32
ROUTER_DIM = 16
IN_F = 1024
OUT_F = 1024
B = 4
S = 4096
SCALING = ALPHA / TOP_K
BOTTLENECK = NUM_EXPERTS * RANK


def setup_inputs(seed: int = 0) -> dict:
    key = jax.random.key(seed)
    k1, k2, k3, k4, k5 = jax.random.split(key, 5)
    x = jax.random.normal(k1, (B, S, IN_F), dtype=jnp.float32)
    # Parameters (torch Linear weights transposed to (in, out) layout)
    A_w = jax.random.normal(k2, (IN_F, BOTTLENECK), dtype=jnp.float32) * (1.0 / np.sqrt(IN_F))
    W_query_w = jax.random.normal(k3, (IN_F, ROUTER_DIM), dtype=jnp.float32) * (1.0 / np.sqrt(IN_F))
    keys = jax.random.normal(k4, (NUM_EXPERTS, ROUTER_DIM), dtype=jnp.float32) * 0.01
    # torch init zeros B; use small random values so outputs/grads are nontrivial
    B_w = jax.random.normal(k5, (BOTTLENECK, OUT_F), dtype=jnp.float32) * 0.02
    return {"x": x, "A_w": A_w, "W_query_w": W_query_w, "keys": keys, "B_w": B_w}


def reference(x, A_w, W_query_w, keys, B_w):
    # dropout = Identity (p=0.0)
    z = x @ A_w                                   # (B, S, bottleneck)
    z = z.reshape(*z.shape[:-1], NUM_EXPERTS, RANK)
    # lowrank routing: q = W_query(x); scores = q @ keys.T
    q = x @ W_query_w                             # (B, S, rdim)
    scores = q @ keys.T                           # (B, S, K)
    top_s, top_i = jax.lax.top_k(scores, TOP_K)   # (B, S, top_k)
    top_w = jax.nn.softmax(top_s, axis=-1)
    Bsz, Ssz = x.shape[0], x.shape[1]
    T = Bsz * Ssz
    idx_f = top_i.reshape(T, TOP_K)
    w_f = top_w.reshape(T, TOP_K)
    # scatter-overwrite of softmax weights into dense gate (torch scatter_)
    gate = jnp.zeros((T, NUM_EXPERTS), dtype=top_w.dtype).at[jnp.arange(T)[:, None], idx_f].set(w_f)
    gate = gate.reshape(Bsz, Ssz, NUM_EXPERTS)
    z_gated = z * gate[..., None]                 # (B, S, K, rank)
    z_flat = z_gated.reshape(Bsz, Ssz, NUM_EXPERTS * RANK)
    return (z_flat @ B_w) * SCALING

if __name__ == "__main__":
    import jax
    _d = setup_inputs()
    print(jax.jit(kernel)(*tuple(_d.values())))

</pallas_src>

<mosaic_0001>
#map = affine_map<(d0, d1) -> (0)>
module attributes {stable_mosaic.version = 14 : i64} {
  func.func @_sc_route_body(%arg0: i32, %arg1: i32, %arg2: memref<262144xf32, #tpu.memory_space<hbm>>, %arg3: memref<32768xf32, #tpu.memory_space<hbm>>, %arg4: memref<32768xi32, #tpu.memory_space<hbm>>, %arg5: memref<8192xf32, #tpu.memory_space<vmem>>, %arg6: memref<1024xf32, #tpu.memory_space<vmem>>, %arg7: memref<1024xi32, #tpu.memory_space<vmem>>) attributes {dimension_semantics = [#tpu.dimension_semantics<core_parallel>, #tpu.dimension_semantics<subcore_parallel>], iteration_bounds = array<i64: 2, 16>, scalar_prefetch = 0 : i64, scratch_operands = 3 : i64, tpu.core_type = #tpu.core_type<sc_vector_subcore>, window_params = [{transform_indices = #map}, {transform_indices = #map}, {transform_indices = #map}]} {
    %mul3A = arith.constant 2 : i32
    %mul3A_0 = arith.muli %arg1, %mul3A : i32
    %add3A = arith.addi %mul3A_0, %arg0 : i32
    %mul3A_1 = arith.constant 8192 : i32
    %mul3A_2 = arith.muli %add3A, %mul3A_1 : i32
    "tpu.region"() ({
      %run_scoped3A = tpu.sem_alloc : memref<!tpu.dma_semaphore, #tpu.memory_space<semaphore_mem>>
      %dma_start3A = tpu.memref_slice %arg2[%mul3A_2] : memref<262144xf32, #tpu.memory_space<hbm>> -> memref<8192xf32, #tpu.memory_space<hbm>>
      %dma_start3A_15 = tpu.memref_slice %arg2[%mul3A_2] : memref<262144xf32, #tpu.memory_space<hbm>> -> memref<8192xf32, #tpu.memory_space<hbm>>
      tpu.enqueue_dma source(%dma_start3A_15 : memref<8192xf32, #tpu.memory_space<hbm>>) target(%arg5 : memref<8192xf32, #tpu.memory_space<vmem>>) target_semaphore(%run_scoped3A : memref<!tpu.dma_semaphore, #tpu.memory_space<semaphore_mem>>)
      %dma_wait3A = tpu.memref_slice %arg2[%mul3A_2] : memref<262144xf32, #tpu.memory_space<hbm>> -> memref<8192xf32, #tpu.memory_space<hbm>>
      %dma_wait3A_16 = tpu.memref_slice %arg2[%mul3A_2] : memref<262144xf32, #tpu.memory_space<hbm>> -> memref<8192xf32, #tpu.memory_space<hbm>>
      tpu.wait_dma2 semaphore(%run_scoped3A : memref<!tpu.dma_semaphore, #tpu.memory_space<semaphore_mem>>) src(%dma_wait3A_16 : memref<8192xf32, #tpu.memory_space<hbm>>) dst(%arg5 : memref<8192xf32, #tpu.memory_space<vmem>>)
      tpu.yield
    }) : () -> ()
    %broadcast_in_dim3A = arith.constant 0xFF800000 : f32
    %broadcast_in_dim3A_3 = vector.broadcast %broadcast_in_dim3A : f32 to vector<16xf32>
    %broadcast_in_dim3A_4 = arith.constant 0 : i32
    %broadcast_in_dim3A_5 = vector.broadcast %broadcast_in_dim3A_4 : i32 to vector<16xi32>
    %scan3A = arith.constant 0 : i32
    %scan3A_6 = arith.constant 0 : i32
    %scan3A_7 = arith.constant 8 : i32
    %scan3A_8 = arith.addi %scan3A_6, %scan3A_7 : i32
    %scan3A_9 = arith.constant 1 : i32
    scf.for %scan3A_15 = %scan3A_6 to %scan3A_8 step %scan3A_9  : i32 {
      %mul3A_16 = arith.constant 16 : i32
      %mul3A_17 = arith.muli %scan3A_15, %mul3A_16 : i32
      %scan3A_18 = arith.constant 0 : i32
      %scan3A_19 = arith.constant 16 : i32
      %scan3A_20 = arith.addi %scan3A_18, %scan3A_19 : i32
      %scan3A_21 = arith.constant 1 : i32
      %scan3A_22:16 = scf.for %scan3A_150 = %scan3A_18 to %scan3A_20 step %scan3A_21 iter_args(%scan3A_151 = %broadcast_in_dim3A_3, %scan3A_152 = %broadcast_in_dim3A_3, %scan3A_153 = %broadcast_in_dim3A_3, %scan3A_154 = %broadcast_in_dim3A_3, %scan3A_155 = %broadcast_in_dim3A_3, %scan3A_156 = %broadcast_in_dim3A_3, %scan3A_157 = %broadcast_in_dim3A_3, %scan3A_158 = %broadcast_in_dim3A_3, %scan3A_159 = %broadcast_in_dim3A_5, %scan3A_160 = %broadcast_in_dim3A_5, %scan3A_161 = %broadcast_in_dim3A_5, %scan3A_162 = %broadcast_in_dim3A_5, %scan3A_163 = %broadcast_in_dim3A_5, %scan3A_164 = %broadcast_in_dim3A_5, %scan3A_165 = %broadcast_in_dim3A_5, %scan3A_166 = %broadcast_in_dim3A_5) -> (vector<16xf32>, vector<16xf32>, vector<16xf32>, vector<16xf32>, vector<16xf32>, vector<16xf32>, vector<16xf32>, vector<16xf32>, vector<16xi32>, vector<16xi32>, vector<16xi32>, vector<16xi32>, vector<16xi32>, vector<16xi32>, vector<16xi32>, vector<16xi32>)  : i32 {
        %mul3A_167 = arith.constant 4 : i32
        %mul3A_168 = arith.muli %scan3A_150, %mul3A_167 : i32
        %add3A_169 = arith.constant 0 : i32
        %add3A_170 = arith.addi %mul3A_168, %add3A_169 : i32
        %mul3A_171 = arith.constant 128 : i32
        %mul3A_172 = arith.muli %add3A_170, %mul3A_171 : i32
        %add3A_173 = arith.addi %mul3A_172, %mul3A_17 : i32
        %get3A = arith.index_cast %add3A_173 : i32 to index
        %get3A_174 = tpu.vector_load %arg5[%get3A] {strides = array<i32>} : memref<8192xf32, #tpu.memory_space<vmem>>, vector<16xf32>,
        %get3A_175 = vector.shape_cast %get3A_174 : vector<16xf32> to vector<16xf32>
        %broadcast_in_dim3A_176 = vector.broadcast %add3A_170 : i32 to vector<16xi32>
        %gt3A = arith.cmpf ogt, %get3A_175, %scan3A_151 : vector<16xf32>
        %gt3A_177 = arith.cmpf ogt, %get3A_175, %scan3A_152 : vector<16xf32>
        %gt3A_178 = arith.cmpf ogt, %get3A_175, %scan3A_153 : vector<16xf32>
        %gt3A_179 = arith.cmpf ogt, %get3A_175, %scan3A_154 : vector<16xf32>
        %gt3A_180 = arith.cmpf ogt, %get3A_175, %scan3A_155 : vector<16xf32>
        %gt3A_181 = arith.cmpf ogt, %get3A_175, %scan3A_156 : vector<16xf32>
        %gt3A_182 = arith.cmpf ogt, %get3A_175, %scan3A_157 : vector<16xf32>
        %gt3A_183 = arith.cmpf ogt, %get3A_175, %scan3A_158 : vector<16xf32>
        %select_n3A = arith.select %gt3A, %get3A_175, %scan3A_151 : vector<16xi1>, vector<16xf32>
        %select_n3A_184 = arith.select %gt3A, %broadcast_in_dim3A_176, %scan3A_159 : vector<16xi1>, vector<16xi32>
        %select_n3A_185 = arith.select %gt3A, %scan3A_151, %get3A_175 : vector<16xi1>, vector<16xf32>
        %select_n3A_186 = arith.select %gt3A_177, %select_n3A_185, %scan3A_152 : vector<16xi1>, vector<16xf32>
        %select_n3A_187 = arith.select %gt3A, %scan3A_159, %broadcast_in_dim3A_176 : vector<16xi1>, vector<16xi32>
        %select_n3A_188 = arith.select %gt3A_177, %select_n3A_187, %scan3A_160 : vector<16xi1>, vector<16xi32>
        %select_n3A_189 = arith.select %gt3A_177, %scan3A_152, %get3A_175 : vector<16xi1>, vector<16xf32>
        %select_n3A_190 = arith.select %gt3A_178, %select_n3A_189, %scan3A_153 : vector<16xi1>, vector<16xf32>
        %select_n3A_191 = arith.select %gt3A_177, %scan3A_160, %broadcast_in_dim3A_176 : vector<16xi1>, vector<16xi32>
        %select_n3A_192 = arith.select %gt3A_178, %select_n3A_191, %scan3A_161 : vector<16xi1>, vector<16xi32>
        %select_n3A_193 = arith.select %gt3A_178, %scan3A_153, %get3A_175 : vector<16xi1>, vector<16xf32>
        %select_n3A_194 = arith.select %gt3A_179, %select_n3A_193, %scan3A_154 : vector<16xi1>, vector<16xf32>
        %select_n3A_195 = arith.select %gt3A_178, %scan3A_161, %broadcast_in_dim3A_176 : vector<16xi1>, vector<16xi32>
        %select_n3A_196 = arith.select %gt3A_179, %select_n3A_195, %scan3A_162 : vector<16xi1>, vector<16xi32>
        %select_n3A_197 = arith.select %gt3A_179, %scan3A_154, %get3A_175 : vector<16xi1>, vector<16xf32>
        %select_n3A_198 = arith.select %gt3A_180, %select_n3A_197, %scan3A_155 : vector<16xi1>, vector<16xf32>
        %select_n3A_199 = arith.select %gt3A_179, %scan3A_162, %broadcast_in_dim3A_176 : vector<16xi1>, vector<16xi32>
        %select_n3A_200 = arith.select %gt3A_180, %select_n3A_199, %scan3A_163 : vector<16xi1>, vector<16xi32>
        %select_n3A_201 = arith.select %gt3A_180, %scan3A_155, %get3A_175 : vector<16xi1>, vector<16xf32>
        %select_n3A_202 = arith.select %gt3A_181, %select_n3A_201, %scan3A_156 : vector<16xi1>, vector<16xf32>
        %select_n3A_203 = arith.select %gt3A_180, %scan3A_163, %broadcast_in_dim3A_176 : vector<16xi1>, vector<16xi32>
        %select_n3A_204 = arith.select %gt3A_181, %select_n3A_203, %scan3A_164 : vector<16xi1>, vector<16xi32>
        %select_n3A_205 = arith.select %gt3A_181, %scan3A_156, %get3A_175 : vector<16xi1>, vector<16xf32>
        %select_n3A_206 = arith.select %gt3A_182, %select_n3A_205, %scan3A_157 : vector<16xi1>, vector<16xf32>
        %select_n3A_207 = arith.select %gt3A_181, %scan3A_164, %broadcast_in_dim3A_176 : vector<16xi1>, vector<16xi32>
        %select_n3A_208 = arith.select %gt3A_182, %select_n3A_207, %scan3A_165 : vector<16xi1>, vector<16xi32>
        %select_n3A_209 = arith.select %gt3A_182, %scan3A_157, %get3A_175 : vector<16xi1>, vector<16xf32>
        %select_n3A_210 = arith.select %gt3A_183, %select_n3A_209, %scan3A_158 : vector<16xi1>, vector<16xf32>
        %select_n3A_211 = arith.select %gt3A_182, %scan3A_165, %broadcast_in_dim3A_176 : vector<16xi1>, vector<16xi32>
        %select_n3A_212 = arith.select %gt3A_183, %select_n3A_211, %scan3A_166 : vector<16xi1>, vector<16xi32>
        %mul3A_213 = arith.constant 4 : i32
        %mul3A_214 = arith.muli %scan3A_150, %mul3A_213 : i32
        %add3A_215 = arith.constant 1 : i32
        %add3A_216 = arith.addi %mul3A_214, %add3A_215 : i32
        %mul3A_217 = arith.constant 128 : i32
        %mul3A_218 = arith.muli %add3A_216, %mul3A_217 : i32
        %add3A_219 = arith.addi %mul3A_218, %mul3A_17 : i32
        %get3A_220 = arith.index_cast %add3A_219 : i32 to index
        %get3A_221 = tpu.vector_load %arg5[%get3A_220] {strides = array<i32>} : memref<8192xf32, #tpu.memory_space<vmem>>, vector<16xf32>,
        %get3A_222 = vector.shape_cast %get3A_221 : vector<16xf32> to vector<16xf32>
        %broadcast_in_dim3A_223 = vector.broadcast %add3A_216 : i32 to vector<16xi32>
        %gt3A_224 = arith.cmpf ogt, %get3A_222, %select_n3A : vector<16xf32>
        %gt3A_225 = arith.cmpf ogt, %get3A_222, %select_n3A_186 : vector<16xf32>
        %gt3A_226 = arith.cmpf ogt, %get3A_222, %select_n3A_190 : vector<16xf32>
        %gt3A_227 = arith.cmpf ogt, %get3A_222, %select_n3A_194 : vector<16xf32>
        %gt3A_228 = arith.cmpf ogt, %get3A_222, %select_n3A_198 : vector<16xf32>
        %gt3A_229 = arith.cmpf ogt, %get3A_222, %select_n3A_202 : vector<16xf32>
        %gt3A_230 = arith.cmpf ogt, %get3A_222, %select_n3A_206 : vector<16xf32>
        %gt3A_231 = arith.cmpf ogt, %get3A_222, %select_n3A_210 : vector<16xf32>
        %select_n3A_232 = arith.select %gt3A_224, %get3A_222, %select_n3A : vector<16xi1>, vector<16xf32>
        %select_n3A_233 = arith.select %gt3A_224, %broadcast_in_dim3A_223, %select_n3A_184 : vector<16xi1>, vector<16xi32>
        %select_n3A_234 = arith.select %gt3A_224, %select_n3A, %get3A_222 : vector<16xi1>, vector<16xf32>
        %select_n3A_235 = arith.select %gt3A_225, %select_n3A_234, %select_n3A_186 : vector<16xi1>, vector<16xf32>
        %select_n3A_236 = arith.select %gt3A_224, %select_n3A_184, %broadcast_in_dim3A_223 : vector<16xi1>, vector<16xi32>
        %select_n3A_237 = arith.select %gt3A_225, %select_n3A_236, %select_n3A_188 : vector<16xi1>, vector<16xi32>
        %select_n3A_238 = arith.select %gt3A_225, %select_n3A_186, %get3A_222 : vector<16xi1>, vector<16xf32>
        %select_n3A_239 = arith.select %gt3A_226, %select_n3A_238, %select_n3A_190 : vector<16xi1>, vector<16xf32>
        %select_n3A_240 = arith.select %gt3A_225, %select_n3A_188, %broadcast_in_dim3A_223 : vector<16xi1>, vector<16xi32>
        %select_n3A_241 = arith.select %gt3A_226, %select_n3A_240, %select_n3A_192 : vector<16xi1>, vector<16xi32>
        %select_n3A_242 = arith.select %gt3A_226, %select_n3A_190, %get3A_222 : vector<16xi1>, vector<16xf32>
        %select_n3A_243 = arith.select %gt3A_227, %select_n3A_242, %select_n3A_194 : vector<16xi1>, vector<16xf32>
        %select_n3A_244 = arith.select %gt3A_226, %select_n3A_192, %broadcast_in_dim3A_223 : vector<16xi1>, vector<16xi32>
        %select_n3A_245 = arith.select %gt3A_227, %select_n3A_244, %select_n3A_196 : vector<16xi1>, vector<16xi32>
        %select_n3A_246 = arith.select %gt3A_227, %select_n3A_194, %get3A_222 : vector<16xi1>, vector<16xf32>
        %select_n3A_247 = arith.select %gt3A_228, %select_n3A_246, %select_n3A_198 : vector<16xi1>, vector<16xf32>
        %select_n3A_248 = arith.select %gt3A_227, %select_n3A_196, %broadcast_in_dim3A_223 : vector<16xi1>, vector<16xi32>
        %select_n3A_249 = arith.select %gt3A_228, %select_n3A_248, %select_n3A_200 : vector<16xi1>, vector<16xi32>
        %select_n3A_250 = arith.select %gt3A_228, %select_n3A_198, %get3A_222 : vector<16xi1>, vector<16xf32>
        %select_n3A_251 = arith.select %gt3A_229, %select_n3A_250, %select_n3A_202 : vector<16xi1>, vector<16xf32>
        %select_n3A_252 = arith.select %gt3A_228, %select_n3A_200, %broadcast_in_dim3A_223 : vector<16xi1>, vector<16xi32>
        %select_n3A_253 = arith.select %gt3A_229, %select_n3A_252, %select_n3A_204 : vector<16xi1>, vector<16xi32>
        %select_n3A_254 = arith.select %gt3A_229, %select_n3A_202, %get3A_222 : vector<16xi1>, vector<16xf32>
        %select_n3A_255 = arith.select %gt3A_230, %select_n3A_254, %select_n3A_206 : vector<16xi1>, vector<16xf32>
        %select_n3A_256 = arith.select %gt3A_229, %select_n3A_204, %broadcast_in_dim3A_223 : vector<16xi1>, vector<16xi32>
        %select_n3A_257 = arith.select %gt3A_230, %select_n3A_256, %select_n3A_208 : vector<16xi1>, vector<16xi32>
        %select_n3A_258 = arith.select %gt3A_230, %select_n3A_206, %get3A_222 : vector<16xi1>, vector<16xf32>
        %select_n3A_259 = arith.select %gt3A_231, %select_n3A_258, %select_n3A_210 : vector<16xi1>, vector<16xf32>
        %select_n3A_260 = arith.select %gt3A_230, %select_n3A_208, %broadcast_in_dim3A_223 : vector<16xi1>, vector<16xi32>
        %select_n3A_261 = arith.select %gt3A_231, %select_n3A_260, %select_n3A_212 : vector<16xi1>, vector<16xi32>
        %mul3A_262 = arith.constant 4 : i32
        %mul3A_263 = arith.muli %scan3A_150, %mul3A_262 : i32
        %add3A_264 = arith.constant 2 : i32
        %add3A_265 = arith.addi %mul3A_263, %add3A_264 : i32
        %mul3A_266 = arith.constant 128 : i32
        %mul3A_267 = arith.muli %add3A_265, %mul3A_266 : i32
        %add3A_268 = arith.addi %mul3A_267, %mul3A_17 : i32
        %get3A_269 = arith.index_cast %add3A_268 : i32 to index
        %get3A_270 = tpu.vector_load %arg5[%get3A_269] {strides = array<i32>} : memref<8192xf32, #tpu.memory_space<vmem>>, vector<16xf32>,
        %get3A_271 = vector.shape_cast %get3A_270 : vector<16xf32> to vector<16xf32>
        %broadcast_in_dim3A_272 = vector.broadcast %add3A_265 : i32 to vector<16xi32>
        %gt3A_273 = arith.cmpf ogt, %get3A_271, %select_n3A_232 : vector<16xf32>
        %gt3A_274 = arith.cmpf ogt, %get3A_271, %select_n3A_235 : vector<16xf32>
        %gt3A_275 = arith.cmpf ogt, %get3A_271, %select_n3A_239 : vector<16xf32>
        %gt3A_276 = arith.cmpf ogt, %get3A_271, %select_n3A_243 : vector<16xf32>
        %gt3A_277 = arith.cmpf ogt, %get3A_271, %select_n3A_247 : vector<16xf32>
        %gt3A_278 = arith.cmpf ogt, %get3A_271, %select_n3A_251 : vector<16xf32>
        %gt3A_279 = arith.cmpf ogt, %get3A_271, %select_n3A_255 : vector<16xf32>
        %gt3A_280 = arith.cmpf ogt, %get3A_271, %select_n3A_259 : vector<16xf32>
        %select_n3A_281 = arith.select %gt3A_273, %get3A_271, %select_n3A_232 : vector<16xi1>, vector<16xf32>
        %select_n3A_282 = arith.select %gt3A_273, %broadcast_in_dim3A_272, %select_n3A_233 : vector<16xi1>, vector<16xi32>
        %select_n3A_283 = arith.select %gt3A_273, %select_n3A_232, %get3A_271 : vector<16xi1>, vector<16xf32>
        %select_n3A_284 = arith.select %gt3A_274, %select_n3A_283, %select_n3A_235 : vector<16xi1>, vector<16xf32>
        %select_n3A_285 = arith.select %gt3A_273, %select_n3A_233, %broadcast_in_dim3A_272 : vector<16xi1>, vector<16xi32>
        %select_n3A_286 = arith.select %gt3A_274, %select_n3A_285, %select_n3A_237 : vector<16xi1>, vector<16xi32>
        %select_n3A_287 = arith.select %gt3A_274, %select_n3A_235, %get3A_271 : vector<16xi1>, vector<16xf32>
        %select_n3A_288 = arith.select %gt3A_275, %select_n3A_287, %select_n3A_239 : vector<16xi1>, vector<16xf32>
        %select_n3A_289 = arith.select %gt3A_274, %select_n3A_237, %broadcast_in_dim3A_272 : vector<16xi1>, vector<16xi32>
        %select_n3A_290 = arith.select %gt3A_275, %select_n3A_289, %select_n3A_241 : vector<16xi1>, vector<16xi32>
        %select_n3A_291 = arith.select %gt3A_275, %select_n3A_239, %get3A_271 : vector<16xi1>, vector<16xf32>
        %select_n3A_292 = arith.select %gt3A_276, %select_n3A_291, %select_n3A_243 : vector<16xi1>, vector<16xf32>
        %select_n3A_293 = arith.select %gt3A_275, %select_n3A_241, %broadcast_in_dim3A_272 : vector<16xi1>, vector<16xi32>
        %select_n3A_294 = arith.select %gt3A_276, %select_n3A_293, %select_n3A_245 : vector<16xi1>, vector<16xi32>
        %select_n3A_295 = arith.select %gt3A_276, %select_n3A_243, %get3A_271 : vector<16xi1>, vector<16xf32>
        %select_n3A_296 = arith.select %gt3A_277, %select_n3A_295, %select_n3A_247 : vector<16xi1>, vector<16xf32>
        %select_n3A_297 = arith.select %gt3A_276, %select_n3A_245, %broadcast_in_dim3A_272 : vector<16xi1>, vector<16xi32>
        %select_n3A_298 = arith.select %gt3A_277, %select_n3A_297, %select_n3A_249 : vector<16xi1>, vector<16xi32>
        %select_n3A_299 = arith.select %gt3A_277, %select_n3A_247, %get3A_271 : vector<16xi1>, vector<16xf32>
        %select_n3A_300 = arith.select %gt3A_278, %select_n3A_299, %select_n3A_251 : vector<16xi1>, vector<16xf32>
        %select_n3A_301 = arith.select %gt3A_277, %select_n3A_249, %broadcast_in_dim3A_272 : vector<16xi1>, vector<16xi32>
        %select_n3A_302 = arith.select %gt3A_278, %select_n3A_301, %select_n3A_253 : vector<16xi1>, vector<16xi32>
        %select_n3A_303 = arith.select %gt3A_278, %select_n3A_251, %get3A_271 : vector<16xi1>, vector<16xf32>
        %select_n3A_304 = arith.select %gt3A_279, %select_n3A_303, %select_n3A_255 : vector<16xi1>, vector<16xf32>
        %select_n3A_305 = arith.select %gt3A_278, %select_n3A_253, %broadcast_in_dim3A_272 : vector<16xi1>, vector<16xi32>
        %select_n3A_306 = arith.select %gt3A_279, %select_n3A_305, %select_n3A_257 : vector<16xi1>, vector<16xi32>
        %select_n3A_307 = arith.select %gt3A_279, %select_n3A_255, %get3A_271 : vector<16xi1>, vector<16xf32>
        %select_n3A_308 = arith.select %gt3A_280, %select_n3A_307, %select_n3A_259 : vector<16xi1>, vector<16xf32>
        %select_n3A_309 = arith.select %gt3A_279, %select_n3A_257, %broadcast_in_dim3A_272 : vector<16xi1>, vector<16xi32>
        %select_n3A_310 = arith.select %gt3A_280, %select_n3A_309, %select_n3A_261 : vector<16xi1>, vector<16xi32>
        %mul3A_311 = arith.constant 4 : i32
        %mul3A_312 = arith.muli %scan3A_150, %mul3A_311 : i32
        %add3A_313 = arith.constant 3 : i32
        %add3A_314 = arith.addi %mul3A_312, %add3A_313 : i32
        %mul3A_315 = arith.constant 128 : i32
        %mul3A_316 = arith.muli %add3A_314, %mul3A_315 : i32
        %add3A_317 = arith.addi %mul3A_316, %mul3A_17 : i32
        %get3A_318 = arith.index_cast %add3A_317 : i32 to index
        %get3A_319 = tpu.vector_load %arg5[%get3A_318] {strides = array<i32>} : memref<8192xf32, #tpu.memory_space<vmem>>, vector<16xf32>,
        %get3A_320 = vector.shape_cast %get3A_319 : vector<16xf32> to vector<16xf32>
        %broadcast_in_dim3A_321 = vector.broadcast %add3A_314 : i32 to vector<16xi32>
        %gt3A_322 = arith.cmpf ogt, %get3A_320, %select_n3A_281 : vector<16xf32>
        %gt3A_323 = arith.cmpf ogt, %get3A_320, %select_n3A_284 : vector<16xf32>
        %gt3A_324 = arith.cmpf ogt, %get3A_320, %select_n3A_288 : vector<16xf32>
        %gt3A_325 = arith.cmpf ogt, %get3A_320, %select_n3A_292 : vector<16xf32>
        %gt3A_326 = arith.cmpf ogt, %get3A_320, %select_n3A_296 : vector<16xf32>
        %gt3A_327 = arith.cmpf ogt, %get3A_320, %select_n3A_300 : vector<16xf32>
        %gt3A_328 = arith.cmpf ogt, %get3A_320, %select_n3A_304 : vector<16xf32>
        %gt3A_329 = arith.cmpf ogt, %get3A_320, %select_n3A_308 : vector<16xf32>
        %select_n3A_330 = arith.select %gt3A_322, %get3A_320, %select_n3A_281 : vector<16xi1>, vector<16xf32>
        %select_n3A_331 = arith.select %gt3A_322, %broadcast_in_dim3A_321, %select_n3A_282 : vector<16xi1>, vector<16xi32>
        %select_n3A_332 = arith.select %gt3A_322, %select_n3A_281, %get3A_320 : vector<16xi1>, vector<16xf32>
        %select_n3A_333 = arith.select %gt3A_323, %select_n3A_332, %select_n3A_284 : vector<16xi1>, vector<16xf32>
        %select_n3A_334 = arith.select %gt3A_322, %select_n3A_282, %broadcast_in_dim3A_321 : vector<16xi1>, vector<16xi32>
        %select_n3A_335 = arith.select %gt3A_323, %select_n3A_334, %select_n3A_286 : vector<16xi1>, vector<16xi32>
        %select_n3A_336 = arith.select %gt3A_323, %select_n3A_284, %get3A_320 : vector<16xi1>, vector<16xf32>
        %select_n3A_337 = arith.select %gt3A_324, %select_n3A_336, %select_n3A_288 : vector<16xi1>, vector<16xf32>
        %select_n3A_338 = arith.select %gt3A_323, %select_n3A_286, %broadcast_in_dim3A_321 : vector<16xi1>, vector<16xi32>
        %select_n3A_339 = arith.select %gt3A_324, %select_n3A_338, %select_n3A_290 : vector<16xi1>, vector<16xi32>
        %select_n3A_340 = arith.select %gt3A_324, %select_n3A_288, %get3A_320 : vector<16xi1>, vector<16xf32>
        %select_n3A_341 = arith.select %gt3A_325, %select_n3A_340, %select_n3A_292 : vector<16xi1>, vector<16xf32>
        %select_n3A_342 = arith.select %gt3A_324, %select_n3A_290, %broadcast_in_dim3A_321 : vector<16xi1>, vector<16xi32>
        %select_n3A_343 = arith.select %gt3A_325, %select_n3A_342, %select_n3A_294 : vector<16xi1>, vector<16xi32>
        %select_n3A_344 = arith.select %gt3A_325, %select_n3A_292, %get3A_320 : vector<16xi1>, vector<16xf32>
        %select_n3A_345 = arith.select %gt3A_326, %select_n3A_344, %select_n3A_296 : vector<16xi1>, vector<16xf32>
        %select_n3A_346 = arith.select %gt3A_325, %select_n3A_294, %broadcast_in_dim3A_321 : vector<16xi1>, vector<16xi32>
        %select_n3A_347 = arith.select %gt3A_326, %select_n3A_346, %select_n3A_298 : vector<16xi1>, vector<16xi32>
        %select_n3A_348 = arith.select %gt3A_326, %select_n3A_296, %get3A_320 : vector<16xi1>, vector<16xf32>
        %select_n3A_349 = arith.select %gt3A_327, %select_n3A_348, %select_n3A_300 : vector<16xi1>, vector<16xf32>
        %select_n3A_350 = arith.select %gt3A_326, %select_n3A_298, %broadcast_in_dim3A_321 : vector<16xi1>, vector<16xi32>
        %select_n3A_351 = arith.select %gt3A_327, %select_n3A_350, %select_n3A_302 : vector<16xi1>, vector<16xi32>
        %select_n3A_352 = arith.select %gt3A_327, %select_n3A_300, %get3A_320 : vector<16xi1>, vector<16xf32>
        %select_n3A_353 = arith.select %gt3A_328, %select_n3A_352, %select_n3A_304 : vector<16xi1>, vector<16xf32>
        %select_n3A_354 = arith.select %gt3A_327, %select_n3A_302, %broadcast_in_dim3A_321 : vector<16xi1>, vector<16xi32>
        %select_n3A_355 = arith.select %gt3A_328, %select_n3A_354, %select_n3A_306 : vector<16xi1>, vector<16xi32>
        %select_n3A_356 = arith.select %gt3A_328, %select_n3A_304, %get3A_320 : vector<16xi1>, vector<16xf32>
        %select_n3A_357 = arith.select %gt3A_329, %select_n3A_356, %select_n3A_308 : vector<16xi1>, vector<16xf32>
        %select_n3A_358 = arith.select %gt3A_328, %select_n3A_306, %broadcast_in_dim3A_321 : vector<16xi1>, vector<16xi32>
        %select_n3A_359 = arith.select %gt3A_329, %select_n3A_358, %select_n3A_310 : vector<16xi1>, vector<16xi32>
        scf.yield %select_n3A_330, %select_n3A_333, %select_n3A_337, %select_n3A_341, %select_n3A_345, %select_n3A_349, %select_n3A_353, %select_n3A_357, %select_n3A_331, %select_n3A_335, %select_n3A_339, %select_n3A_343, %select_n3A_347, %select_n3A_351, %select_n3A_355, %select_n3A_359 : vector<16xf32>, vector<16xf32>, vector<16xf32>, vector<16xf32>, vector<16xf32>, vector<16xf32>, vector<16xf32>, vector<16xf32>, vector<16xi32>, vector<16xi32>, vector<16xi32>, vector<16xi32>, vector<16xi32>, vector<16xi32>, vector<16xi32>, vector<16xi32>
      }
      %scan3A_23 = arith.constant 16 : i32
      %sub3A = arith.subf %scan3A_22#0, %scan3A_22#0 : vector<16xf32>
      %exp3A = math.exp %sub3A : vector<16xf32>
      %sub3A_24 = arith.subf %scan3A_22#1, %scan3A_22#0 : vector<16xf32>
      %exp3A_25 = math.exp %sub3A_24 : vector<16xf32>
      %sub3A_26 = arith.subf %scan3A_22#2, %scan3A_22#0 : vector<16xf32>
      %exp3A_27 = math.exp %sub3A_26 : vector<16xf32>
      %sub3A_28 = arith.subf %scan3A_22#3, %scan3A_22#0 : vector<16xf32>
      %exp3A_29 = math.exp %sub3A_28 : vector<16xf32>
      %sub3A_30 = arith.subf %scan3A_22#4, %scan3A_22#0 : vector<16xf32>
      %exp3A_31 = math.exp %sub3A_30 : vector<16xf32>
      %sub3A_32 = arith.subf %scan3A_22#5, %scan3A_22#0 : vector<16xf32>
      %exp3A_33 = math.exp %sub3A_32 : vector<16xf32>
      %sub3A_34 = arith.subf %scan3A_22#6, %scan3A_22#0 : vector<16xf32>
      %exp3A_35 = math.exp %sub3A_34 : vector<16xf32>
      %sub3A_36 = arith.subf %scan3A_22#7, %scan3A_22#0 : vector<16xf32>
      %exp3A_37 = math.exp %sub3A_36 : vector<16xf32>
      %add3A_38 = arith.addf %exp3A, %exp3A_25 : vector<16xf32>
      %add3A_39 = arith.addf %add3A_38, %exp3A_27 : vector<16xf32>
      %add3A_40 = arith.addf %add3A_39, %exp3A_29 : vector<16xf32>
      %add3A_41 = arith.addf %add3A_40, %exp3A_31 : vector<16xf32>
      %add3A_42 = arith.addf %add3A_41, %exp3A_33 : vector<16xf32>
      %add3A_43 = arith.addf %add3A_42, %exp3A_35 : vector<16xf32>
      %add3A_44 = arith.addf %add3A_43, %exp3A_37 : vector<16xf32>
      %div3A = arith.constant 1.000000e+00 : f32
      %div3A_45 = vector.broadcast %div3A : f32 to vector<16xf32>
      %div3A_46 = arith.divf %div3A_45, %add3A_44 : vector<16xf32>
      %mul3A_47 = arith.mulf %exp3A, %div3A_46 : vector<16xf32>
      %add3A_48 = arith.constant 0 : i32
      %add3A_49 = arith.addi %add3A_48, %mul3A_17 : i32
      %swap3A = arith.index_cast %add3A_49 : i32 to index
      %swap3A_50 = tpu.vector_load %arg6[%swap3A] {strides = array<i32>} : memref<1024xf32, #tpu.memory_space<vmem>>, vector<16xf32>,
      %swap3A_51 = vector.shape_cast %swap3A_50 : vector<16xf32> to vector<16xf32>
      %swap3A_52 = vector.shape_cast %mul3A_47 : vector<16xf32> to vector<16xf32>
      tpu.vector_store %arg6[%swap3A], %swap3A_52 {strides = array<i32>} : memref<1024xf32, #tpu.memory_space<vmem>>, vector<16xf32>,
      %add3A_53 = arith.constant 0 : i32
      %add3A_54 = arith.addi %add3A_53, %mul3A_17 : i32
      %swap3A_55 = arith.index_cast %add3A_54 : i32 to index
      %swap3A_56 = tpu.vector_load %arg7[%swap3A_55] {strides = array<i32>} : memref<1024xi32, #tpu.memory_space<vmem>>, vector<16xi32>,
      %swap3A_57 = vector.shape_cast %swap3A_56 : vector<16xi32> to vector<16xi32>
      %swap3A_58 = vector.shape_cast %scan3A_22#8 : vector<16xi32> to vector<16xi32>
      tpu.vector_store %arg7[%swap3A_55], %swap3A_58 {strides = array<i32>} : memref<1024xi32, #tpu.memory_space<vmem>>, vector<16xi32>,
      %mul3A_59 = arith.mulf %exp3A_25, %div3A_46 : vector<16xf32>
      %add3A_60 = arith.constant 128 : i32
      %add3A_61 = arith.addi %add3A_60, %mul3A_17 : i32
      %swap3A_62 = arith.index_cast %add3A_61 : i32 to index
      %swap3A_63 = tpu.vector_load %arg6[%swap3A_62] {strides = array<i32>} : memref<1024xf32, #tpu.memory_space<vmem>>, vector<16xf32>,
      %swap3A_64 = vector.shape_cast %swap3A_63 : vector<16xf32> to vector<16xf32>
      %swap3A_65 = vector.shape_cast %mul3A_59 : vector<16xf32> to vector<16xf32>
      tpu.vector_store %arg6[%swap3A_62], %swap3A_65 {strides = array<i32>} : memref<1024xf32, #tpu.memory_space<vmem>>, vector<16xf32>,
      %add3A_66 = arith.constant 128 : i32
      %add3A_67 = arith.addi %add3A_66, %mul3A_17 : i32
      %swap3A_68 = arith.index_cast %add3A_67 : i32 to index
      %swap3A_69 = tpu.vector_load %arg7[%swap3A_68] {strides = array<i32>} : memref<1024xi32, #tpu.memory_space<vmem>>, vector<16xi32>,
      %swap3A_70 = vector.shape_cast %swap3A_69 : vector<16xi32> to vector<16xi32>
      %swap3A_71 = vector.shape_cast %scan3A_22#9 : vector<16xi32> to vector<16xi32>
      tpu.vector_store %arg7[%swap3A_68], %swap3A_71 {strides = array<i32>} : memref<1024xi32, #tpu.memory_space<vmem>>, vector<16xi32>,
      %mul3A_72 = arith.mulf %exp3A_27, %div3A_46 : vector<16xf32>
      %add3A_73 = arith.constant 256 : i32
      %add3A_74 = arith.addi %add3A_73, %mul3A_17 : i32
      %swap3A_75 = arith.index_cast %add3A_74 : i32 to index
      %swap3A_76 = tpu.vector_load %arg6[%swap3A_75] {strides = array<i32>} : memref<1024xf32, #tpu.memory_space<vmem>>, vector<16xf32>,
      %swap3A_77 = vector.shape_cast %swap3A_76 : vector<16xf32> to vector<16xf32>
      %swap3A_78 = vector.shape_cast %mul3A_72 : vector<16xf32> to vector<16xf32>
      tpu.vector_store %arg6[%swap3A_75], %swap3A_78 {strides = array<i32>} : memref<1024xf32, #tpu.memory_space<vmem>>, vector<16xf32>,
      %add3A_79 = arith.constant 256 : i32
      %add3A_80 = arith.addi %add3A_79, %mul3A_17 : i32
      %swap3A_81 = arith.index_cast %add3A_80 : i32 to index
      %swap3A_82 = tpu.vector_load %arg7[%swap3A_81] {strides = array<i32>} : memref<1024xi32, #tpu.memory_space<vmem>>, vector<16xi32>,
      %swap3A_83 = vector.shape_cast %swap3A_82 : vector<16xi32> to vector<16xi32>
      %swap3A_84 = vector.shape_cast %scan3A_22#10 : vector<16xi32> to vector<16xi32>
      tpu.vector_store %arg7[%swap3A_81], %swap3A_84 {strides = array<i32>} : memref<1024xi32, #tpu.memory_space<vmem>>, vector<16xi32>,
      %mul3A_85 = arith.mulf %exp3A_29, %div3A_46 : vector<16xf32>
      %add3A_86 = arith.constant 384 : i32
      %add3A_87 = arith.addi %add3A_86, %mul3A_17 : i32
      %swap3A_88 = arith.index_cast %add3A_87 : i32 to index
      %swap3A_89 = tpu.vector_load %arg6[%swap3A_88] {strides = array<i32>} : memref<1024xf32, #tpu.memory_space<vmem>>, vector<16xf32>,
      %swap3A_90 = vector.shape_cast %swap3A_89 : vector<16xf32> to vector<16xf32>
      %swap3A_91 = vector.shape_cast %mul3A_85 : vector<16xf32> to vector<16xf32>
      tpu.vector_store %arg6[%swap3A_88], %swap3A_91 {strides = array<i32>} : memref<1024xf32, #tpu.memory_space<vmem>>, vector<16xf32>,
      %add3A_92 = arith.constant 384 : i32
      %add3A_93 = arith.addi %add3A_92, %mul3A_17 : i32
      %swap3A_94 = arith.index_cast %add3A_93 : i32 to index
      %swap3A_95 = tpu.vector_load %arg7[%swap3A_94] {strides = array<i32>} : memref<1024xi32, #tpu.memory_space<vmem>>, vector<16xi32>,
      %swap3A_96 = vector.shape_cast %swap3A_95 : vector<16xi32> to vector<16xi32>
      %swap3A_97 = vector.shape_cast %scan3A_22#11 : vector<16xi32> to vector<16xi32>
      tpu.vector_store %arg7[%swap3A_94], %swap3A_97 {strides = array<i32>} : memref<1024xi32, #tpu.memory_space<vmem>>, vector<16xi32>,
      %mul3A_98 = arith.mulf %exp3A_31, %div3A_46 : vector<16xf32>
      %add3A_99 = arith.constant 512 : i32
      %add3A_100 = arith.addi %add3A_99, %mul3A_17 : i32
      %swap3A_101 = arith.index_cast %add3A_100 : i32 to index
      %swap3A_102 = tpu.vector_load %arg6[%swap3A_101] {strides = array<i32>} : memref<1024xf32, #tpu.memory_space<vmem>>, vector<16xf32>,
      %swap3A_103 = vector.shape_cast %swap3A_102 : vector<16xf32> to vector<16xf32>
      %swap3A_104 = vector.shape_cast %mul3A_98 : vector<16xf32> to vector<16xf32>
      tpu.vector_store %arg6[%swap3A_101], %swap3A_104 {strides = array<i32>} : memref<1024xf32, #tpu.memory_space<vmem>>, vector<16xf32>,
      %add3A_105 = arith.constant 512 : i32
      %add3A_106 = arith.addi %add3A_105, %mul3A_17 : i32
      %swap3A_107 = arith.index_cast %add3A_106 : i32 to index
      %swap3A_108 = tpu.vector_load %arg7[%swap3A_107] {strides = array<i32>} : memref<1024xi32, #tpu.memory_space<vmem>>, vector<16xi32>,
      %swap3A_109 = vector.shape_cast %swap3A_108 : vector<16xi32> to vector<16xi32>
      %swap3A_110 = vector.shape_cast %scan3A_22#12 : vector<16xi32> to vector<16xi32>
      tpu.vector_store %arg7[%swap3A_107], %swap3A_110 {strides = array<i32>} : memref<1024xi32, #tpu.memory_space<vmem>>, vector<16xi32>,
      %mul3A_111 = arith.mulf %exp3A_33, %div3A_46 : vector<16xf32>
      %add3A_112 = arith.constant 640 : i32
      %add3A_113 = arith.addi %add3A_112, %mul3A_17 : i32
      %swap3A_114 = arith.index_cast %add3A_113 : i32 to index
      %swap3A_115 = tpu.vector_load %arg6[%swap3A_114] {strides = array<i32>} : memref<1024xf32, #tpu.memory_space<vmem>>, vector<16xf32>,
      %swap3A_116 = vector.shape_cast %swap3A_115 : vector<16xf32> to vector<16xf32>
      %swap3A_117 = vector.shape_cast %mul3A_111 : vector<16xf32> to vector<16xf32>
      tpu.vector_store %arg6[%swap3A_114], %swap3A_117 {strides = array<i32>} : memref<1024xf32, #tpu.memory_space<vmem>>, vector<16xf32>,
      %add3A_118 = arith.constant 640 : i32
      %add3A_119 = arith.addi %add3A_118, %mul3A_17 : i32
      %swap3A_120 = arith.index_cast %add3A_119 : i32 to index
      %swap3A_121 = tpu.vector_load %arg7[%swap3A_120] {strides = array<i32>} : memref<1024xi32, #tpu.memory_space<vmem>>, vector<16xi32>,
      %swap3A_122 = vector.shape_cast %swap3A_121 : vector<16xi32> to vector<16xi32>
      %swap3A_123 = vector.shape_cast %scan3A_22#13 : vector<16xi32> to vector<16xi32>
      tpu.vector_store %arg7[%swap3A_120], %swap3A_123 {strides = array<i32>} : memref<1024xi32, #tpu.memory_space<vmem>>, vector<16xi32>,
      %mul3A_124 = arith.mulf %exp3A_35, %div3A_46 : vector<16xf32>
      %add3A_125 = arith.constant 768 : i32
      %add3A_126 = arith.addi %add3A_125, %mul3A_17 : i32
      %swap3A_127 = arith.index_cast %add3A_126 : i32 to index
      %swap3A_128 = tpu.vector_load %arg6[%swap3A_127] {strides = array<i32>} : memref<1024xf32, #tpu.memory_space<vmem>>, vector<16xf32>,
      %swap3A_129 = vector.shape_cast %swap3A_128 : vector<16xf32> to vector<16xf32>
      %swap3A_130 = vector.shape_cast %mul3A_124 : vector<16xf32> to vector<16xf32>
      tpu.vector_store %arg6[%swap3A_127], %swap3A_130 {strides = array<i32>} : memref<1024xf32, #tpu.memory_space<vmem>>, vector<16xf32>,
      %add3A_131 = arith.constant 768 : i32
      %add3A_132 = arith.addi %add3A_131, %mul3A_17 : i32
      %swap3A_133 = arith.index_cast %add3A_132 : i32 to index
      %swap3A_134 = tpu.vector_load %arg7[%swap3A_133] {strides = array<i32>} : memref<1024xi32, #tpu.memory_space<vmem>>, vector<16xi32>,
      %swap3A_135 = vector.shape_cast %swap3A_134 : vector<16xi32> to vector<16xi32>
      %swap3A_136 = vector.shape_cast %scan3A_22#14 : vector<16xi32> to vector<16xi32>
      tpu.vector_store %arg7[%swap3A_133], %swap3A_136 {strides = array<i32>} : memref<1024xi32, #tpu.memory_space<vmem>>, vector<16xi32>,
      %mul3A_137 = arith.mulf %exp3A_37, %div3A_46 : vector<16xf32>
      %add3A_138 = arith.constant 896 : i32
      %add3A_139 = arith.addi %add3A_138, %mul3A_17 : i32
      %swap3A_140 = arith.index_cast %add3A_139 : i32 to index
      %swap3A_141 = tpu.vector_load %arg6[%swap3A_140] {strides = array<i32>} : memref<1024xf32, #tpu.memory_space<vmem>>, vector<16xf32>,
      %swap3A_142 = vector.shape_cast %swap3A_141 : vector<16xf32> to vector<16xf32>
      %swap3A_143 = vector.shape_cast %mul3A_137 : vector<16xf32> to vector<16xf32>
      tpu.vector_store %arg6[%swap3A_140], %swap3A_143 {strides = array<i32>} : memref<1024xf32, #tpu.memory_space<vmem>>, vector<16xf32>,
      %add3A_144 = arith.constant 896 : i32
      %add3A_145 = arith.addi %add3A_144, %mul3A_17 : i32
      %swap3A_146 = arith.index_cast %add3A_145 : i32 to index
      %swap3A_147 = tpu.vector_load %arg7[%swap3A_146] {strides = array<i32>} : memref<1024xi32, #tpu.memory_space<vmem>>, vector<16xi32>,
      %swap3A_148 = vector.shape_cast %swap3A_147 : vector<16xi32> to vector<16xi32>
      %swap3A_149 = vector.shape_cast %scan3A_22#15 : vector<16xi32> to vector<16xi32>
      tpu.vector_store %arg7[%swap3A_146], %swap3A_149 {strides = array<i32>} : memref<1024xi32, #tpu.memory_space<vmem>>, vector<16xi32>,
    }
    %scan3A_10 = arith.constant 8 : i32
    %mul3A_11 = arith.constant 1024 : i32
    %mul3A_12 = arith.muli %add3A, %mul3A_11 : i32
    "tpu.region"() ({
      %run_scoped3A = tpu.sem_alloc : memref<!tpu.dma_semaphore, #tpu.memory_space<semaphore_mem>>
      %dma_start3A = tpu.memref_slice %arg3[%mul3A_12] : memref<32768xf32, #tpu.memory_space<hbm>> -> memref<1024xf32, #tpu.memory_space<hbm>>
      %dma_start3A_15 = tpu.memref_slice %arg3[%mul3A_12] : memref<32768xf32, #tpu.memory_space<hbm>> -> memref<1024xf32, #tpu.memory_space<hbm>>
      tpu.enqueue_dma source(%arg6 : memref<1024xf32, #tpu.memory_space<vmem>>) target(%dma_start3A_15 : memref<1024xf32, #tpu.memory_space<hbm>>) target_semaphore(%run_scoped3A : memref<!tpu.dma_semaphore, #tpu.memory_space<semaphore_mem>>)
      %dma_wait3A = tpu.memref_slice %arg3[%mul3A_12] : memref<32768xf32, #tpu.memory_space<hbm>> -> memref<1024xf32, #tpu.memory_space<hbm>>
      %dma_wait3A_16 = tpu.memref_slice %arg3[%mul3A_12] : memref<32768xf32, #tpu.memory_space<hbm>> -> memref<1024xf32, #tpu.memory_space<hbm>>
      tpu.wait_dma2 semaphore(%run_scoped3A : memref<!tpu.dma_semaphore, #tpu.memory_space<semaphore_mem>>) src(%arg6 : memref<1024xf32, #tpu.memory_space<vmem>>) dst(%dma_wait3A_16 : memref<1024xf32, #tpu.memory_space<hbm>>)
      tpu.yield
    }) : () -> ()
    %mul3A_13 = arith.constant 1024 : i32
    %mul3A_14 = arith.muli %add3A, %mul3A_13 : i32
    "tpu.region"() ({
      %run_scoped3A = tpu.sem_alloc : memref<!tpu.dma_semaphore, #tpu.memory_space<semaphore_mem>>
      %dma_start3A = tpu.memref_slice %arg4[%mul3A_14] : memref<32768xi32, #tpu.memory_space<hbm>> -> memref<1024xi32, #tpu.memory_space<hbm>>
      %dma_start3A_15 = tpu.memref_slice %arg4[%mul3A_14] : memref<32768xi32, #tpu.memory_space<hbm>> -> memref<1024xi32, #tpu.memory_space<hbm>>
      tpu.enqueue_dma source(%arg7 : memref<1024xi32, #tpu.memory_space<vmem>>) target(%dma_start3A_15 : memref<1024xi32, #tpu.memory_space<hbm>>) target_semaphore(%run_scoped3A : memref<!tpu.dma_semaphore, #tpu.memory_space<semaphore_mem>>)
      %dma_wait3A = tpu.memref_slice %arg4[%mul3A_14] : memref<32768xi32, #tpu.memory_space<hbm>> -> memref<1024xi32, #tpu.memory_space<hbm>>
      %dma_wait3A_16 = tpu.memref_slice %arg4[%mul3A_14] : memref<32768xi32, #tpu.memory_space<hbm>> -> memref<1024xi32, #tpu.memory_space<hbm>>
      tpu.wait_dma2 semaphore(%run_scoped3A : memref<!tpu.dma_semaphore, #tpu.memory_space<semaphore_mem>>) src(%arg7 : memref<1024xi32, #tpu.memory_space<vmem>>) dst(%dma_wait3A_16 : memref<1024xi32, #tpu.memory_space<hbm>>)
      tpu.yield
    }) : () -> ()
    return
  }
}

#map = affine_map<(d0, d1) -> (0)>
module attributes {stable_mosaic.version = 14 : i64} {
  func.func @_sc_route_body(%arg0: i32, %arg1: i32, %arg2: memref<262144xf32, #tpu.memory_space<hbm>>, %arg3: memref<32768xf32, #tpu.memory_space<hbm>>, %arg4: memref<32768xi32, #tpu.memory_space<hbm>>, %arg5: memref<8192xf32, #tpu.memory_space<vmem>>, %arg6: memref<1024xf32, #tpu.memory_space<vmem>>, %arg7: memref<1024xi32, #tpu.memory_space<vmem>>) attributes {dimension_semantics = [#tpu.dimension_semantics<core_parallel>, #tpu.dimension_semantics<subcore_parallel>], iteration_bounds = array<i64: 2, 16>, scalar_prefetch = 0 : i64, scratch_operands = 3 : i64, tpu.core_type = #tpu.core_type<sc_vector_subcore>, window_params = [{transform_indices = #map}, {transform_indices = #map}, {transform_indices = #map}]} {
    %mul3A = arith.constant 2 : i32
    %mul3A_0 = arith.muli %arg1, %mul3A : i32
    %add3A = arith.addi %mul3A_0, %arg0 : i32
    %mul3A_1 = arith.constant 8192 : i32
    %mul3A_2 = arith.muli %add3A, %mul3A_1 : i32
    "tpu.region"() ({
      %run_scoped3A = tpu.sem_alloc : memref<!tpu.dma_semaphore, #tpu.memory_space<semaphore_mem>>
      %dma_start3A = tpu.memref_slice %arg2[%mul3A_2] : memref<262144xf32, #tpu.memory_space<hbm>> -> memref<8192xf32, #tpu.memory_space<hbm>>
      %dma_start3A_15 = tpu.memref_slice %arg2[%mul3A_2] : memref<262144xf32, #tpu.memory_space<hbm>> -> memref<8192xf32, #tpu.memory_space<hbm>>
      tpu.enqueue_dma source(%dma_start3A_15 : memref<8192xf32, #tpu.memory_space<hbm>>) target(%arg5 : memref<8192xf32, #tpu.memory_space<vmem>>) target_semaphore(%run_scoped3A : memref<!tpu.dma_semaphore, #tpu.memory_space<semaphore_mem>>)
      %dma_wait3A = tpu.memref_slice %arg2[%mul3A_2] : memref<262144xf32, #tpu.memory_space<hbm>> -> memref<8192xf32, #tpu.memory_space<hbm>>
      %dma_wait3A_16 = tpu.memref_slice %arg2[%mul3A_2] : memref<262144xf32, #tpu.memory_space<hbm>> -> memref<8192xf32, #tpu.memory_space<hbm>>
      tpu.wait_dma2 semaphore(%run_scoped3A : memref<!tpu.dma_semaphore, #tpu.memory_space<semaphore_mem>>) src(%dma_wait3A_16 : memref<8192xf32, #tpu.memory_space<hbm>>) dst(%arg5 : memref<8192xf32, #tpu.memory_space<vmem>>)
      tpu.yield
    }) : () -> ()
    %broadcast_in_dim3A = arith.constant 0xFF800000 : f32
    %broadcast_in_dim3A_3 = vector.broadcast %broadcast_in_dim3A : f32 to vector<16xf32>
    %broadcast_in_dim3A_4 = arith.constant 0 : i32
    %broadcast_in_dim3A_5 = vector.broadcast %broadcast_in_dim3A_4 : i32 to vector<16xi32>
    %scan3A = arith.constant 0 : i32
    %scan3A_6 = arith.constant 0 : i32
    %scan3A_7 = arith.constant 8 : i32
    %scan3A_8 = arith.addi %scan3A_6, %scan3A_7 : i32
    %scan3A_9 = arith.constant 1 : i32
    scf.for %scan3A_15 = %scan3A_6 to %scan3A_8 step %scan3A_9  : i32 {
      %mul3A_16 = arith.constant 16 : i32
      %mul3A_17 = arith.muli %scan3A_15, %mul3A_16 : i32
      %scan3A_18 = arith.constant 0 : i32
      %scan3A_19 = arith.constant 16 : i32
      %scan3A_20 = arith.addi %scan3A_18, %scan3A_19 : i32
      %scan3A_21 = arith.constant 1 : i32
      %scan3A_22:16 = scf.for %scan3A_150 = %scan3A_18 to %scan3A_20 step %scan3A_21 iter_args(%scan3A_151 = %broadcast_in_dim3A_3, %scan3A_152 = %broadcast_in_dim3A_3, %scan3A_153 = %broadcast_in_dim3A_3, %scan3A_154 = %broadcast_in_dim3A_3, %scan3A_155 = %broadcast_in_dim3A_3, %scan3A_156 = %broadcast_in_dim3A_3, %scan3A_157 = %broadcast_in_dim3A_3, %scan3A_158 = %broadcast_in_dim3A_3, %scan3A_159 = %broadcast_in_dim3A_5, %scan3A_160 = %broadcast_in_dim3A_5, %scan3A_161 = %broadcast_in_dim3A_5, %scan3A_162 = %broadcast_in_dim3A_5, %scan3A_163 = %broadcast_in_dim3A_5, %scan3A_164 = %broadcast_in_dim3A_5, %scan3A_165 = %broadcast_in_dim3A_5, %scan3A_166 = %broadcast_in_dim3A_5) -> (vector<16xf32>, vector<16xf32>, vector<16xf32>, vector<16xf32>, vector<16xf32>, vector<16xf32>, vector<16xf32>, vector<16xf32>, vector<16xi32>, vector<16xi32>, vector<16xi32>, vector<16xi32>, vector<16xi32>, vector<16xi32>, vector<16xi32>, vector<16xi32>)  : i32 {
        %mul3A_167 = arith.constant 4 : i32
        %mul3A_168 = arith.muli %scan3A_150, %mul3A_167 : i32
        %add3A_169 = arith.constant 0 : i32
        %add3A_170 = arith.addi %mul3A_168, %add3A_169 : i32
        %mul3A_171 = arith.constant 128 : i32
        %mul3A_172 = arith.muli %add3A_170, %mul3A_171 : i32
        %add3A_173 = arith.addi %mul3A_172, %mul3A_17 : i32
        %get3A = arith.index_cast %add3A_173 : i32 to index
        %get3A_174 = tpu.vector_load %arg5[%get3A] {strides = array<i32>} : memref<8192xf32, #tpu.memory_space<vmem>>, vector<16xf32>,
        %get3A_175 = vector.shape_cast %get3A_174 : vector<16xf32> to vector<16xf32>
        %broadcast_in_dim3A_176 = vector.broadcast %add3A_170 : i32 to vector<16xi32>
        %gt3A = arith.cmpf ogt, %get3A_175, %scan3A_151 : vector<16xf32>
        %gt3A_177 = arith.cmpf ogt, %get3A_175, %scan3A_152 : vector<16xf32>
        %gt3A_178 = arith.cmpf ogt, %get3A_175, %scan3A_153 : vector<16xf32>
        %gt3A_179 = arith.cmpf ogt, %get3A_175, %scan3A_154 : vector<16xf32>
        %gt3A_180 = arith.cmpf ogt, %get3A_175, %scan3A_155 : vector<16xf32>
        %gt3A_181 = arith.cmpf ogt, %get3A_175, %scan3A_156 : vector<16xf32>
        %gt3A_182 = arith.cmpf ogt, %get3A_175, %scan3A_157 : vector<16xf32>
        %gt3A_183 = arith.cmpf ogt, %get3A_175, %scan3A_158 : vector<16xf32>
        %select_n3A = arith.select %gt3A, %get3A_175, %scan3A_151 : vector<16xi1>, vector<16xf32>
        %select_n3A_184 = arith.select %gt3A, %broadcast_in_dim3A_176, %scan3A_159 : vector<16xi1>, vector<16xi32>
        %select_n3A_185 = arith.select %gt3A, %scan3A_151, %get3A_175 : vector<16xi1>, vector<16xf32>
        %select_n3A_186 = arith.select %gt3A_177, %select_n3A_185, %scan3A_152 : vector<16xi1>, vector<16xf32>
        %select_n3A_187 = arith.select %gt3A, %scan3A_159, %broadcast_in_dim3A_176 : vector<16xi1>, vector<16xi32>
        %select_n3A_188 = arith.select %gt3A_177, %select_n3A_187, %scan3A_160 : vector<16xi1>, vector<16xi32>
        %select_n3A_189 = arith.select %gt3A_177, %scan3A_152, %get3A_175 : vector<16xi1>, vector<16xf32>
        %select_n3A_190 = arith.select %gt3A_178, %select_n3A_189, %scan3A_153 : vector<16xi1>, vector<16xf32>
        %select_n3A_191 = arith.select %gt3A_177, %scan3A_160, %broadcast_in_dim3A_176 : vector<16xi1>, vector<16xi32>
        %select_n3A_192 = arith.select %gt3A_178, %select_n3A_191, %scan3A_161 : vector<16xi1>, vector<16xi32>
        %select_n3A_193 = arith.select %gt3A_178, %scan3A_153, %get3A_175 : vector<16xi1>, vector<16xf32>
        %select_n3A_194 = arith.select %gt3A_179, %select_n3A_193, %scan3A_154 : vector<16xi1>, vector<16xf32>
        %select_n3A_195 = arith.select %gt3A_178, %scan3A_161, %broadcast_in_dim3A_176 : vector<16xi1>, vector<16xi32>
        %select_n3A_196 = arith.select %gt3A_179, %select_n3A_195, %scan3A_162 : vector<16xi1>, vector<16xi32>
        %select_n3A_197 = arith.select %gt3A_179, %scan3A_154, %get3A_175 : vector<16xi1>, vector<16xf32>
        %select_n3A_198 = arith.select %gt3A_180, %select_n3A_197, %scan3A_155 : vector<16xi1>, vector<16xf32>
        %select_n3A_199 = arith.select %gt3A_179, %scan3A_162, %broadcast_in_dim3A_176 : vector<16xi1>, vector<16xi32>
        %select_n3A_200 = arith.select %gt3A_180, %select_n3A_199, %scan3A_163 : vector<16xi1>, vector<16xi32>
        %select_n3A_201 = arith.select %gt3A_180, %scan3A_155, %get3A_175 : vector<16xi1>, vector<16xf32>
        %select_n3A_202 = arith.select %gt3A_181, %select_n3A_201, %scan3A_156 : vector<16xi1>, vector<16xf32>
        %select_n3A_203 = arith.select %gt3A_180, %scan3A_163, %broadcast_in_dim3A_176 : vector<16xi1>, vector<16xi32>
        %select_n3A_204 = arith.select %gt3A_181, %select_n3A_203, %scan3A_164 : vector<16xi1>, vector<16xi32>
        %select_n3A_205 = arith.select %gt3A_181, %scan3A_156, %get3A_175 : vector<16xi1>, vector<16xf32>
        %select_n3A_206 = arith.select %gt3A_182, %select_n3A_205, %scan3A_157 : vector<16xi1>, vector<16xf32>
        %select_n3A_207 = arith.select %gt3A_181, %scan3A_164, %broadcast_in_dim3A_176 : vector<16xi1>, vector<16xi32>
        %select_n3A_208 = arith.select %gt3A_182, %select_n3A_207, %scan3A_165 : vector<16xi1>, vector<16xi32>
        %select_n3A_209 = arith.select %gt3A_182, %scan3A_157, %get3A_175 : vector<16xi1>, vector<16xf32>
        %select_n3A_210 = arith.select %gt3A_183, %select_n3A_209, %scan3A_158 : vector<16xi1>, vector<16xf32>
        %select_n3A_211 = arith.select %gt3A_182, %scan3A_165, %broadcast_in_dim3A_176 : vector<16xi1>, vector<16xi32>
        %select_n3A_212 = arith.select %gt3A_183, %select_n3A_211, %scan3A_166 : vector<16xi1>, vector<16xi32>
        %mul3A_213 = arith.constant 4 : i32
        %mul3A_214 = arith.muli %scan3A_150, %mul3A_213 : i32
        %add3A_215 = arith.constant 1 : i32
        %add3A_216 = arith.addi %mul3A_214, %add3A_215 : i32
        %mul3A_217 = arith.constant 128 : i32
        %mul3A_218 = arith.muli %add3A_216, %mul3A_217 : i32
        %add3A_219 = arith.addi %mul3A_218, %mul3A_17 : i32
        %get3A_220 = arith.index_cast %add3A_219 : i32 to index
        %get3A_221 = tpu.vector_load %arg5[%get3A_220] {strides = array<i32>} : memref<8192xf32, #tpu.memory_space<vmem>>, vector<16xf32>,
        %get3A_222 = vector.shape_cast %get3A_221 : vector<16xf32> to vector<16xf32>
        %broadcast_in_dim3A_223 = vector.broadcast %add3A_216 : i32 to vector<16xi32>
        %gt3A_224 = arith.cmpf ogt, %get3A_222, %select_n3A : vector<16xf32>
        %gt3A_225 = arith.cmpf ogt, %get3A_222, %select_n3A_186 : vector<16xf32>
        %gt3A_226 = arith.cmpf ogt, %get3A_222, %select_n3A_190 : vector<16xf32>
        %gt3A_227 = arith.cmpf ogt, %get3A_222, %select_n3A_194 : vector<16xf32>
        %gt3A_228 = arith.cmpf ogt, %get3A_222, %select_n3A_198 : vector<16xf32>
        %gt3A_229 = arith.cmpf ogt, %get3A_222, %select_n3A_202 : vector<16xf32>
        %gt3A_230 = arith.cmpf ogt, %get3A_222, %select_n3A_206 : vector<16xf32>
        %gt3A_231 = arith.cmpf ogt, %get3A_222, %select_n3A_210 : vector<16xf32>
        %select_n3A_232 = arith.select %gt3A_224, %get3A_222, %select_n3A : vector<16xi1>, vector<16xf32>
        %select_n3A_233 = arith.select %gt3A_224, %broadcast_in_dim3A_223, %select_n3A_184 : vector<16xi1>, vector<16xi32>
        %select_n3A_234 = arith.select %gt3A_224, %select_n3A, %get3A_222 : vector<16xi1>, vector<16xf32>
        %select_n3A_235 = arith.select %gt3A_225, %select_n3A_234, %select_n3A_186 : vector<16xi1>, vector<16xf32>
        %select_n3A_236 = arith.select %gt3A_224, %select_n3A_184, %broadcast_in_dim3A_223 : vector<16xi1>, vector<16xi32>
        %select_n3A_237 = arith.select %gt3A_225, %select_n3A_236, %select_n3A_188 : vector<16xi1>, vector<16xi32>
        %select_n3A_238 = arith.select %gt3A_225, %select_n3A_186, %get3A_222 : vector<16xi1>, vector<16xf32>
        %select_n3A_239 = arith.select %gt3A_226, %select_n3A_238, %select_n3A_190 : vector<16xi1>, vector<16xf32>
        %select_n3A_240 = arith.select %gt3A_225, %select_n3A_188, %broadcast_in_dim3A_223 : vector<16xi1>, vector<16xi32>
        %select_n3A_241 = arith.select %gt3A_226, %select_n3A_240, %select_n3A_192 : vector<16xi1>, vector<16xi32>
        %select_n3A_242 = arith.select %gt3A_226, %select_n3A_190, %get3A_222 : vector<16xi1>, vector<16xf32>
        %select_n3A_243 = arith.select %gt3A_227, %select_n3A_242, %select_n3A_194 : vector<16xi1>, vector<16xf32>
        %select_n3A_244 = arith.select %gt3A_226, %select_n3A_192, %broadcast_in_dim3A_223 : vector<16xi1>, vector<16xi32>
        %select_n3A_245 = arith.select %gt3A_227, %select_n3A_244, %select_n3A_196 : vector<16xi1>, vector<16xi32>
        %select_n3A_246 = arith.select %gt3A_227, %select_n3A_194, %get3A_222 : vector<16xi1>, vector<16xf32>
        %select_n3A_247 = arith.select %gt3A_228, %select_n3A_246, %select_n3A_198 : vector<16xi1>, vector<16xf32>
        %select_n3A_248 = arith.select %gt3A_227, %select_n3A_196, %broadcast_in_dim3A_223 : vector<16xi1>, vector<16xi32>
        %select_n3A_249 = arith.select %gt3A_228, %select_n3A_248, %select_n3A_200 : vector<16xi1>, vector<16xi32>
        %select_n3A_250 = arith.select %gt3A_228, %select_n3A_198, %get3A_222 : vector<16xi1>, vector<16xf32>
        %select_n3A_251 = arith.select %gt3A_229, %select_n3A_250, %select_n3A_202 : vector<16xi1>, vector<16xf32>
        %select_n3A_252 = arith.select %gt3A_228, %select_n3A_200, %broadcast_in_dim3A_223 : vector<16xi1>, vector<16xi32>
        %select_n3A_253 = arith.select %gt3A_229, %select_n3A_252, %select_n3A_204 : vector<16xi1>, vector<16xi32>
        %select_n3A_254 = arith.select %gt3A_229, %select_n3A_202, %get3A_222 : vector<16xi1>, vector<16xf32>
        %select_n3A_255 = arith.select %gt3A_230, %select_n3A_254, %select_n3A_206 : vector<16xi1>, vector<16xf32>
        %select_n3A_256 = arith.select %gt3A_229, %select_n3A_204, %broadcast_in_dim3A_223 : vector<16xi1>, vector<16xi32>
        %select_n3A_257 = arith.select %gt3A_230, %select_n3A_256, %select_n3A_208 : vector<16xi1>, vector<16xi32>
        %select_n3A_258 = arith.select %gt3A_230, %select_n3A_206, %get3A_222 : vector<16xi1>, vector<16xf32>
        %select_n3A_259 = arith.select %gt3A_231, %select_n3A_258, %select_n3A_210 : vector<16xi1>, vector<16xf32>
        %select_n3A_260 = arith.select %gt3A_230, %select_n3A_208, %broadcast_in_dim3A_223 : vector<16xi1>, vector<16xi32>
        %select_n3A_261 = arith.select %gt3A_231, %select_n3A_260, %select_n3A_212 : vector<16xi1>, vector<16xi32>
        %mul3A_262 = arith.constant 4 : i32
        %mul3A_263 = arith.muli %scan3A_150, %mul3A_262 : i32
        %add3A_264 = arith.constant 2 : i32
        %add3A_265 = arith.addi %mul3A_263, %add3A_264 : i32
        %mul3A_266 = arith.constant 128 : i32
        %mul3A_267 = arith.muli %add3A_265, %mul3A_266 : i32
        %add3A_268 = arith.addi %mul3A_267, %mul3A_17 : i32
        %get3A_269 = arith.index_cast %add3A_268 : i32 to index
        %get3A_270 = tpu.vector_load %arg5[%get3A_269] {strides = array<i32>} : memref<8192xf32, #tpu.memory_space<vmem>>, vector<16xf32>,
        %get3A_271 = vector.shape_cast %get3A_270 : vector<16xf32> to vector<16xf32>
        %broadcast_in_dim3A_272 = vector.broadcast %add3A_265 : i32 to vector<16xi32>
        %gt3A_273 = arith.cmpf ogt, %get3A_271, %select_n3A_232 : vector<16xf32>
        %gt3A_274 = arith.cmpf ogt, %get3A_271, %select_n3A_235 : vector<16xf32>
        %gt3A_275 = arith.cmpf ogt, %get3A_271, %select_n3A_239 : vector<16xf32>
        %gt3A_276 = arith.cmpf ogt, %get3A_271, %select_n3A_243 : vector<16xf32>
        %gt3A_277 = arith.cmpf ogt, %get3A_271, %select_n3A_247 : vector<16xf32>
        %gt3A_278 = arith.cmpf ogt, %get3A_271, %select_n3A_251 : vector<16xf32>
        %gt3A_279 = arith.cmpf ogt, %get3A_271, %select_n3A_255 : vector<16xf32>
        %gt3A_280 = arith.cmpf ogt, %get3A_271, %select_n3A_259 : vector<16xf32>
        %select_n3A_281 = arith.select %gt3A_273, %get3A_271, %select_n3A_232 : vector<16xi1>, vector<16xf32>
        %select_n3A_282 = arith.select %gt3A_273, %broadcast_in_dim3A_272, %select_n3A_233 : vector<16xi1>, vector<16xi32>
        %select_n3A_283 = arith.select %gt3A_273, %select_n3A_232, %get3A_271 : vector<16xi1>, vector<16xf32>
        %select_n3A_284 = arith.select %gt3A_274, %select_n3A_283, %select_n3A_235 : vector<16xi1>, vector<16xf32>
        %select_n3A_285 = arith.select %gt3A_273, %select_n3A_233, %broadcast_in_dim3A_272 : vector<16xi1>, vector<16xi32>
        %select_n3A_286 = arith.select %gt3A_274, %select_n3A_285, %select_n3A_237 : vector<16xi1>, vector<16xi32>
        %select_n3A_287 = arith.select %gt3A_274, %select_n3A_235, %get3A_271 : vector<16xi1>, vector<16xf32>
        %select_n3A_288 = arith.select %gt3A_275, %select_n3A_287, %select_n3A_239 : vector<16xi1>, vector<16xf32>
        %select_n3A_289 = arith.select %gt3A_274, %select_n3A_237, %broadcast_in_dim3A_272 : vector<16xi1>, vector<16xi32>
        %select_n3A_290 = arith.select %gt3A_275, %select_n3A_289, %select_n3A_241 : vector<16xi1>, vector<16xi32>
        %select_n3A_291 = arith.select %gt3A_275, %select_n3A_239, %get3A_271 : vector<16xi1>, vector<16xf32>
        %select_n3A_292 = arith.select %gt3A_276, %select_n3A_291, %select_n3A_243 : vector<16xi1>, vector<16xf32>
        %select_n3A_293 = arith.select %gt3A_275, %select_n3A_241, %broadcast_in_dim3A_272 : vector<16xi1>, vector<16xi32>
        %select_n3A_294 = arith.select %gt3A_276, %select_n3A_293, %select_n3A_245 : vector<16xi1>, vector<16xi32>
        %select_n3A_295 = arith.select %gt3A_276, %select_n3A_243, %get3A_271 : vector<16xi1>, vector<16xf32>
        %select_n3A_296 = arith.select %gt3A_277, %select_n3A_295, %select_n3A_247 : vector<16xi1>, vector<16xf32>
        %select_n3A_297 = arith.select %gt3A_276, %select_n3A_245, %broadcast_in_dim3A_272 : vector<16xi1>, vector<16xi32>
        %select_n3A_298 = arith.select %gt3A_277, %select_n3A_297, %select_n3A_249 : vector<16xi1>, vector<16xi32>
        %select_n3A_299 = arith.select %gt3A_277, %select_n3A_247, %get3A_271 : vector<16xi1>, vector<16xf32>
        %select_n3A_300 = arith.select %gt3A_278, %select_n3A_299, %select_n3A_251 : vector<16xi1>, vector<16xf32>
        %select_n3A_301 = arith.select %gt3A_277, %select_n3A_249, %broadcast_in_dim3A_272 : vector<16xi1>, vector<16xi32>
        %select_n3A_302 = arith.select %gt3A_278, %select_n3A_301, %select_n3A_253 : vector<16xi1>, vector<16xi32>
        %select_n3A_303 = arith.select %gt3A_278, %select_n3A_251, %get3A_271 : vector<16xi1>, vector<16xf32>
        %select_n3A_304 = arith.select %gt3A_279, %select_n3A_303, %select_n3A_255 : vector<16xi1>, vector<16xf32>
        %select_n3A_305 = arith.select %gt3A_278, %select_n3A_253, %broadcast_in_dim3A_272 : vector<16xi1>, vector<16xi32>
        %select_n3A_306 = arith.select %gt3A_279, %select_n3A_305, %select_n3A_257 : vector<16xi1>, vector<16xi32>
        %select_n3A_307 = arith.select %gt3A_279, %select_n3A_255, %get3A_271 : vector<16xi1>, vector<16xf32>
        %select_n3A_308 = arith.select %gt3A_280, %select_n3A_307, %select_n3A_259 : vector<16xi1>, vector<16xf32>
        %select_n3A_309 = arith.select %gt3A_279, %select_n3A_257, %broadcast_in_dim3A_272 : vector<16xi1>, vector<16xi32>
        %select_n3A_310 = arith.select %gt3A_280, %select_n3A_309, %select_n3A_261 : vector<16xi1>, vector<16xi32>
        %mul3A_311 = arith.constant 4 : i32
        %mul3A_312 = arith.muli %scan3A_150, %mul3A_311 : i32
        %add3A_313 = arith.constant 3 : i32
        %add3A_314 = arith.addi %mul3A_312, %add3A_313 : i32
        %mul3A_315 = arith.constant 128 : i32
        %mul3A_316 = arith.muli %add3A_314, %mul3A_315 : i32
        %add3A_317 = arith.addi %mul3A_316, %mul3A_17 : i32
        %get3A_318 = arith.index_cast %add3A_317 : i32 to index
        %get3A_319 = tpu.vector_load %arg5[%get3A_318] {strides = array<i32>} : memref<8192xf32, #tpu.memory_space<vmem>>, vector<16xf32>,
        %get3A_320 = vector.shape_cast %get3A_319 : vector<16xf32> to vector<16xf32>
        %broadcast_in_dim3A_321 = vector.broadcast %add3A_314 : i32 to vector<16xi32>
        %gt3A_322 = arith.cmpf ogt, %get3A_320, %select_n3A_281 : vector<16xf32>
        %gt3A_323 = arith.cmpf ogt, %get3A_320, %select_n3A_284 : vector<16xf32>
        %gt3A_324 = arith.cmpf ogt, %get3A_320, %select_n3A_288 : vector<16xf32>
        %gt3A_325 = arith.cmpf ogt, %get3A_320, %select_n3A_292 : vector<16xf32>
        %gt3A_326 = arith.cmpf ogt, %get3A_320, %select_n3A_296 : vector<16xf32>
        %gt3A_327 = arith.cmpf ogt, %get3A_320, %select_n3A_300 : vector<16xf32>
        %gt3A_328 = arith.cmpf ogt, %get3A_320, %select_n3A_304 : vector<16xf32>
        %gt3A_329 = arith.cmpf ogt, %get3A_320, %select_n3A_308 : vector<16xf32>
        %select_n3A_330 = arith.select %gt3A_322, %get3A_320, %select_n3A_281 : vector<16xi1>, vector<16xf32>
        %select_n3A_331 = arith.select %gt3A_322, %broadcast_in_dim3A_321, %select_n3A_282 : vector<16xi1>, vector<16xi32>
        %select_n3A_332 = arith.select %gt3A_322, %select_n3A_281, %get3A_320 : vector<16xi1>, vector<16xf32>
        %select_n3A_333 = arith.select %gt3A_323, %select_n3A_332, %select_n3A_284 : vector<16xi1>, vector<16xf32>
        %select_n3A_334 = arith.select %gt3A_322, %select_n3A_282, %broadcast_in_dim3A_321 : vector<16xi1>, vector<16xi32>
        %select_n3A_335 = arith.select %gt3A_323, %select_n3A_334, %select_n3A_286 : vector<16xi1>, vector<16xi32>
        %select_n3A_336 = arith.select %gt3A_323, %select_n3A_284, %get3A_320 : vector<16xi1>, vector<16xf32>
        %select_n3A_337 = arith.select %gt3A_324, %select_n3A_336, %select_n3A_288 : vector<16xi1>, vector<16xf32>
        %select_n3A_338 = arith.select %gt3A_323, %select_n3A_286, %broadcast_in_dim3A_321 : vector<16xi1>, vector<16xi32>
        %select_n3A_339 = arith.select %gt3A_324, %select_n3A_338, %select_n3A_290 : vector<16xi1>, vector<16xi32>
        %select_n3A_340 = arith.select %gt3A_324, %select_n3A_288, %get3A_320 : vector<16xi1>, vector<16xf32>
        %select_n3A_341 = arith.select %gt3A_325, %select_n3A_340, %select_n3A_292 : vector<16xi1>, vector<16xf32>
        %select_n3A_342 = arith.select %gt3A_324, %select_n3A_290, %broadcast_in_dim3A_321 : vector<16xi1>, vector<16xi32>
        %select_n3A_343 = arith.select %gt3A_325, %select_n3A_342, %select_n3A_294 : vector<16xi1>, vector<16xi32>
        %select_n3A_344 = arith.select %gt3A_325, %select_n3A_292, %get3A_320 : vector<16xi1>, vector<16xf32>
        %select_n3A_345 = arith.select %gt3A_326, %select_n3A_344, %select_n3A_296 : vector<16xi1>, vector<16xf32>
        %select_n3A_346 = arith.select %gt3A_325, %select_n3A_294, %broadcast_in_dim3A_321 : vector<16xi1>, vector<16xi32>
        %select_n3A_347 = arith.select %gt3A_326, %select_n3A_346, %select_n3A_298 : vector<16xi1>, vector<16xi32>
        %select_n3A_348 = arith.select %gt3A_326, %select_n3A_296, %get3A_320 : vector<16xi1>, vector<16xf32>
        %select_n3A_349 = arith.select %gt3A_327, %select_n3A_348, %select_n3A_300 : vector<16xi1>, vector<16xf32>
        %select_n3A_350 = arith.select %gt3A_326, %select_n3A_298, %broadcast_in_dim3A_321 : vector<16xi1>, vector<16xi32>
        %select_n3A_351 = arith.select %gt3A_327, %select_n3A_350, %select_n3A_302 : vector<16xi1>, vector<16xi32>
        %select_n3A_352 = arith.select %gt3A_327, %select_n3A_300, %get3A_320 : vector<16xi1>, vector<16xf32>
        %select_n3A_353 = arith.select %gt3A_328, %select_n3A_352, %select_n3A_304 : vector<16xi1>, vector<16xf32>
        %select_n3A_354 = arith.select %gt3A_327, %select_n3A_302, %broadcast_in_dim3A_321 : vector<16xi1>, vector<16xi32>
        %select_n3A_355 = arith.select %gt3A_328, %select_n3A_354, %select_n3A_306 : vector<16xi1>, vector<16xi32>
        %select_n3A_356 = arith.select %gt3A_328, %select_n3A_304, %get3A_320 : vector<16xi1>, vector<16xf32>
        %select_n3A_357 = arith.select %gt3A_329, %select_n3A_356, %select_n3A_308 : vector<16xi1>, vector<16xf32>
        %select_n3A_358 = arith.select %gt3A_328, %select_n3A_306, %broadcast_in_dim3A_321 : vector<16xi1>, vector<16xi32>
        %select_n3A_359 = arith.select %gt3A_329, %select_n3A_358, %select_n3A_310 : vector<16xi1>, vector<16xi32>
        scf.yield %select_n3A_330, %select_n3A_333, %select_n3A_337, %select_n3A_341, %select_n3A_345, %select_n3A_349, %select_n3A_353, %select_n3A_357, %select_n3A_331, %select_n3A_335, %select_n3A_339, %select_n3A_343, %select_n3A_347, %select_n3A_351, %select_n3A_355, %select_n3A_359 : vector<16xf32>, vector<16xf32>, vector<16xf32>, vector<16xf32>, vector<16xf32>, vector<16xf32>, vector<16xf32>, vector<16xf32>, vector<16xi32>, vector<16xi32>, vector<16xi32>, vector<16xi32>, vector<16xi32>, vector<16xi32>, vector<16xi32>, vector<16xi32>
      }
      %scan3A_23 = arith.constant 16 : i32
      %sub3A = arith.subf %scan3A_22#0, %scan3A_22#0 : vector<16xf32>
      %exp3A = math.exp %sub3A : vector<16xf32>
      %sub3A_24 = arith.subf %scan3A_22#1, %scan3A_22#0 : vector<16xf32>
      %exp3A_25 = math.exp %sub3A_24 : vector<16xf32>
      %sub3A_26 = arith.subf %scan3A_22#2, %scan3A_22#0 : vector<16xf32>
      %exp3A_27 = math.exp %sub3A_26 : vector<16xf32>
      %sub3A_28 = arith.subf %scan3A_22#3, %scan3A_22#0 : vector<16xf32>
      %exp3A_29 = math.exp %sub3A_28 : vector<16xf32>
      %sub3A_30 = arith.subf %scan3A_22#4, %scan3A_22#0 : vector<16xf32>
      %exp3A_31 = math.exp %sub3A_30 : vector<16xf32>
      %sub3A_32 = arith.subf %scan3A_22#5, %scan3A_22#0 : vector<16xf32>
      %exp3A_33 = math.exp %sub3A_32 : vector<16xf32>
      %sub3A_34 = arith.subf %scan3A_22#6, %scan3A_22#0 : vector<16xf32>
      %exp3A_35 = math.exp %sub3A_34 : vector<16xf32>
      %sub3A_36 = arith.subf %scan3A_22#7, %scan3A_22#0 : vector<16xf32>
      %exp3A_37 = math.exp %sub3A_36 : vector<16xf32>
      %add3A_38 = arith.addf %exp3A, %exp3A_25 : vector<16xf32>
      %add3A_39 = arith.addf %add3A_38, %exp3A_27 : vector<16xf32>
      %add3A_40 = arith.addf %add3A_39, %exp3A_29 : vector<16xf32>
      %add3A_41 = arith.addf %add3A_40, %exp3A_31 : vector<16xf32>
      %add3A_42 = arith.addf %add3A_41, %exp3A_33 : vector<16xf32>
      %add3A_43 = arith.addf %add3A_42, %exp3A_35 : vector<16xf32>
      %add3A_44 = arith.addf %add3A_43, %exp3A_37 : vector<16xf32>
      %div3A = arith.constant 1.000000e+00 : f32
      %div3A_45 = vector.broadcast %div3A : f32 to vector<16xf32>
      %div3A_46 = arith.divf %div3A_45, %add3A_44 : vector<16xf32>
      %mul3A_47 = arith.mulf %exp3A, %div3A_46 : vector<16xf32>
      %add3A_48 = arith.constant 0 : i32
      %add3A_49 = arith.addi %add3A_48, %mul3A_17 : i32
      %swap3A = arith.index_cast %add3A_49 : i32 to index
      %swap3A_50 = tpu.vector_load %arg6[%swap3A] {strides = array<i32>} : memref<1024xf32, #tpu.memory_space<vmem>>, vector<16xf32>,
      %swap3A_51 = vector.shape_cast %swap3A_50 : vector<16xf32> to vector<16xf32>
      %swap3A_52 = vector.shape_cast %mul3A_47 : vector<16xf32> to vector<16xf32>
      tpu.vector_store %arg6[%swap3A], %swap3A_52 {strides = array<i32>} : memref<1024xf32, #tpu.memory_space<vmem>>, vector<16xf32>,
      %add3A_53 = arith.constant 0 : i32
      %add3A_54 = arith.addi %add3A_53, %mul3A_17 : i32
      %swap3A_55 = arith.index_cast %add3A_54 : i32 to index
      %swap3A_56 = tpu.vector_load %arg7[%swap3A_55] {strides = array<i32>} : memref<1024xi32, #tpu.memory_space<vmem>>, vector<16xi32>,
      %swap3A_57 = vector.shape_cast %swap3A_56 : vector<16xi32> to vector<16xi32>
      %swap3A_58 = vector.shape_cast %scan3A_22#8 : vector<16xi32> to vector<16xi32>
      tpu.vector_store %arg7[%swap3A_55], %swap3A_58 {strides = array<i32>} : memref<1024xi32, #tpu.memory_space<vmem>>, vector<16xi32>,
      %mul3A_59 = arith.mulf %exp3A_25, %div3A_46 : vector<16xf32>
      %add3A_60 = arith.constant 128 : i32
      %add3A_61 = arith.addi %add3A_60, %mul3A_17 : i32
      %swap3A_62 = arith.index_cast %add3A_61 : i32 to index
      %swap3A_63 = tpu.vector_load %arg6[%swap3A_62] {strides = array<i32>} : memref<1024xf32, #tpu.memory_space<vmem>>, vector<16xf32>,
      %swap3A_64 = vector.shape_cast %swap3A_63 : vector<16xf32> to vector<16xf32>
      %swap3A_65 = vector.shape_cast %mul3A_59 : vector<16xf32> to vector<16xf32>
      tpu.vector_store %arg6[%swap3A_62], %swap3A_65 {strides = array<i32>} : memref<1024xf32, #tpu.memory_space<vmem>>, vector<16xf32>,
      %add3A_66 = arith.constant 128 : i32
      %add3A_67 = arith.addi %add3A_66, %mul3A_17 : i32
      %swap3A_68 = arith.index_cast %add3A_67 : i32 to index
      %swap3A_69 = tpu.vector_load %arg7[%swap3A_68] {strides = array<i32>} : memref<1024xi32, #tpu.memory_space<vmem>>, vector<16xi32>,
      %swap3A_70 = vector.shape_cast %swap3A_69 : vector<16xi32> to vector<16xi32>
      %swap3A_71 = vector.shape_cast %scan3A_22#9 : vector<16xi32> to vector<16xi32>
      tpu.vector_store %arg7[%swap3A_68], %swap3A_71 {strides = array<i32>} : memref<1024xi32, #tpu.memory_space<vmem>>, vector<16xi32>,
      %mul3A_72 = arith.mulf %exp3A_27, %div3A_46 : vector<16xf32>
      %add3A_73 = arith.constant 256 : i32
      %add3A_74 = arith.addi %add3A_73, %mul3A_17 : i32
      %swap3A_75 = arith.index_cast %add3A_74 : i32 to index
      %swap3A_76 = tpu.vector_load %arg6[%swap3A_75] {strides = array<i32>} : memref<1024xf32, #tpu.memory_space<vmem>>, vector<16xf32>,
      %swap3A_77 = vector.shape_cast %swap3A_76 : vector<16xf32> to vector<16xf32>
      %swap3A_78 = vector.shape_cast %mul3A_72 : vector<16xf32> to vector<16xf32>
      tpu.vector_store %arg6[%swap3A_75], %swap3A_78 {strides = array<i32>} : memref<1024xf32, #tpu.memory_space<vmem>>, vector<16xf32>,
      %add3A_79 = arith.constant 256 : i32
      %add3A_80 = arith.addi %add3A_79, %mul3A_17 : i32
      %swap3A_81 = arith.index_cast %add3A_80 : i32 to index
      %swap3A_82 = tpu.vector_load %arg7[%swap3A_81] {strides = array<i32>} : memref<1024xi32, #tpu.memory_space<vmem>>, vector<16xi32>,
      %swap3A_83 = vector.shape_cast %swap3A_82 : vector<16xi32> to vector<16xi32>
      %swap3A_84 = vector.shape_cast %scan3A_22#10 : vector<16xi32> to vector<16xi32>
      tpu.vector_store %arg7[%swap3A_81], %swap3A_84 {strides = array<i32>} : memref<1024xi32, #tpu.memory_space<vmem>>, vector<16xi32>,
      %mul3A_85 = arith.mulf %exp3A_29, %div3A_46 : vector<16xf32>
      %add3A_86 = arith.constant 384 : i32
      %add3A_87 = arith.addi %add3A_86, %mul3A_17 : i32
      %swap3A_88 = arith.index_cast %add3A_87 : i32 to index
      %swap3A_89 = tpu.vector_load %arg6[%swap3A_88] {strides = array<i32>} : memref<1024xf32, #tpu.memory_space<vmem>>, vector<16xf32>,
      %swap3A_90 = vector.shape_cast %swap3A_89 : vector<16xf32> to vector<16xf32>
      %swap3A_91 = vector.shape_cast %mul3A_85 : vector<16xf32> to vector<16xf32>
      tpu.vector_store %arg6[%swap3A_88], %swap3A_91 {strides = array<i32>} : memref<1024xf32, #tpu.memory_space<vmem>>, vector<16xf32>,
      %add3A_92 = arith.constant 384 : i32
      %add3A_93 = arith.addi %add3A_92, %mul3A_17 : i32
      %swap3A_94 = arith.index_cast %add3A_93 : i32 to index
      %swap3A_95 = tpu.vector_load %arg7[%swap3A_94] {strides = array<i32>} : memref<1024xi32, #tpu.memory_space<vmem>>, vector<16xi32>,
      %swap3A_96 = vector.shape_cast %swap3A_95 : vector<16xi32> to vector<16xi32>
      %swap3A_97 = vector.shape_cast %scan3A_22#11 : vector<16xi32> to vector<16xi32>
      tpu.vector_store %arg7[%swap3A_94], %swap3A_97 {strides = array<i32>} : memref<1024xi32, #tpu.memory_space<vmem>>, vector<16xi32>,
      %mul3A_98 = arith.mulf %exp3A_31, %div3A_46 : vector<16xf32>
      %add3A_99 = arith.constant 512 : i32
      %add3A_100 = arith.addi %add3A_99, %mul3A_17 : i32
      %swap3A_101 = arith.index_cast %add3A_100 : i32 to index
      %swap3A_102 = tpu.vector_load %arg6[%swap3A_101] {strides = array<i32>} : memref<1024xf32, #tpu.memory_space<vmem>>, vector<16xf32>,
      %swap3A_103 = vector.shape_cast %swap3A_102 : vector<16xf32> to vector<16xf32>
      %swap3A_104 = vector.shape_cast %mul3A_98 : vector<16xf32> to vector<16xf32>
      tpu.vector_store %arg6[%swap3A_101], %swap3A_104 {strides = array<i32>} : memref<1024xf32, #tpu.memory_space<vmem>>, vector<16xf32>,
      %add3A_105 = arith.constant 512 : i32
      %add3A_106 = arith.addi %add3A_105, %mul3A_17 : i32
      %swap3A_107 = arith.index_cast %add3A_106 : i32 to index
      %swap3A_108 = tpu.vector_load %arg7[%swap3A_107] {strides = array<i32>} : memref<1024xi32, #tpu.memory_space<vmem>>, vector<16xi32>,
      %swap3A_109 = vector.shape_cast %swap3A_108 : vector<16xi32> to vector<16xi32>
      %swap3A_110 = vector.shape_cast %scan3A_22#12 : vector<16xi32> to vector<16xi32>
      tpu.vector_store %arg7[%swap3A_107], %swap3A_110 {strides = array<i32>} : memref<1024xi32, #tpu.memory_space<vmem>>, vector<16xi32>,
      %mul3A_111 = arith.mulf %exp3A_33, %div3A_46 : vector<16xf32>
      %add3A_112 = arith.constant 640 : i32
      %add3A_113 = arith.addi %add3A_112, %mul3A_17 : i32
      %swap3A_114 = arith.index_cast %add3A_113 : i32 to index
      %swap3A_115 = tpu.vector_load %arg6[%swap3A_114] {strides = array<i32>} : memref<1024xf32, #tpu.memory_space<vmem>>, vector<16xf32>,
      %swap3A_116 = vector.shape_cast %swap3A_115 : vector<16xf32> to vector<16xf32>
      %swap3A_117 = vector.shape_cast %mul3A_111 : vector<16xf32> to vector<16xf32>
      tpu.vector_store %arg6[%swap3A_114], %swap3A_117 {strides = array<i32>} : memref<1024xf32, #tpu.memory_space<vmem>>, vector<16xf32>,
      %add3A_118 = arith.constant 640 : i32
      %add3A_119 = arith.addi %add3A_118, %mul3A_17 : i32
      %swap3A_120 = arith.index_cast %add3A_119 : i32 to index
      %swap3A_121 = tpu.vector_load %arg7[%swap3A_120] {strides = array<i32>} : memref<1024xi32, #tpu.memory_space<vmem>>, vector<16xi32>,
      %swap3A_122 = vector.shape_cast %swap3A_121 : vector<16xi32> to vector<16xi32>
      %swap3A_123 = vector.shape_cast %scan3A_22#13 : vector<16xi32> to vector<16xi32>
      tpu.vector_store %arg7[%swap3A_120], %swap3A_123 {strides = array<i32>} : memref<1024xi32, #tpu.memory_space<vmem>>, vector<16xi32>,
      %mul3A_124 = arith.mulf %exp3A_35, %div3A_46 : vector<16xf32>
      %add3A_125 = arith.constant 768 : i32
      %add3A_126 = arith.addi %add3A_125, %mul3A_17 : i32
      %swap3A_127 = arith.index_cast %add3A_126 : i32 to index
      %swap3A_128 = tpu.vector_load %arg6[%swap3A_127] {strides = array<i32>} : memref<1024xf32, #tpu.memory_space<vmem>>, vector<16xf32>,
      %swap3A_129 = vector.shape_cast %swap3A_128 : vector<16xf32> to vector<16xf32>
      %swap3A_130 = vector.shape_cast %mul3A_124 : vector<16xf32> to vector<16xf32>
      tpu.vector_store %arg6[%swap3A_127], %swap3A_130 {strides = array<i32>} : memref<1024xf32, #tpu.memory_space<vmem>>, vector<16xf32>,
      %add3A_131 = arith.constant 768 : i32
      %add3A_132 = arith.addi %add3A_131, %mul3A_17 : i32
      %swap3A_133 = arith.index_cast %add3A_132 : i32 to index
      %swap3A_134 = tpu.vector_load %arg7[%swap3A_133] {strides = array<i32>} : memref<1024xi32, #tpu.memory_space<vmem>>, vector<16xi32>,
      %swap3A_135 = vector.shape_cast %swap3A_134 : vector<16xi32> to vector<16xi32>
      %swap3A_136 = vector.shape_cast %scan3A_22#14 : vector<16xi32> to vector<16xi32>
      tpu.vector_store %arg7[%swap3A_133], %swap3A_136 {strides = array<i32>} : memref<1024xi32, #tpu.memory_space<vmem>>, vector<16xi32>,
      %mul3A_137 = arith.mulf %exp3A_37, %div3A_46 : vector<16xf32>
      %add3A_138 = arith.constant 896 : i32
      %add3A_139 = arith.addi %add3A_138, %mul3A_17 : i32
      %swap3A_140 = arith.index_cast %add3A_139 : i32 to index
      %swap3A_141 = tpu.vector_load %arg6[%swap3A_140] {strides = array<i32>} : memref<1024xf32, #tpu.memory_space<vmem>>, vector<16xf32>,
      %swap3A_142 = vector.shape_cast %swap3A_141 : vector<16xf32> to vector<16xf32>
      %swap3A_143 = vector.shape_cast %mul3A_137 : vector<16xf32> to vector<16xf32>
      tpu.vector_store %arg6[%swap3A_140], %swap3A_143 {strides = array<i32>} : memref<1024xf32, #tpu.memory_space<vmem>>, vector<16xf32>,
      %add3A_144 = arith.constant 896 : i32
      %add3A_145 = arith.addi %add3A_144, %mul3A_17 : i32
      %swap3A_146 = arith.index_cast %add3A_145 : i32 to index
      %swap3A_147 = tpu.vector_load %arg7[%swap3A_146] {strides = array<i32>} : memref<1024xi32, #tpu.memory_space<vmem>>, vector<16xi32>,
      %swap3A_148 = vector.shape_cast %swap3A_147 : vector<16xi32> to vector<16xi32>
      %swap3A_149 = vector.shape_cast %scan3A_22#15 : vector<16xi32> to vector<16xi32>
      tpu.vector_store %arg7[%swap3A_146], %swap3A_149 {strides = array<i32>} : memref<1024xi32, #tpu.memory_space<vmem>>, vector<16xi32>,
    }
    %scan3A_10 = arith.constant 8 : i32
    %mul3A_11 = arith.constant 1024 : i32
    %mul3A_12 = arith.muli %add3A, %mul3A_11 : i32
    "tpu.region"() ({
      %run_scoped3A = tpu.sem_alloc : memref<!tpu.dma_semaphore, #tpu.memory_space<semaphore_mem>>
      %dma_start3A = tpu.memref_slice %arg3[%mul3A_12] : memref<32768xf32, #tpu.memory_space<hbm>> -> memref<1024xf32, #tpu.memory_space<hbm>>
      %dma_start3A_15 = tpu.memref_slice %arg3[%mul3A_12] : memref<32768xf32, #tpu.memory_space<hbm>> -> memref<1024xf32, #tpu.memory_space<hbm>>
      tpu.enqueue_dma source(%arg6 : memref<1024xf32, #tpu.memory_space<vmem>>) target(%dma_start3A_15 : memref<1024xf32, #tpu.memory_space<hbm>>) target_semaphore(%run_scoped3A : memref<!tpu.dma_semaphore, #tpu.memory_space<semaphore_mem>>)
      %dma_wait3A = tpu.memref_slice %arg3[%mul3A_12] : memref<32768xf32, #tpu.memory_space<hbm>> -> memref<1024xf32, #tpu.memory_space<hbm>>
      %dma_wait3A_16 = tpu.memref_slice %arg3[%mul3A_12] : memref<32768xf32, #tpu.memory_space<hbm>> -> memref<1024xf32, #tpu.memory_space<hbm>>
      tpu.wait_dma2 semaphore(%run_scoped3A : memref<!tpu.dma_semaphore, #tpu.memory_space<semaphore_mem>>) src(%arg6 : memref<1024xf32, #tpu.memory_space<vmem>>) dst(%dma_wait3A_16 : memref<1024xf32, #tpu.memory_space<hbm>>)
      tpu.yield
    }) : () -> ()
    %mul3A_13 = arith.constant 1024 : i32
    %mul3A_14 = arith.muli %add3A, %mul3A_13 : i32
    "tpu.region"() ({
      %run_scoped3A = tpu.sem_alloc : memref<!tpu.dma_semaphore, #tpu.memory_space<semaphore_mem>>
      %dma_start3A = tpu.memref_slice %arg4[%mul3A_14] : memref<32768xi32, #tpu.memory_space<hbm>> -> memref<1024xi32, #tpu.memory_space<hbm>>
      %dma_start3A_15 = tpu.memref_slice %arg4[%mul3A_14] : memref<32768xi32, #tpu.memory_space<hbm>> -> memref<1024xi32, #tpu.memory_space<hbm>>
      tpu.enqueue_dma source(%arg7 : memref<1024xi32, #tpu.memory_space<vmem>>) target(%dma_start3A_15 : memref<1024xi32, #tpu.memory_space<hbm>>) target_semaphore(%run_scoped3A : memref<!tpu.dma_semaphore, #tpu.memory_space<semaphore_mem>>)
      %dma_wait3A = tpu.memref_slice %arg4[%mul3A_14] : memref<32768xi32, #tpu.memory_space<hbm>> -> memref<1024xi32, #tpu.memory_space<hbm>>
      %dma_wait3A_16 = tpu.memref_slice %arg4[%mul3A_14] : memref<32768xi32, #tpu.memory_space<hbm>> -> memref<1024xi32, #tpu.memory_space<hbm>>
      tpu.wait_dma2 semaphore(%run_scoped3A : memref<!tpu.dma_semaphore, #tpu.memory_space<semaphore_mem>>) src(%arg7 : memref<1024xi32, #tpu.memory_space<vmem>>) dst(%dma_wait3A_16 : memref<1024xi32, #tpu.memory_space<hbm>>)
      tpu.yield
    }) : () -> ()
    return
  }
}

#map = affine_map<(d0, d1) -> (0)>
module attributes {stable_mosaic.version = 14 : i64} {
  func.func @_sc_route_body(%arg0: i32, %arg1: i32, %arg2: memref<262144xf32, #tpu.memory_space<hbm>>, %arg3: memref<32768xf32, #tpu.memory_space<hbm>>, %arg4: memref<32768xi32, #tpu.memory_space<hbm>>, %arg5: memref<8192xf32, #tpu.memory_space<vmem>>, %arg6: memref<1024xf32, #tpu.memory_space<vmem>>, %arg7: memref<1024xi32, #tpu.memory_space<vmem>>) attributes {dimension_semantics = [#tpu.dimension_semantics<core_parallel>, #tpu.dimension_semantics<subcore_parallel>], iteration_bounds = array<i64: 2, 16>, scalar_prefetch = 0 : i64, scratch_operands = 3 : i64, tpu.core_type = #tpu.core_type<sc_vector_subcore>, window_params = [{transform_indices = #map}, {transform_indices = #map}, {transform_indices = #map}]} {
    %mul3A = arith.constant 2 : i32
    %mul3A_0 = arith.muli %arg1, %mul3A : i32
    %add3A = arith.addi %mul3A_0, %arg0 : i32
    %mul3A_1 = arith.constant 8192 : i32
    %mul3A_2 = arith.muli %add3A, %mul3A_1 : i32
    "tpu.region"() ({
      %run_scoped3A = tpu.sem_alloc : memref<!tpu.dma_semaphore, #tpu.memory_space<semaphore_mem>>
      %dma_start3A = tpu.memref_slice %arg2[%mul3A_2] : memref<262144xf32, #tpu.memory_space<hbm>> -> memref<8192xf32, #tpu.memory_space<hbm>>
      %dma_start3A_15 = tpu.memref_slice %arg2[%mul3A_2] : memref<262144xf32, #tpu.memory_space<hbm>> -> memref<8192xf32, #tpu.memory_space<hbm>>
      tpu.enqueue_dma source(%dma_start3A_15 : memref<8192xf32, #tpu.memory_space<hbm>>) target(%arg5 : memref<8192xf32, #tpu.memory_space<vmem>>) target_semaphore(%run_scoped3A : memref<!tpu.dma_semaphore, #tpu.memory_space<semaphore_mem>>)
      %dma_wait3A = tpu.memref_slice %arg2[%mul3A_2] : memref<262144xf32, #tpu.memory_space<hbm>> -> memref<8192xf32, #tpu.memory_space<hbm>>
      %dma_wait3A_16 = tpu.memref_slice %arg2[%mul3A_2] : memref<262144xf32, #tpu.memory_space<hbm>> -> memref<8192xf32, #tpu.memory_space<hbm>>
      tpu.wait_dma2 semaphore(%run_scoped3A : memref<!tpu.dma_semaphore, #tpu.memory_space<semaphore_mem>>) src(%dma_wait3A_16 : memref<8192xf32, #tpu.memory_space<hbm>>) dst(%arg5 : memref<8192xf32, #tpu.memory_space<vmem>>)
      tpu.yield
    }) : () -> ()
    %broadcast_in_dim3A = arith.constant 0xFF800000 : f32
    %broadcast_in_dim3A_3 = vector.broadcast %broadcast_in_dim3A : f32 to vector<16xf32>
    %broadcast_in_dim3A_4 = arith.constant 0 : i32
    %broadcast_in_dim3A_5 = vector.broadcast %broadcast_in_dim3A_4 : i32 to vector<16xi32>
    %scan3A = arith.constant 0 : i32
    %scan3A_6 = arith.constant 0 : i32
    %scan3A_7 = arith.constant 8 : i32
    %scan3A_8 = arith.addi %scan3A_6, %scan3A_7 : i32
    %scan3A_9 = arith.constant 1 : i32
    scf.for %scan3A_15 = %scan3A_6 to %scan3A_8 step %scan3A_9  : i32 {
      %mul3A_16 = arith.constant 16 : i32
      %mul3A_17 = arith.muli %scan3A_15, %mul3A_16 : i32
      %scan3A_18 = arith.constant 0 : i32
      %scan3A_19 = arith.constant 16 : i32
      %scan3A_20 = arith.addi %scan3A_18, %scan3A_19 : i32
      %scan3A_21 = arith.constant 1 : i32
      %scan3A_22:16 = scf.for %scan3A_150 = %scan3A_18 to %scan3A_20 step %scan3A_21 iter_args(%scan3A_151 = %broadcast_in_dim3A_3, %scan3A_152 = %broadcast_in_dim3A_3, %scan3A_153 = %broadcast_in_dim3A_3, %scan3A_154 = %broadcast_in_dim3A_3, %scan3A_155 = %broadcast_in_dim3A_3, %scan3A_156 = %broadcast_in_dim3A_3, %scan3A_157 = %broadcast_in_dim3A_3, %scan3A_158 = %broadcast_in_dim3A_3, %scan3A_159 = %broadcast_in_dim3A_5, %scan3A_160 = %broadcast_in_dim3A_5, %scan3A_161 = %broadcast_in_dim3A_5, %scan3A_162 = %broadcast_in_dim3A_5, %scan3A_163 = %broadcast_in_dim3A_5, %scan3A_164 = %broadcast_in_dim3A_5, %scan3A_165 = %broadcast_in_dim3A_5, %scan3A_166 = %broadcast_in_dim3A_5) -> (vector<16xf32>, vector<16xf32>, vector<16xf32>, vector<16xf32>, vector<16xf32>, vector<16xf32>, vector<16xf32>, vector<16xf32>, vector<16xi32>, vector<16xi32>, vector<16xi32>, vector<16xi32>, vector<16xi32>, vector<16xi32>, vector<16xi32>, vector<16xi32>)  : i32 {
        %mul3A_167 = arith.constant 4 : i32
        %mul3A_168 = arith.muli %scan3A_150, %mul3A_167 : i32
        %add3A_169 = arith.constant 0 : i32
        %add3A_170 = arith.addi %mul3A_168, %add3A_169 : i32
        %mul3A_171 = arith.constant 128 : i32
        %mul3A_172 = arith.muli %add3A_170, %mul3A_171 : i32
        %add3A_173 = arith.addi %mul3A_172, %mul3A_17 : i32
        %get3A = arith.index_cast %add3A_173 : i32 to index
        %get3A_174 = tpu.vector_load %arg5[%get3A] {strides = array<i32>} : memref<8192xf32, #tpu.memory_space<vmem>>, vector<16xf32>,
        %get3A_175 = vector.shape_cast %get3A_174 : vector<16xf32> to vector<16xf32>
        %broadcast_in_dim3A_176 = vector.broadcast %add3A_170 : i32 to vector<16xi32>
        %gt3A = arith.cmpf ogt, %get3A_175, %scan3A_151 : vector<16xf32>
        %gt3A_177 = arith.cmpf ogt, %get3A_175, %scan3A_152 : vector<16xf32>
        %gt3A_178 = arith.cmpf ogt, %get3A_175, %scan3A_153 : vector<16xf32>
        %gt3A_179 = arith.cmpf ogt, %get3A_175, %scan3A_154 : vector<16xf32>
        %gt3A_180 = arith.cmpf ogt, %get3A_175, %scan3A_155 : vector<16xf32>
        %gt3A_181 = arith.cmpf ogt, %get3A_175, %scan3A_156 : vector<16xf32>
        %gt3A_182 = arith.cmpf ogt, %get3A_175, %scan3A_157 : vector<16xf32>
        %gt3A_183 = arith.cmpf ogt, %get3A_175, %scan3A_158 : vector<16xf32>
        %select_n3A = arith.select %gt3A, %get3A_175, %scan3A_151 : vector<16xi1>, vector<16xf32>
        %select_n3A_184 = arith.select %gt3A, %broadcast_in_dim3A_176, %scan3A_159 : vector<16xi1>, vector<16xi32>
        %select_n3A_185 = arith.select %gt3A, %scan3A_151, %get3A_175 : vector<16xi1>, vector<16xf32>
        %select_n3A_186 = arith.select %gt3A_177, %select_n3A_185, %scan3A_152 : vector<16xi1>, vector<16xf32>
        %select_n3A_187 = arith.select %gt3A, %scan3A_159, %broadcast_in_dim3A_176 : vector<16xi1>, vector<16xi32>
        %select_n3A_188 = arith.select %gt3A_177, %select_n3A_187, %scan3A_160 : vector<16xi1>, vector<16xi32>
        %select_n3A_189 = arith.select %gt3A_177, %scan3A_152, %get3A_175 : vector<16xi1>, vector<16xf32>
        %select_n3A_190 = arith.select %gt3A_178, %select_n3A_189, %scan3A_153 : vector<16xi1>, vector<16xf32>
        %select_n3A_191 = arith.select %gt3A_177, %scan3A_160, %broadcast_in_dim3A_176 : vector<16xi1>, vector<16xi32>
        %select_n3A_192 = arith.select %gt3A_178, %select_n3A_191, %scan3A_161 : vector<16xi1>, vector<16xi32>
        %select_n3A_193 = arith.select %gt3A_178, %scan3A_153, %get3A_175 : vector<16xi1>, vector<16xf32>
        %select_n3A_194 = arith.select %gt3A_179, %select_n3A_193, %scan3A_154 : vector<16xi1>, vector<16xf32>
        %select_n3A_195 = arith.select %gt3A_178, %scan3A_161, %broadcast_in_dim3A_176 : vector<16xi1>, vector<16xi32>
        %select_n3A_196 = arith.select %gt3A_179, %select_n3A_195, %scan3A_162 : vector<16xi1>, vector<16xi32>
        %select_n3A_197 = arith.select %gt3A_179, %scan3A_154, %get3A_175 : vector<16xi1>, vector<16xf32>
        %select_n3A_198 = arith.select %gt3A_180, %select_n3A_197, %scan3A_155 : vector<16xi1>, vector<16xf32>
        %select_n3A_199 = arith.select %gt3A_179, %scan3A_162, %broadcast_in_dim3A_176 : vector<16xi1>, vector<16xi32>
        %select_n3A_200 = arith.select %gt3A_180, %select_n3A_199, %scan3A_163 : vector<16xi1>, vector<16xi32>
        %select_n3A_201 = arith.select %gt3A_180, %scan3A_155, %get3A_175 : vector<16xi1>, vector<16xf32>
        %select_n3A_202 = arith.select %gt3A_181, %select_n3A_201, %scan3A_156 : vector<16xi1>, vector<16xf32>
        %select_n3A_203 = arith.select %gt3A_180, %scan3A_163, %broadcast_in_dim3A_176 : vector<16xi1>, vector<16xi32>
        %select_n3A_204 = arith.select %gt3A_181, %select_n3A_203, %scan3A_164 : vector<16xi1>, vector<16xi32>
        %select_n3A_205 = arith.select %gt3A_181, %scan3A_156, %get3A_175 : vector<16xi1>, vector<16xf32>
        %select_n3A_206 = arith.select %gt3A_182, %select_n3A_205, %scan3A_157 : vector<16xi1>, vector<16xf32>
        %select_n3A_207 = arith.select %gt3A_181, %scan3A_164, %broadcast_in_dim3A_176 : vector<16xi1>, vector<16xi32>
        %select_n3A_208 = arith.select %gt3A_182, %select_n3A_207, %scan3A_165 : vector<16xi1>, vector<16xi32>
        %select_n3A_209 = arith.select %gt3A_182, %scan3A_157, %get3A_175 : vector<16xi1>, vector<16xf32>
        %select_n3A_210 = arith.select %gt3A_183, %select_n3A_209, %scan3A_158 : vector<16xi1>, vector<16xf32>
        %select_n3A_211 = arith.select %gt3A_182, %scan3A_165, %broadcast_in_dim3A_176 : vector<16xi1>, vector<16xi32>
        %select_n3A_212 = arith.select %gt3A_183, %select_n3A_211, %scan3A_166 : vector<16xi1>, vector<16xi32>
        %mul3A_213 = arith.constant 4 : i32
        %mul3A_214 = arith.muli %scan3A_150, %mul3A_213 : i32
        %add3A_215 = arith.constant 1 : i32
        %add3A_216 = arith.addi %mul3A_214, %add3A_215 : i32
        %mul3A_217 = arith.constant 128 : i32
        %mul3A_218 = arith.muli %add3A_216, %mul3A_217 : i32
        %add3A_219 = arith.addi %mul3A_218, %mul3A_17 : i32
        %get3A_220 = arith.index_cast %add3A_219 : i32 to index
        %get3A_221 = tpu.vector_load %arg5[%get3A_220] {strides = array<i32>} : memref<8192xf32, #tpu.memory_space<vmem>>, vector<16xf32>,
        %get3A_222 = vector.shape_cast %get3A_221 : vector<16xf32> to vector<16xf32>
        %broadcast_in_dim3A_223 = vector.broadcast %add3A_216 : i32 to vector<16xi32>
        %gt3A_224 = arith.cmpf ogt, %get3A_222, %select_n3A : vector<16xf32>
        %gt3A_225 = arith.cmpf ogt, %get3A_222, %select_n3A_186 : vector<16xf32>
        %gt3A_226 = arith.cmpf ogt, %get3A_222, %select_n3A_190 : vector<16xf32>
        %gt3A_227 = arith.cmpf ogt, %get3A_222, %select_n3A_194 : vector<16xf32>
        %gt3A_228 = arith.cmpf ogt, %get3A_222, %select_n3A_198 : vector<16xf32>
        %gt3A_229 = arith.cmpf ogt, %get3A_222, %select_n3A_202 : vector<16xf32>
        %gt3A_230 = arith.cmpf ogt, %get3A_222, %select_n3A_206 : vector<16xf32>
        %gt3A_231 = arith.cmpf ogt, %get3A_222, %select_n3A_210 : vector<16xf32>
        %select_n3A_232 = arith.select %gt3A_224, %get3A_222, %select_n3A : vector<16xi1>, vector<16xf32>
        %select_n3A_233 = arith.select %gt3A_224, %broadcast_in_dim3A_223, %select_n3A_184 : vector<16xi1>, vector<16xi32>
        %select_n3A_234 = arith.select %gt3A_224, %select_n3A, %get3A_222 : vector<16xi1>, vector<16xf32>
        %select_n3A_235 = arith.select %gt3A_225, %select_n3A_234, %select_n3A_186 : vector<16xi1>, vector<16xf32>
        %select_n3A_236 = arith.select %gt3A_224, %select_n3A_184, %broadcast_in_dim3A_223 : vector<16xi1>, vector<16xi32>
        %select_n3A_237 = arith.select %gt3A_225, %select_n3A_236, %select_n3A_188 : vector<16xi1>, vector<16xi32>
        %select_n3A_238 = arith.select %gt3A_225, %select_n3A_186, %get3A_222 : vector<16xi1>, vector<16xf32>
        %select_n3A_239 = arith.select %gt3A_226, %select_n3A_238, %select_n3A_190 : vector<16xi1>, vector<16xf32>
        %select_n3A_240 = arith.select %gt3A_225, %select_n3A_188, %broadcast_in_dim3A_223 : vector<16xi1>, vector<16xi32>
        %select_n3A_241 = arith.select %gt3A_226, %select_n3A_240, %select_n3A_192 : vector<16xi1>, vector<16xi32>
        %select_n3A_242 = arith.select %gt3A_226, %select_n3A_190, %get3A_222 : vector<16xi1>, vector<16xf32>
        %select_n3A_243 = arith.select %gt3A_227, %select_n3A_242, %select_n3A_194 : vector<16xi1>, vector<16xf32>
        %select_n3A_244 = arith.select %gt3A_226, %select_n3A_192, %broadcast_in_dim3A_223 : vector<16xi1>, vector<16xi32>
        %select_n3A_245 = arith.select %gt3A_227, %select_n3A_244, %select_n3A_196 : vector<16xi1>, vector<16xi32>
        %select_n3A_246 = arith.select %gt3A_227, %select_n3A_194, %get3A_222 : vector<16xi1>, vector<16xf32>
        %select_n3A_247 = arith.select %gt3A_228, %select_n3A_246, %select_n3A_198 : vector<16xi1>, vector<16xf32>
        %select_n3A_248 = arith.select %gt3A_227, %select_n3A_196, %broadcast_in_dim3A_223 : vector<16xi1>, vector<16xi32>
        %select_n3A_249 = arith.select %gt3A_228, %select_n3A_248, %select_n3A_200 : vector<16xi1>, vector<16xi32>
        %select_n3A_250 = arith.select %gt3A_228, %select_n3A_198, %get3A_222 : vector<16xi1>, vector<16xf32>
        %select_n3A_251 = arith.select %gt3A_229, %select_n3A_250, %select_n3A_202 : vector<16xi1>, vector<16xf32>
        %select_n3A_252 = arith.select %gt3A_228, %select_n3A_200, %broadcast_in_dim3A_223 : vector<16xi1>, vector<16xi32>
        %select_n3A_253 = arith.select %gt3A_229, %select_n3A_252, %select_n3A_204 : vector<16xi1>, vector<16xi32>
        %select_n3A_254 = arith.select %gt3A_229, %select_n3A_202, %get3A_222 : vector<16xi1>, vector<16xf32>
        %select_n3A_255 = arith.select %gt3A_230, %select_n3A_254, %select_n3A_206 : vector<16xi1>, vector<16xf32>
        %select_n3A_256 = arith.select %gt3A_229, %select_n3A_204, %broadcast_in_dim3A_223 : vector<16xi1>, vector<16xi32>
        %select_n3A_257 = arith.select %gt3A_230, %select_n3A_256, %select_n3A_208 : vector<16xi1>, vector<16xi32>
        %select_n3A_258 = arith.select %gt3A_230, %select_n3A_206, %get3A_222 : vector<16xi1>, vector<16xf32>
        %select_n3A_259 = arith.select %gt3A_231, %select_n3A_258, %select_n3A_210 : vector<16xi1>, vector<16xf32>
        %select_n3A_260 = arith.select %gt3A_230, %select_n3A_208, %broadcast_in_dim3A_223 : vector<16xi1>, vector<16xi32>
        %select_n3A_261 = arith.select %gt3A_231, %select_n3A_260, %select_n3A_212 : vector<16xi1>, vector<16xi32>
        %mul3A_262 = arith.constant 4 : i32
        %mul3A_263 = arith.muli %scan3A_150, %mul3A_262 : i32
        %add3A_264 = arith.constant 2 : i32
        %add3A_265 = arith.addi %mul3A_263, %add3A_264 : i32
        %mul3A_266 = arith.constant 128 : i32
        %mul3A_267 = arith.muli %add3A_265, %mul3A_266 : i32
        %add3A_268 = arith.addi %mul3A_267, %mul3A_17 : i32
        %get3A_269 = arith.index_cast %add3A_268 : i32 to index
        %get3A_270 = tpu.vector_load %arg5[%get3A_269] {strides = array<i32>} : memref<8192xf32, #tpu.memory_space<vmem>>, vector<16xf32>,
        %get3A_271 = vector.shape_cast %get3A_270 : vector<16xf32> to vector<16xf32>
        %broadcast_in_dim3A_272 = vector.broadcast %add3A_265 : i32 to vector<16xi32>
        %gt3A_273 = arith.cmpf ogt, %get3A_271, %select_n3A_232 : vector<16xf32>
        %gt3A_274 = arith.cmpf ogt, %get3A_271, %select_n3A_235 : vector<16xf32>
        %gt3A_275 = arith.cmpf ogt, %get3A_271, %select_n3A_239 : vector<16xf32>
        %gt3A_276 = arith.cmpf ogt, %get3A_271, %select_n3A_243 : vector<16xf32>
        %gt3A_277 = arith.cmpf ogt, %get3A_271, %select_n3A_247 : vector<16xf32>
        %gt3A_278 = arith.cmpf ogt, %get3A_271, %select_n3A_251 : vector<16xf32>
        %gt3A_279 = arith.cmpf ogt, %get3A_271, %select_n3A_255 : vector<16xf32>
        %gt3A_280 = arith.cmpf ogt, %get3A_271, %select_n3A_259 : vector<16xf32>
        %select_n3A_281 = arith.select %gt3A_273, %get3A_271, %select_n3A_232 : vector<16xi1>, vector<16xf32>
        %select_n3A_282 = arith.select %gt3A_273, %broadcast_in_dim3A_272, %select_n3A_233 : vector<16xi1>, vector<16xi32>
        %select_n3A_283 = arith.select %gt3A_273, %select_n3A_232, %get3A_271 : vector<16xi1>, vector<16xf32>
        %select_n3A_284 = arith.select %gt3A_274, %select_n3A_283, %select_n3A_235 : vector<16xi1>, vector<16xf32>
        %select_n3A_285 = arith.select %gt3A_273, %select_n3A_233, %broadcast_in_dim3A_272 : vector<16xi1>, vector<16xi32>
        %select_n3A_286 = arith.select %gt3A_274, %select_n3A_285, %select_n3A_237 : vector<16xi1>, vector<16xi32>
        %select_n3A_287 = arith.select %gt3A_274, %select_n3A_235, %get3A_271 : vector<16xi1>, vector<16xf32>
        %select_n3A_288 = arith.select %gt3A_275, %select_n3A_287, %select_n3A_239 : vector<16xi1>, vector<16xf32>
        %select_n3A_289 = arith.select %gt3A_274, %select_n3A_237, %broadcast_in_dim3A_272 : vector<16xi1>, vector<16xi32>
        %select_n3A_290 = arith.select %gt3A_275, %select_n3A_289, %select_n3A_241 : vector<16xi1>, vector<16xi32>
        %select_n3A_291 = arith.select %gt3A_275, %select_n3A_239, %get3A_271 : vector<16xi1>, vector<16xf32>
        %select_n3A_292 = arith.select %gt3A_276, %select_n3A_291, %select_n3A_243 : vector<16xi1>, vector<16xf32>
        %select_n3A_293 = arith.select %gt3A_275, %select_n3A_241, %broadcast_in_dim3A_272 : vector<16xi1>, vector<16xi32>
        %select_n3A_294 = arith.select %gt3A_276, %select_n3A_293, %select_n3A_245 : vector<16xi1>, vector<16xi32>
        %select_n3A_295 = arith.select %gt3A_276, %select_n3A_243, %get3A_271 : vector<16xi1>, vector<16xf32>
        %select_n3A_296 = arith.select %gt3A_277, %select_n3A_295, %select_n3A_247 : vector<16xi1>, vector<16xf32>
        %select_n3A_297 = arith.select %gt3A_276, %select_n3A_245, %broadcast_in_dim3A_272 : vector<16xi1>, vector<16xi32>
        %select_n3A_298 = arith.select %gt3A_277, %select_n3A_297, %select_n3A_249 : vector<16xi1>, vector<16xi32>
        %select_n3A_299 = arith.select %gt3A_277, %select_n3A_247, %get3A_271 : vector<16xi1>, vector<16xf32>
        %select_n3A_300 = arith.select %gt3A_278, %select_n3A_299, %select_n3A_251 : vector<16xi1>, vector<16xf32>
        %select_n3A_301 = arith.select %gt3A_277, %select_n3A_249, %broadcast_in_dim3A_272 : vector<16xi1>, vector<16xi32>
        %select_n3A_302 = arith.select %gt3A_278, %select_n3A_301, %select_n3A_253 : vector<16xi1>, vector<16xi32>
        %select_n3A_303 = arith.select %gt3A_278, %select_n3A_251, %get3A_271 : vector<16xi1>, vector<16xf32>
        %select_n3A_304 = arith.select %gt3A_279, %select_n3A_303, %select_n3A_255 : vector<16xi1>, vector<16xf32>
        %select_n3A_305 = arith.select %gt3A_278, %select_n3A_253, %broadcast_in_dim3A_272 : vector<16xi1>, vector<16xi32>
        %select_n3A_306 = arith.select %gt3A_279, %select_n3A_305, %select_n3A_257 : vector<16xi1>, vector<16xi32>
        %select_n3A_307 = arith.select %gt3A_279, %select_n3A_255, %get3A_271 : vector<16xi1>, vector<16xf32>
        %select_n3A_308 = arith.select %gt3A_280, %select_n3A_307, %select_n3A_259 : vector<16xi1>, vector<16xf32>
        %select_n3A_309 = arith.select %gt3A_279, %select_n3A_257, %broadcast_in_dim3A_272 : vector<16xi1>, vector<16xi32>
        %select_n3A_310 = arith.select %gt3A_280, %select_n3A_309, %select_n3A_261 : vector<16xi1>, vector<16xi32>
        %mul3A_311 = arith.constant 4 : i32
        %mul3A_312 = arith.muli %scan3A_150, %mul3A_311 : i32
        %add3A_313 = arith.constant 3 : i32
        %add3A_314 = arith.addi %mul3A_312, %add3A_313 : i32
        %mul3A_315 = arith.constant 128 : i32
        %mul3A_316 = arith.muli %add3A_314, %mul3A_315 : i32
        %add3A_317 = arith.addi %mul3A_316, %mul3A_17 : i32
        %get3A_318 = arith.index_cast %add3A_317 : i32 to index
        %get3A_319 = tpu.vector_load %arg5[%get3A_318] {strides = array<i32>} : memref<8192xf32, #tpu.memory_space<vmem>>, vector<16xf32>,
        %get3A_320 = vector.shape_cast %get3A_319 : vector<16xf32> to vector<16xf32>
        %broadcast_in_dim3A_321 = vector.broadcast %add3A_314 : i32 to vector<16xi32>
        %gt3A_322 = arith.cmpf ogt, %get3A_320, %select_n3A_281 : vector<16xf32>
        %gt3A_323 = arith.cmpf ogt, %get3A_320, %select_n3A_284 : vector<16xf32>
        %gt3A_324 = arith.cmpf ogt, %get3A_320, %select_n3A_288 : vector<16xf32>
        %gt3A_325 = arith.cmpf ogt, %get3A_320, %select_n3A_292 : vector<16xf32>
        %gt3A_326 = arith.cmpf ogt, %get3A_320, %select_n3A_296 : vector<16xf32>
        %gt3A_327 = arith.cmpf ogt, %get3A_320, %select_n3A_300 : vector<16xf32>
        %gt3A_328 = arith.cmpf ogt, %get3A_320, %select_n3A_304 : vector<16xf32>
        %gt3A_329 = arith.cmpf ogt, %get3A_320, %select_n3A_308 : vector<16xf32>
        %select_n3A_330 = arith.select %gt3A_322, %get3A_320, %select_n3A_281 : vector<16xi1>, vector<16xf32>
        %select_n3A_331 = arith.select %gt3A_322, %broadcast_in_dim3A_321, %select_n3A_282 : vector<16xi1>, vector<16xi32>
        %select_n3A_332 = arith.select %gt3A_322, %select_n3A_281, %get3A_320 : vector<16xi1>, vector<16xf32>
        %select_n3A_333 = arith.select %gt3A_323, %select_n3A_332, %select_n3A_284 : vector<16xi1>, vector<16xf32>
        %select_n3A_334 = arith.select %gt3A_322, %select_n3A_282, %broadcast_in_dim3A_321 : vector<16xi1>, vector<16xi32>
        %select_n3A_335 = arith.select %gt3A_323, %select_n3A_334, %select_n3A_286 : vector<16xi1>, vector<16xi32>
        %select_n3A_336 = arith.select %gt3A_323, %select_n3A_284, %get3A_320 : vector<16xi1>, vector<16xf32>
        %select_n3A_337 = arith.select %gt3A_324, %select_n3A_336, %select_n3A_288 : vector<16xi1>, vector<16xf32>
        %select_n3A_338 = arith.select %gt3A_323, %select_n3A_286, %broadcast_in_dim3A_321 : vector<16xi1>, vector<16xi32>
        %select_n3A_339 = arith.select %gt3A_324, %select_n3A_338, %select_n3A_290 : vector<16xi1>, vector<16xi32>
        %select_n3A_340 = arith.select %gt3A_324, %select_n3A_288, %get3A_320 : vector<16xi1>, vector<16xf32>
        %select_n3A_341 = arith.select %gt3A_325, %select_n3A_340, %select_n3A_292 : vector<16xi1>, vector<16xf32>
        %select_n3A_342 = arith.select %gt3A_324, %select_n3A_290, %broadcast_in_dim3A_321 : vector<16xi1>, vector<16xi32>
        %select_n3A_343 = arith.select %gt3A_325, %select_n3A_342, %select_n3A_294 : vector<16xi1>, vector<16xi32>
        %select_n3A_344 = arith.select %gt3A_325, %select_n3A_292, %get3A_320 : vector<16xi1>, vector<16xf32>
        %select_n3A_345 = arith.select %gt3A_326, %select_n3A_344, %select_n3A_296 : vector<16xi1>, vector<16xf32>
        %select_n3A_346 = arith.select %gt3A_325, %select_n3A_294, %broadcast_in_dim3A_321 : vector<16xi1>, vector<16xi32>
        %select_n3A_347 = arith.select %gt3A_326, %select_n3A_346, %select_n3A_298 : vector<16xi1>, vector<16xi32>
        %select_n3A_348 = arith.select %gt3A_326, %select_n3A_296, %get3A_320 : vector<16xi1>, vector<16xf32>
        %select_n3A_349 = arith.select %gt3A_327, %select_n3A_348, %select_n3A_300 : vector<16xi1>, vector<16xf32>
        %select_n3A_350 = arith.select %gt3A_326, %select_n3A_298, %broadcast_in_dim3A_321 : vector<16xi1>, vector<16xi32>
        %select_n3A_351 = arith.select %gt3A_327, %select_n3A_350, %select_n3A_302 : vector<16xi1>, vector<16xi32>
        %select_n3A_352 = arith.select %gt3A_327, %select_n3A_300, %get3A_320 : vector<16xi1>, vector<16xf32>
        %select_n3A_353 = arith.select %gt3A_328, %select_n3A_352, %select_n3A_304 : vector<16xi1>, vector<16xf32>
        %select_n3A_354 = arith.select %gt3A_327, %select_n3A_302, %broadcast_in_dim3A_321 : vector<16xi1>, vector<16xi32>
        %select_n3A_355 = arith.select %gt3A_328, %select_n3A_354, %select_n3A_306 : vector<16xi1>, vector<16xi32>
        %select_n3A_356 = arith.select %gt3A_328, %select_n3A_304, %get3A_320 : vector<16xi1>, vector<16xf32>
        %select_n3A_357 = arith.select %gt3A_329, %select_n3A_356, %select_n3A_308 : vector<16xi1>, vector<16xf32>
        %select_n3A_358 = arith.select %gt3A_328, %select_n3A_306, %broadcast_in_dim3A_321 : vector<16xi1>, vector<16xi32>
        %select_n3A_359 = arith.select %gt3A_329, %select_n3A_358, %select_n3A_310 : vector<16xi1>, vector<16xi32>
        scf.yield %select_n3A_330, %select_n3A_333, %select_n3A_337, %select_n3A_341, %select_n3A_345, %select_n3A_349, %select_n3A_353, %select_n3A_357, %select_n3A_331, %select_n3A_335, %select_n3A_339, %select_n3A_343, %select_n3A_347, %select_n3A_351, %select_n3A_355, %select_n3A_359 : vector<16xf32>, vector<16xf32>, vector<16xf32>, vector<16xf32>, vector<16xf32>, vector<16xf32>, vector<16xf32>, vector<16xf32>, vector<16xi32>, vector<16xi32>, vector<16xi32>, vector<16xi32>, vector<16xi32>, vector<16xi32>, vector<16xi32>, vector<16xi32>
      }
      %scan3A_23 = arith.constant 16 : i32
      %sub3A = arith.subf %scan3A_22#0, %scan3A_22#0 : vector<16xf32>
      %exp3A = math.exp %sub3A : vector<16xf32>
      %sub3A_24 = arith.subf %scan3A_22#1, %scan3A_22#0 : vector<16xf32>
      %exp3A_25 = math.exp %sub3A_24 : vector<16xf32>
      %sub3A_26 = arith.subf %scan3A_22#2, %scan3A_22#0 : vector<16xf32>
      %exp3A_27 = math.exp %sub3A_26 : vector<16xf32>
      %sub3A_28 = arith.subf %scan3A_22#3, %scan3A_22#0 : vector<16xf32>
      %exp3A_29 = math.exp %sub3A_28 : vector<16xf32>
      %sub3A_30 = arith.subf %scan3A_22#4, %scan3A_22#0 : vector<16xf32>
      %exp3A_31 = math.exp %sub3A_30 : vector<16xf32>
      %sub3A_32 = arith.subf %scan3A_22#5, %scan3A_22#0 : vector<16xf32>
      %exp3A_33 = math.exp %sub3A_32 : vector<16xf32>
      %sub3A_34 = arith.subf %scan3A_22#6, %scan3A_22#0 : vector<16xf32>
      %exp3A_35 = math.exp %sub3A_34 : vector<16xf32>
      %sub3A_36 = arith.subf %scan3A_22#7, %scan3A_22#0 : vector<16xf32>
      %exp3A_37 = math.exp %sub3A_36 : vector<16xf32>
      %add3A_38 = arith.addf %exp3A, %exp3A_25 : vector<16xf32>
      %add3A_39 = arith.addf %add3A_38, %exp3A_27 : vector<16xf32>
      %add3A_40 = arith.addf %add3A_39, %exp3A_29 : vector<16xf32>
      %add3A_41 = arith.addf %add3A_40, %exp3A_31 : vector<16xf32>
      %add3A_42 = arith.addf %add3A_41, %exp3A_33 : vector<16xf32>
      %add3A_43 = arith.addf %add3A_42, %exp3A_35 : vector<16xf32>
      %add3A_44 = arith.addf %add3A_43, %exp3A_37 : vector<16xf32>
      %div3A = arith.constant 1.000000e+00 : f32
      %div3A_45 = vector.broadcast %div3A : f32 to vector<16xf32>
      %div3A_46 = arith.divf %div3A_45, %add3A_44 : vector<16xf32>
      %mul3A_47 = arith.mulf %exp3A, %div3A_46 : vector<16xf32>
      %add3A_48 = arith.constant 0 : i32
      %add3A_49 = arith.addi %add3A_48, %mul3A_17 : i32
      %swap3A = arith.index_cast %add3A_49 : i32 to index
      %swap3A_50 = tpu.vector_load %arg6[%swap3A] {strides = array<i32>} : memref<1024xf32, #tpu.memory_space<vmem>>, vector<16xf32>,
      %swap3A_51 = vector.shape_cast %swap3A_50 : vector<16xf32> to vector<16xf32>
      %swap3A_52 = vector.shape_cast %mul3A_47 : vector<16xf32> to vector<16xf32>
      tpu.vector_store %arg6[%swap3A], %swap3A_52 {strides = array<i32>} : memref<1024xf32, #tpu.memory_space<vmem>>, vector<16xf32>,
      %add3A_53 = arith.constant 0 : i32
      %add3A_54 = arith.addi %add3A_53, %mul3A_17 : i32
      %swap3A_55 = arith.index_cast %add3A_54 : i32 to index
      %swap3A_56 = tpu.vector_load %arg7[%swap3A_55] {strides = array<i32>} : memref<1024xi32, #tpu.memory_space<vmem>>, vector<16xi32>,
      %swap3A_57 = vector.shape_cast %swap3A_56 : vector<16xi32> to vector<16xi32>
      %swap3A_58 = vector.shape_cast %scan3A_22#8 : vector<16xi32> to vector<16xi32>
      tpu.vector_store %arg7[%swap3A_55], %swap3A_58 {strides = array<i32>} : memref<1024xi32, #tpu.memory_space<vmem>>, vector<16xi32>,
      %mul3A_59 = arith.mulf %exp3A_25, %div3A_46 : vector<16xf32>
      %add3A_60 = arith.constant 128 : i32
      %add3A_61 = arith.addi %add3A_60, %mul3A_17 : i32
      %swap3A_62 = arith.index_cast %add3A_61 : i32 to index
      %swap3A_63 = tpu.vector_load %arg6[%swap3A_62] {strides = array<i32>} : memref<1024xf32, #tpu.memory_space<vmem>>, vector<16xf32>,
      %swap3A_64 = vector.shape_cast %swap3A_63 : vector<16xf32> to vector<16xf32>
      %swap3A_65 = vector.shape_cast %mul3A_59 : vector<16xf32> to vector<16xf32>
      tpu.vector_store %arg6[%swap3A_62], %swap3A_65 {strides = array<i32>} : memref<1024xf32, #tpu.memory_space<vmem>>, vector<16xf32>,
      %add3A_66 = arith.constant 128 : i32
      %add3A_67 = arith.addi %add3A_66, %mul3A_17 : i32
      %swap3A_68 = arith.index_cast %add3A_67 : i32 to index
      %swap3A_69 = tpu.vector_load %arg7[%swap3A_68] {strides = array<i32>} : memref<1024xi32, #tpu.memory_space<vmem>>, vector<16xi32>,
      %swap3A_70 = vector.shape_cast %swap3A_69 : vector<16xi32> to vector<16xi32>
      %swap3A_71 = vector.shape_cast %scan3A_22#9 : vector<16xi32> to vector<16xi32>
      tpu.vector_store %arg7[%swap3A_68], %swap3A_71 {strides = array<i32>} : memref<1024xi32, #tpu.memory_space<vmem>>, vector<16xi32>,
      %mul3A_72 = arith.mulf %exp3A_27, %div3A_46 : vector<16xf32>
      %add3A_73 = arith.constant 256 : i32
      %add3A_74 = arith.addi %add3A_73, %mul3A_17 : i32
      %swap3A_75 = arith.index_cast %add3A_74 : i32 to index
      %swap3A_76 = tpu.vector_load %arg6[%swap3A_75] {strides = array<i32>} : memref<1024xf32, #tpu.memory_space<vmem>>, vector<16xf32>,
      %swap3A_77 = vector.shape_cast %swap3A_76 : vector<16xf32> to vector<16xf32>
      %swap3A_78 = vector.shape_cast %mul3A_72 : vector<16xf32> to vector<16xf32>
      tpu.vector_store %arg6[%swap3A_75], %swap3A_78 {strides = array<i32>} : memref<1024xf32, #tpu.memory_space<vmem>>, vector<16xf32>,
      %add3A_79 = arith.constant 256 : i32
      %add3A_80 = arith.addi %add3A_79, %mul3A_17 : i32
      %swap3A_81 = arith.index_cast %add3A_80 : i32 to index
      %swap3A_82 = tpu.vector_load %arg7[%swap3A_81] {strides = array<i32>} : memref<1024xi32, #tpu.memory_space<vmem>>, vector<16xi32>,
      %swap3A_83 = vector.shape_cast %swap3A_82 : vector<16xi32> to vector<16xi32>
      %swap3A_84 = vector.shape_cast %scan3A_22#10 : vector<16xi32> to vector<16xi32>
      tpu.vector_store %arg7[%swap3A_81], %swap3A_84 {strides = array<i32>} : memref<1024xi32, #tpu.memory_space<vmem>>, vector<16xi32>,
      %mul3A_85 = arith.mulf %exp3A_29, %div3A_46 : vector<16xf32>
      %add3A_86 = arith.constant 384 : i32
      %add3A_87 = arith.addi %add3A_86, %mul3A_17 : i32
      %swap3A_88 = arith.index_cast %add3A_87 : i32 to index
      %swap3A_89 = tpu.vector_load %arg6[%swap3A_88] {strides = array<i32>} : memref<1024xf32, #tpu.memory_space<vmem>>, vector<16xf32>,
      %swap3A_90 = vector.shape_cast %swap3A_89 : vector<16xf32> to vector<16xf32>
      %swap3A_91 = vector.shape_cast %mul3A_85 : vector<16xf32> to vector<16xf32>
      tpu.vector_store %arg6[%swap3A_88], %swap3A_91 {strides = array<i32>} : memref<1024xf32, #tpu.memory_space<vmem>>, vector<16xf32>,
      %add3A_92 = arith.constant 384 : i32
      %add3A_93 = arith.addi %add3A_92, %mul3A_17 : i32
      %swap3A_94 = arith.index_cast %add3A_93 : i32 to index
      %swap3A_95 = tpu.vector_load %arg7[%swap3A_94] {strides = array<i32>} : memref<1024xi32, #tpu.memory_space<vmem>>, vector<16xi32>,
      %swap3A_96 = vector.shape_cast %swap3A_95 : vector<16xi32> to vector<16xi32>
      %swap3A_97 = vector.shape_cast %scan3A_22#11 : vector<16xi32> to vector<16xi32>
      tpu.vector_store %arg7[%swap3A_94], %swap3A_97 {strides = array<i32>} : memref<1024xi32, #tpu.memory_space<vmem>>, vector<16xi32>,
      %mul3A_98 = arith.mulf %exp3A_31, %div3A_46 : vector<16xf32>
      %add3A_99 = arith.constant 512 : i32
      %add3A_100 = arith.addi %add3A_99, %mul3A_17 : i32
      %swap3A_101 = arith.index_cast %add3A_100 : i32 to index
      %swap3A_102 = tpu.vector_load %arg6[%swap3A_101] {strides = array<i32>} : memref<1024xf32, #tpu.memory_space<vmem>>, vector<16xf32>,
      %swap3A_103 = vector.shape_cast %swap3A_102 : vector<16xf32> to vector<16xf32>
      %swap3A_104 = vector.shape_cast %mul3A_98 : vector<16xf32> to vector<16xf32>
      tpu.vector_store %arg6[%swap3A_101], %swap3A_104 {strides = array<i32>} : memref<1024xf32, #tpu.memory_space<vmem>>, vector<16xf32>,
      %add3A_105 = arith.constant 512 : i32
      %add3A_106 = arith.addi %add3A_105, %mul3A_17 : i32
      %swap3A_107 = arith.index_cast %add3A_106 : i32 to index
      %swap3A_108 = tpu.vector_load %arg7[%swap3A_107] {strides = array<i32>} : memref<1024xi32, #tpu.memory_space<vmem>>, vector<16xi32>,
      %swap3A_109 = vector.shape_cast %swap3A_108 : vector<16xi32> to vector<16xi32>
      %swap3A_110 = vector.shape_cast %scan3A_22#12 : vector<16xi32> to vector<16xi32>
      tpu.vector_store %arg7[%swap3A_107], %swap3A_110 {strides = array<i32>} : memref<1024xi32, #tpu.memory_space<vmem>>, vector<16xi32>,
      %mul3A_111 = arith.mulf %exp3A_33, %div3A_46 : vector<16xf32>
      %add3A_112 = arith.constant 640 : i32
      %add3A_113 = arith.addi %add3A_112, %mul3A_17 : i32
      %swap3A_114 = arith.index_cast %add3A_113 : i32 to index
      %swap3A_115 = tpu.vector_load %arg6[%swap3A_114] {strides = array<i32>} : memref<1024xf32, #tpu.memory_space<vmem>>, vector<16xf32>,
      %swap3A_116 = vector.shape_cast %swap3A_115 : vector<16xf32> to vector<16xf32>
      %swap3A_117 = vector.shape_cast %mul3A_111 : vector<16xf32> to vector<16xf32>
      tpu.vector_store %arg6[%swap3A_114], %swap3A_117 {strides = array<i32>} : memref<1024xf32, #tpu.memory_space<vmem>>, vector<16xf32>,
      %add3A_118 = arith.constant 640 : i32
      %add3A_119 = arith.addi %add3A_118, %mul3A_17 : i32
      %swap3A_120 = arith.index_cast %add3A_119 : i32 to index
      %swap3A_121 = tpu.vector_load %arg7[%swap3A_120] {strides = array<i32>} : memref<1024xi32, #tpu.memory_space<vmem>>, vector<16xi32>,
      %swap3A_122 = vector.shape_cast %swap3A_121 : vector<16xi32> to vector<16xi32>
      %swap3A_123 = vector.shape_cast %scan3A_22#13 : vector<16xi32> to vector<16xi32>
      tpu.vector_store %arg7[%swap3A_120], %swap3A_123 {strides = array<i32>} : memref<1024xi32, #tpu.memory_space<vmem>>, vector<16xi32>,
      %mul3A_124 = arith.mulf %exp3A_35, %div3A_46 : vector<16xf32>
      %add3A_125 = arith.constant 768 : i32
      %add3A_126 = arith.addi %add3A_125, %mul3A_17 : i32
      %swap3A_127 = arith.index_cast %add3A_126 : i32 to index
      %swap3A_128 = tpu.vector_load %arg6[%swap3A_127] {strides = array<i32>} : memref<1024xf32, #tpu.memory_space<vmem>>, vector<16xf32>,
      %swap3A_129 = vector.shape_cast %swap3A_128 : vector<16xf32> to vector<16xf32>
      %swap3A_130 = vector.shape_cast %mul3A_124 : vector<16xf32> to vector<16xf32>
      tpu.vector_store %arg6[%swap3A_127], %swap3A_130 {strides = array<i32>} : memref<1024xf32, #tpu.memory_space<vmem>>, vector<16xf32>,
      %add3A_131 = arith.constant 768 : i32
      %add3A_132 = arith.addi %add3A_131, %mul3A_17 : i32
      %swap3A_133 = arith.index_cast %add3A_132 : i32 to index
      %swap3A_134 = tpu.vector_load %arg7[%swap3A_133] {strides = array<i32>} : memref<1024xi32, #tpu.memory_space<vmem>>, vector<16xi32>,
      %swap3A_135 = vector.shape_cast %swap3A_134 : vector<16xi32> to vector<16xi32>
      %swap3A_136 = vector.shape_cast %scan3A_22#14 : vector<16xi32> to vector<16xi32>
      tpu.vector_store %arg7[%swap3A_133], %swap3A_136 {strides = array<i32>} : memref<1024xi32, #tpu.memory_space<vmem>>, vector<16xi32>,
      %mul3A_137 = arith.mulf %exp3A_37, %div3A_46 : vector<16xf32>
      %add3A_138 = arith.constant 896 : i32
      %add3A_139 = arith.addi %add3A_138, %mul3A_17 : i32
      %swap3A_140 = arith.index_cast %add3A_139 : i32 to index
      %swap3A_141 = tpu.vector_load %arg6[%swap3A_140] {strides = array<i32>} : memref<1024xf32, #tpu.memory_space<vmem>>, vector<16xf32>,
      %swap3A_142 = vector.shape_cast %swap3A_141 : vector<16xf32> to vector<16xf32>
      %swap3A_143 = vector.shape_cast %mul3A_137 : vector<16xf32> to vector<16xf32>
      tpu.vector_store %arg6[%swap3A_140], %swap3A_143 {strides = array<i32>} : memref<1024xf32, #tpu.memory_space<vmem>>, vector<16xf32>,
      %add3A_144 = arith.constant 896 : i32
      %add3A_145 = arith.addi %add3A_144, %mul3A_17 : i32
      %swap3A_146 = arith.index_cast %add3A_145 : i32 to index
      %swap3A_147 = tpu.vector_load %arg7[%swap3A_146] {strides = array<i32>} : memref<1024xi32, #tpu.memory_space<vmem>>, vector<16xi32>,
      %swap3A_148 = vector.shape_cast %swap3A_147 : vector<16xi32> to vector<16xi32>
      %swap3A_149 = vector.shape_cast %scan3A_22#15 : vector<16xi32> to vector<16xi32>
      tpu.vector_store %arg7[%swap3A_146], %swap3A_149 {strides = array<i32>} : memref<1024xi32, #tpu.memory_space<vmem>>, vector<16xi32>,
    }
    %scan3A_10 = arith.constant 8 : i32
    %mul3A_11 = arith.constant 1024 : i32
    %mul3A_12 = arith.muli %add3A, %mul3A_11 : i32
    "tpu.region"() ({
      %run_scoped3A = tpu.sem_alloc : memref<!tpu.dma_semaphore, #tpu.memory_space<semaphore_mem>>
      %dma_start3A = tpu.memref_slice %arg3[%mul3A_12] : memref<32768xf32, #tpu.memory_space<hbm>> -> memref<1024xf32, #tpu.memory_space<hbm>>
      %dma_start3A_15 = tpu.memref_slice %arg3[%mul3A_12] : memref<32768xf32, #tpu.memory_space<hbm>> -> memref<1024xf32, #tpu.memory_space<hbm>>
      tpu.enqueue_dma source(%arg6 : memref<1024xf32, #tpu.memory_space<vmem>>) target(%dma_start3A_15 : memref<1024xf32, #tpu.memory_space<hbm>>) target_semaphore(%run_scoped3A : memref<!tpu.dma_semaphore, #tpu.memory_space<semaphore_mem>>)
      %dma_wait3A = tpu.memref_slice %arg3[%mul3A_12] : memref<32768xf32, #tpu.memory_space<hbm>> -> memref<1024xf32, #tpu.memory_space<hbm>>
      %dma_wait3A_16 = tpu.memref_slice %arg3[%mul3A_12] : memref<32768xf32, #tpu.memory_space<hbm>> -> memref<1024xf32, #tpu.memory_space<hbm>>
      tpu.wait_dma2 semaphore(%run_scoped3A : memref<!tpu.dma_semaphore, #tpu.memory_space<semaphore_mem>>) src(%arg6 : memref<1024xf32, #tpu.memory_space<vmem>>) dst(%dma_wait3A_16 : memref<1024xf32, #tpu.memory_space<hbm>>)
      tpu.yield
    }) : () -> ()
    %mul3A_13 = arith.constant 1024 : i32
    %mul3A_14 = arith.muli %add3A, %mul3A_13 : i32
    "tpu.region"() ({
      %run_scoped3A = tpu.sem_alloc : memref<!tpu.dma_semaphore, #tpu.memory_space<semaphore_mem>>
      %dma_start3A = tpu.memref_slice %arg4[%mul3A_14] : memref<32768xi32, #tpu.memory_space<hbm>> -> memref<1024xi32, #tpu.memory_space<hbm>>
      %dma_start3A_15 = tpu.memref_slice %arg4[%mul3A_14] : memref<32768xi32, #tpu.memory_space<hbm>> -> memref<1024xi32, #tpu.memory_space<hbm>>
      tpu.enqueue_dma source(%arg7 : memref<1024xi32, #tpu.memory_space<vmem>>) target(%dma_start3A_15 : memref<1024xi32, #tpu.memory_space<hbm>>) target_semaphore(%run_scoped3A : memref<!tpu.dma_semaphore, #tpu.memory_space<semaphore_mem>>)
      %dma_wait3A = tpu.memref_slice %arg4[%mul3A_14] : memref<32768xi32, #tpu.memory_space<hbm>> -> memref<1024xi32, #tpu.memory_space<hbm>>
      %dma_wait3A_16 = tpu.memref_slice %arg4[%mul3A_14] : memref<32768xi32, #tpu.memory_space<hbm>> -> memref<1024xi32, #tpu.memory_space<hbm>>
      tpu.wait_dma2 semaphore(%run_scoped3A : memref<!tpu.dma_semaphore, #tpu.memory_space<semaphore_mem>>) src(%arg7 : memref<1024xi32, #tpu.memory_space<vmem>>) dst(%dma_wait3A_16 : memref<1024xi32, #tpu.memory_space<hbm>>)
      tpu.yield
    }) : () -> ()
    return
  }
}

#map = affine_map<(d0, d1) -> (0)>
module attributes {stable_mosaic.version = 14 : i64} {
  func.func @_sc_route_body(%arg0: i32, %arg1: i32, %arg2: memref<262144xf32, #tpu.memory_space<hbm>>, %arg3: memref<32768xf32, #tpu.memory_space<hbm>>, %arg4: memref<32768xi32, #tpu.memory_space<hbm>>, %arg5: memref<8192xf32, #tpu.memory_space<vmem>>, %arg6: memref<1024xf32, #tpu.memory_space<vmem>>, %arg7: memref<1024xi32, #tpu.memory_space<vmem>>) attributes {dimension_semantics = [#tpu.dimension_semantics<core_parallel>, #tpu.dimension_semantics<subcore_parallel>], iteration_bounds = array<i64: 2, 16>, scalar_prefetch = 0 : i64, scratch_operands = 3 : i64, tpu.core_type = #tpu.core_type<sc_vector_subcore>, window_params = [{transform_indices = #map}, {transform_indices = #map}, {transform_indices = #map}]} {
    %mul3A = arith.constant 2 : i32
    %mul3A_0 = arith.muli %arg1, %mul3A : i32
    %add3A = arith.addi %mul3A_0, %arg0 : i32
    %mul3A_1 = arith.constant 8192 : i32
    %mul3A_2 = arith.muli %add3A, %mul3A_1 : i32
    "tpu.region"() ({
      %run_scoped3A = tpu.sem_alloc : memref<!tpu.dma_semaphore, #tpu.memory_space<semaphore_mem>>
      %dma_start3A = tpu.memref_slice %arg2[%mul3A_2] : memref<262144xf32, #tpu.memory_space<hbm>> -> memref<8192xf32, #tpu.memory_space<hbm>>
      %dma_start3A_15 = tpu.memref_slice %arg2[%mul3A_2] : memref<262144xf32, #tpu.memory_space<hbm>> -> memref<8192xf32, #tpu.memory_space<hbm>>
      tpu.enqueue_dma source(%dma_start3A_15 : memref<8192xf32, #tpu.memory_space<hbm>>) target(%arg5 : memref<8192xf32, #tpu.memory_space<vmem>>) target_semaphore(%run_scoped3A : memref<!tpu.dma_semaphore, #tpu.memory_space<semaphore_mem>>)
      %dma_wait3A = tpu.memref_slice %arg2[%mul3A_2] : memref<262144xf32, #tpu.memory_space<hbm>> -> memref<8192xf32, #tpu.memory_space<hbm>>
      %dma_wait3A_16 = tpu.memref_slice %arg2[%mul3A_2] : memref<262144xf32, #tpu.memory_space<hbm>> -> memref<8192xf32, #tpu.memory_space<hbm>>
      tpu.wait_dma2 semaphore(%run_scoped3A : memref<!tpu.dma_semaphore, #tpu.memory_space<semaphore_mem>>) src(%dma_wait3A_16 : memref<8192xf32, #tpu.memory_space<hbm>>) dst(%arg5 : memref<8192xf32, #tpu.memory_space<vmem>>)
      tpu.yield
    }) : () -> ()
    %broadcast_in_dim3A = arith.constant 0xFF800000 : f32
    %broadcast_in_dim3A_3 = vector.broadcast %broadcast_in_dim3A : f32 to vector<16xf32>
    %broadcast_in_dim3A_4 = arith.constant 0 : i32
    %broadcast_in_dim3A_5 = vector.broadcast %broadcast_in_dim3A_4 : i32 to vector<16xi32>
    %scan3A = arith.constant 0 : i32
    %scan3A_6 = arith.constant 0 : i32
    %scan3A_7 = arith.constant 8 : i32
    %scan3A_8 = arith.addi %scan3A_6, %scan3A_7 : i32
    %scan3A_9 = arith.constant 1 : i32
    scf.for %scan3A_15 = %scan3A_6 to %scan3A_8 step %scan3A_9  : i32 {
      %mul3A_16 = arith.constant 16 : i32
      %mul3A_17 = arith.muli %scan3A_15, %mul3A_16 : i32
      %scan3A_18 = arith.constant 0 : i32
      %scan3A_19 = arith.constant 16 : i32
      %scan3A_20 = arith.addi %scan3A_18, %scan3A_19 : i32
      %scan3A_21 = arith.constant 1 : i32
      %scan3A_22:16 = scf.for %scan3A_150 = %scan3A_18 to %scan3A_20 step %scan3A_21 iter_args(%scan3A_151 = %broadcast_in_dim3A_3, %scan3A_152 = %broadcast_in_dim3A_3, %scan3A_153 = %broadcast_in_dim3A_3, %scan3A_154 = %broadcast_in_dim3A_3, %scan3A_155 = %broadcast_in_dim3A_3, %scan3A_156 = %broadcast_in_dim3A_3, %scan3A_157 = %broadcast_in_dim3A_3, %scan3A_158 = %broadcast_in_dim3A_3, %scan3A_159 = %broadcast_in_dim3A_5, %scan3A_160 = %broadcast_in_dim3A_5, %scan3A_161 = %broadcast_in_dim3A_5, %scan3A_162 = %broadcast_in_dim3A_5, %scan3A_163 = %broadcast_in_dim3A_5, %scan3A_164 = %broadcast_in_dim3A_5, %scan3A_165 = %broadcast_in_dim3A_5, %scan3A_166 = %broadcast_in_dim3A_5) -> (vector<16xf32>, vector<16xf32>, vector<16xf32>, vector<16xf32>, vector<16xf32>, vector<16xf32>, vector<16xf32>, vector<16xf32>, vector<16xi32>, vector<16xi32>, vector<16xi32>, vector<16xi32>, vector<16xi32>, vector<16xi32>, vector<16xi32>, vector<16xi32>)  : i32 {
        %mul3A_167 = arith.constant 4 : i32
        %mul3A_168 = arith.muli %scan3A_150, %mul3A_167 : i32
        %add3A_169 = arith.constant 0 : i32
        %add3A_170 = arith.addi %mul3A_168, %add3A_169 : i32
        %mul3A_171 = arith.constant 128 : i32
        %mul3A_172 = arith.muli %add3A_170, %mul3A_171 : i32
        %add3A_173 = arith.addi %mul3A_172, %mul3A_17 : i32
        %get3A = arith.index_cast %add3A_173 : i32 to index
        %get3A_174 = tpu.vector_load %arg5[%get3A] {strides = array<i32>} : memref<8192xf32, #tpu.memory_space<vmem>>, vector<16xf32>,
        %get3A_175 = vector.shape_cast %get3A_174 : vector<16xf32> to vector<16xf32>
        %broadcast_in_dim3A_176 = vector.broadcast %add3A_170 : i32 to vector<16xi32>
        %gt3A = arith.cmpf ogt, %get3A_175, %scan3A_151 : vector<16xf32>
        %gt3A_177 = arith.cmpf ogt, %get3A_175, %scan3A_152 : vector<16xf32>
        %gt3A_178 = arith.cmpf ogt, %get3A_175, %scan3A_153 : vector<16xf32>
        %gt3A_179 = arith.cmpf ogt, %get3A_175, %scan3A_154 : vector<16xf32>
        %gt3A_180 = arith.cmpf ogt, %get3A_175, %scan3A_155 : vector<16xf32>
        %gt3A_181 = arith.cmpf ogt, %get3A_175, %scan3A_156 : vector<16xf32>
        %gt3A_182 = arith.cmpf ogt, %get3A_175, %scan3A_157 : vector<16xf32>
        %gt3A_183 = arith.cmpf ogt, %get3A_175, %scan3A_158 : vector<16xf32>
        %select_n3A = arith.select %gt3A, %get3A_175, %scan3A_151 : vector<16xi1>, vector<16xf32>
        %select_n3A_184 = arith.select %gt3A, %broadcast_in_dim3A_176, %scan3A_159 : vector<16xi1>, vector<16xi32>
        %select_n3A_185 = arith.select %gt3A, %scan3A_151, %get3A_175 : vector<16xi1>, vector<16xf32>
        %select_n3A_186 = arith.select %gt3A_177, %select_n3A_185, %scan3A_152 : vector<16xi1>, vector<16xf32>
        %select_n3A_187 = arith.select %gt3A, %scan3A_159, %broadcast_in_dim3A_176 : vector<16xi1>, vector<16xi32>
        %select_n3A_188 = arith.select %gt3A_177, %select_n3A_187, %scan3A_160 : vector<16xi1>, vector<16xi32>
        %select_n3A_189 = arith.select %gt3A_177, %scan3A_152, %get3A_175 : vector<16xi1>, vector<16xf32>
        %select_n3A_190 = arith.select %gt3A_178, %select_n3A_189, %scan3A_153 : vector<16xi1>, vector<16xf32>
        %select_n3A_191 = arith.select %gt3A_177, %scan3A_160, %broadcast_in_dim3A_176 : vector<16xi1>, vector<16xi32>
        %select_n3A_192 = arith.select %gt3A_178, %select_n3A_191, %scan3A_161 : vector<16xi1>, vector<16xi32>
        %select_n3A_193 = arith.select %gt3A_178, %scan3A_153, %get3A_175 : vector<16xi1>, vector<16xf32>
        %select_n3A_194 = arith.select %gt3A_179, %select_n3A_193, %scan3A_154 : vector<16xi1>, vector<16xf32>
        %select_n3A_195 = arith.select %gt3A_178, %scan3A_161, %broadcast_in_dim3A_176 : vector<16xi1>, vector<16xi32>
        %select_n3A_196 = arith.select %gt3A_179, %select_n3A_195, %scan3A_162 : vector<16xi1>, vector<16xi32>
        %select_n3A_197 = arith.select %gt3A_179, %scan3A_154, %get3A_175 : vector<16xi1>, vector<16xf32>
        %select_n3A_198 = arith.select %gt3A_180, %select_n3A_197, %scan3A_155 : vector<16xi1>, vector<16xf32>
        %select_n3A_199 = arith.select %gt3A_179, %scan3A_162, %broadcast_in_dim3A_176 : vector<16xi1>, vector<16xi32>
        %select_n3A_200 = arith.select %gt3A_180, %select_n3A_199, %scan3A_163 : vector<16xi1>, vector<16xi32>
        %select_n3A_201 = arith.select %gt3A_180, %scan3A_155, %get3A_175 : vector<16xi1>, vector<16xf32>
        %select_n3A_202 = arith.select %gt3A_181, %select_n3A_201, %scan3A_156 : vector<16xi1>, vector<16xf32>
        %select_n3A_203 = arith.select %gt3A_180, %scan3A_163, %broadcast_in_dim3A_176 : vector<16xi1>, vector<16xi32>
        %select_n3A_204 = arith.select %gt3A_181, %select_n3A_203, %scan3A_164 : vector<16xi1>, vector<16xi32>
        %select_n3A_205 = arith.select %gt3A_181, %scan3A_156, %get3A_175 : vector<16xi1>, vector<16xf32>
        %select_n3A_206 = arith.select %gt3A_182, %select_n3A_205, %scan3A_157 : vector<16xi1>, vector<16xf32>
        %select_n3A_207 = arith.select %gt3A_181, %scan3A_164, %broadcast_in_dim3A_176 : vector<16xi1>, vector<16xi32>
        %select_n3A_208 = arith.select %gt3A_182, %select_n3A_207, %scan3A_165 : vector<16xi1>, vector<16xi32>
        %select_n3A_209 = arith.select %gt3A_182, %scan3A_157, %get3A_175 : vector<16xi1>, vector<16xf32>
        %select_n3A_210 = arith.select %gt3A_183, %select_n3A_209, %scan3A_158 : vector<16xi1>, vector<16xf32>
        %select_n3A_211 = arith.select %gt3A_182, %scan3A_165, %broadcast_in_dim3A_176 : vector<16xi1>, vector<16xi32>
        %select_n3A_212 = arith.select %gt3A_183, %select_n3A_211, %scan3A_166 : vector<16xi1>, vector<16xi32>
        %mul3A_213 = arith.constant 4 : i32
        %mul3A_214 = arith.muli %scan3A_150, %mul3A_213 : i32
        %add3A_215 = arith.constant 1 : i32
        %add3A_216 = arith.addi %mul3A_214, %add3A_215 : i32
        %mul3A_217 = arith.constant 128 : i32
        %mul3A_218 = arith.muli %add3A_216, %mul3A_217 : i32
        %add3A_219 = arith.addi %mul3A_218, %mul3A_17 : i32
        %get3A_220 = arith.index_cast %add3A_219 : i32 to index
        %get3A_221 = tpu.vector_load %arg5[%get3A_220] {strides = array<i32>} : memref<8192xf32, #tpu.memory_space<vmem>>, vector<16xf32>,
        %get3A_222 = vector.shape_cast %get3A_221 : vector<16xf32> to vector<16xf32>
        %broadcast_in_dim3A_223 = vector.broadcast %add3A_216 : i32 to vector<16xi32>
        %gt3A_224 = arith.cmpf ogt, %get3A_222, %select_n3A : vector<16xf32>
        %gt3A_225 = arith.cmpf ogt, %get3A_222, %select_n3A_186 : vector<16xf32>
        %gt3A_226 = arith.cmpf ogt, %get3A_222, %select_n3A_190 : vector<16xf32>
        %gt3A_227 = arith.cmpf ogt, %get3A_222, %select_n3A_194 : vector<16xf32>
        %gt3A_228 = arith.cmpf ogt, %get3A_222, %select_n3A_198 : vector<16xf32>
        %gt3A_229 = arith.cmpf ogt, %get3A_222, %select_n3A_202 : vector<16xf32>
        %gt3A_230 = arith.cmpf ogt, %get3A_222, %select_n3A_206 : vector<16xf32>
        %gt3A_231 = arith.cmpf ogt, %get3A_222, %select_n3A_210 : vector<16xf32>
        %select_n3A_232 = arith.select %gt3A_224, %get3A_222, %select_n3A : vector<16xi1>, vector<16xf32>
        %select_n3A_233 = arith.select %gt3A_224, %broadcast_in_dim3A_223, %select_n3A_184 : vector<16xi1>, vector<16xi32>
        %select_n3A_234 = arith.select %gt3A_224, %select_n3A, %get3A_222 : vector<16xi1>, vector<16xf32>
        %select_n3A_235 = arith.select %gt3A_225, %select_n3A_234, %select_n3A_186 : vector<16xi1>, vector<16xf32>
        %select_n3A_236 = arith.select %gt3A_224, %select_n3A_184, %broadcast_in_dim3A_223 : vector<16xi1>, vector<16xi32>
        %select_n3A_237 = arith.select %gt3A_225, %select_n3A_236, %select_n3A_188 : vector<16xi1>, vector<16xi32>
        %select_n3A_238 = arith.select %gt3A_225, %select_n3A_186, %get3A_222 : vector<16xi1>, vector<16xf32>
        %select_n3A_239 = arith.select %gt3A_226, %select_n3A_238, %select_n3A_190 : vector<16xi1>, vector<16xf32>
        %select_n3A_240 = arith.select %gt3A_225, %select_n3A_188, %broadcast_in_dim3A_223 : vector<16xi1>, vector<16xi32>
        %select_n3A_241 = arith.select %gt3A_226, %select_n3A_240, %select_n3A_192 : vector<16xi1>, vector<16xi32>
        %select_n3A_242 = arith.select %gt3A_226, %select_n3A_190, %get3A_222 : vector<16xi1>, vector<16xf32>
        %select_n3A_243 = arith.select %gt3A_227, %select_n3A_242, %select_n3A_194 : vector<16xi1>, vector<16xf32>
        %select_n3A_244 = arith.select %gt3A_226, %select_n3A_192, %broadcast_in_dim3A_223 : vector<16xi1>, vector<16xi32>
        %select_n3A_245 = arith.select %gt3A_227, %select_n3A_244, %select_n3A_196 : vector<16xi1>, vector<16xi32>
        %select_n3A_246 = arith.select %gt3A_227, %select_n3A_194, %get3A_222 : vector<16xi1>, vector<16xf32>
        %select_n3A_247 = arith.select %gt3A_228, %select_n3A_246, %select_n3A_198 : vector<16xi1>, vector<16xf32>
        %select_n3A_248 = arith.select %gt3A_227, %select_n3A_196, %broadcast_in_dim3A_223 : vector<16xi1>, vector<16xi32>
        %select_n3A_249 = arith.select %gt3A_228, %select_n3A_248, %select_n3A_200 : vector<16xi1>, vector<16xi32>
        %select_n3A_250 = arith.select %gt3A_228, %select_n3A_198, %get3A_222 : vector<16xi1>, vector<16xf32>
        %select_n3A_251 = arith.select %gt3A_229, %select_n3A_250, %select_n3A_202 : vector<16xi1>, vector<16xf32>
        %select_n3A_252 = arith.select %gt3A_228, %select_n3A_200, %broadcast_in_dim3A_223 : vector<16xi1>, vector<16xi32>
        %select_n3A_253 = arith.select %gt3A_229, %select_n3A_252, %select_n3A_204 : vector<16xi1>, vector<16xi32>
        %select_n3A_254 = arith.select %gt3A_229, %select_n3A_202, %get3A_222 : vector<16xi1>, vector<16xf32>
        %select_n3A_255 = arith.select %gt3A_230, %select_n3A_254, %select_n3A_206 : vector<16xi1>, vector<16xf32>
        %select_n3A_256 = arith.select %gt3A_229, %select_n3A_204, %broadcast_in_dim3A_223 : vector<16xi1>, vector<16xi32>
        %select_n3A_257 = arith.select %gt3A_230, %select_n3A_256, %select_n3A_208 : vector<16xi1>, vector<16xi32>
        %select_n3A_258 = arith.select %gt3A_230, %select_n3A_206, %get3A_222 : vector<16xi1>, vector<16xf32>
        %select_n3A_259 = arith.select %gt3A_231, %select_n3A_258, %select_n3A_210 : vector<16xi1>, vector<16xf32>
        %select_n3A_260 = arith.select %gt3A_230, %select_n3A_208, %broadcast_in_dim3A_223 : vector<16xi1>, vector<16xi32>
        %select_n3A_261 = arith.select %gt3A_231, %select_n3A_260, %select_n3A_212 : vector<16xi1>, vector<16xi32>
        %mul3A_262 = arith.constant 4 : i32
        %mul3A_263 = arith.muli %scan3A_150, %mul3A_262 : i32
        %add3A_264 = arith.constant 2 : i32
        %add3A_265 = arith.addi %mul3A_263, %add3A_264 : i32
        %mul3A_266 = arith.constant 128 : i32
        %mul3A_267 = arith.muli %add3A_265, %mul3A_266 : i32
        %add3A_268 = arith.addi %mul3A_267, %mul3A_17 : i32
        %get3A_269 = arith.index_cast %add3A_268 : i32 to index
        %get3A_270 = tpu.vector_load %arg5[%get3A_269] {strides = array<i32>} : memref<8192xf32, #tpu.memory_space<vmem>>, vector<16xf32>,
        %get3A_271 = vector.shape_cast %get3A_270 : vector<16xf32> to vector<16xf32>
        %broadcast_in_dim3A_272 = vector.broadcast %add3A_265 : i32 to vector<16xi32>
        %gt3A_273 = arith.cmpf ogt, %get3A_271, %select_n3A_232 : vector<16xf32>
        %gt3A_274 = arith.cmpf ogt, %get3A_271, %select_n3A_235 : vector<16xf32>
        %gt3A_275 = arith.cmpf ogt, %get3A_271, %select_n3A_239 : vector<16xf32>
        %gt3A_276 = arith.cmpf ogt, %get3A_271, %select_n3A_243 : vector<16xf32>
        %gt3A_277 = arith.cmpf ogt, %get3A_271, %select_n3A_247 : vector<16xf32>
        %gt3A_278 = arith.cmpf ogt, %get3A_271, %select_n3A_251 : vector<16xf32>
        %gt3A_279 = arith.cmpf ogt, %get3A_271, %select_n3A_255 : vector<16xf32>
        %gt3A_280 = arith.cmpf ogt, %get3A_271, %select_n3A_259 : vector<16xf32>
        %select_n3A_281 = arith.select %gt3A_273, %get3A_271, %select_n3A_232 : vector<16xi1>, vector<16xf32>
        %select_n3A_282 = arith.select %gt3A_273, %broadcast_in_dim3A_272, %select_n3A_233 : vector<16xi1>, vector<16xi32>
        %select_n3A_283 = arith.select %gt3A_273, %select_n3A_232, %get3A_271 : vector<16xi1>, vector<16xf32>
        %select_n3A_284 = arith.select %gt3A_274, %select_n3A_283, %select_n3A_235 : vector<16xi1>, vector<16xf32>
        %select_n3A_285 = arith.select %gt3A_273, %select_n3A_233, %broadcast_in_dim3A_272 : vector<16xi1>, vector<16xi32>
        %select_n3A_286 = arith.select %gt3A_274, %select_n3A_285, %select_n3A_237 : vector<16xi1>, vector<16xi32>
        %select_n3A_287 = arith.select %gt3A_274, %select_n3A_235, %get3A_271 : vector<16xi1>, vector<16xf32>
        %select_n3A_288 = arith.select %gt3A_275, %select_n3A_287, %select_n3A_239 : vector<16xi1>, vector<16xf32>
        %select_n3A_289 = arith.select %gt3A_274, %select_n3A_237, %broadcast_in_dim3A_272 : vector<16xi1>, vector<16xi32>
        %select_n3A_290 = arith.select %gt3A_275, %select_n3A_289, %select_n3A_241 : vector<16xi1>, vector<16xi32>
        %select_n3A_291 = arith.select %gt3A_275, %select_n3A_239, %get3A_271 : vector<16xi1>, vector<16xf32>
        %select_n3A_292 = arith.select %gt3A_276, %select_n3A_291, %select_n3A_243 : vector<16xi1>, vector<16xf32>
        %select_n3A_293 = arith.select %gt3A_275, %select_n3A_241, %broadcast_in_dim3A_272 : vector<16xi1>, vector<16xi32>
        %select_n3A_294 = arith.select %gt3A_276, %select_n3A_293, %select_n3A_245 : vector<16xi1>, vector<16xi32>
        %select_n3A_295 = arith.select %gt3A_276, %select_n3A_243, %get3A_271 : vector<16xi1>, vector<16xf32>
        %select_n3A_296 = arith.select %gt3A_277, %select_n3A_295, %select_n3A_247 : vector<16xi1>, vector<16xf32>
        %select_n3A_297 = arith.select %gt3A_276, %select_n3A_245, %broadcast_in_dim3A_272 : vector<16xi1>, vector<16xi32>
        %select_n3A_298 = arith.select %gt3A_277, %select_n3A_297, %select_n3A_249 : vector<16xi1>, vector<16xi32>
        %select_n3A_299 = arith.select %gt3A_277, %select_n3A_247, %get3A_271 : vector<16xi1>, vector<16xf32>
        %select_n3A_300 = arith.select %gt3A_278, %select_n3A_299, %select_n3A_251 : vector<16xi1>, vector<16xf32>
        %select_n3A_301 = arith.select %gt3A_277, %select_n3A_249, %broadcast_in_dim3A_272 : vector<16xi1>, vector<16xi32>
        %select_n3A_302 = arith.select %gt3A_278, %select_n3A_301, %select_n3A_253 : vector<16xi1>, vector<16xi32>
        %select_n3A_303 = arith.select %gt3A_278, %select_n3A_251, %get3A_271 : vector<16xi1>, vector<16xf32>
        %select_n3A_304 = arith.select %gt3A_279, %select_n3A_303, %select_n3A_255 : vector<16xi1>, vector<16xf32>
        %select_n3A_305 = arith.select %gt3A_278, %select_n3A_253, %broadcast_in_dim3A_272 : vector<16xi1>, vector<16xi32>
        %select_n3A_306 = arith.select %gt3A_279, %select_n3A_305, %select_n3A_257 : vector<16xi1>, vector<16xi32>
        %select_n3A_307 = arith.select %gt3A_279, %select_n3A_255, %get3A_271 : vector<16xi1>, vector<16xf32>
        %select_n3A_308 = arith.select %gt3A_280, %select_n3A_307, %select_n3A_259 : vector<16xi1>, vector<16xf32>
        %select_n3A_309 = arith.select %gt3A_279, %select_n3A_257, %broadcast_in_dim3A_272 : vector<16xi1>, vector<16xi32>
        %select_n3A_310 = arith.select %gt3A_280, %select_n3A_309, %select_n3A_261 : vector<16xi1>, vector<16xi32>
        %mul3A_311 = arith.constant 4 : i32
        %mul3A_312 = arith.muli %scan3A_150, %mul3A_311 : i32
        %add3A_313 = arith.constant 3 : i32
        %add3A_314 = arith.addi %mul3A_312, %add3A_313 : i32
        %mul3A_315 = arith.constant 128 : i32
        %mul3A_316 = arith.muli %add3A_314, %mul3A_315 : i32
        %add3A_317 = arith.addi %mul3A_316, %mul3A_17 : i32
        %get3A_318 = arith.index_cast %add3A_317 : i32 to index
        %get3A_319 = tpu.vector_load %arg5[%get3A_318] {strides = array<i32>} : memref<8192xf32, #tpu.memory_space<vmem>>, vector<16xf32>,
        %get3A_320 = vector.shape_cast %get3A_319 : vector<16xf32> to vector<16xf32>
        %broadcast_in_dim3A_321 = vector.broadcast %add3A_314 : i32 to vector<16xi32>
        %gt3A_322 = arith.cmpf ogt, %get3A_320, %select_n3A_281 : vector<16xf32>
        %gt3A_323 = arith.cmpf ogt, %get3A_320, %select_n3A_284 : vector<16xf32>
        %gt3A_324 = arith.cmpf ogt, %get3A_320, %select_n3A_288 : vector<16xf32>
        %gt3A_325 = arith.cmpf ogt, %get3A_320, %select_n3A_292 : vector<16xf32>
        %gt3A_326 = arith.cmpf ogt, %get3A_320, %select_n3A_296 : vector<16xf32>
        %gt3A_327 = arith.cmpf ogt, %get3A_320, %select_n3A_300 : vector<16xf32>
        %gt3A_328 = arith.cmpf ogt, %get3A_320, %select_n3A_304 : vector<16xf32>
        %gt3A_329 = arith.cmpf ogt, %get3A_320, %select_n3A_308 : vector<16xf32>
        %select_n3A_330 = arith.select %gt3A_322, %get3A_320, %select_n3A_281 : vector<16xi1>, vector<16xf32>
        %select_n3A_331 = arith.select %gt3A_322, %broadcast_in_dim3A_321, %select_n3A_282 : vector<16xi1>, vector<16xi32>
        %select_n3A_332 = arith.select %gt3A_322, %select_n3A_281, %get3A_320 : vector<16xi1>, vector<16xf32>
        %select_n3A_333 = arith.select %gt3A_323, %select_n3A_332, %select_n3A_284 : vector<16xi1>, vector<16xf32>
        %select_n3A_334 = arith.select %gt3A_322, %select_n3A_282, %broadcast_in_dim3A_321 : vector<16xi1>, vector<16xi32>
        %select_n3A_335 = arith.select %gt3A_323, %select_n3A_334, %select_n3A_286 : vector<16xi1>, vector<16xi32>
        %select_n3A_336 = arith.select %gt3A_323, %select_n3A_284, %get3A_320 : vector<16xi1>, vector<16xf32>
        %select_n3A_337 = arith.select %gt3A_324, %select_n3A_336, %select_n3A_288 : vector<16xi1>, vector<16xf32>
        %select_n3A_338 = arith.select %gt3A_323, %select_n3A_286, %broadcast_in_dim3A_321 : vector<16xi1>, vector<16xi32>
        %select_n3A_339 = arith.select %gt3A_324, %select_n3A_338, %select_n3A_290 : vector<16xi1>, vector<16xi32>
        %select_n3A_340 = arith.select %gt3A_324, %select_n3A_288, %get3A_320 : vector<16xi1>, vector<16xf32>
        %select_n3A_341 = arith.select %gt3A_325, %select_n3A_340, %select_n3A_292 : vector<16xi1>, vector<16xf32>
        %select_n3A_342 = arith.select %gt3A_324, %select_n3A_290, %broadcast_in_dim3A_321 : vector<16xi1>, vector<16xi32>
        %select_n3A_343 = arith.select %gt3A_325, %select_n3A_342, %select_n3A_294 : vector<16xi1>, vector<16xi32>
        %select_n3A_344 = arith.select %gt3A_325, %select_n3A_292, %get3A_320 : vector<16xi1>, vector<16xf32>
        %select_n3A_345 = arith.select %gt3A_326, %select_n3A_344, %select_n3A_296 : vector<16xi1>, vector<16xf32>
        %select_n3A_346 = arith.select %gt3A_325, %select_n3A_294, %broadcast_in_dim3A_321 : vector<16xi1>, vector<16xi32>
        %select_n3A_347 = arith.select %gt3A_326, %select_n3A_346, %select_n3A_298 : vector<16xi1>, vector<16xi32>
        %select_n3A_348 = arith.select %gt3A_326, %select_n3A_296, %get3A_320 : vector<16xi1>, vector<16xf32>
        %select_n3A_349 = arith.select %gt3A_327, %select_n3A_348, %select_n3A_300 : vector<16xi1>, vector<16xf32>
        %select_n3A_350 = arith.select %gt3A_326, %select_n3A_298, %broadcast_in_dim3A_321 : vector<16xi1>, vector<16xi32>
        %select_n3A_351 = arith.select %gt3A_327, %select_n3A_350, %select_n3A_302 : vector<16xi1>, vector<16xi32>
        %select_n3A_352 = arith.select %gt3A_327, %select_n3A_300, %get3A_320 : vector<16xi1>, vector<16xf32>
        %select_n3A_353 = arith.select %gt3A_328, %select_n3A_352, %select_n3A_304 : vector<16xi1>, vector<16xf32>
        %select_n3A_354 = arith.select %gt3A_327, %select_n3A_302, %broadcast_in_dim3A_321 : vector<16xi1>, vector<16xi32>
        %select_n3A_355 = arith.select %gt3A_328, %select_n3A_354, %select_n3A_306 : vector<16xi1>, vector<16xi32>
        %select_n3A_356 = arith.select %gt3A_328, %select_n3A_304, %get3A_320 : vector<16xi1>, vector<16xf32>
        %select_n3A_357 = arith.select %gt3A_329, %select_n3A_356, %select_n3A_308 : vector<16xi1>, vector<16xf32>
        %select_n3A_358 = arith.select %gt3A_328, %select_n3A_306, %broadcast_in_dim3A_321 : vector<16xi1>, vector<16xi32>
        %select_n3A_359 = arith.select %gt3A_329, %select_n3A_358, %select_n3A_310 : vector<16xi1>, vector<16xi32>
        scf.yield %select_n3A_330, %select_n3A_333, %select_n3A_337, %select_n3A_341, %select_n3A_345, %select_n3A_349, %select_n3A_353, %select_n3A_357, %select_n3A_331, %select_n3A_335, %select_n3A_339, %select_n3A_343, %select_n3A_347, %select_n3A_351, %select_n3A_355, %select_n3A_359 : vector<16xf32>, vector<16xf32>, vector<16xf32>, vector<16xf32>, vector<16xf32>, vector<16xf32>, vector<16xf32>, vector<16xf32>, vector<16xi32>, vector<16xi32>, vector<16xi32>, vector<16xi32>, vector<16xi32>, vector<16xi32>, vector<16xi32>, vector<16xi32>
      }
      %scan3A_23 = arith.constant 16 : i32
      %sub3A = arith.subf %scan3A_22#0, %scan3A_22#0 : vector<16xf32>
      %exp3A = math.exp %sub3A : vector<16xf32>
      %sub3A_24 = arith.subf %scan3A_22#1, %scan3A_22#0 : vector<16xf32>
      %exp3A_25 = math.exp %sub3A_24 : vector<16xf32>
      %sub3A_26 = arith.subf %scan3A_22#2, %scan3A_22#0 : vector<16xf32>
      %exp3A_27 = math.exp %sub3A_26 : vector<16xf32>
      %sub3A_28 = arith.subf %scan3A_22#3, %scan3A_22#0 : vector<16xf32>
      %exp3A_29 = math.exp %sub3A_28 : vector<16xf32>
      %sub3A_30 = arith.subf %scan3A_22#4, %scan3A_22#0 : vector<16xf32>
      %exp3A_31 = math.exp %sub3A_30 : vector<16xf32>
      %sub3A_32 = arith.subf %scan3A_22#5, %scan3A_22#0 : vector<16xf32>
      %exp3A_33 = math.exp %sub3A_32 : vector<16xf32>
      %sub3A_34 = arith.subf %scan3A_22#6, %scan3A_22#0 : vector<16xf32>
      %exp3A_35 = math.exp %sub3A_34 : vector<16xf32>
      %sub3A_36 = arith.subf %scan3A_22#7, %scan3A_22#0 : vector<16xf32>
      %exp3A_37 = math.exp %sub3A_36 : vector<16xf32>
      %add3A_38 = arith.addf %exp3A, %exp3A_25 : vector<16xf32>
      %add3A_39 = arith.addf %add3A_38, %exp3A_27 : vector<16xf32>
      %add3A_40 = arith.addf %add3A_39, %exp3A_29 : vector<16xf32>
      %add3A_41 = arith.addf %add3A_40, %exp3A_31 : vector<16xf32>
      %add3A_42 = arith.addf %add3A_41, %exp3A_33 : vector<16xf32>
      %add3A_43 = arith.addf %add3A_42, %exp3A_35 : vector<16xf32>
      %add3A_44 = arith.addf %add3A_43, %exp3A_37 : vector<16xf32>
      %div3A = arith.constant 1.000000e+00 : f32
      %div3A_45 = vector.broadcast %div3A : f32 to vector<16xf32>
      %div3A_46 = arith.divf %div3A_45, %add3A_44 : vector<16xf32>
      %mul3A_47 = arith.mulf %exp3A, %div3A_46 : vector<16xf32>
      %add3A_48 = arith.constant 0 : i32
      %add3A_49 = arith.addi %add3A_48, %mul3A_17 : i32
      %swap3A = arith.index_cast %add3A_49 : i32 to index
      %swap3A_50 = tpu.vector_load %arg6[%swap3A] {strides = array<i32>} : memref<1024xf32, #tpu.memory_space<vmem>>, vector<16xf32>,
      %swap3A_51 = vector.shape_cast %swap3A_50 : vector<16xf32> to vector<16xf32>
      %swap3A_52 = vector.shape_cast %mul3A_47 : vector<16xf32> to vector<16xf32>
      tpu.vector_store %arg6[%swap3A], %swap3A_52 {strides = array<i32>} : memref<1024xf32, #tpu.memory_space<vmem>>, vector<16xf32>,
      %add3A_53 = arith.constant 0 : i32
      %add3A_54 = arith.addi %add3A_53, %mul3A_17 : i32
      %swap3A_55 = arith.index_cast %add3A_54 : i32 to index
      %swap3A_56 = tpu.vector_load %arg7[%swap3A_55] {strides = array<i32>} : memref<1024xi32, #tpu.memory_space<vmem>>, vector<16xi32>,
      %swap3A_57 = vector.shape_cast %swap3A_56 : vector<16xi32> to vector<16xi32>
      %swap3A_58 = vector.shape_cast %scan3A_22#8 : vector<16xi32> to vector<16xi32>
      tpu.vector_store %arg7[%swap3A_55], %swap3A_58 {strides = array<i32>} : memref<1024xi32, #tpu.memory_space<vmem>>, vector<16xi32>,
      %mul3A_59 = arith.mulf %exp3A_25, %div3A_46 : vector<16xf32>
      %add3A_60 = arith.constant 128 : i32
      %add3A_61 = arith.addi %add3A_60, %mul3A_17 : i32
      %swap3A_62 = arith.index_cast %add3A_61 : i32 to index
      %swap3A_63 = tpu.vector_load %arg6[%swap3A_62] {strides = array<i32>} : memref<1024xf32, #tpu.memory_space<vmem>>, vector<16xf32>,
      %swap3A_64 = vector.shape_cast %swap3A_63 : vector<16xf32> to vector<16xf32>
      %swap3A_65 = vector.shape_cast %mul3A_59 : vector<16xf32> to vector<16xf32>
      tpu.vector_store %arg6[%swap3A_62], %swap3A_65 {strides = array<i32>} : memref<1024xf32, #tpu.memory_space<vmem>>, vector<16xf32>,
      %add3A_66 = arith.constant 128 : i32
      %add3A_67 = arith.addi %add3A_66, %mul3A_17 : i32
      %swap3A_68 = arith.index_cast %add3A_67 : i32 to index
      %swap3A_69 = tpu.vector_load %arg7[%swap3A_68] {strides = array<i32>} : memref<1024xi32, #tpu.memory_space<vmem>>, vector<16xi32>,
      %swap3A_70 = vector.shape_cast %swap3A_69 : vector<16xi32> to vector<16xi32>
      %swap3A_71 = vector.shape_cast %scan3A_22#9 : vector<16xi32> to vector<16xi32>
      tpu.vector_store %arg7[%swap3A_68], %swap3A_71 {strides = array<i32>} : memref<1024xi32, #tpu.memory_space<vmem>>, vector<16xi32>,
      %mul3A_72 = arith.mulf %exp3A_27, %div3A_46 : vector<16xf32>
      %add3A_73 = arith.constant 256 : i32
      %add3A_74 = arith.addi %add3A_73, %mul3A_17 : i32
      %swap3A_75 = arith.index_cast %add3A_74 : i32 to index
      %swap3A_76 = tpu.vector_load %arg6[%swap3A_75] {strides = array<i32>} : memref<1024xf32, #tpu.memory_space<vmem>>, vector<16xf32>,
      %swap3A_77 = vector.shape_cast %swap3A_76 : vector<16xf32> to vector<16xf32>
      %swap3A_78 = vector.shape_cast %mul3A_72 : vector<16xf32> to vector<16xf32>
      tpu.vector_store %arg6[%swap3A_75], %swap3A_78 {strides = array<i32>} : memref<1024xf32, #tpu.memory_space<vmem>>, vector<16xf32>,
      %add3A_79 = arith.constant 256 : i32
      %add3A_80 = arith.addi %add3A_79, %mul3A_17 : i32
      %swap3A_81 = arith.index_cast %add3A_80 : i32 to index
      %swap3A_82 = tpu.vector_load %arg7[%swap3A_81] {strides = array<i32>} : memref<1024xi32, #tpu.memory_space<vmem>>, vector<16xi32>,
      %swap3A_83 = vector.shape_cast %swap3A_82 : vector<16xi32> to vector<16xi32>
      %swap3A_84 = vector.shape_cast %scan3A_22#10 : vector<16xi32> to vector<16xi32>
      tpu.vector_store %arg7[%swap3A_81], %swap3A_84 {strides = array<i32>} : memref<1024xi32, #tpu.memory_space<vmem>>, vector<16xi32>,
      %mul3A_85 = arith.mulf %exp3A_29, %div3A_46 : vector<16xf32>
      %add3A_86 = arith.constant 384 : i32
      %add3A_87 = arith.addi %add3A_86, %mul3A_17 : i32
      %swap3A_88 = arith.index_cast %add3A_87 : i32 to index
      %swap3A_89 = tpu.vector_load %arg6[%swap3A_88] {strides = array<i32>} : memref<1024xf32, #tpu.memory_space<vmem>>, vector<16xf32>,
      %swap3A_90 = vector.shape_cast %swap3A_89 : vector<16xf32> to vector<16xf32>
      %swap3A_91 = vector.shape_cast %mul3A_85 : vector<16xf32> to vector<16xf32>
      tpu.vector_store %arg6[%swap3A_88], %swap3A_91 {strides = array<i32>} : memref<1024xf32, #tpu.memory_space<vmem>>, vector<16xf32>,
      %add3A_92 = arith.constant 384 : i32
      %add3A_93 = arith.addi %add3A_92, %mul3A_17 : i32
      %swap3A_94 = arith.index_cast %add3A_93 : i32 to index
      %swap3A_95 = tpu.vector_load %arg7[%swap3A_94] {strides = array<i32>} : memref<1024xi32, #tpu.memory_space<vmem>>, vector<16xi32>,
      %swap3A_96 = vector.shape_cast %swap3A_95 : vector<16xi32> to vector<16xi32>
      %swap3A_97 = vector.shape_cast %scan3A_22#11 : vector<16xi32> to vector<16xi32>
      tpu.vector_store %arg7[%swap3A_94], %swap3A_97 {strides = array<i32>} : memref<1024xi32, #tpu.memory_space<vmem>>, vector<16xi32>,
      %mul3A_98 = arith.mulf %exp3A_31, %div3A_46 : vector<16xf32>
      %add3A_99 = arith.constant 512 : i32
      %add3A_100 = arith.addi %add3A_99, %mul3A_17 : i32
      %swap3A_101 = arith.index_cast %add3A_100 : i32 to index
      %swap3A_102 = tpu.vector_load %arg6[%swap3A_101] {strides = array<i32>} : memref<1024xf32, #tpu.memory_space<vmem>>, vector<16xf32>,
      %swap3A_103 = vector.shape_cast %swap3A_102 : vector<16xf32> to vector<16xf32>
      %swap3A_104 = vector.shape_cast %mul3A_98 : vector<16xf32> to vector<16xf32>
      tpu.vector_store %arg6[%swap3A_101], %swap3A_104 {strides = array<i32>} : memref<1024xf32, #tpu.memory_space<vmem>>, vector<16xf32>,
      %add3A_105 = arith.constant 512 : i32
      %add3A_106 = arith.addi %add3A_105, %mul3A_17 : i32
      %swap3A_107 = arith.index_cast %add3A_106 : i32 to index
      %swap3A_108 = tpu.vector_load %arg7[%swap3A_107] {strides = array<i32>} : memref<1024xi32, #tpu.memory_space<vmem>>, vector<16xi32>,
      %swap3A_109 = vector.shape_cast %swap3A_108 : vector<16xi32> to vector<16xi32>
      %swap3A_110 = vector.shape_cast %scan3A_22#12 : vector<16xi32> to vector<16xi32>
      tpu.vector_store %arg7[%swap3A_107], %swap3A_110 {strides = array<i32>} : memref<1024xi32, #tpu.memory_space<vmem>>, vector<16xi32>,
      %mul3A_111 = arith.mulf %exp3A_33, %div3A_46 : vector<16xf32>
      %add3A_112 = arith.constant 640 : i32
      %add3A_113 = arith.addi %add3A_112, %mul3A_17 : i32
      %swap3A_114 = arith.index_cast %add3A_113 : i32 to index
      %swap3A_115 = tpu.vector_load %arg6[%swap3A_114] {strides = array<i32>} : memref<1024xf32, #tpu.memory_space<vmem>>, vector<16xf32>,
      %swap3A_116 = vector.shape_cast %swap3A_115 : vector<16xf32> to vector<16xf32>
      %swap3A_117 = vector.shape_cast %mul3A_111 : vector<16xf32> to vector<16xf32>
      tpu.vector_store %arg6[%swap3A_114], %swap3A_117 {strides = array<i32>} : memref<1024xf32, #tpu.memory_space<vmem>>, vector<16xf32>,
      %add3A_118 = arith.constant 640 : i32
      %add3A_119 = arith.addi %add3A_118, %mul3A_17 : i32
      %swap3A_120 = arith.index_cast %add3A_119 : i32 to index
      %swap3A_121 = tpu.vector_load %arg7[%swap3A_120] {strides = array<i32>} : memref<1024xi32, #tpu.memory_space<vmem>>, vector<16xi32>,
      %swap3A_122 = vector.shape_cast %swap3A_121 : vector<16xi32> to vector<16xi32>
      %swap3A_123 = vector.shape_cast %scan3A_22#13 : vector<16xi32> to vector<16xi32>
      tpu.vector_store %arg7[%swap3A_120], %swap3A_123 {strides = array<i32>} : memref<1024xi32, #tpu.memory_space<vmem>>, vector<16xi32>,
      %mul3A_124 = arith.mulf %exp3A_35, %div3A_46 : vector<16xf32>
      %add3A_125 = arith.constant 768 : i32
      %add3A_126 = arith.addi %add3A_125, %mul3A_17 : i32
      %swap3A_127 = arith.index_cast %add3A_126 : i32 to index
      %swap3A_128 = tpu.vector_load %arg6[%swap3A_127] {strides = array<i32>} : memref<1024xf32, #tpu.memory_space<vmem>>, vector<16xf32>,
      %swap3A_129 = vector.shape_cast %swap3A_128 : vector<16xf32> to vector<16xf32>
      %swap3A_130 = vector.shape_cast %mul3A_124 : vector<16xf32> to vector<16xf32>
      tpu.vector_store %arg6[%swap3A_127], %swap3A_130 {strides = array<i32>} : memref<1024xf32, #tpu.memory_space<vmem>>, vector<16xf32>,
      %add3A_131 = arith.constant 768 : i32
      %add3A_132 = arith.addi %add3A_131, %mul3A_17 : i32
      %swap3A_133 = arith.index_cast %add3A_132 : i32 to index
      %swap3A_134 = tpu.vector_load %arg7[%swap3A_133] {strides = array<i32>} : memref<1024xi32, #tpu.memory_space<vmem>>, vector<16xi32>,
      %swap3A_135 = vector.shape_cast %swap3A_134 : vector<16xi32> to vector<16xi32>
      %swap3A_136 = vector.shape_cast %scan3A_22#14 : vector<16xi32> to vector<16xi32>
      tpu.vector_store %arg7[%swap3A_133], %swap3A_136 {strides = array<i32>} : memref<1024xi32, #tpu.memory_space<vmem>>, vector<16xi32>,
      %mul3A_137 = arith.mulf %exp3A_37, %div3A_46 : vector<16xf32>
      %add3A_138 = arith.constant 896 : i32
      %add3A_139 = arith.addi %add3A_138, %mul3A_17 : i32
      %swap3A_140 = arith.index_cast %add3A_139 : i32 to index
      %swap3A_141 = tpu.vector_load %arg6[%swap3A_140] {strides = array<i32>} : memref<1024xf32, #tpu.memory_space<vmem>>, vector<16xf32>,
      %swap3A_142 = vector.shape_cast %swap3A_141 : vector<16xf32> to vector<16xf32>
      %swap3A_143 = vector.shape_cast %mul3A_137 : vector<16xf32> to vector<16xf32>
      tpu.vector_store %arg6[%swap3A_140], %swap3A_143 {strides = array<i32>} : memref<1024xf32, #tpu.memory_space<vmem>>, vector<16xf32>,
      %add3A_144 = arith.constant 896 : i32
      %add3A_145 = arith.addi %add3A_144, %mul3A_17 : i32
      %swap3A_146 = arith.index_cast %add3A_145 : i32 to index
      %swap3A_147 = tpu.vector_load %arg7[%swap3A_146] {strides = array<i32>} : memref<1024xi32, #tpu.memory_space<vmem>>, vector<16xi32>,
      %swap3A_148 = vector.shape_cast %swap3A_147 : vector<16xi32> to vector<16xi32>
      %swap3A_149 = vector.shape_cast %scan3A_22#15 : vector<16xi32> to vector<16xi32>
      tpu.vector_store %arg7[%swap3A_146], %swap3A_149 {strides = array<i32>} : memref<1024xi32, #tpu.memory_space<vmem>>, vector<16xi32>,
    }
    %scan3A_10 = arith.constant 8 : i32
    %mul3A_11 = arith.constant 1024 : i32
    %mul3A_12 = arith.muli %add3A, %mul3A_11 : i32
    "tpu.region"() ({
      %run_scoped3A = tpu.sem_alloc : memref<!tpu.dma_semaphore, #tpu.memory_space<semaphore_mem>>
      %dma_start3A = tpu.memref_slice %arg3[%mul3A_12] : memref<32768xf32, #tpu.memory_space<hbm>> -> memref<1024xf32, #tpu.memory_space<hbm>>
      %dma_start3A_15 = tpu.memref_slice %arg3[%mul3A_12] : memref<32768xf32, #tpu.memory_space<hbm>> -> memref<1024xf32, #tpu.memory_space<hbm>>
      tpu.enqueue_dma source(%arg6 : memref<1024xf32, #tpu.memory_space<vmem>>) target(%dma_start3A_15 : memref<1024xf32, #tpu.memory_space<hbm>>) target_semaphore(%run_scoped3A : memref<!tpu.dma_semaphore, #tpu.memory_space<semaphore_mem>>)
      %dma_wait3A = tpu.memref_slice %arg3[%mul3A_12] : memref<32768xf32, #tpu.memory_space<hbm>> -> memref<1024xf32, #tpu.memory_space<hbm>>
      %dma_wait3A_16 = tpu.memref_slice %arg3[%mul3A_12] : memref<32768xf32, #tpu.memory_space<hbm>> -> memref<1024xf32, #tpu.memory_space<hbm>>
      tpu.wait_dma2 semaphore(%run_scoped3A : memref<!tpu.dma_semaphore, #tpu.memory_space<semaphore_mem>>) src(%arg6 : memref<1024xf32, #tpu.memory_space<vmem>>) dst(%dma_wait3A_16 : memref<1024xf32, #tpu.memory_space<hbm>>)
      tpu.yield
    }) : () -> ()
    %mul3A_13 = arith.constant 1024 : i32
    %mul3A_14 = arith.muli %add3A, %mul3A_13 : i32
    "tpu.region"() ({
      %run_scoped3A = tpu.sem_alloc : memref<!tpu.dma_semaphore, #tpu.memory_space<semaphore_mem>>
      %dma_start3A = tpu.memref_slice %arg4[%mul3A_14] : memref<32768xi32, #tpu.memory_space<hbm>> -> memref<1024xi32, #tpu.memory_space<hbm>>
      %dma_start3A_15 = tpu.memref_slice %arg4[%mul3A_14] : memref<32768xi32, #tpu.memory_space<hbm>> -> memref<1024xi32, #tpu.memory_space<hbm>>
      tpu.enqueue_dma source(%arg7 : memref<1024xi32, #tpu.memory_space<vmem>>) target(%dma_start3A_15 : memref<1024xi32, #tpu.memory_space<hbm>>) target_semaphore(%run_scoped3A : memref<!tpu.dma_semaphore, #tpu.memory_space<semaphore_mem>>)
      %dma_wait3A = tpu.memref_slice %arg4[%mul3A_14] : memref<32768xi32, #tpu.memory_space<hbm>> -> memref<1024xi32, #tpu.memory_space<hbm>>
      %dma_wait3A_16 = tpu.memref_slice %arg4[%mul3A_14] : memref<32768xi32, #tpu.memory_space<hbm>> -> memref<1024xi32, #tpu.memory_space<hbm>>
      tpu.wait_dma2 semaphore(%run_scoped3A : memref<!tpu.dma_semaphore, #tpu.memory_space<semaphore_mem>>) src(%arg7 : memref<1024xi32, #tpu.memory_space<vmem>>) dst(%dma_wait3A_16 : memref<1024xi32, #tpu.memory_space<hbm>>)
      tpu.yield
    }) : () -> ()
    return
  }
}

module attributes {stable_mosaic.version = 14 : i64} {
  func.func @_tc1_body(%arg0: i32, %arg1: memref<2048x1024xf32, #tpu.memory_space<vmem>>, %arg2: memref<1024x80xf32, #tpu.memory_space<vmem>>, %arg3: memref<64x16xf32, #tpu.memory_space<vmem>>, %arg4: memref<2048x64xf32, #tpu.memory_space<vmem>>, %arg5: memref<16x64x128xf32, #tpu.memory_space<vmem>>) attributes {dimension_semantics = [#tpu.dimension_semantics<arbitrary>], iteration_bounds = array<i64: 2>, scalar_prefetch = 0 : i64, scratch_operands = 0 : i64, tpu.core_type = #tpu.core_type<tc>, window_params = [{transform_indices = @transform_0, window_bounds = array<i64: 2048, 1024>}, {pipeline_mode = #tpu.pipeline_mode<synchronous>, transform_indices = @transform_1, window_bounds = array<i64: 1024, 80>}, {pipeline_mode = #tpu.pipeline_mode<synchronous>, transform_indices = @transform_2, window_bounds = array<i64: 64, 16>}, {transform_indices = @transform_3, window_bounds = array<i64: 2048, 64>}, {transform_indices = @transform_4, window_bounds = array<i64: 16, 64, 128>}]} {
    %get3A = arith.constant 0 : index
    %get3A_0 = arith.constant 0 : index
    %get3A_1 = vector.load %arg1[%get3A, %get3A_0] : memref<2048x1024xf32, #tpu.memory_space<vmem>>, vector<2048x1024xf32>
    %get3A_2 = arith.constant 0 : index
    %get3A_3 = arith.constant 0 : index
    %get3A_4 = vector.load %arg2[%get3A_2, %get3A_3] : memref<1024x80xf32, #tpu.memory_space<vmem>>, vector<1024x80xf32>
    %dot_general3A = arith.constant dense<0.000000e+00> : vector<2048x80xf32>
    %dot_general3A_5 = tpu.matmul %get3A_1, %get3A_4, %dot_general3A {dimension_numbers = #tpu.dot_dimension_numbers<[1], [0], [0], [1], [0, 0, 1, 1], [], []>, transpose_lhs_hint = false} : vector<2048x1024xf32>, vector<1024x80xf32>, vector<2048x80xf32> -> vector<2048x80xf32>
    %slice3A = vector.extract_strided_slice %dot_general3A_5 {offsets = [0, 0], sizes = [2048, 64], strides = [1, 1]} : vector<2048x80xf32> to vector<2048x64xf32>
    %swap3A = arith.constant 0 : index
    %swap3A_6 = arith.constant 0 : index
    %swap3A_7 = vector.load %arg4[%swap3A, %swap3A_6] : memref<2048x64xf32, #tpu.memory_space<vmem>>, vector<2048x64xf32>
    tpu.vector_store %arg4[%swap3A, %swap3A_6], %slice3A {strides = array<i32>} : memref<2048x64xf32, #tpu.memory_space<vmem>>, vector<2048x64xf32>,
    %slice3A_8 = vector.extract_strided_slice %dot_general3A_5 {offsets = [0, 64], sizes = [2048, 16], strides = [1, 1]} : vector<2048x80xf32> to vector<2048x16xf32>
    %get3A_9 = arith.constant 0 : index
    %get3A_10 = arith.constant 0 : index
    %get3A_11 = vector.load %arg3[%get3A_9, %get3A_10] : memref<64x16xf32, #tpu.memory_space<vmem>>, vector<64x16xf32>
    %transpose3A = tpu.transpose %slice3A_8, [1, 0] : vector<2048x16xf32> -> vector<16x2048xf32>
    %dot_general3A_12 = arith.constant dense<0.000000e+00> : vector<64x2048xf32>
    %dot_general3A_13 = tpu.matmul %get3A_11, %transpose3A, %dot_general3A_12 {dimension_numbers = #tpu.dot_dimension_numbers<[1], [0], [0], [1], [0, 0, 1, 1], [], []>, transpose_lhs_hint = false} : vector<64x16xf32>, vector<16x2048xf32>, vector<64x2048xf32> -> vector<64x2048xf32>
    %slice3A_14 = vector.extract_strided_slice %dot_general3A_13 {offsets = [0, 0], sizes = [64, 128], strides = [1, 1]} : vector<64x2048xf32> to vector<64x128xf32>
    %slice3A_15 = vector.extract_strided_slice %dot_general3A_13 {offsets = [0, 128], sizes = [64, 128], strides = [1, 1]} : vector<64x2048xf32> to vector<64x128xf32>
    %slice3A_16 = vector.extract_strided_slice %dot_general3A_13 {offsets = [0, 256], sizes = [64, 128], strides = [1, 1]} : vector<64x2048xf32> to vector<64x128xf32>
    %slice3A_17 = vector.extract_strided_slice %dot_general3A_13 {offsets = [0, 384], sizes = [64, 128], strides = [1, 1]} : vector<64x2048xf32> to vector<64x128xf32>
    %slice3A_18 = vector.extract_strided_slice %dot_general3A_13 {offsets = [0, 512], sizes = [64, 128], strides = [1, 1]} : vector<64x2048xf32> to vector<64x128xf32>
    %slice3A_19 = vector.extract_strided_slice %dot_general3A_13 {offsets = [0, 640], sizes = [64, 128], strides = [1, 1]} : vector<64x2048xf32> to vector<64x128xf32>
    %slice3A_20 = vector.extract_strided_slice %dot_general3A_13 {offsets = [0, 768], sizes = [64, 128], strides = [1, 1]} : vector<64x2048xf32> to vector<64x128xf32>
    %slice3A_21 = vector.extract_strided_slice %dot_general3A_13 {offsets = [0, 896], sizes = [64, 128], strides = [1, 1]} : vector<64x2048xf32> to vector<64x128xf32>
    %slice3A_22 = vector.extract_strided_slice %dot_general3A_13 {offsets = [0, 1024], sizes = [64, 128], strides = [1, 1]} : vector<64x2048xf32> to vector<64x128xf32>
    %slice3A_23 = vector.extract_strided_slice %dot_general3A_13 {offsets = [0, 1152], sizes = [64, 128], strides = [1, 1]} : vector<64x2048xf32> to vector<64x128xf32>
    %slice3A_24 = vector.extract_strided_slice %dot_general3A_13 {offsets = [0, 1280], sizes = [64, 128], strides = [1, 1]} : vector<64x2048xf32> to vector<64x128xf32>
    %slice3A_25 = vector.extract_strided_slice %dot_general3A_13 {offsets = [0, 1408], sizes = [64, 128], strides = [1, 1]} : vector<64x2048xf32> to vector<64x128xf32>
    %slice3A_26 = vector.extract_strided_slice %dot_general3A_13 {offsets = [0, 1536], sizes = [64, 128], strides = [1, 1]} : vector<64x2048xf32> to vector<64x128xf32>
    %slice3A_27 = vector.extract_strided_slice %dot_general3A_13 {offsets = [0, 1664], sizes = [64, 128], strides = [1, 1]} : vector<64x2048xf32> to vector<64x128xf32>
    %slice3A_28 = vector.extract_strided_slice %dot_general3A_13 {offsets = [0, 1792], sizes = [64, 128], strides = [1, 1]} : vector<64x2048xf32> to vector<64x128xf32>
    %slice3A_29 = vector.extract_strided_slice %dot_general3A_13 {offsets = [0, 1920], sizes = [64, 128], strides = [1, 1]} : vector<64x2048xf32> to vector<64x128xf32>
    %stack3A = vector.shape_cast %slice3A_14 : vector<64x128xf32> to vector<1x64x128xf32>
    %stack3A_30 = vector.shape_cast %slice3A_15 : vector<64x128xf32> to vector<1x64x128xf32>
    %stack3A_31 = vector.shape_cast %slice3A_16 : vector<64x128xf32> to vector<1x64x128xf32>
    %stack3A_32 = vector.shape_cast %slice3A_17 : vector<64x128xf32> to vector<1x64x128xf32>
    %stack3A_33 = vector.shape_cast %slice3A_18 : vector<64x128xf32> to vector<1x64x128xf32>
    %stack3A_34 = vector.shape_cast %slice3A_19 : vector<64x128xf32> to vector<1x64x128xf32>
    %stack3A_35 = vector.shape_cast %slice3A_20 : vector<64x128xf32> to vector<1x64x128xf32>
    %stack3A_36 = vector.shape_cast %slice3A_21 : vector<64x128xf32> to vector<1x64x128xf32>
    %stack3A_37 = vector.shape_cast %slice3A_22 : vector<64x128xf32> to vector<1x64x128xf32>
    %stack3A_38 = vector.shape_cast %slice3A_23 : vector<64x128xf32> to vector<1x64x128xf32>
    %stack3A_39 = vector.shape_cast %slice3A_24 : vector<64x128xf32> to vector<1x64x128xf32>
    %stack3A_40 = vector.shape_cast %slice3A_25 : vector<64x128xf32> to vector<1x64x128xf32>
    %stack3A_41 = vector.shape_cast %slice3A_26 : vector<64x128xf32> to vector<1x64x128xf32>
    %stack3A_42 = vector.shape_cast %slice3A_27 : vector<64x128xf32> to vector<1x64x128xf32>
    %stack3A_43 = vector.shape_cast %slice3A_28 : vector<64x128xf32> to vector<1x64x128xf32>
    %stack3A_44 = vector.shape_cast %slice3A_29 : vector<64x128xf32> to vector<1x64x128xf32>
    %stack3A_45 = tpu.concatenate %stack3A, %stack3A_30, %stack3A_31, %stack3A_32, %stack3A_33, %stack3A_34, %stack3A_35, %stack3A_36, %stack3A_37, %stack3A_38, %stack3A_39, %stack3A_40, %stack3A_41, %stack3A_42, %stack3A_43, %stack3A_44 in 0 : vector<1x64x128xf32>, vector<1x64x128xf32>, vector<1x64x128xf32>, vector<1x64x128xf32>, vector<1x64x128xf32>, vector<1x64x128xf32>, vector<1x64x128xf32>, vector<1x64x128xf32>, vector<1x64x128xf32>, vector<1x64x128xf32>, vector<1x64x128xf32>, vector<1x64x128xf32>, vector<1x64x128xf32>, vector<1x64x128xf32>, vector<1x64x128xf32>, vector<1x64x128xf32> -> vector<16x64x128xf32>
    %swap3A_46 = arith.constant 0 : index
    %swap3A_47 = arith.constant 0 : index
    %swap3A_48 = arith.constant 0 : index
    %swap3A_49 = vector.load %arg5[%swap3A_46, %swap3A_47, %swap3A_48] : memref<16x64x128xf32, #tpu.memory_space<vmem>>, vector<16x64x128xf32>
    tpu.vector_store %arg5[%swap3A_46, %swap3A_47, %swap3A_48], %stack3A_45 {strides = array<i32>} : memref<16x64x128xf32, #tpu.memory_space<vmem>>, vector<16x64x128xf32>,
    return
  }
  func.func @transform_0(%arg0: i32) -> (i32, i32) {
    %add3A = arith.constant 4 : i32
    %add3A_0 = arith.addi %add3A, %arg0 : i32
    %c0_i32 = arith.constant 0 : i32
    %c0_i32_1 = arith.constant 0 : i32
    return %add3A_0, %c0_i32 : i32, i32
  }
  func.func @transform_1(%arg0: i32) -> (i32, i32) {
    %c0_i32 = arith.constant 0 : i32
    %c0_i32_0 = arith.constant 0 : i32
    %c0_i32_1 = arith.constant 0 : i32
    return %c0_i32, %c0_i32_0 : i32, i32
  }
  func.func @transform_2(%arg0: i32) -> (i32, i32) {
    %c0_i32 = arith.constant 0 : i32
    %c0_i32_0 = arith.constant 0 : i32
    %c0_i32_1 = arith.constant 0 : i32
    return %c0_i32, %c0_i32_0 : i32, i32
  }
  func.func @transform_3(%arg0: i32) -> (i32, i32) {
    %c0_i32 = arith.constant 0 : i32
    %c0_i32_0 = arith.constant 0 : i32
    return %arg0, %c0_i32 : i32, i32
  }
  func.func @transform_4(%arg0: i32) -> (i32, i32, i32) {
    %c0_i32 = arith.constant 0 : i32
    %c0_i32_0 = arith.constant 0 : i32
    %c0_i32_1 = arith.constant 0 : i32
    return %arg0, %c0_i32, %c0_i32_0 : i32, i32, i32
  }
}

module attributes {stable_mosaic.version = 14 : i64} {
  func.func @_tc1_body(%arg0: i32, %arg1: memref<2048x1024xf32, #tpu.memory_space<vmem>>, %arg2: memref<1024x80xf32, #tpu.memory_space<vmem>>, %arg3: memref<64x16xf32, #tpu.memory_space<vmem>>, %arg4: memref<2048x64xf32, #tpu.memory_space<vmem>>, %arg5: memref<16x64x128xf32, #tpu.memory_space<vmem>>) attributes {dimension_semantics = [#tpu.dimension_semantics<arbitrary>], iteration_bounds = array<i64: 2>, scalar_prefetch = 0 : i64, scratch_operands = 0 : i64, tpu.core_type = #tpu.core_type<tc>, window_params = [{transform_indices = @transform_0, window_bounds = array<i64: 2048, 1024>}, {pipeline_mode = #tpu.pipeline_mode<synchronous>, transform_indices = @transform_1, window_bounds = array<i64: 1024, 80>}, {pipeline_mode = #tpu.pipeline_mode<synchronous>, transform_indices = @transform_2, window_bounds = array<i64: 64, 16>}, {transform_indices = @transform_3, window_bounds = array<i64: 2048, 64>}, {transform_indices = @transform_4, window_bounds = array<i64: 16, 64, 128>}]} {
    %get3A = arith.constant 0 : index
    %get3A_0 = arith.constant 0 : index
    %get3A_1 = vector.load %arg1[%get3A, %get3A_0] : memref<2048x1024xf32, #tpu.memory_space<vmem>>, vector<2048x1024xf32>
    %get3A_2 = arith.constant 0 : index
    %get3A_3 = arith.constant 0 : index
    %get3A_4 = vector.load %arg2[%get3A_2, %get3A_3] : memref<1024x80xf32, #tpu.memory_space<vmem>>, vector<1024x80xf32>
    %dot_general3A = arith.constant dense<0.000000e+00> : vector<2048x80xf32>
    %dot_general3A_5 = tpu.matmul %get3A_1, %get3A_4, %dot_general3A {dimension_numbers = #tpu.dot_dimension_numbers<[1], [0], [0], [1], [0, 0, 1, 1], [], []>, transpose_lhs_hint = false} : vector<2048x1024xf32>, vector<1024x80xf32>, vector<2048x80xf32> -> vector<2048x80xf32>
    %slice3A = vector.extract_strided_slice %dot_general3A_5 {offsets = [0, 0], sizes = [2048, 64], strides = [1, 1]} : vector<2048x80xf32> to vector<2048x64xf32>
    %swap3A = arith.constant 0 : index
    %swap3A_6 = arith.constant 0 : index
    %swap3A_7 = vector.load %arg4[%swap3A, %swap3A_6] : memref<2048x64xf32, #tpu.memory_space<vmem>>, vector<2048x64xf32>
    tpu.vector_store %arg4[%swap3A, %swap3A_6], %slice3A {strides = array<i32>} : memref<2048x64xf32, #tpu.memory_space<vmem>>, vector<2048x64xf32>,
    %slice3A_8 = vector.extract_strided_slice %dot_general3A_5 {offsets = [0, 64], sizes = [2048, 16], strides = [1, 1]} : vector<2048x80xf32> to vector<2048x16xf32>
    %get3A_9 = arith.constant 0 : index
    %get3A_10 = arith.constant 0 : index
    %get3A_11 = vector.load %arg3[%get3A_9, %get3A_10] : memref<64x16xf32, #tpu.memory_space<vmem>>, vector<64x16xf32>
    %transpose3A = tpu.transpose %slice3A_8, [1, 0] : vector<2048x16xf32> -> vector<16x2048xf32>
    %dot_general3A_12 = arith.constant dense<0.000000e+00> : vector<64x2048xf32>
    %dot_general3A_13 = tpu.matmul %get3A_11, %transpose3A, %dot_general3A_12 {dimension_numbers = #tpu.dot_dimension_numbers<[1], [0], [0], [1], [0, 0, 1, 1], [], []>, transpose_lhs_hint = false} : vector<64x16xf32>, vector<16x2048xf32>, vector<64x2048xf32> -> vector<64x2048xf32>
    %slice3A_14 = vector.extract_strided_slice %dot_general3A_13 {offsets = [0, 0], sizes = [64, 128], strides = [1, 1]} : vector<64x2048xf32> to vector<64x128xf32>
    %slice3A_15 = vector.extract_strided_slice %dot_general3A_13 {offsets = [0, 128], sizes = [64, 128], strides = [1, 1]} : vector<64x2048xf32> to vector<64x128xf32>
    %slice3A_16 = vector.extract_strided_slice %dot_general3A_13 {offsets = [0, 256], sizes = [64, 128], strides = [1, 1]} : vector<64x2048xf32> to vector<64x128xf32>
    %slice3A_17 = vector.extract_strided_slice %dot_general3A_13 {offsets = [0, 384], sizes = [64, 128], strides = [1, 1]} : vector<64x2048xf32> to vector<64x128xf32>
    %slice3A_18 = vector.extract_strided_slice %dot_general3A_13 {offsets = [0, 512], sizes = [64, 128], strides = [1, 1]} : vector<64x2048xf32> to vector<64x128xf32>
    %slice3A_19 = vector.extract_strided_slice %dot_general3A_13 {offsets = [0, 640], sizes = [64, 128], strides = [1, 1]} : vector<64x2048xf32> to vector<64x128xf32>
    %slice3A_20 = vector.extract_strided_slice %dot_general3A_13 {offsets = [0, 768], sizes = [64, 128], strides = [1, 1]} : vector<64x2048xf32> to vector<64x128xf32>
    %slice3A_21 = vector.extract_strided_slice %dot_general3A_13 {offsets = [0, 896], sizes = [64, 128], strides = [1, 1]} : vector<64x2048xf32> to vector<64x128xf32>
    %slice3A_22 = vector.extract_strided_slice %dot_general3A_13 {offsets = [0, 1024], sizes = [64, 128], strides = [1, 1]} : vector<64x2048xf32> to vector<64x128xf32>
    %slice3A_23 = vector.extract_strided_slice %dot_general3A_13 {offsets = [0, 1152], sizes = [64, 128], strides = [1, 1]} : vector<64x2048xf32> to vector<64x128xf32>
    %slice3A_24 = vector.extract_strided_slice %dot_general3A_13 {offsets = [0, 1280], sizes = [64, 128], strides = [1, 1]} : vector<64x2048xf32> to vector<64x128xf32>
    %slice3A_25 = vector.extract_strided_slice %dot_general3A_13 {offsets = [0, 1408], sizes = [64, 128], strides = [1, 1]} : vector<64x2048xf32> to vector<64x128xf32>
    %slice3A_26 = vector.extract_strided_slice %dot_general3A_13 {offsets = [0, 1536], sizes = [64, 128], strides = [1, 1]} : vector<64x2048xf32> to vector<64x128xf32>
    %slice3A_27 = vector.extract_strided_slice %dot_general3A_13 {offsets = [0, 1664], sizes = [64, 128], strides = [1, 1]} : vector<64x2048xf32> to vector<64x128xf32>
    %slice3A_28 = vector.extract_strided_slice %dot_general3A_13 {offsets = [0, 1792], sizes = [64, 128], strides = [1, 1]} : vector<64x2048xf32> to vector<64x128xf32>
    %slice3A_29 = vector.extract_strided_slice %dot_general3A_13 {offsets = [0, 1920], sizes = [64, 128], strides = [1, 1]} : vector<64x2048xf32> to vector<64x128xf32>
    %stack3A = vector.shape_cast %slice3A_14 : vector<64x128xf32> to vector<1x64x128xf32>
    %stack3A_30 = vector.shape_cast %slice3A_15 : vector<64x128xf32> to vector<1x64x128xf32>
    %stack3A_31 = vector.shape_cast %slice3A_16 : vector<64x128xf32> to vector<1x64x128xf32>
    %stack3A_32 = vector.shape_cast %slice3A_17 : vector<64x128xf32> to vector<1x64x128xf32>
    %stack3A_33 = vector.shape_cast %slice3A_18 : vector<64x128xf32> to vector<1x64x128xf32>
    %stack3A_34 = vector.shape_cast %slice3A_19 : vector<64x128xf32> to vector<1x64x128xf32>
    %stack3A_35 = vector.shape_cast %slice3A_20 : vector<64x128xf32> to vector<1x64x128xf32>
    %stack3A_36 = vector.shape_cast %slice3A_21 : vector<64x128xf32> to vector<1x64x128xf32>
    %stack3A_37 = vector.shape_cast %slice3A_22 : vector<64x128xf32> to vector<1x64x128xf32>
    %stack3A_38 = vector.shape_cast %slice3A_23 : vector<64x128xf32> to vector<1x64x128xf32>
    %stack3A_39 = vector.shape_cast %slice3A_24 : vector<64x128xf32> to vector<1x64x128xf32>
    %stack3A_40 = vector.shape_cast %slice3A_25 : vector<64x128xf32> to vector<1x64x128xf32>
    %stack3A_41 = vector.shape_cast %slice3A_26 : vector<64x128xf32> to vector<1x64x128xf32>
    %stack3A_42 = vector.shape_cast %slice3A_27 : vector<64x128xf32> to vector<1x64x128xf32>
    %stack3A_43 = vector.shape_cast %slice3A_28 : vector<64x128xf32> to vector<1x64x128xf32>
    %stack3A_44 = vector.shape_cast %slice3A_29 : vector<64x128xf32> to vector<1x64x128xf32>
    %stack3A_45 = tpu.concatenate %stack3A, %stack3A_30, %stack3A_31, %stack3A_32, %stack3A_33, %stack3A_34, %stack3A_35, %stack3A_36, %stack3A_37, %stack3A_38, %stack3A_39, %stack3A_40, %stack3A_41, %stack3A_42, %stack3A_43, %stack3A_44 in 0 : vector<1x64x128xf32>, vector<1x64x128xf32>, vector<1x64x128xf32>, vector<1x64x128xf32>, vector<1x64x128xf32>, vector<1x64x128xf32>, vector<1x64x128xf32>, vector<1x64x128xf32>, vector<1x64x128xf32>, vector<1x64x128xf32>, vector<1x64x128xf32>, vector<1x64x128xf32>, vector<1x64x128xf32>, vector<1x64x128xf32>, vector<1x64x128xf32>, vector<1x64x128xf32> -> vector<16x64x128xf32>
    %swap3A_46 = arith.constant 0 : index
    %swap3A_47 = arith.constant 0 : index
    %swap3A_48 = arith.constant 0 : index
    %swap3A_49 = vector.load %arg5[%swap3A_46, %swap3A_47, %swap3A_48] : memref<16x64x128xf32, #tpu.memory_space<vmem>>, vector<16x64x128xf32>
    tpu.vector_store %arg5[%swap3A_46, %swap3A_47, %swap3A_48], %stack3A_45 {strides = array<i32>} : memref<16x64x128xf32, #tpu.memory_space<vmem>>, vector<16x64x128xf32>,
    return
  }
  func.func @transform_0(%arg0: i32) -> (i32, i32) {
    %add3A = arith.constant 2 : i32
    %add3A_0 = arith.addi %add3A, %arg0 : i32
    %c0_i32 = arith.constant 0 : i32
    %c0_i32_1 = arith.constant 0 : i32
    return %add3A_0, %c0_i32 : i32, i32
  }
  func.func @transform_1(%arg0: i32) -> (i32, i32) {
    %c0_i32 = arith.constant 0 : i32
    %c0_i32_0 = arith.constant 0 : i32
    %c0_i32_1 = arith.constant 0 : i32
    return %c0_i32, %c0_i32_0 : i32, i32
  }
  func.func @transform_2(%arg0: i32) -> (i32, i32) {
    %c0_i32 = arith.constant 0 : i32
    %c0_i32_0 = arith.constant 0 : i32
    %c0_i32_1 = arith.constant 0 : i32
    return %c0_i32, %c0_i32_0 : i32, i32
  }
  func.func @transform_3(%arg0: i32) -> (i32, i32) {
    %c0_i32 = arith.constant 0 : i32
    %c0_i32_0 = arith.constant 0 : i32
    return %arg0, %c0_i32 : i32, i32
  }
  func.func @transform_4(%arg0: i32) -> (i32, i32, i32) {
    %c0_i32 = arith.constant 0 : i32
    %c0_i32_0 = arith.constant 0 : i32
    %c0_i32_1 = arith.constant 0 : i32
    return %arg0, %c0_i32, %c0_i32_0 : i32, i32, i32
  }
}

module attributes {stable_mosaic.version = 14 : i64} {
  func.func @_tc1_body(%arg0: i32, %arg1: memref<2048x1024xf32, #tpu.memory_space<vmem>>, %arg2: memref<1024x80xf32, #tpu.memory_space<vmem>>, %arg3: memref<64x16xf32, #tpu.memory_space<vmem>>, %arg4: memref<2048x64xf32, #tpu.memory_space<vmem>>, %arg5: memref<16x64x128xf32, #tpu.memory_space<vmem>>) attributes {dimension_semantics = [#tpu.dimension_semantics<arbitrary>], iteration_bounds = array<i64: 2>, scalar_prefetch = 0 : i64, scratch_operands = 0 : i64, tpu.core_type = #tpu.core_type<tc>, window_params = [{transform_indices = @transform_0, window_bounds = array<i64: 2048, 1024>}, {pipeline_mode = #tpu.pipeline_mode<synchronous>, transform_indices = @transform_1, window_bounds = array<i64: 1024, 80>}, {pipeline_mode = #tpu.pipeline_mode<synchronous>, transform_indices = @transform_2, window_bounds = array<i64: 64, 16>}, {transform_indices = @transform_3, window_bounds = array<i64: 2048, 64>}, {transform_indices = @transform_4, window_bounds = array<i64: 16, 64, 128>}]} {
    %get3A = arith.constant 0 : index
    %get3A_0 = arith.constant 0 : index
    %get3A_1 = vector.load %arg1[%get3A, %get3A_0] : memref<2048x1024xf32, #tpu.memory_space<vmem>>, vector<2048x1024xf32>
    %get3A_2 = arith.constant 0 : index
    %get3A_3 = arith.constant 0 : index
    %get3A_4 = vector.load %arg2[%get3A_2, %get3A_3] : memref<1024x80xf32, #tpu.memory_space<vmem>>, vector<1024x80xf32>
    %dot_general3A = arith.constant dense<0.000000e+00> : vector<2048x80xf32>
    %dot_general3A_5 = tpu.matmul %get3A_1, %get3A_4, %dot_general3A {dimension_numbers = #tpu.dot_dimension_numbers<[1], [0], [0], [1], [0, 0, 1, 1], [], []>, transpose_lhs_hint = false} : vector<2048x1024xf32>, vector<1024x80xf32>, vector<2048x80xf32> -> vector<2048x80xf32>
    %slice3A = vector.extract_strided_slice %dot_general3A_5 {offsets = [0, 0], sizes = [2048, 64], strides = [1, 1]} : vector<2048x80xf32> to vector<2048x64xf32>
    %swap3A = arith.constant 0 : index
    %swap3A_6 = arith.constant 0 : index
    %swap3A_7 = vector.load %arg4[%swap3A, %swap3A_6] : memref<2048x64xf32, #tpu.memory_space<vmem>>, vector<2048x64xf32>
    tpu.vector_store %arg4[%swap3A, %swap3A_6], %slice3A {strides = array<i32>} : memref<2048x64xf32, #tpu.memory_space<vmem>>, vector<2048x64xf32>,
    %slice3A_8 = vector.extract_strided_slice %dot_general3A_5 {offsets = [0, 64], sizes = [2048, 16], strides = [1, 1]} : vector<2048x80xf32> to vector<2048x16xf32>
    %get3A_9 = arith.constant 0 : index
    %get3A_10 = arith.constant 0 : index
    %get3A_11 = vector.load %arg3[%get3A_9, %get3A_10] : memref<64x16xf32, #tpu.memory_space<vmem>>, vector<64x16xf32>
    %transpose3A = tpu.transpose %slice3A_8, [1, 0] : vector<2048x16xf32> -> vector<16x2048xf32>
    %dot_general3A_12 = arith.constant dense<0.000000e+00> : vector<64x2048xf32>
    %dot_general3A_13 = tpu.matmul %get3A_11, %transpose3A, %dot_general3A_12 {dimension_numbers = #tpu.dot_dimension_numbers<[1], [0], [0], [1], [0, 0, 1, 1], [], []>, transpose_lhs_hint = false} : vector<64x16xf32>, vector<16x2048xf32>, vector<64x2048xf32> -> vector<64x2048xf32>
    %slice3A_14 = vector.extract_strided_slice %dot_general3A_13 {offsets = [0, 0], sizes = [64, 128], strides = [1, 1]} : vector<64x2048xf32> to vector<64x128xf32>
    %slice3A_15 = vector.extract_strided_slice %dot_general3A_13 {offsets = [0, 128], sizes = [64, 128], strides = [1, 1]} : vector<64x2048xf32> to vector<64x128xf32>
    %slice3A_16 = vector.extract_strided_slice %dot_general3A_13 {offsets = [0, 256], sizes = [64, 128], strides = [1, 1]} : vector<64x2048xf32> to vector<64x128xf32>
    %slice3A_17 = vector.extract_strided_slice %dot_general3A_13 {offsets = [0, 384], sizes = [64, 128], strides = [1, 1]} : vector<64x2048xf32> to vector<64x128xf32>
    %slice3A_18 = vector.extract_strided_slice %dot_general3A_13 {offsets = [0, 512], sizes = [64, 128], strides = [1, 1]} : vector<64x2048xf32> to vector<64x128xf32>
    %slice3A_19 = vector.extract_strided_slice %dot_general3A_13 {offsets = [0, 640], sizes = [64, 128], strides = [1, 1]} : vector<64x2048xf32> to vector<64x128xf32>
    %slice3A_20 = vector.extract_strided_slice %dot_general3A_13 {offsets = [0, 768], sizes = [64, 128], strides = [1, 1]} : vector<64x2048xf32> to vector<64x128xf32>
    %slice3A_21 = vector.extract_strided_slice %dot_general3A_13 {offsets = [0, 896], sizes = [64, 128], strides = [1, 1]} : vector<64x2048xf32> to vector<64x128xf32>
    %slice3A_22 = vector.extract_strided_slice %dot_general3A_13 {offsets = [0, 1024], sizes = [64, 128], strides = [1, 1]} : vector<64x2048xf32> to vector<64x128xf32>
    %slice3A_23 = vector.extract_strided_slice %dot_general3A_13 {offsets = [0, 1152], sizes = [64, 128], strides = [1, 1]} : vector<64x2048xf32> to vector<64x128xf32>
    %slice3A_24 = vector.extract_strided_slice %dot_general3A_13 {offsets = [0, 1280], sizes = [64, 128], strides = [1, 1]} : vector<64x2048xf32> to vector<64x128xf32>
    %slice3A_25 = vector.extract_strided_slice %dot_general3A_13 {offsets = [0, 1408], sizes = [64, 128], strides = [1, 1]} : vector<64x2048xf32> to vector<64x128xf32>
    %slice3A_26 = vector.extract_strided_slice %dot_general3A_13 {offsets = [0, 1536], sizes = [64, 128], strides = [1, 1]} : vector<64x2048xf32> to vector<64x128xf32>
    %slice3A_27 = vector.extract_strided_slice %dot_general3A_13 {offsets = [0, 1664], sizes = [64, 128], strides = [1, 1]} : vector<64x2048xf32> to vector<64x128xf32>
    %slice3A_28 = vector.extract_strided_slice %dot_general3A_13 {offsets = [0, 1792], sizes = [64, 128], strides = [1, 1]} : vector<64x2048xf32> to vector<64x128xf32>
    %slice3A_29 = vector.extract_strided_slice %dot_general3A_13 {offsets = [0, 1920], sizes = [64, 128], strides = [1, 1]} : vector<64x2048xf32> to vector<64x128xf32>
    %stack3A = vector.shape_cast %slice3A_14 : vector<64x128xf32> to vector<1x64x128xf32>
    %stack3A_30 = vector.shape_cast %slice3A_15 : vector<64x128xf32> to vector<1x64x128xf32>
    %stack3A_31 = vector.shape_cast %slice3A_16 : vector<64x128xf32> to vector<1x64x128xf32>
    %stack3A_32 = vector.shape_cast %slice3A_17 : vector<64x128xf32> to vector<1x64x128xf32>
    %stack3A_33 = vector.shape_cast %slice3A_18 : vector<64x128xf32> to vector<1x64x128xf32>
    %stack3A_34 = vector.shape_cast %slice3A_19 : vector<64x128xf32> to vector<1x64x128xf32>
    %stack3A_35 = vector.shape_cast %slice3A_20 : vector<64x128xf32> to vector<1x64x128xf32>
    %stack3A_36 = vector.shape_cast %slice3A_21 : vector<64x128xf32> to vector<1x64x128xf32>
    %stack3A_37 = vector.shape_cast %slice3A_22 : vector<64x128xf32> to vector<1x64x128xf32>
    %stack3A_38 = vector.shape_cast %slice3A_23 : vector<64x128xf32> to vector<1x64x128xf32>
    %stack3A_39 = vector.shape_cast %slice3A_24 : vector<64x128xf32> to vector<1x64x128xf32>
    %stack3A_40 = vector.shape_cast %slice3A_25 : vector<64x128xf32> to vector<1x64x128xf32>
    %stack3A_41 = vector.shape_cast %slice3A_26 : vector<64x128xf32> to vector<1x64x128xf32>
    %stack3A_42 = vector.shape_cast %slice3A_27 : vector<64x128xf32> to vector<1x64x128xf32>
    %stack3A_43 = vector.shape_cast %slice3A_28 : vector<64x128xf32> to vector<1x64x128xf32>
    %stack3A_44 = vector.shape_cast %slice3A_29 : vector<64x128xf32> to vector<1x64x128xf32>
    %stack3A_45 = tpu.concatenate %stack3A, %stack3A_30, %stack3A_31, %stack3A_32, %stack3A_33, %stack3A_34, %stack3A_35, %stack3A_36, %stack3A_37, %stack3A_38, %stack3A_39, %stack3A_40, %stack3A_41, %stack3A_42, %stack3A_43, %stack3A_44 in 0 : vector<1x64x128xf32>, vector<1x64x128xf32>, vector<1x64x128xf32>, vector<1x64x128xf32>, vector<1x64x128xf32>, vector<1x64x128xf32>, vector<1x64x128xf32>, vector<1x64x128xf32>, vector<1x64x128xf32>, vector<1x64x128xf32>, vector<1x64x128xf32>, vector<1x64x128xf32>, vector<1x64x128xf32>, vector<1x64x128xf32>, vector<1x64x128xf32>, vector<1x64x128xf32> -> vector<16x64x128xf32>
    %swap3A_46 = arith.constant 0 : index
    %swap3A_47 = arith.constant 0 : index
    %swap3A_48 = arith.constant 0 : index
    %swap3A_49 = vector.load %arg5[%swap3A_46, %swap3A_47, %swap3A_48] : memref<16x64x128xf32, #tpu.memory_space<vmem>>, vector<16x64x128xf32>
    tpu.vector_store %arg5[%swap3A_46, %swap3A_47, %swap3A_48], %stack3A_45 {strides = array<i32>} : memref<16x64x128xf32, #tpu.memory_space<vmem>>, vector<16x64x128xf32>,
    return
  }
  func.func @transform_0(%arg0: i32) -> (i32, i32) {
    %add3A = arith.constant 6 : i32
    %add3A_0 = arith.addi %add3A, %arg0 : i32
    %c0_i32 = arith.constant 0 : i32
    %c0_i32_1 = arith.constant 0 : i32
    return %add3A_0, %c0_i32 : i32, i32
  }
  func.func @transform_1(%arg0: i32) -> (i32, i32) {
    %c0_i32 = arith.constant 0 : i32
    %c0_i32_0 = arith.constant 0 : i32
    %c0_i32_1 = arith.constant 0 : i32
    return %c0_i32, %c0_i32_0 : i32, i32
  }
  func.func @transform_2(%arg0: i32) -> (i32, i32) {
    %c0_i32 = arith.constant 0 : i32
    %c0_i32_0 = arith.constant 0 : i32
    %c0_i32_1 = arith.constant 0 : i32
    return %c0_i32, %c0_i32_0 : i32, i32
  }
  func.func @transform_3(%arg0: i32) -> (i32, i32) {
    %c0_i32 = arith.constant 0 : i32
    %c0_i32_0 = arith.constant 0 : i32
    return %arg0, %c0_i32 : i32, i32
  }
  func.func @transform_4(%arg0: i32) -> (i32, i32, i32) {
    %c0_i32 = arith.constant 0 : i32
    %c0_i32_0 = arith.constant 0 : i32
    %c0_i32_1 = arith.constant 0 : i32
    return %arg0, %c0_i32, %c0_i32_0 : i32, i32, i32
  }
}

module attributes {stable_mosaic.version = 14 : i64} {
  func.func @_tc1_body(%arg0: i32, %arg1: memref<2048x1024xf32, #tpu.memory_space<vmem>>, %arg2: memref<1024x80xf32, #tpu.memory_space<vmem>>, %arg3: memref<64x16xf32, #tpu.memory_space<vmem>>, %arg4: memref<2048x64xf32, #tpu.memory_space<vmem>>, %arg5: memref<16x64x128xf32, #tpu.memory_space<vmem>>) attributes {dimension_semantics = [#tpu.dimension_semantics<arbitrary>], iteration_bounds = array<i64: 2>, scalar_prefetch = 0 : i64, scratch_operands = 0 : i64, tpu.core_type = #tpu.core_type<tc>, window_params = [{transform_indices = @transform_0, window_bounds = array<i64: 2048, 1024>}, {pipeline_mode = #tpu.pipeline_mode<synchronous>, transform_indices = @transform_1, window_bounds = array<i64: 1024, 80>}, {pipeline_mode = #tpu.pipeline_mode<synchronous>, transform_indices = @transform_2, window_bounds = array<i64: 64, 16>}, {transform_indices = @transform_3, window_bounds = array<i64: 2048, 64>}, {transform_indices = @transform_4, window_bounds = array<i64: 16, 64, 128>}]} {
    %get3A = arith.constant 0 : index
    %get3A_0 = arith.constant 0 : index
    %get3A_1 = vector.load %arg1[%get3A, %get3A_0] : memref<2048x1024xf32, #tpu.memory_space<vmem>>, vector<2048x1024xf32>
    %get3A_2 = arith.constant 0 : index
    %get3A_3 = arith.constant 0 : index
    %get3A_4 = vector.load %arg2[%get3A_2, %get3A_3] : memref<1024x80xf32, #tpu.memory_space<vmem>>, vector<1024x80xf32>
    %dot_general3A = arith.constant dense<0.000000e+00> : vector<2048x80xf32>
    %dot_general3A_5 = tpu.matmul %get3A_1, %get3A_4, %dot_general3A {dimension_numbers = #tpu.dot_dimension_numbers<[1], [0], [0], [1], [0, 0, 1, 1], [], []>, transpose_lhs_hint = false} : vector<2048x1024xf32>, vector<1024x80xf32>, vector<2048x80xf32> -> vector<2048x80xf32>
    %slice3A = vector.extract_strided_slice %dot_general3A_5 {offsets = [0, 0], sizes = [2048, 64], strides = [1, 1]} : vector<2048x80xf32> to vector<2048x64xf32>
    %swap3A = arith.constant 0 : index
    %swap3A_6 = arith.constant 0 : index
    %swap3A_7 = vector.load %arg4[%swap3A, %swap3A_6] : memref<2048x64xf32, #tpu.memory_space<vmem>>, vector<2048x64xf32>
    tpu.vector_store %arg4[%swap3A, %swap3A_6], %slice3A {strides = array<i32>} : memref<2048x64xf32, #tpu.memory_space<vmem>>, vector<2048x64xf32>,
    %slice3A_8 = vector.extract_strided_slice %dot_general3A_5 {offsets = [0, 64], sizes = [2048, 16], strides = [1, 1]} : vector<2048x80xf32> to vector<2048x16xf32>
    %get3A_9 = arith.constant 0 : index
    %get3A_10 = arith.constant 0 : index
    %get3A_11 = vector.load %arg3[%get3A_9, %get3A_10] : memref<64x16xf32, #tpu.memory_space<vmem>>, vector<64x16xf32>
    %transpose3A = tpu.transpose %slice3A_8, [1, 0] : vector<2048x16xf32> -> vector<16x2048xf32>
    %dot_general3A_12 = arith.constant dense<0.000000e+00> : vector<64x2048xf32>
    %dot_general3A_13 = tpu.matmul %get3A_11, %transpose3A, %dot_general3A_12 {dimension_numbers = #tpu.dot_dimension_numbers<[1], [0], [0], [1], [0, 0, 1, 1], [], []>, transpose_lhs_hint = false} : vector<64x16xf32>, vector<16x2048xf32>, vector<64x2048xf32> -> vector<64x2048xf32>
    %slice3A_14 = vector.extract_strided_slice %dot_general3A_13 {offsets = [0, 0], sizes = [64, 128], strides = [1, 1]} : vector<64x2048xf32> to vector<64x128xf32>
    %slice3A_15 = vector.extract_strided_slice %dot_general3A_13 {offsets = [0, 128], sizes = [64, 128], strides = [1, 1]} : vector<64x2048xf32> to vector<64x128xf32>
    %slice3A_16 = vector.extract_strided_slice %dot_general3A_13 {offsets = [0, 256], sizes = [64, 128], strides = [1, 1]} : vector<64x2048xf32> to vector<64x128xf32>
    %slice3A_17 = vector.extract_strided_slice %dot_general3A_13 {offsets = [0, 384], sizes = [64, 128], strides = [1, 1]} : vector<64x2048xf32> to vector<64x128xf32>
    %slice3A_18 = vector.extract_strided_slice %dot_general3A_13 {offsets = [0, 512], sizes = [64, 128], strides = [1, 1]} : vector<64x2048xf32> to vector<64x128xf32>
    %slice3A_19 = vector.extract_strided_slice %dot_general3A_13 {offsets = [0, 640], sizes = [64, 128], strides = [1, 1]} : vector<64x2048xf32> to vector<64x128xf32>
    %slice3A_20 = vector.extract_strided_slice %dot_general3A_13 {offsets = [0, 768], sizes = [64, 128], strides = [1, 1]} : vector<64x2048xf32> to vector<64x128xf32>
    %slice3A_21 = vector.extract_strided_slice %dot_general3A_13 {offsets = [0, 896], sizes = [64, 128], strides = [1, 1]} : vector<64x2048xf32> to vector<64x128xf32>
    %slice3A_22 = vector.extract_strided_slice %dot_general3A_13 {offsets = [0, 1024], sizes = [64, 128], strides = [1, 1]} : vector<64x2048xf32> to vector<64x128xf32>
    %slice3A_23 = vector.extract_strided_slice %dot_general3A_13 {offsets = [0, 1152], sizes = [64, 128], strides = [1, 1]} : vector<64x2048xf32> to vector<64x128xf32>
    %slice3A_24 = vector.extract_strided_slice %dot_general3A_13 {offsets = [0, 1280], sizes = [64, 128], strides = [1, 1]} : vector<64x2048xf32> to vector<64x128xf32>
    %slice3A_25 = vector.extract_strided_slice %dot_general3A_13 {offsets = [0, 1408], sizes = [64, 128], strides = [1, 1]} : vector<64x2048xf32> to vector<64x128xf32>
    %slice3A_26 = vector.extract_strided_slice %dot_general3A_13 {offsets = [0, 1536], sizes = [64, 128], strides = [1, 1]} : vector<64x2048xf32> to vector<64x128xf32>
    %slice3A_27 = vector.extract_strided_slice %dot_general3A_13 {offsets = [0, 1664], sizes = [64, 128], strides = [1, 1]} : vector<64x2048xf32> to vector<64x128xf32>
    %slice3A_28 = vector.extract_strided_slice %dot_general3A_13 {offsets = [0, 1792], sizes = [64, 128], strides = [1, 1]} : vector<64x2048xf32> to vector<64x128xf32>
    %slice3A_29 = vector.extract_strided_slice %dot_general3A_13 {offsets = [0, 1920], sizes = [64, 128], strides = [1, 1]} : vector<64x2048xf32> to vector<64x128xf32>
    %stack3A = vector.shape_cast %slice3A_14 : vector<64x128xf32> to vector<1x64x128xf32>
    %stack3A_30 = vector.shape_cast %slice3A_15 : vector<64x128xf32> to vector<1x64x128xf32>
    %stack3A_31 = vector.shape_cast %slice3A_16 : vector<64x128xf32> to vector<1x64x128xf32>
    %stack3A_32 = vector.shape_cast %slice3A_17 : vector<64x128xf32> to vector<1x64x128xf32>
    %stack3A_33 = vector.shape_cast %slice3A_18 : vector<64x128xf32> to vector<1x64x128xf32>
    %stack3A_34 = vector.shape_cast %slice3A_19 : vector<64x128xf32> to vector<1x64x128xf32>
    %stack3A_35 = vector.shape_cast %slice3A_20 : vector<64x128xf32> to vector<1x64x128xf32>
    %stack3A_36 = vector.shape_cast %slice3A_21 : vector<64x128xf32> to vector<1x64x128xf32>
    %stack3A_37 = vector.shape_cast %slice3A_22 : vector<64x128xf32> to vector<1x64x128xf32>
    %stack3A_38 = vector.shape_cast %slice3A_23 : vector<64x128xf32> to vector<1x64x128xf32>
    %stack3A_39 = vector.shape_cast %slice3A_24 : vector<64x128xf32> to vector<1x64x128xf32>
    %stack3A_40 = vector.shape_cast %slice3A_25 : vector<64x128xf32> to vector<1x64x128xf32>
    %stack3A_41 = vector.shape_cast %slice3A_26 : vector<64x128xf32> to vector<1x64x128xf32>
    %stack3A_42 = vector.shape_cast %slice3A_27 : vector<64x128xf32> to vector<1x64x128xf32>
    %stack3A_43 = vector.shape_cast %slice3A_28 : vector<64x128xf32> to vector<1x64x128xf32>
    %stack3A_44 = vector.shape_cast %slice3A_29 : vector<64x128xf32> to vector<1x64x128xf32>
    %stack3A_45 = tpu.concatenate %stack3A, %stack3A_30, %stack3A_31, %stack3A_32, %stack3A_33, %stack3A_34, %stack3A_35, %stack3A_36, %stack3A_37, %stack3A_38, %stack3A_39, %stack3A_40, %stack3A_41, %stack3A_42, %stack3A_43, %stack3A_44 in 0 : vector<1x64x128xf32>, vector<1x64x128xf32>, vector<1x64x128xf32>, vector<1x64x128xf32>, vector<1x64x128xf32>, vector<1x64x128xf32>, vector<1x64x128xf32>, vector<1x64x128xf32>, vector<1x64x128xf32>, vector<1x64x128xf32>, vector<1x64x128xf32>, vector<1x64x128xf32>, vector<1x64x128xf32>, vector<1x64x128xf32>, vector<1x64x128xf32>, vector<1x64x128xf32> -> vector<16x64x128xf32>
    %swap3A_46 = arith.constant 0 : index
    %swap3A_47 = arith.constant 0 : index
    %swap3A_48 = arith.constant 0 : index
    %swap3A_49 = vector.load %arg5[%swap3A_46, %swap3A_47, %swap3A_48] : memref<16x64x128xf32, #tpu.memory_space<vmem>>, vector<16x64x128xf32>
    tpu.vector_store %arg5[%swap3A_46, %swap3A_47, %swap3A_48], %stack3A_45 {strides = array<i32>} : memref<16x64x128xf32, #tpu.memory_space<vmem>>, vector<16x64x128xf32>,
    return
  }
  func.func @transform_0(%arg0: i32) -> (i32, i32) {
    %add3A = arith.constant 0 : i32
    %add3A_0 = arith.addi %add3A, %arg0 : i32
    %c0_i32 = arith.constant 0 : i32
    %c0_i32_1 = arith.constant 0 : i32
    return %add3A_0, %c0_i32 : i32, i32
  }
  func.func @transform_1(%arg0: i32) -> (i32, i32) {
    %c0_i32 = arith.constant 0 : i32
    %c0_i32_0 = arith.constant 0 : i32
    %c0_i32_1 = arith.constant 0 : i32
    return %c0_i32, %c0_i32_0 : i32, i32
  }
  func.func @transform_2(%arg0: i32) -> (i32, i32) {
    %c0_i32 = arith.constant 0 : i32
    %c0_i32_0 = arith.constant 0 : i32
    %c0_i32_1 = arith.constant 0 : i32
    return %c0_i32, %c0_i32_0 : i32, i32
  }
  func.func @transform_3(%arg0: i32) -> (i32, i32) {
    %c0_i32 = arith.constant 0 : i32
    %c0_i32_0 = arith.constant 0 : i32
    return %arg0, %c0_i32 : i32, i32
  }
  func.func @transform_4(%arg0: i32) -> (i32, i32, i32) {
    %c0_i32 = arith.constant 0 : i32
    %c0_i32_0 = arith.constant 0 : i32
    %c0_i32_1 = arith.constant 0 : i32
    return %arg0, %c0_i32, %c0_i32_0 : i32, i32, i32
  }
}

module attributes {stable_mosaic.version = 14 : i64} {
  func.func @_tc2_body(%arg0: i32, %arg1: memref<2048x64xf32, #tpu.memory_space<vmem>>, %arg2: memref<16x8x128xf32, #tpu.memory_space<vmem>>, %arg3: memref<16x8x128xi32, #tpu.memory_space<vmem>>, %arg4: memref<64x1024xf32, #tpu.memory_space<vmem>>, %arg5: memref<2048x1024xf32, #tpu.memory_space<vmem>>) attributes {dimension_semantics = [#tpu.dimension_semantics<arbitrary>], iteration_bounds = array<i64: 8>, scalar_prefetch = 0 : i64, scratch_operands = 0 : i64, tpu.core_type = #tpu.core_type<tc>, window_params = [{transform_indices = @transform_0, window_bounds = array<i64: 2048, 64>}, {transform_indices = @transform_1, window_bounds = array<i64: 16, 8, 128>}, {transform_indices = @transform_2, window_bounds = array<i64: 16, 8, 128>}, {pipeline_mode = #tpu.pipeline_mode<synchronous>, transform_indices = @transform_3, window_bounds = array<i64: 64, 1024>}, {transform_indices = @transform_4, window_bounds = array<i64: 2048, 1024>}]} {
    %iota3A = tpu.iota {dimensions = array<i32: 0>} : vector<64x128xi32>
    %broadcast_in_dim3A = arith.constant 0.000000e+00 : f32
    %broadcast_in_dim3A_0 = vector.broadcast %broadcast_in_dim3A : f32 to vector<64x128xf32>
    %get3A = arith.constant 0 : index
    %get3A_1 = arith.constant 0 : index
    %get3A_2 = arith.constant 0 : index
    %get3A_3 = vector.load %arg3[%get3A, %get3A_1, %get3A_2] : memref<16x8x128xi32, #tpu.memory_space<vmem>>, vector<1x1x128xi32>
    %get3A_4 = vector.shape_cast %get3A_3 : vector<1x1x128xi32> to vector<128xi32>
    %reshape3A = vector.shape_cast %get3A_4 : vector<128xi32> to vector<1x128xi32>
    %get3A_5 = arith.constant 0 : index
    %get3A_6 = arith.constant 0 : index
    %get3A_7 = arith.constant 0 : index
    %get3A_8 = vector.load %arg2[%get3A_5, %get3A_6, %get3A_7] : memref<16x8x128xf32, #tpu.memory_space<vmem>>, vector<1x1x128xf32>
    %get3A_9 = vector.shape_cast %get3A_8 : vector<1x1x128xf32> to vector<128xf32>
    %reshape3A_10 = vector.shape_cast %get3A_9 : vector<128xf32> to vector<1x128xf32>
    %eq3A = vector.broadcast %reshape3A : vector<1x128xi32> to vector<64x128xi32>
    %eq3A_11 = arith.cmpi eq, %iota3A, %eq3A : vector<64x128xi32>
    %jit3A = arith.constant 0.000000e+00 : f32
    %broadcast_in_dim3A_12 = vector.shape_cast %reshape3A_10 : vector<1x128xf32> to vector<1x128xf32>
    %broadcast_in_dim3A_13 = vector.broadcast %broadcast_in_dim3A_12 : vector<1x128xf32> to vector<64x128xf32>
    %broadcast_in_dim3A_14 = vector.broadcast %jit3A : f32 to vector<64x128xf32>
    %select_n3A = arith.select %eq3A_11, %broadcast_in_dim3A_13, %broadcast_in_dim3A_14 : vector<64x128xi1>, vector<64x128xf32>
    %add3A = arith.addf %broadcast_in_dim3A_0, %select_n3A : vector<64x128xf32>
    %get3A_15 = arith.constant 0 : index
    %get3A_16 = arith.constant 1 : index
    %get3A_17 = arith.constant 0 : index
    %get3A_18 = vector.load %arg3[%get3A_15, %get3A_16, %get3A_17] : memref<16x8x128xi32, #tpu.memory_space<vmem>>, vector<1x1x128xi32>
    %get3A_19 = vector.shape_cast %get3A_18 : vector<1x1x128xi32> to vector<128xi32>
    %reshape3A_20 = vector.shape_cast %get3A_19 : vector<128xi32> to vector<1x128xi32>
    %get3A_21 = arith.constant 0 : index
    %get3A_22 = arith.constant 1 : index
    %get3A_23 = arith.constant 0 : index
    %get3A_24 = vector.load %arg2[%get3A_21, %get3A_22, %get3A_23] : memref<16x8x128xf32, #tpu.memory_space<vmem>>, vector<1x1x128xf32>
    %get3A_25 = vector.shape_cast %get3A_24 : vector<1x1x128xf32> to vector<128xf32>
    %reshape3A_26 = vector.shape_cast %get3A_25 : vector<128xf32> to vector<1x128xf32>
    %eq3A_27 = vector.broadcast %reshape3A_20 : vector<1x128xi32> to vector<64x128xi32>
    %eq3A_28 = arith.cmpi eq, %iota3A, %eq3A_27 : vector<64x128xi32>
    %jit3A_29 = arith.constant 0.000000e+00 : f32
    %broadcast_in_dim3A_30 = vector.shape_cast %reshape3A_26 : vector<1x128xf32> to vector<1x128xf32>
    %broadcast_in_dim3A_31 = vector.broadcast %broadcast_in_dim3A_30 : vector<1x128xf32> to vector<64x128xf32>
    %broadcast_in_dim3A_32 = vector.broadcast %jit3A_29 : f32 to vector<64x128xf32>
    %select_n3A_33 = arith.select %eq3A_28, %broadcast_in_dim3A_31, %broadcast_in_dim3A_32 : vector<64x128xi1>, vector<64x128xf32>
    %add3A_34 = arith.addf %add3A, %select_n3A_33 : vector<64x128xf32>
    %get3A_35 = arith.constant 0 : index
    %get3A_36 = arith.constant 2 : index
    %get3A_37 = arith.constant 0 : index
    %get3A_38 = vector.load %arg3[%get3A_35, %get3A_36, %get3A_37] : memref<16x8x128xi32, #tpu.memory_space<vmem>>, vector<1x1x128xi32>
    %get3A_39 = vector.shape_cast %get3A_38 : vector<1x1x128xi32> to vector<128xi32>
    %reshape3A_40 = vector.shape_cast %get3A_39 : vector<128xi32> to vector<1x128xi32>
    %get3A_41 = arith.constant 0 : index
    %get3A_42 = arith.constant 2 : index
    %get3A_43 = arith.constant 0 : index
    %get3A_44 = vector.load %arg2[%get3A_41, %get3A_42, %get3A_43] : memref<16x8x128xf32, #tpu.memory_space<vmem>>, vector<1x1x128xf32>
    %get3A_45 = vector.shape_cast %get3A_44 : vector<1x1x128xf32> to vector<128xf32>
    %reshape3A_46 = vector.shape_cast %get3A_45 : vector<128xf32> to vector<1x128xf32>
    %eq3A_47 = vector.broadcast %reshape3A_40 : vector<1x128xi32> to vector<64x128xi32>
    %eq3A_48 = arith.cmpi eq, %iota3A, %eq3A_47 : vector<64x128xi32>
    %jit3A_49 = arith.constant 0.000000e+00 : f32
    %broadcast_in_dim3A_50 = vector.shape_cast %reshape3A_46 : vector<1x128xf32> to vector<1x128xf32>
    %broadcast_in_dim3A_51 = vector.broadcast %broadcast_in_dim3A_50 : vector<1x128xf32> to vector<64x128xf32>
    %broadcast_in_dim3A_52 = vector.broadcast %jit3A_49 : f32 to vector<64x128xf32>
    %select_n3A_53 = arith.select %eq3A_48, %broadcast_in_dim3A_51, %broadcast_in_dim3A_52 : vector<64x128xi1>, vector<64x128xf32>
    %add3A_54 = arith.addf %add3A_34, %select_n3A_53 : vector<64x128xf32>
    %get3A_55 = arith.constant 0 : index
    %get3A_56 = arith.constant 3 : index
    %get3A_57 = arith.constant 0 : index
    %get3A_58 = vector.load %arg3[%get3A_55, %get3A_56, %get3A_57] : memref<16x8x128xi32, #tpu.memory_space<vmem>>, vector<1x1x128xi32>
    %get3A_59 = vector.shape_cast %get3A_58 : vector<1x1x128xi32> to vector<128xi32>
    %reshape3A_60 = vector.shape_cast %get3A_59 : vector<128xi32> to vector<1x128xi32>
    %get3A_61 = arith.constant 0 : index
    %get3A_62 = arith.constant 3 : index
    %get3A_63 = arith.constant 0 : index
    %get3A_64 = vector.load %arg2[%get3A_61, %get3A_62, %get3A_63] : memref<16x8x128xf32, #tpu.memory_space<vmem>>, vector<1x1x128xf32>
    %get3A_65 = vector.shape_cast %get3A_64 : vector<1x1x128xf32> to vector<128xf32>
    %reshape3A_66 = vector.shape_cast %get3A_65 : vector<128xf32> to vector<1x128xf32>
    %eq3A_67 = vector.broadcast %reshape3A_60 : vector<1x128xi32> to vector<64x128xi32>
    %eq3A_68 = arith.cmpi eq, %iota3A, %eq3A_67 : vector<64x128xi32>
    %jit3A_69 = arith.constant 0.000000e+00 : f32
    %broadcast_in_dim3A_70 = vector.shape_cast %reshape3A_66 : vector<1x128xf32> to vector<1x128xf32>
    %broadcast_in_dim3A_71 = vector.broadcast %broadcast_in_dim3A_70 : vector<1x128xf32> to vector<64x128xf32>
    %broadcast_in_dim3A_72 = vector.broadcast %jit3A_69 : f32 to vector<64x128xf32>
    %select_n3A_73 = arith.select %eq3A_68, %broadcast_in_dim3A_71, %broadcast_in_dim3A_72 : vector<64x128xi1>, vector<64x128xf32>
    %add3A_74 = arith.addf %add3A_54, %select_n3A_73 : vector<64x128xf32>
    %get3A_75 = arith.constant 0 : index
    %get3A_76 = arith.constant 4 : index
    %get3A_77 = arith.constant 0 : index
    %get3A_78 = vector.load %arg3[%get3A_75, %get3A_76, %get3A_77] : memref<16x8x128xi32, #tpu.memory_space<vmem>>, vector<1x1x128xi32>
    %get3A_79 = vector.shape_cast %get3A_78 : vector<1x1x128xi32> to vector<128xi32>
    %reshape3A_80 = vector.shape_cast %get3A_79 : vector<128xi32> to vector<1x128xi32>
    %get3A_81 = arith.constant 0 : index
    %get3A_82 = arith.constant 4 : index
    %get3A_83 = arith.constant 0 : index
    %get3A_84 = vector.load %arg2[%get3A_81, %get3A_82, %get3A_83] : memref<16x8x128xf32, #tpu.memory_space<vmem>>, vector<1x1x128xf32>
    %get3A_85 = vector.shape_cast %get3A_84 : vector<1x1x128xf32> to vector<128xf32>
    %reshape3A_86 = vector.shape_cast %get3A_85 : vector<128xf32> to vector<1x128xf32>
    %eq3A_87 = vector.broadcast %reshape3A_80 : vector<1x128xi32> to vector<64x128xi32>
    %eq3A_88 = arith.cmpi eq, %iota3A, %eq3A_87 : vector<64x128xi32>
    %jit3A_89 = arith.constant 0.000000e+00 : f32
    %broadcast_in_dim3A_90 = vector.shape_cast %reshape3A_86 : vector<1x128xf32> to vector<1x128xf32>
    %broadcast_in_dim3A_91 = vector.broadcast %broadcast_in_dim3A_90 : vector<1x128xf32> to vector<64x128xf32>
    %broadcast_in_dim3A_92 = vector.broadcast %jit3A_89 : f32 to vector<64x128xf32>
    %select_n3A_93 = arith.select %eq3A_88, %broadcast_in_dim3A_91, %broadcast_in_dim3A_92 : vector<64x128xi1>, vector<64x128xf32>
    %add3A_94 = arith.addf %add3A_74, %select_n3A_93 : vector<64x128xf32>
    %get3A_95 = arith.constant 0 : index
    %get3A_96 = arith.constant 5 : index
    %get3A_97 = arith.constant 0 : index
    %get3A_98 = vector.load %arg3[%get3A_95, %get3A_96, %get3A_97] : memref<16x8x128xi32, #tpu.memory_space<vmem>>, vector<1x1x128xi32>
    %get3A_99 = vector.shape_cast %get3A_98 : vector<1x1x128xi32> to vector<128xi32>
    %reshape3A_100 = vector.shape_cast %get3A_99 : vector<128xi32> to vector<1x128xi32>
    %get3A_101 = arith.constant 0 : index
    %get3A_102 = arith.constant 5 : index
    %get3A_103 = arith.constant 0 : index
    %get3A_104 = vector.load %arg2[%get3A_101, %get3A_102, %get3A_103] : memref<16x8x128xf32, #tpu.memory_space<vmem>>, vector<1x1x128xf32>
    %get3A_105 = vector.shape_cast %get3A_104 : vector<1x1x128xf32> to vector<128xf32>
    %reshape3A_106 = vector.shape_cast %get3A_105 : vector<128xf32> to vector<1x128xf32>
    %eq3A_107 = vector.broadcast %reshape3A_100 : vector<1x128xi32> to vector<64x128xi32>
    %eq3A_108 = arith.cmpi eq, %iota3A, %eq3A_107 : vector<64x128xi32>
    %jit3A_109 = arith.constant 0.000000e+00 : f32
    %broadcast_in_dim3A_110 = vector.shape_cast %reshape3A_106 : vector<1x128xf32> to vector<1x128xf32>
    %broadcast_in_dim3A_111 = vector.broadcast %broadcast_in_dim3A_110 : vector<1x128xf32> to vector<64x128xf32>
    %broadcast_in_dim3A_112 = vector.broadcast %jit3A_109 : f32 to vector<64x128xf32>
    %select_n3A_113 = arith.select %eq3A_108, %broadcast_in_dim3A_111, %broadcast_in_dim3A_112 : vector<64x128xi1>, vector<64x128xf32>
    %add3A_114 = arith.addf %add3A_94, %select_n3A_113 : vector<64x128xf32>
    %get3A_115 = arith.constant 0 : index
    %get3A_116 = arith.constant 6 : index
    %get3A_117 = arith.constant 0 : index
    %get3A_118 = vector.load %arg3[%get3A_115, %get3A_116, %get3A_117] : memref<16x8x128xi32, #tpu.memory_space<vmem>>, vector<1x1x128xi32>
    %get3A_119 = vector.shape_cast %get3A_118 : vector<1x1x128xi32> to vector<128xi32>
    %reshape3A_120 = vector.shape_cast %get3A_119 : vector<128xi32> to vector<1x128xi32>
    %get3A_121 = arith.constant 0 : index
    %get3A_122 = arith.constant 6 : index
    %get3A_123 = arith.constant 0 : index
    %get3A_124 = vector.load %arg2[%get3A_121, %get3A_122, %get3A_123] : memref<16x8x128xf32, #tpu.memory_space<vmem>>, vector<1x1x128xf32>
    %get3A_125 = vector.shape_cast %get3A_124 : vector<1x1x128xf32> to vector<128xf32>
    %reshape3A_126 = vector.shape_cast %get3A_125 : vector<128xf32> to vector<1x128xf32>
    %eq3A_127 = vector.broadcast %reshape3A_120 : vector<1x128xi32> to vector<64x128xi32>
    %eq3A_128 = arith.cmpi eq, %iota3A, %eq3A_127 : vector<64x128xi32>
    %jit3A_129 = arith.constant 0.000000e+00 : f32
    %broadcast_in_dim3A_130 = vector.shape_cast %reshape3A_126 : vector<1x128xf32> to vector<1x128xf32>
    %broadcast_in_dim3A_131 = vector.broadcast %broadcast_in_dim3A_130 : vector<1x128xf32> to vector<64x128xf32>
    %broadcast_in_dim3A_132 = vector.broadcast %jit3A_129 : f32 to vector<64x128xf32>
    %select_n3A_133 = arith.select %eq3A_128, %broadcast_in_dim3A_131, %broadcast_in_dim3A_132 : vector<64x128xi1>, vector<64x128xf32>
    %add3A_134 = arith.addf %add3A_114, %select_n3A_133 : vector<64x128xf32>
    %get3A_135 = arith.constant 0 : index
    %get3A_136 = arith.constant 7 : index
    %get3A_137 = arith.constant 0 : index
    %get3A_138 = vector.load %arg3[%get3A_135, %get3A_136, %get3A_137] : memref<16x8x128xi32, #tpu.memory_space<vmem>>, vector<1x1x128xi32>
    %get3A_139 = vector.shape_cast %get3A_138 : vector<1x1x128xi32> to vector<128xi32>
    %reshape3A_140 = vector.shape_cast %get3A_139 : vector<128xi32> to vector<1x128xi32>
    %get3A_141 = arith.constant 0 : index
    %get3A_142 = arith.constant 7 : index
    %get3A_143 = arith.constant 0 : index
    %get3A_144 = vector.load %arg2[%get3A_141, %get3A_142, %get3A_143] : memref<16x8x128xf32, #tpu.memory_space<vmem>>, vector<1x1x128xf32>
    %get3A_145 = vector.shape_cast %get3A_144 : vector<1x1x128xf32> to vector<128xf32>
    %reshape3A_146 = vector.shape_cast %get3A_145 : vector<128xf32> to vector<1x128xf32>
    %eq3A_147 = vector.broadcast %reshape3A_140 : vector<1x128xi32> to vector<64x128xi32>
    %eq3A_148 = arith.cmpi eq, %iota3A, %eq3A_147 : vector<64x128xi32>
    %jit3A_149 = arith.constant 0.000000e+00 : f32
    %broadcast_in_dim3A_150 = vector.shape_cast %reshape3A_146 : vector<1x128xf32> to vector<1x128xf32>
    %broadcast_in_dim3A_151 = vector.broadcast %broadcast_in_dim3A_150 : vector<1x128xf32> to vector<64x128xf32>
    %broadcast_in_dim3A_152 = vector.broadcast %jit3A_149 : f32 to vector<64x128xf32>
    %select_n3A_153 = arith.select %eq3A_148, %broadcast_in_dim3A_151, %broadcast_in_dim3A_152 : vector<64x128xi1>, vector<64x128xf32>
    %add3A_154 = arith.addf %add3A_134, %select_n3A_153 : vector<64x128xf32>
    %transpose3A = tpu.transpose %add3A_154, [1, 0] : vector<64x128xf32> -> vector<128x64xf32>
    %broadcast_in_dim3A_155 = arith.constant 0.000000e+00 : f32
    %broadcast_in_dim3A_156 = vector.broadcast %broadcast_in_dim3A_155 : f32 to vector<64x128xf32>
    %get3A_157 = arith.constant 1 : index
    %get3A_158 = arith.constant 0 : index
    %get3A_159 = arith.constant 0 : index
    %get3A_160 = vector.load %arg3[%get3A_157, %get3A_158, %get3A_159] : memref<16x8x128xi32, #tpu.memory_space<vmem>>, vector<1x1x128xi32>
    %get3A_161 = vector.shape_cast %get3A_160 : vector<1x1x128xi32> to vector<128xi32>
    %reshape3A_162 = vector.shape_cast %get3A_161 : vector<128xi32> to vector<1x128xi32>
    %get3A_163 = arith.constant 1 : index
    %get3A_164 = arith.constant 0 : index
    %get3A_165 = arith.constant 0 : index
    %get3A_166 = vector.load %arg2[%get3A_163, %get3A_164, %get3A_165] : memref<16x8x128xf32, #tpu.memory_space<vmem>>, vector<1x1x128xf32>
    %get3A_167 = vector.shape_cast %get3A_166 : vector<1x1x128xf32> to vector<128xf32>
    %reshape3A_168 = vector.shape_cast %get3A_167 : vector<128xf32> to vector<1x128xf32>
    %eq3A_169 = vector.broadcast %reshape3A_162 : vector<1x128xi32> to vector<64x128xi32>
    %eq3A_170 = arith.cmpi eq, %iota3A, %eq3A_169 : vector<64x128xi32>
    %jit3A_171 = arith.constant 0.000000e+00 : f32
    %broadcast_in_dim3A_172 = vector.shape_cast %reshape3A_168 : vector<1x128xf32> to vector<1x128xf32>
    %broadcast_in_dim3A_173 = vector.broadcast %broadcast_in_dim3A_172 : vector<1x128xf32> to vector<64x128xf32>
    %broadcast_in_dim3A_174 = vector.broadcast %jit3A_171 : f32 to vector<64x128xf32>
    %select_n3A_175 = arith.select %eq3A_170, %broadcast_in_dim3A_173, %broadcast_in_dim3A_174 : vector<64x128xi1>, vector<64x128xf32>
    %add3A_176 = arith.addf %broadcast_in_dim3A_156, %select_n3A_175 : vector<64x128xf32>
    %get3A_177 = arith.constant 1 : index
    %get3A_178 = arith.constant 1 : index
    %get3A_179 = arith.constant 0 : index
    %get3A_180 = vector.load %arg3[%get3A_177, %get3A_178, %get3A_179] : memref<16x8x128xi32, #tpu.memory_space<vmem>>, vector<1x1x128xi32>
    %get3A_181 = vector.shape_cast %get3A_180 : vector<1x1x128xi32> to vector<128xi32>
    %reshape3A_182 = vector.shape_cast %get3A_181 : vector<128xi32> to vector<1x128xi32>
    %get3A_183 = arith.constant 1 : index
    %get3A_184 = arith.constant 1 : index
    %get3A_185 = arith.constant 0 : index
    %get3A_186 = vector.load %arg2[%get3A_183, %get3A_184, %get3A_185] : memref<16x8x128xf32, #tpu.memory_space<vmem>>, vector<1x1x128xf32>
    %get3A_187 = vector.shape_cast %get3A_186 : vector<1x1x128xf32> to vector<128xf32>
    %reshape3A_188 = vector.shape_cast %get3A_187 : vector<128xf32> to vector<1x128xf32>
    %eq3A_189 = vector.broadcast %reshape3A_182 : vector<1x128xi32> to vector<64x128xi32>
    %eq3A_190 = arith.cmpi eq, %iota3A, %eq3A_189 : vector<64x128xi32>
    %jit3A_191 = arith.constant 0.000000e+00 : f32
    %broadcast_in_dim3A_192 = vector.shape_cast %reshape3A_188 : vector<1x128xf32> to vector<1x128xf32>
    %broadcast_in_dim3A_193 = vector.broadcast %broadcast_in_dim3A_192 : vector<1x128xf32> to vector<64x128xf32>
    %broadcast_in_dim3A_194 = vector.broadcast %jit3A_191 : f32 to vector<64x128xf32>
    %select_n3A_195 = arith.select %eq3A_190, %broadcast_in_dim3A_193, %broadcast_in_dim3A_194 : vector<64x128xi1>, vector<64x128xf32>
    %add3A_196 = arith.addf %add3A_176, %select_n3A_195 : vector<64x128xf32>
    %get3A_197 = arith.constant 1 : index
    %get3A_198 = arith.constant 2 : index
    %get3A_199 = arith.constant 0 : index
    %get3A_200 = vector.load %arg3[%get3A_197, %get3A_198, %get3A_199] : memref<16x8x128xi32, #tpu.memory_space<vmem>>, vector<1x1x128xi32>
    %get3A_201 = vector.shape_cast %get3A_200 : vector<1x1x128xi32> to vector<128xi32>
    %reshape3A_202 = vector.shape_cast %get3A_201 : vector<128xi32> to vector<1x128xi32>
    %get3A_203 = arith.constant 1 : index
    %get3A_204 = arith.constant 2 : index
    %get3A_205 = arith.constant 0 : index
    %get3A_206 = vector.load %arg2[%get3A_203, %get3A_204, %get3A_205] : memref<16x8x128xf32, #tpu.memory_space<vmem>>, vector<1x1x128xf32>
    %get3A_207 = vector.shape_cast %get3A_206 : vector<1x1x128xf32> to vector<128xf32>
    %reshape3A_208 = vector.shape_cast %get3A_207 : vector<128xf32> to vector<1x128xf32>
    %eq3A_209 = vector.broadcast %reshape3A_202 : vector<1x128xi32> to vector<64x128xi32>
    %eq3A_210 = arith.cmpi eq, %iota3A, %eq3A_209 : vector<64x128xi32>
    %jit3A_211 = arith.constant 0.000000e+00 : f32
    %broadcast_in_dim3A_212 = vector.shape_cast %reshape3A_208 : vector<1x128xf32> to vector<1x128xf32>
    %broadcast_in_dim3A_213 = vector.broadcast %broadcast_in_dim3A_212 : vector<1x128xf32> to vector<64x128xf32>
    %broadcast_in_dim3A_214 = vector.broadcast %jit3A_211 : f32 to vector<64x128xf32>
    %select_n3A_215 = arith.select %eq3A_210, %broadcast_in_dim3A_213, %broadcast_in_dim3A_214 : vector<64x128xi1>, vector<64x128xf32>
    %add3A_216 = arith.addf %add3A_196, %select_n3A_215 : vector<64x128xf32>
    %get3A_217 = arith.constant 1 : index
    %get3A_218 = arith.constant 3 : index
    %get3A_219 = arith.constant 0 : index
    %get3A_220 = vector.load %arg3[%get3A_217, %get3A_218, %get3A_219] : memref<16x8x128xi32, #tpu.memory_space<vmem>>, vector<1x1x128xi32>
    %get3A_221 = vector.shape_cast %get3A_220 : vector<1x1x128xi32> to vector<128xi32>
    %reshape3A_222 = vector.shape_cast %get3A_221 : vector<128xi32> to vector<1x128xi32>
    %get3A_223 = arith.constant 1 : index
    %get3A_224 = arith.constant 3 : index
    %get3A_225 = arith.constant 0 : index
    %get3A_226 = vector.load %arg2[%get3A_223, %get3A_224, %get3A_225] : memref<16x8x128xf32, #tpu.memory_space<vmem>>, vector<1x1x128xf32>
    %get3A_227 = vector.shape_cast %get3A_226 : vector<1x1x128xf32> to vector<128xf32>
    %reshape3A_228 = vector.shape_cast %get3A_227 : vector<128xf32> to vector<1x128xf32>
    %eq3A_229 = vector.broadcast %reshape3A_222 : vector<1x128xi32> to vector<64x128xi32>
    %eq3A_230 = arith.cmpi eq, %iota3A, %eq3A_229 : vector<64x128xi32>
    %jit3A_231 = arith.constant 0.000000e+00 : f32
    %broadcast_in_dim3A_232 = vector.shape_cast %reshape3A_228 : vector<1x128xf32> to vector<1x128xf32>
    %broadcast_in_dim3A_233 = vector.broadcast %broadcast_in_dim3A_232 : vector<1x128xf32> to vector<64x128xf32>
    %broadcast_in_dim3A_234 = vector.broadcast %jit3A_231 : f32 to vector<64x128xf32>
    %select_n3A_235 = arith.select %eq3A_230, %broadcast_in_dim3A_233, %broadcast_in_dim3A_234 : vector<64x128xi1>, vector<64x128xf32>
    %add3A_236 = arith.addf %add3A_216, %select_n3A_235 : vector<64x128xf32>
    %get3A_237 = arith.constant 1 : index
    %get3A_238 = arith.constant 4 : index
    %get3A_239 = arith.constant 0 : index
    %get3A_240 = vector.load %arg3[%get3A_237, %get3A_238, %get3A_239] : memref<16x8x128xi32, #tpu.memory_space<vmem>>, vector<1x1x128xi32>
    %get3A_241 = vector.shape_cast %get3A_240 : vector<1x1x128xi32> to vector<128xi32>
    %reshape3A_242 = vector.shape_cast %get3A_241 : vector<128xi32> to vector<1x128xi32>
    %get3A_243 = arith.constant 1 : index
    %get3A_244 = arith.constant 4 : index
    %get3A_245 = arith.constant 0 : index
    %get3A_246 = vector.load %arg2[%get3A_243, %get3A_244, %get3A_245] : memref<16x8x128xf32, #tpu.memory_space<vmem>>, vector<1x1x128xf32>
    %get3A_247 = vector.shape_cast %get3A_246 : vector<1x1x128xf32> to vector<128xf32>
    %reshape3A_248 = vector.shape_cast %get3A_247 : vector<128xf32> to vector<1x128xf32>
    %eq3A_249 = vector.broadcast %reshape3A_242 : vector<1x128xi32> to vector<64x128xi32>
    %eq3A_250 = arith.cmpi eq, %iota3A, %eq3A_249 : vector<64x128xi32>
    %jit3A_251 = arith.constant 0.000000e+00 : f32
    %broadcast_in_dim3A_252 = vector.shape_cast %reshape3A_248 : vector<1x128xf32> to vector<1x128xf32>
    %broadcast_in_dim3A_253 = vector.broadcast %broadcast_in_dim3A_252 : vector<1x128xf32> to vector<64x128xf32>
    %broadcast_in_dim3A_254 = vector.broadcast %jit3A_251 : f32 to vector<64x128xf32>
    %select_n3A_255 = arith.select %eq3A_250, %broadcast_in_dim3A_253, %broadcast_in_dim3A_254 : vector<64x128xi1>, vector<64x128xf32>
    %add3A_256 = arith.addf %add3A_236, %select_n3A_255 : vector<64x128xf32>
    %get3A_257 = arith.constant 1 : index
    %get3A_258 = arith.constant 5 : index
    %get3A_259 = arith.constant 0 : index
    %get3A_260 = vector.load %arg3[%get3A_257, %get3A_258, %get3A_259] : memref<16x8x128xi32, #tpu.memory_space<vmem>>, vector<1x1x128xi32>
    %get3A_261 = vector.shape_cast %get3A_260 : vector<1x1x128xi32> to vector<128xi32>
    %reshape3A_262 = vector.shape_cast %get3A_261 : vector<128xi32> to vector<1x128xi32>
    %get3A_263 = arith.constant 1 : index
    %get3A_264 = arith.constant 5 : index
    %get3A_265 = arith.constant 0 : index
    %get3A_266 = vector.load %arg2[%get3A_263, %get3A_264, %get3A_265] : memref<16x8x128xf32, #tpu.memory_space<vmem>>, vector<1x1x128xf32>
    %get3A_267 = vector.shape_cast %get3A_266 : vector<1x1x128xf32> to vector<128xf32>
    %reshape3A_268 = vector.shape_cast %get3A_267 : vector<128xf32> to vector<1x128xf32>
    %eq3A_269 = vector.broadcast %reshape3A_262 : vector<1x128xi32> to vector<64x128xi32>
    %eq3A_270 = arith.cmpi eq, %iota3A, %eq3A_269 : vector<64x128xi32>
    %jit3A_271 = arith.constant 0.000000e+00 : f32
    %broadcast_in_dim3A_272 = vector.shape_cast %reshape3A_268 : vector<1x128xf32> to vector<1x128xf32>
    %broadcast_in_dim3A_273 = vector.broadcast %broadcast_in_dim3A_272 : vector<1x128xf32> to vector<64x128xf32>
    %broadcast_in_dim3A_274 = vector.broadcast %jit3A_271 : f32 to vector<64x128xf32>
    %select_n3A_275 = arith.select %eq3A_270, %broadcast_in_dim3A_273, %broadcast_in_dim3A_274 : vector<64x128xi1>, vector<64x128xf32>
    %add3A_276 = arith.addf %add3A_256, %select_n3A_275 : vector<64x128xf32>
    %get3A_277 = arith.constant 1 : index
    %get3A_278 = arith.constant 6 : index
    %get3A_279 = arith.constant 0 : index
    %get3A_280 = vector.load %arg3[%get3A_277, %get3A_278, %get3A_279] : memref<16x8x128xi32, #tpu.memory_space<vmem>>, vector<1x1x128xi32>
    %get3A_281 = vector.shape_cast %get3A_280 : vector<1x1x128xi32> to vector<128xi32>
    %reshape3A_282 = vector.shape_cast %get3A_281 : vector<128xi32> to vector<1x128xi32>
    %get3A_283 = arith.constant 1 : index
    %get3A_284 = arith.constant 6 : index
    %get3A_285 = arith.constant 0 : index
    %get3A_286 = vector.load %arg2[%get3A_283, %get3A_284, %get3A_285] : memref<16x8x128xf32, #tpu.memory_space<vmem>>, vector<1x1x128xf32>
    %get3A_287 = vector.shape_cast %get3A_286 : vector<1x1x128xf32> to vector<128xf32>
    %reshape3A_288 = vector.shape_cast %get3A_287 : vector<128xf32> to vector<1x128xf32>
    %eq3A_289 = vector.broadcast %reshape3A_282 : vector<1x128xi32> to vector<64x128xi32>
    %eq3A_290 = arith.cmpi eq, %iota3A, %eq3A_289 : vector<64x128xi32>
    %jit3A_291 = arith.constant 0.000000e+00 : f32
    %broadcast_in_dim3A_292 = vector.shape_cast %reshape3A_288 : vector<1x128xf32> to vector<1x128xf32>
    %broadcast_in_dim3A_293 = vector.broadcast %broadcast_in_dim3A_292 : vector<1x128xf32> to vector<64x128xf32>
    %broadcast_in_dim3A_294 = vector.broadcast %jit3A_291 : f32 to vector<64x128xf32>
    %select_n3A_295 = arith.select %eq3A_290, %broadcast_in_dim3A_293, %broadcast_in_dim3A_294 : vector<64x128xi1>, vector<64x128xf32>
    %add3A_296 = arith.addf %add3A_276, %select_n3A_295 : vector<64x128xf32>
    %get3A_297 = arith.constant 1 : index
    %get3A_298 = arith.constant 7 : index
    %get3A_299 = arith.constant 0 : index
    %get3A_300 = vector.load %arg3[%get3A_297, %get3A_298, %get3A_299] : memref<16x8x128xi32, #tpu.memory_space<vmem>>, vector<1x1x128xi32>
    %get3A_301 = vector.shape_cast %get3A_300 : vector<1x1x128xi32> to vector<128xi32>
    %reshape3A_302 = vector.shape_cast %get3A_301 : vector<128xi32> to vector<1x128xi32>
    %get3A_303 = arith.constant 1 : index
    %get3A_304 = arith.constant 7 : index
    %get3A_305 = arith.constant 0 : index
    %get3A_306 = vector.load %arg2[%get3A_303, %get3A_304, %get3A_305] : memref<16x8x128xf32, #tpu.memory_space<vmem>>, vector<1x1x128xf32>
    %get3A_307 = vector.shape_cast %get3A_306 : vector<1x1x128xf32> to vector<128xf32>
    %reshape3A_308 = vector.shape_cast %get3A_307 : vector<128xf32> to vector<1x128xf32>
    %eq3A_309 = vector.broadcast %reshape3A_302 : vector<1x128xi32> to vector<64x128xi32>
    %eq3A_310 = arith.cmpi eq, %iota3A, %eq3A_309 : vector<64x128xi32>
    %jit3A_311 = arith.constant 0.000000e+00 : f32
    %broadcast_in_dim3A_312 = vector.shape_cast %reshape3A_308 : vector<1x128xf32> to vector<1x128xf32>
    %broadcast_in_dim3A_313 = vector.broadcast %broadcast_in_dim3A_312 : vector<1x128xf32> to vector<64x128xf32>
    %broadcast_in_dim3A_314 = vector.broadcast %jit3A_311 : f32 to vector<64x128xf32>
    %select_n3A_315 = arith.select %eq3A_310, %broadcast_in_dim3A_313, %broadcast_in_dim3A_314 : vector<64x128xi1>, vector<64x128xf32>
    %add3A_316 = arith.addf %add3A_296, %select_n3A_315 : vector<64x128xf32>
    %transpose3A_317 = tpu.transpose %add3A_316, [1, 0] : vector<64x128xf32> -> vector<128x64xf32>
    %broadcast_in_dim3A_318 = arith.constant 0.000000e+00 : f32
    %broadcast_in_dim3A_319 = vector.broadcast %broadcast_in_dim3A_318 : f32 to vector<64x128xf32>
    %get3A_320 = arith.constant 2 : index
    %get3A_321 = arith.constant 0 : index
    %get3A_322 = arith.constant 0 : index
    %get3A_323 = vector.load %arg3[%get3A_320, %get3A_321, %get3A_322] : memref<16x8x128xi32, #tpu.memory_space<vmem>>, vector<1x1x128xi32>
    %get3A_324 = vector.shape_cast %get3A_323 : vector<1x1x128xi32> to vector<128xi32>
    %reshape3A_325 = vector.shape_cast %get3A_324 : vector<128xi32> to vector<1x128xi32>
    %get3A_326 = arith.constant 2 : index
    %get3A_327 = arith.constant 0 : index
    %get3A_328 = arith.constant 0 : index
    %get3A_329 = vector.load %arg2[%get3A_326, %get3A_327, %get3A_328] : memref<16x8x128xf32, #tpu.memory_space<vmem>>, vector<1x1x128xf32>
    %get3A_330 = vector.shape_cast %get3A_329 : vector<1x1x128xf32> to vector<128xf32>
    %reshape3A_331 = vector.shape_cast %get3A_330 : vector<128xf32> to vector<1x128xf32>
    %eq3A_332 = vector.broadcast %reshape3A_325 : vector<1x128xi32> to vector<64x128xi32>
    %eq3A_333 = arith.cmpi eq, %iota3A, %eq3A_332 : vector<64x128xi32>
    %jit3A_334 = arith.constant 0.000000e+00 : f32
    %broadcast_in_dim3A_335 = vector.shape_cast %reshape3A_331 : vector<1x128xf32> to vector<1x128xf32>
    %broadcast_in_dim3A_336 = vector.broadcast %broadcast_in_dim3A_335 : vector<1x128xf32> to vector<64x128xf32>
    %broadcast_in_dim3A_337 = vector.broadcast %jit3A_334 : f32 to vector<64x128xf32>
    %select_n3A_338 = arith.select %eq3A_333, %broadcast_in_dim3A_336, %broadcast_in_dim3A_337 : vector<64x128xi1>, vector<64x128xf32>
    %add3A_339 = arith.addf %broadcast_in_dim3A_319, %select_n3A_338 : vector<64x128xf32>
    %get3A_340 = arith.constant 2 : index
    %get3A_341 = arith.constant 1 : index
    %get3A_342 = arith.constant 0 : index
    %get3A_343 = vector.load %arg3[%get3A_340, %get3A_341, %get3A_342] : memref<16x8x128xi32, #tpu.memory_space<vmem>>, vector<1x1x128xi32>
    %get3A_344 = vector.shape_cast %get3A_343 : vector<1x1x128xi32> to vector<128xi32>
    %reshape3A_345 = vector.shape_cast %get3A_344 : vector<128xi32> to vector<1x128xi32>
    %get3A_346 = arith.constant 2 : index
    %get3A_347 = arith.constant 1 : index
    %get3A_348 = arith.constant 0 : index
    %get3A_349 = vector.load %arg2[%get3A_346, %get3A_347, %get3A_348] : memref<16x8x128xf32, #tpu.memory_space<vmem>>, vector<1x1x128xf32>
    %get3A_350 = vector.shape_cast %get3A_349 : vector<1x1x128xf32> to vector<128xf32>
    %reshape3A_351 = vector.shape_cast %get3A_350 : vector<128xf32> to vector<1x128xf32>
    %eq3A_352 = vector.broadcast %reshape3A_345 : vector<1x128xi32> to vector<64x128xi32>
    %eq3A_353 = arith.cmpi eq, %iota3A, %eq3A_352 : vector<64x128xi32>
    %jit3A_354 = arith.constant 0.000000e+00 : f32
    %broadcast_in_dim3A_355 = vector.shape_cast %reshape3A_351 : vector<1x128xf32> to vector<1x128xf32>
    %broadcast_in_dim3A_356 = vector.broadcast %broadcast_in_dim3A_355 : vector<1x128xf32> to vector<64x128xf32>
    %broadcast_in_dim3A_357 = vector.broadcast %jit3A_354 : f32 to vector<64x128xf32>
    %select_n3A_358 = arith.select %eq3A_353, %broadcast_in_dim3A_356, %broadcast_in_dim3A_357 : vector<64x128xi1>, vector<64x128xf32>
    %add3A_359 = arith.addf %add3A_339, %select_n3A_358 : vector<64x128xf32>
    %get3A_360 = arith.constant 2 : index
    %get3A_361 = arith.constant 2 : index
    %get3A_362 = arith.constant 0 : index
    %get3A_363 = vector.load %arg3[%get3A_360, %get3A_361, %get3A_362] : memref<16x8x128xi32, #tpu.memory_space<vmem>>, vector<1x1x128xi32>
    %get3A_364 = vector.shape_cast %get3A_363 : vector<1x1x128xi32> to vector<128xi32>
    %reshape3A_365 = vector.shape_cast %get3A_364 : vector<128xi32> to vector<1x128xi32>
    %get3A_366 = arith.constant 2 : index
    %get3A_367 = arith.constant 2 : index
    %get3A_368 = arith.constant 0 : index
    %get3A_369 = vector.load %arg2[%get3A_366, %get3A_367, %get3A_368] : memref<16x8x128xf32, #tpu.memory_space<vmem>>, vector<1x1x128xf32>
    %get3A_370 = vector.shape_cast %get3A_369 : vector<1x1x128xf32> to vector<128xf32>
    %reshape3A_371 = vector.shape_cast %get3A_370 : vector<128xf32> to vector<1x128xf32>
    %eq3A_372 = vector.broadcast %reshape3A_365 : vector<1x128xi32> to vector<64x128xi32>
    %eq3A_373 = arith.cmpi eq, %iota3A, %eq3A_372 : vector<64x128xi32>
    %jit3A_374 = arith.constant 0.000000e+00 : f32
    %broadcast_in_dim3A_375 = vector.shape_cast %reshape3A_371 : vector<1x128xf32> to vector<1x128xf32>
    %broadcast_in_dim3A_376 = vector.broadcast %broadcast_in_dim3A_375 : vector<1x128xf32> to vector<64x128xf32>
    %broadcast_in_dim3A_377 = vector.broadcast %jit3A_374 : f32 to vector<64x128xf32>
    %select_n3A_378 = arith.select %eq3A_373, %broadcast_in_dim3A_376, %broadcast_in_dim3A_377 : vector<64x128xi1>, vector<64x128xf32>
    %add3A_379 = arith.addf %add3A_359, %select_n3A_378 : vector<64x128xf32>
    %get3A_380 = arith.constant 2 : index
    %get3A_381 = arith.constant 3 : index
    %get3A_382 = arith.constant 0 : index
    %get3A_383 = vector.load %arg3[%get3A_380, %get3A_381, %get3A_382] : memref<16x8x128xi32, #tpu.memory_space<vmem>>, vector<1x1x128xi32>
    %get3A_384 = vector.shape_cast %get3A_383 : vector<1x1x128xi32> to vector<128xi32>
    %reshape3A_385 = vector.shape_cast %get3A_384 : vector<128xi32> to vector<1x128xi32>
    %get3A_386 = arith.constant 2 : index
    %get3A_387 = arith.constant 3 : index
    %get3A_388 = arith.constant 0 : index
    %get3A_389 = vector.load %arg2[%get3A_386, %get3A_387, %get3A_388] : memref<16x8x128xf32, #tpu.memory_space<vmem>>, vector<1x1x128xf32>
    %get3A_390 = vector.shape_cast %get3A_389 : vector<1x1x128xf32> to vector<128xf32>
    %reshape3A_391 = vector.shape_cast %get3A_390 : vector<128xf32> to vector<1x128xf32>
    %eq3A_392 = vector.broadcast %reshape3A_385 : vector<1x128xi32> to vector<64x128xi32>
    %eq3A_393 = arith.cmpi eq, %iota3A, %eq3A_392 : vector<64x128xi32>
    %jit3A_394 = arith.constant 0.000000e+00 : f32
    %broadcast_in_dim3A_395 = vector.shape_cast %reshape3A_391 : vector<1x128xf32> to vector<1x128xf32>
    %broadcast_in_dim3A_396 = vector.broadcast %broadcast_in_dim3A_395 : vector<1x128xf32> to vector<64x128xf32>
    %broadcast_in_dim3A_397 = vector.broadcast %jit3A_394 : f32 to vector<64x128xf32>
    %select_n3A_398 = arith.select %eq3A_393, %broadcast_in_dim3A_396, %broadcast_in_dim3A_397 : vector<64x128xi1>, vector<64x128xf32>
    %add3A_399 = arith.addf %add3A_379, %select_n3A_398 : vector<64x128xf32>
    %get3A_400 = arith.constant 2 : index
    %get3A_401 = arith.constant 4 : index
    %get3A_402 = arith.constant 0 : index
    %get3A_403 = vector.load %arg3[%get3A_400, %get3A_401, %get3A_402] : memref<16x8x128xi32, #tpu.memory_space<vmem>>, vector<1x1x128xi32>
    %get3A_404 = vector.shape_cast %get3A_403 : vector<1x1x128xi32> to vector<128xi32>
    %reshape3A_405 = vector.shape_cast %get3A_404 : vector<128xi32> to vector<1x128xi32>
    %get3A_406 = arith.constant 2 : index
    %get3A_407 = arith.constant 4 : index
    %get3A_408 = arith.constant 0 : index
    %get3A_409 = vector.load %arg2[%get3A_406, %get3A_407, %get3A_408] : memref<16x8x128xf32, #tpu.memory_space<vmem>>, vector<1x1x128xf32>
    %get3A_410 = vector.shape_cast %get3A_409 : vector<1x1x128xf32> to vector<128xf32>
    %reshape3A_411 = vector.shape_cast %get3A_410 : vector<128xf32> to vector<1x128xf32>
    %eq3A_412 = vector.broadcast %reshape3A_405 : vector<1x128xi32> to vector<64x128xi32>
    %eq3A_413 = arith.cmpi eq, %iota3A, %eq3A_412 : vector<64x128xi32>
    %jit3A_414 = arith.constant 0.000000e+00 : f32
    %broadcast_in_dim3A_415 = vector.shape_cast %reshape3A_411 : vector<1x128xf32> to vector<1x128xf32>
    %broadcast_in_dim3A_416 = vector.broadcast %broadcast_in_dim3A_415 : vector<1x128xf32> to vector<64x128xf32>
    %broadcast_in_dim3A_417 = vector.broadcast %jit3A_414 : f32 to vector<64x128xf32>
    %select_n3A_418 = arith.select %eq3A_413, %broadcast_in_dim3A_416, %broadcast_in_dim3A_417 : vector<64x128xi1>, vector<64x128xf32>
    %add3A_419 = arith.addf %add3A_399, %select_n3A_418 : vector<64x128xf32>
    %get3A_420 = arith.constant 2 : index
    %get3A_421 = arith.constant 5 : index
    %get3A_422 = arith.constant 0 : index
    %get3A_423 = vector.load %arg3[%get3A_420, %get3A_421, %get3A_422] : memref<16x8x128xi32, #tpu.memory_space<vmem>>, vector<1x1x128xi32>
    %get3A_424 = vector.shape_cast %get3A_423 : vector<1x1x128xi32> to vector<128xi32>
    %reshape3A_425 = vector.shape_cast %get3A_424 : vector<128xi32> to vector<1x128xi32>
    %get3A_426 = arith.constant 2 : index
    %get3A_427 = arith.constant 5 : index
    %get3A_428 = arith.constant 0 : index
    %get3A_429 = vector.load %arg2[%get3A_426, %get3A_427, %get3A_428] : memref<16x8x128xf32, #tpu.memory_space<vmem>>, vector<1x1x128xf32>
    %get3A_430 = vector.shape_cast %get3A_429 : vector<1x1x128xf32> to vector<128xf32>
    %reshape3A_431 = vector.shape_cast %get3A_430 : vector<128xf32> to vector<1x128xf32>
    %eq3A_432 = vector.broadcast %reshape3A_425 : vector<1x128xi32> to vector<64x128xi32>
    %eq3A_433 = arith.cmpi eq, %iota3A, %eq3A_432 : vector<64x128xi32>
    %jit3A_434 = arith.constant 0.000000e+00 : f32
    %broadcast_in_dim3A_435 = vector.shape_cast %reshape3A_431 : vector<1x128xf32> to vector<1x128xf32>
    %broadcast_in_dim3A_436 = vector.broadcast %broadcast_in_dim3A_435 : vector<1x128xf32> to vector<64x128xf32>
    %broadcast_in_dim3A_437 = vector.broadcast %jit3A_434 : f32 to vector<64x128xf32>
    %select_n3A_438 = arith.select %eq3A_433, %broadcast_in_dim3A_436, %broadcast_in_dim3A_437 : vector<64x128xi1>, vector<64x128xf32>
    %add3A_439 = arith.addf %add3A_419, %select_n3A_438 : vector<64x128xf32>
    %get3A_440 = arith.constant 2 : index
    %get3A_441 = arith.constant 6 : index
    %get3A_442 = arith.constant 0 : index
    %get3A_443 = vector.load %arg3[%get3A_440, %get3A_441, %get3A_442] : memref<16x8x128xi32, #tpu.memory_space<vmem>>, vector<1x1x128xi32>
    %get3A_444 = vector.shape_cast %get3A_443 : vector<1x1x128xi32> to vector<128xi32>
    %reshape3A_445 = vector.shape_cast %get3A_444 : vector<128xi32> to vector<1x128xi32>
    %get3A_446 = arith.constant 2 : index
    %get3A_447 = arith.constant 6 : index
    %get3A_448 = arith.constant 0 : index
    %get3A_449 = vector.load %arg2[%get3A_446, %get3A_447, %get3A_448] : memref<16x8x128xf32, #tpu.memory_space<vmem>>, vector<1x1x128xf32>
    %get3A_450 = vector.shape_cast %get3A_449 : vector<1x1x128xf32> to vector<128xf32>
    %reshape3A_451 = vector.shape_cast %get3A_450 : vector<128xf32> to vector<1x128xf32>
    %eq3A_452 = vector.broadcast %reshape3A_445 : vector<1x128xi32> to vector<64x128xi32>
    %eq3A_453 = arith.cmpi eq, %iota3A, %eq3A_452 : vector<64x128xi32>
    %jit3A_454 = arith.constant 0.000000e+00 : f32
    %broadcast_in_dim3A_455 = vector.shape_cast %reshape3A_451 : vector<1x128xf32> to vector<1x128xf32>
    %broadcast_in_dim3A_456 = vector.broadcast %broadcast_in_dim3A_455 : vector<1x128xf32> to vector<64x128xf32>
    %broadcast_in_dim3A_457 = vector.broadcast %jit3A_454 : f32 to vector<64x128xf32>
    %select_n3A_458 = arith.select %eq3A_453, %broadcast_in_dim3A_456, %broadcast_in_dim3A_457 : vector<64x128xi1>, vector<64x128xf32>
    %add3A_459 = arith.addf %add3A_439, %select_n3A_458 : vector<64x128xf32>
    %get3A_460 = arith.constant 2 : index
    %get3A_461 = arith.constant 7 : index
    %get3A_462 = arith.constant 0 : index
    %get3A_463 = vector.load %arg3[%get3A_460, %get3A_461, %get3A_462] : memref<16x8x128xi32, #tpu.memory_space<vmem>>, vector<1x1x128xi32>
    %get3A_464 = vector.shape_cast %get3A_463 : vector<1x1x128xi32> to vector<128xi32>
    %reshape3A_465 = vector.shape_cast %get3A_464 : vector<128xi32> to vector<1x128xi32>
    %get3A_466 = arith.constant 2 : index
    %get3A_467 = arith.constant 7 : index
    %get3A_468 = arith.constant 0 : index
    %get3A_469 = vector.load %arg2[%get3A_466, %get3A_467, %get3A_468] : memref<16x8x128xf32, #tpu.memory_space<vmem>>, vector<1x1x128xf32>
    %get3A_470 = vector.shape_cast %get3A_469 : vector<1x1x128xf32> to vector<128xf32>
    %reshape3A_471 = vector.shape_cast %get3A_470 : vector<128xf32> to vector<1x128xf32>
    %eq3A_472 = vector.broadcast %reshape3A_465 : vector<1x128xi32> to vector<64x128xi32>
    %eq3A_473 = arith.cmpi eq, %iota3A, %eq3A_472 : vector<64x128xi32>
    %jit3A_474 = arith.constant 0.000000e+00 : f32
    %broadcast_in_dim3A_475 = vector.shape_cast %reshape3A_471 : vector<1x128xf32> to vector<1x128xf32>
    %broadcast_in_dim3A_476 = vector.broadcast %broadcast_in_dim3A_475 : vector<1x128xf32> to vector<64x128xf32>
    %broadcast_in_dim3A_477 = vector.broadcast %jit3A_474 : f32 to vector<64x128xf32>
    %select_n3A_478 = arith.select %eq3A_473, %broadcast_in_dim3A_476, %broadcast_in_dim3A_477 : vector<64x128xi1>, vector<64x128xf32>
    %add3A_479 = arith.addf %add3A_459, %select_n3A_478 : vector<64x128xf32>
    %transpose3A_480 = tpu.transpose %add3A_479, [1, 0] : vector<64x128xf32> -> vector<128x64xf32>
    %broadcast_in_dim3A_481 = arith.constant 0.000000e+00 : f32
    %broadcast_in_dim3A_482 = vector.broadcast %broadcast_in_dim3A_481 : f32 to vector<64x128xf32>
    %get3A_483 = arith.constant 3 : index
    %get3A_484 = arith.constant 0 : index
    %get3A_485 = arith.constant 0 : index
    %get3A_486 = vector.load %arg3[%get3A_483, %get3A_484, %get3A_485] : memref<16x8x128xi32, #tpu.memory_space<vmem>>, vector<1x1x128xi32>
    %get3A_487 = vector.shape_cast %get3A_486 : vector<1x1x128xi32> to vector<128xi32>
    %reshape3A_488 = vector.shape_cast %get3A_487 : vector<128xi32> to vector<1x128xi32>
    %get3A_489 = arith.constant 3 : index
    %get3A_490 = arith.constant 0 : index
    %get3A_491 = arith.constant 0 : index
    %get3A_492 = vector.load %arg2[%get3A_489, %get3A_490, %get3A_491] : memref<16x8x128xf32, #tpu.memory_space<vmem>>, vector<1x1x128xf32>
    %get3A_493 = vector.shape_cast %get3A_492 : vector<1x1x128xf32> to vector<128xf32>
    %reshape3A_494 = vector.shape_cast %get3A_493 : vector<128xf32> to vector<1x128xf32>
    %eq3A_495 = vector.broadcast %reshape3A_488 : vector<1x128xi32> to vector<64x128xi32>
    %eq3A_496 = arith.cmpi eq, %iota3A, %eq3A_495 : vector<64x128xi32>
    %jit3A_497 = arith.constant 0.000000e+00 : f32
    %broadcast_in_dim3A_498 = vector.shape_cast %reshape3A_494 : vector<1x128xf32> to vector<1x128xf32>
    %broadcast_in_dim3A_499 = vector.broadcast %broadcast_in_dim3A_498 : vector<1x128xf32> to vector<64x128xf32>
    %broadcast_in_dim3A_500 = vector.broadcast %jit3A_497 : f32 to vector<64x128xf32>
    %select_n3A_501 = arith.select %eq3A_496, %broadcast_in_dim3A_499, %broadcast_in_dim3A_500 : vector<64x128xi1>, vector<64x128xf32>
    %add3A_502 = arith.addf %broadcast_in_dim3A_482, %select_n3A_501 : vector<64x128xf32>
    %get3A_503 = arith.constant 3 : index
    %get3A_504 = arith.constant 1 : index
    %get3A_505 = arith.constant 0 : index
    %get3A_506 = vector.load %arg3[%get3A_503, %get3A_504, %get3A_505] : memref<16x8x128xi32, #tpu.memory_space<vmem>>, vector<1x1x128xi32>
    %get3A_507 = vector.shape_cast %get3A_506 : vector<1x1x128xi32> to vector<128xi32>
    %reshape3A_508 = vector.shape_cast %get3A_507 : vector<128xi32> to vector<1x128xi32>
    %get3A_509 = arith.constant 3 : index
    %get3A_510 = arith.constant 1 : index
    %get3A_511 = arith.constant 0 : index
    %get3A_512 = vector.load %arg2[%get3A_509, %get3A_510, %get3A_511] : memref<16x8x128xf32, #tpu.memory_space<vmem>>, vector<1x1x128xf32>
    %get3A_513 = vector.shape_cast %get3A_512 : vector<1x1x128xf32> to vector<128xf32>
    %reshape3A_514 = vector.shape_cast %get3A_513 : vector<128xf32> to vector<1x128xf32>
    %eq3A_515 = vector.broadcast %reshape3A_508 : vector<1x128xi32> to vector<64x128xi32>
    %eq3A_516 = arith.cmpi eq, %iota3A, %eq3A_515 : vector<64x128xi32>
    %jit3A_517 = arith.constant 0.000000e+00 : f32
    %broadcast_in_dim3A_518 = vector.shape_cast %reshape3A_514 : vector<1x128xf32> to vector<1x128xf32>
    %broadcast_in_dim3A_519 = vector.broadcast %broadcast_in_dim3A_518 : vector<1x128xf32> to vector<64x128xf32>
    %broadcast_in_dim3A_520 = vector.broadcast %jit3A_517 : f32 to vector<64x128xf32>
    %select_n3A_521 = arith.select %eq3A_516, %broadcast_in_dim3A_519, %broadcast_in_dim3A_520 : vector<64x128xi1>, vector<64x128xf32>
    %add3A_522 = arith.addf %add3A_502, %select_n3A_521 : vector<64x128xf32>
    %get3A_523 = arith.constant 3 : index
    %get3A_524 = arith.constant 2 : index
    %get3A_525 = arith.constant 0 : index
    %get3A_526 = vector.load %arg3[%get3A_523, %get3A_524, %get3A_525] : memref<16x8x128xi32, #tpu.memory_space<vmem>>, vector<1x1x128xi32>
    %get3A_527 = vector.shape_cast %get3A_526 : vector<1x1x128xi32> to vector<128xi32>
    %reshape3A_528 = vector.shape_cast %get3A_527 : vector<128xi32> to vector<1x128xi32>
    %get3A_529 = arith.constant 3 : index
    %get3A_530 = arith.constant 2 : index
    %get3A_531 = arith.constant 0 : index
    %get3A_532 = vector.load %arg2[%get3A_529, %get3A_530, %get3A_531] : memref<16x8x128xf32, #tpu.memory_space<vmem>>, vector<1x1x128xf32>
    %get3A_533 = vector.shape_cast %get3A_532 : vector<1x1x128xf32> to vector<128xf32>
    %reshape3A_534 = vector.shape_cast %get3A_533 : vector<128xf32> to vector<1x128xf32>
    %eq3A_535 = vector.broadcast %reshape3A_528 : vector<1x128xi32> to vector<64x128xi32>
    %eq3A_536 = arith.cmpi eq, %iota3A, %eq3A_535 : vector<64x128xi32>
    %jit3A_537 = arith.constant 0.000000e+00 : f32
    %broadcast_in_dim3A_538 = vector.shape_cast %reshape3A_534 : vector<1x128xf32> to vector<1x128xf32>
    %broadcast_in_dim3A_539 = vector.broadcast %broadcast_in_dim3A_538 : vector<1x128xf32> to vector<64x128xf32>
    %broadcast_in_dim3A_540 = vector.broadcast %jit3A_537 : f32 to vector<64x128xf32>
    %select_n3A_541 = arith.select %eq3A_536, %broadcast_in_dim3A_539, %broadcast_in_dim3A_540 : vector<64x128xi1>, vector<64x128xf32>
    %add3A_542 = arith.addf %add3A_522, %select_n3A_541 : vector<64x128xf32>
    %get3A_543 = arith.constant 3 : index
    %get3A_544 = arith.constant 3 : index
    %get3A_545 = arith.constant 0 : index
    %get3A_546 = vector.load %arg3[%get3A_543, %get3A_544, %get3A_545] : memref<16x8x128xi32, #tpu.memory_space<vmem>>, vector<1x1x128xi32>
    %get3A_547 = vector.shape_cast %get3A_546 : vector<1x1x128xi32> to vector<128xi32>
    %reshape3A_548 = vector.shape_cast %get3A_547 : vector<128xi32> to vector<1x128xi32>
    %get3A_549 = arith.constant 3 : index
    %get3A_550 = arith.constant 3 : index
    %get3A_551 = arith.constant 0 : index
    %get3A_552 = vector.load %arg2[%get3A_549, %get3A_550, %get3A_551] : memref<16x8x128xf32, #tpu.memory_space<vmem>>, vector<1x1x128xf32>
    %get3A_553 = vector.shape_cast %get3A_552 : vector<1x1x128xf32> to vector<128xf32>
    %reshape3A_554 = vector.shape_cast %get3A_553 : vector<128xf32> to vector<1x128xf32>
    %eq3A_555 = vector.broadcast %reshape3A_548 : vector<1x128xi32> to vector<64x128xi32>
    %eq3A_556 = arith.cmpi eq, %iota3A, %eq3A_555 : vector<64x128xi32>
    %jit3A_557 = arith.constant 0.000000e+00 : f32
    %broadcast_in_dim3A_558 = vector.shape_cast %reshape3A_554 : vector<1x128xf32> to vector<1x128xf32>
    %broadcast_in_dim3A_559 = vector.broadcast %broadcast_in_dim3A_558 : vector<1x128xf32> to vector<64x128xf32>
    %broadcast_in_dim3A_560 = vector.broadcast %jit3A_557 : f32 to vector<64x128xf32>
    %select_n3A_561 = arith.select %eq3A_556, %broadcast_in_dim3A_559, %broadcast_in_dim3A_560 : vector<64x128xi1>, vector<64x128xf32>
    %add3A_562 = arith.addf %add3A_542, %select_n3A_561 : vector<64x128xf32>
    %get3A_563 = arith.constant 3 : index
    %get3A_564 = arith.constant 4 : index
    %get3A_565 = arith.constant 0 : index
    %get3A_566 = vector.load %arg3[%get3A_563, %get3A_564, %get3A_565] : memref<16x8x128xi32, #tpu.memory_space<vmem>>, vector<1x1x128xi32>
    %get3A_567 = vector.shape_cast %get3A_566 : vector<1x1x128xi32> to vector<128xi32>
    %reshape3A_568 = vector.shape_cast %get3A_567 : vector<128xi32> to vector<1x128xi32>
    %get3A_569 = arith.constant 3 : index
    %get3A_570 = arith.constant 4 : index
    %get3A_571 = arith.constant 0 : index
    %get3A_572 = vector.load %arg2[%get3A_569, %get3A_570, %get3A_571] : memref<16x8x128xf32, #tpu.memory_space<vmem>>, vector<1x1x128xf32>
    %get3A_573 = vector.shape_cast %get3A_572 : vector<1x1x128xf32> to vector<128xf32>
    %reshape3A_574 = vector.shape_cast %get3A_573 : vector<128xf32> to vector<1x128xf32>
    %eq3A_575 = vector.broadcast %reshape3A_568 : vector<1x128xi32> to vector<64x128xi32>
    %eq3A_576 = arith.cmpi eq, %iota3A, %eq3A_575 : vector<64x128xi32>
    %jit3A_577 = arith.constant 0.000000e+00 : f32
    %broadcast_in_dim3A_578 = vector.shape_cast %reshape3A_574 : vector<1x128xf32> to vector<1x128xf32>
    %broadcast_in_dim3A_579 = vector.broadcast %broadcast_in_dim3A_578 : vector<1x128xf32> to vector<64x128xf32>
    %broadcast_in_dim3A_580 = vector.broadcast %jit3A_577 : f32 to vector<64x128xf32>
    %select_n3A_581 = arith.select %eq3A_576, %broadcast_in_dim3A_579, %broadcast_in_dim3A_580 : vector<64x128xi1>, vector<64x128xf32>
    %add3A_582 = arith.addf %add3A_562, %select_n3A_581 : vector<64x128xf32>
    %get3A_583 = arith.constant 3 : index
    %get3A_584 = arith.constant 5 : index
    %get3A_585 = arith.constant 0 : index
    %get3A_586 = vector.load %arg3[%get3A_583, %get3A_584, %get3A_585] : memref<16x8x128xi32, #tpu.memory_space<vmem>>, vector<1x1x128xi32>
    %get3A_587 = vector.shape_cast %get3A_586 : vector<1x1x128xi32> to vector<128xi32>
    %reshape3A_588 = vector.shape_cast %get3A_587 : vector<128xi32> to vector<1x128xi32>
    %get3A_589 = arith.constant 3 : index
    %get3A_590 = arith.constant 5 : index
    %get3A_591 = arith.constant 0 : index
    %get3A_592 = vector.load %arg2[%get3A_589, %get3A_590, %get3A_591] : memref<16x8x128xf32, #tpu.memory_space<vmem>>, vector<1x1x128xf32>
    %get3A_593 = vector.shape_cast %get3A_592 : vector<1x1x128xf32> to vector<128xf32>
    %reshape3A_594 = vector.shape_cast %get3A_593 : vector<128xf32> to vector<1x128xf32>
    %eq3A_595 = vector.broadcast %reshape3A_588 : vector<1x128xi32> to vector<64x128xi32>
    %eq3A_596 = arith.cmpi eq, %iota3A, %eq3A_595 : vector<64x128xi32>
    %jit3A_597 = arith.constant 0.000000e+00 : f32
    %broadcast_in_dim3A_598 = vector.shape_cast %reshape3A_594 : vector<1x128xf32> to vector<1x128xf32>
    %broadcast_in_dim3A_599 = vector.broadcast %broadcast_in_dim3A_598 : vector<1x128xf32> to vector<64x128xf32>
    %broadcast_in_dim3A_600 = vector.broadcast %jit3A_597 : f32 to vector<64x128xf32>
    %select_n3A_601 = arith.select %eq3A_596, %broadcast_in_dim3A_599, %broadcast_in_dim3A_600 : vector<64x128xi1>, vector<64x128xf32>
    %add3A_602 = arith.addf %add3A_582, %select_n3A_601 : vector<64x128xf32>
    %get3A_603 = arith.constant 3 : index
    %get3A_604 = arith.constant 6 : index
    %get3A_605 = arith.constant 0 : index
    %get3A_606 = vector.load %arg3[%get3A_603, %get3A_604, %get3A_605] : memref<16x8x128xi32, #tpu.memory_space<vmem>>, vector<1x1x128xi32>
    %get3A_607 = vector.shape_cast %get3A_606 : vector<1x1x128xi32> to vector<128xi32>
    %reshape3A_608 = vector.shape_cast %get3A_607 : vector<128xi32> to vector<1x128xi32>
    %get3A_609 = arith.constant 3 : index
    %get3A_610 = arith.constant 6 : index
    %get3A_611 = arith.constant 0 : index
    %get3A_612 = vector.load %arg2[%get3A_609, %get3A_610, %get3A_611] : memref<16x8x128xf32, #tpu.memory_space<vmem>>, vector<1x1x128xf32>
    %get3A_613 = vector.shape_cast %get3A_612 : vector<1x1x128xf32> to vector<128xf32>
    %reshape3A_614 = vector.shape_cast %get3A_613 : vector<128xf32> to vector<1x128xf32>
    %eq3A_615 = vector.broadcast %reshape3A_608 : vector<1x128xi32> to vector<64x128xi32>
    %eq3A_616 = arith.cmpi eq, %iota3A, %eq3A_615 : vector<64x128xi32>
    %jit3A_617 = arith.constant 0.000000e+00 : f32
    %broadcast_in_dim3A_618 = vector.shape_cast %reshape3A_614 : vector<1x128xf32> to vector<1x128xf32>
    %broadcast_in_dim3A_619 = vector.broadcast %broadcast_in_dim3A_618 : vector<1x128xf32> to vector<64x128xf32>
    %broadcast_in_dim3A_620 = vector.broadcast %jit3A_617 : f32 to vector<64x128xf32>
    %select_n3A_621 = arith.select %eq3A_616, %broadcast_in_dim3A_619, %broadcast_in_dim3A_620 : vector<64x128xi1>, vector<64x128xf32>
    %add3A_622 = arith.addf %add3A_602, %select_n3A_621 : vector<64x128xf32>
    %get3A_623 = arith.constant 3 : index
    %get3A_624 = arith.constant 7 : index
    %get3A_625 = arith.constant 0 : index
    %get3A_626 = vector.load %arg3[%get3A_623, %get3A_624, %get3A_625] : memref<16x8x128xi32, #tpu.memory_space<vmem>>, vector<1x1x128xi32>
    %get3A_627 = vector.shape_cast %get3A_626 : vector<1x1x128xi32> to vector<128xi32>
    %reshape3A_628 = vector.shape_cast %get3A_627 : vector<128xi32> to vector<1x128xi32>
    %get3A_629 = arith.constant 3 : index
    %get3A_630 = arith.constant 7 : index
    %get3A_631 = arith.constant 0 : index
    %get3A_632 = vector.load %arg2[%get3A_629, %get3A_630, %get3A_631] : memref<16x8x128xf32, #tpu.memory_space<vmem>>, vector<1x1x128xf32>
    %get3A_633 = vector.shape_cast %get3A_632 : vector<1x1x128xf32> to vector<128xf32>
    %reshape3A_634 = vector.shape_cast %get3A_633 : vector<128xf32> to vector<1x128xf32>
    %eq3A_635 = vector.broadcast %reshape3A_628 : vector<1x128xi32> to vector<64x128xi32>
    %eq3A_636 = arith.cmpi eq, %iota3A, %eq3A_635 : vector<64x128xi32>
    %jit3A_637 = arith.constant 0.000000e+00 : f32
    %broadcast_in_dim3A_638 = vector.shape_cast %reshape3A_634 : vector<1x128xf32> to vector<1x128xf32>
    %broadcast_in_dim3A_639 = vector.broadcast %broadcast_in_dim3A_638 : vector<1x128xf32> to vector<64x128xf32>
    %broadcast_in_dim3A_640 = vector.broadcast %jit3A_637 : f32 to vector<64x128xf32>
    %select_n3A_641 = arith.select %eq3A_636, %broadcast_in_dim3A_639, %broadcast_in_dim3A_640 : vector<64x128xi1>, vector<64x128xf32>
    %add3A_642 = arith.addf %add3A_622, %select_n3A_641 : vector<64x128xf32>
    %transpose3A_643 = tpu.transpose %add3A_642, [1, 0] : vector<64x128xf32> -> vector<128x64xf32>
    %broadcast_in_dim3A_644 = arith.constant 0.000000e+00 : f32
    %broadcast_in_dim3A_645 = vector.broadcast %broadcast_in_dim3A_644 : f32 to vector<64x128xf32>
    %get3A_646 = arith.constant 4 : index
    %get3A_647 = arith.constant 0 : index
    %get3A_648 = arith.constant 0 : index
    %get3A_649 = vector.load %arg3[%get3A_646, %get3A_647, %get3A_648] : memref<16x8x128xi32, #tpu.memory_space<vmem>>, vector<1x1x128xi32>
    %get3A_650 = vector.shape_cast %get3A_649 : vector<1x1x128xi32> to vector<128xi32>
    %reshape3A_651 = vector.shape_cast %get3A_650 : vector<128xi32> to vector<1x128xi32>
    %get3A_652 = arith.constant 4 : index
    %get3A_653 = arith.constant 0 : index
    %get3A_654 = arith.constant 0 : index
    %get3A_655 = vector.load %arg2[%get3A_652, %get3A_653, %get3A_654] : memref<16x8x128xf32, #tpu.memory_space<vmem>>, vector<1x1x128xf32>
    %get3A_656 = vector.shape_cast %get3A_655 : vector<1x1x128xf32> to vector<128xf32>
    %reshape3A_657 = vector.shape_cast %get3A_656 : vector<128xf32> to vector<1x128xf32>
    %eq3A_658 = vector.broadcast %reshape3A_651 : vector<1x128xi32> to vector<64x128xi32>
    %eq3A_659 = arith.cmpi eq, %iota3A, %eq3A_658 : vector<64x128xi32>
    %jit3A_660 = arith.constant 0.000000e+00 : f32
    %broadcast_in_dim3A_661 = vector.shape_cast %reshape3A_657 : vector<1x128xf32> to vector<1x128xf32>
    %broadcast_in_dim3A_662 = vector.broadcast %broadcast_in_dim3A_661 : vector<1x128xf32> to vector<64x128xf32>
    %broadcast_in_dim3A_663 = vector.broadcast %jit3A_660 : f32 to vector<64x128xf32>
    %select_n3A_664 = arith.select %eq3A_659, %broadcast_in_dim3A_662, %broadcast_in_dim3A_663 : vector<64x128xi1>, vector<64x128xf32>
    %add3A_665 = arith.addf %broadcast_in_dim3A_645, %select_n3A_664 : vector<64x128xf32>
    %get3A_666 = arith.constant 4 : index
    %get3A_667 = arith.constant 1 : index
    %get3A_668 = arith.constant 0 : index
    %get3A_669 = vector.load %arg3[%get3A_666, %get3A_667, %get3A_668] : memref<16x8x128xi32, #tpu.memory_space<vmem>>, vector<1x1x128xi32>
    %get3A_670 = vector.shape_cast %get3A_669 : vector<1x1x128xi32> to vector<128xi32>
    %reshape3A_671 = vector.shape_cast %get3A_670 : vector<128xi32> to vector<1x128xi32>
    %get3A_672 = arith.constant 4 : index
    %get3A_673 = arith.constant 1 : index
    %get3A_674 = arith.constant 0 : index
    %get3A_675 = vector.load %arg2[%get3A_672, %get3A_673, %get3A_674] : memref<16x8x128xf32, #tpu.memory_space<vmem>>, vector<1x1x128xf32>
    %get3A_676 = vector.shape_cast %get3A_675 : vector<1x1x128xf32> to vector<128xf32>
    %reshape3A_677 = vector.shape_cast %get3A_676 : vector<128xf32> to vector<1x128xf32>
    %eq3A_678 = vector.broadcast %reshape3A_671 : vector<1x128xi32> to vector<64x128xi32>
    %eq3A_679 = arith.cmpi eq, %iota3A, %eq3A_678 : vector<64x128xi32>
    %jit3A_680 = arith.constant 0.000000e+00 : f32
    %broadcast_in_dim3A_681 = vector.shape_cast %reshape3A_677 : vector<1x128xf32> to vector<1x128xf32>
    %broadcast_in_dim3A_682 = vector.broadcast %broadcast_in_dim3A_681 : vector<1x128xf32> to vector<64x128xf32>
    %broadcast_in_dim3A_683 = vector.broadcast %jit3A_680 : f32 to vector<64x128xf32>
    %select_n3A_684 = arith.select %eq3A_679, %broadcast_in_dim3A_682, %broadcast_in_dim3A_683 : vector<64x128xi1>, vector<64x128xf32>
    %add3A_685 = arith.addf %add3A_665, %select_n3A_684 : vector<64x128xf32>
    %get3A_686 = arith.constant 4 : index
    %get3A_687 = arith.constant 2 : index
    %get3A_688 = arith.constant 0 : index
    %get3A_689 = vector.load %arg3[%get3A_686, %get3A_687, %get3A_688] : memref<16x8x128xi32, #tpu.memory_space<vmem>>, vector<1x1x128xi32>
    %get3A_690 = vector.shape_cast %get3A_689 : vector<1x1x128xi32> to vector<128xi32>
    %reshape3A_691 = vector.shape_cast %get3A_690 : vector<128xi32> to vector<1x128xi32>
    %get3A_692 = arith.constant 4 : index
    %get3A_693 = arith.constant 2 : index
    %get3A_694 = arith.constant 0 : index
    %get3A_695 = vector.load %arg2[%get3A_692, %get3A_693, %get3A_694] : memref<16x8x128xf32, #tpu.memory_space<vmem>>, vector<1x1x128xf32>
    %get3A_696 = vector.shape_cast %get3A_695 : vector<1x1x128xf32> to vector<128xf32>
    %reshape3A_697 = vector.shape_cast %get3A_696 : vector<128xf32> to vector<1x128xf32>
    %eq3A_698 = vector.broadcast %reshape3A_691 : vector<1x128xi32> to vector<64x128xi32>
    %eq3A_699 = arith.cmpi eq, %iota3A, %eq3A_698 : vector<64x128xi32>
    %jit3A_700 = arith.constant 0.000000e+00 : f32
    %broadcast_in_dim3A_701 = vector.shape_cast %reshape3A_697 : vector<1x128xf32> to vector<1x128xf32>
    %broadcast_in_dim3A_702 = vector.broadcast %broadcast_in_dim3A_701 : vector<1x128xf32> to vector<64x128xf32>
    %broadcast_in_dim3A_703 = vector.broadcast %jit3A_700 : f32 to vector<64x128xf32>
    %select_n3A_704 = arith.select %eq3A_699, %broadcast_in_dim3A_702, %broadcast_in_dim3A_703 : vector<64x128xi1>, vector<64x128xf32>
    %add3A_705 = arith.addf %add3A_685, %select_n3A_704 : vector<64x128xf32>
    %get3A_706 = arith.constant 4 : index
    %get3A_707 = arith.constant 3 : index
    %get3A_708 = arith.constant 0 : index
    %get3A_709 = vector.load %arg3[%get3A_706, %get3A_707, %get3A_708] : memref<16x8x128xi32, #tpu.memory_space<vmem>>, vector<1x1x128xi32>
    %get3A_710 = vector.shape_cast %get3A_709 : vector<1x1x128xi32> to vector<128xi32>
    %reshape3A_711 = vector.shape_cast %get3A_710 : vector<128xi32> to vector<1x128xi32>
    %get3A_712 = arith.constant 4 : index
    %get3A_713 = arith.constant 3 : index
    %get3A_714 = arith.constant 0 : index
    %get3A_715 = vector.load %arg2[%get3A_712, %get3A_713, %get3A_714] : memref<16x8x128xf32, #tpu.memory_space<vmem>>, vector<1x1x128xf32>
    %get3A_716 = vector.shape_cast %get3A_715 : vector<1x1x128xf32> to vector<128xf32>
    %reshape3A_717 = vector.shape_cast %get3A_716 : vector<128xf32> to vector<1x128xf32>
    %eq3A_718 = vector.broadcast %reshape3A_711 : vector<1x128xi32> to vector<64x128xi32>
    %eq3A_719 = arith.cmpi eq, %iota3A, %eq3A_718 : vector<64x128xi32>
    %jit3A_720 = arith.constant 0.000000e+00 : f32
    %broadcast_in_dim3A_721 = vector.shape_cast %reshape3A_717 : vector<1x128xf32> to vector<1x128xf32>
    %broadcast_in_dim3A_722 = vector.broadcast %broadcast_in_dim3A_721 : vector<1x128xf32> to vector<64x128xf32>
    %broadcast_in_dim3A_723 = vector.broadcast %jit3A_720 : f32 to vector<64x128xf32>
    %select_n3A_724 = arith.select %eq3A_719, %broadcast_in_dim3A_722, %broadcast_in_dim3A_723 : vector<64x128xi1>, vector<64x128xf32>
    %add3A_725 = arith.addf %add3A_705, %select_n3A_724 : vector<64x128xf32>
    %get3A_726 = arith.constant 4 : index
    %get3A_727 = arith.constant 4 : index
    %get3A_728 = arith.constant 0 : index
    %get3A_729 = vector.load %arg3[%get3A_726, %get3A_727, %get3A_728] : memref<16x8x128xi32, #tpu.memory_space<vmem>>, vector<1x1x128xi32>
    %get3A_730 = vector.shape_cast %get3A_729 : vector<1x1x128xi32> to vector<128xi32>
    %reshape3A_731 = vector.shape_cast %get3A_730 : vector<128xi32> to vector<1x128xi32>
    %get3A_732 = arith.constant 4 : index
    %get3A_733 = arith.constant 4 : index
    %get3A_734 = arith.constant 0 : index
    %get3A_735 = vector.load %arg2[%get3A_732, %get3A_733, %get3A_734] : memref<16x8x128xf32, #tpu.memory_space<vmem>>, vector<1x1x128xf32>
    %get3A_736 = vector.shape_cast %get3A_735 : vector<1x1x128xf32> to vector<128xf32>
    %reshape3A_737 = vector.shape_cast %get3A_736 : vector<128xf32> to vector<1x128xf32>
    %eq3A_738 = vector.broadcast %reshape3A_731 : vector<1x128xi32> to vector<64x128xi32>
    %eq3A_739 = arith.cmpi eq, %iota3A, %eq3A_738 : vector<64x128xi32>
    %jit3A_740 = arith.constant 0.000000e+00 : f32
    %broadcast_in_dim3A_741 = vector.shape_cast %reshape3A_737 : vector<1x128xf32> to vector<1x128xf32>
    %broadcast_in_dim3A_742 = vector.broadcast %broadcast_in_dim3A_741 : vector<1x128xf32> to vector<64x128xf32>
    %broadcast_in_dim3A_743 = vector.broadcast %jit3A_740 : f32 to vector<64x128xf32>
    %select_n3A_744 = arith.select %eq3A_739, %broadcast_in_dim3A_742, %broadcast_in_dim3A_743 : vector<64x128xi1>, vector<64x128xf32>
    %add3A_745 = arith.addf %add3A_725, %select_n3A_744 : vector<64x128xf32>
    %get3A_746 = arith.constant 4 : index
    %get3A_747 = arith.constant 5 : index
    %get3A_748 = arith.constant 0 : index
    %get3A_749 = vector.load %arg3[%get3A_746, %get3A_747, %get3A_748] : memref<16x8x128xi32, #tpu.memory_space<vmem>>, vector<1x1x128xi32>
    %get3A_750 = vector.shape_cast %get3A_749 : vector<1x1x128xi32> to vector<128xi32>
    %reshape3A_751 = vector.shape_cast %get3A_750 : vector<128xi32> to vector<1x128xi32>
    %get3A_752 = arith.constant 4 : index
    %get3A_753 = arith.constant 5 : index
    %get3A_754 = arith.constant 0 : index
    %get3A_755 = vector.load %arg2[%get3A_752, %get3A_753, %get3A_754] : memref<16x8x128xf32, #tpu.memory_space<vmem>>, vector<1x1x128xf32>
    %get3A_756 = vector.shape_cast %get3A_755 : vector<1x1x128xf32> to vector<128xf32>
    %reshape3A_757 = vector.shape_cast %get3A_756 : vector<128xf32> to vector<1x128xf32>
    %eq3A_758 = vector.broadcast %reshape3A_751 : vector<1x128xi32> to vector<64x128xi32>
    %eq3A_759 = arith.cmpi eq, %iota3A, %eq3A_758 : vector<64x128xi32>
    %jit3A_760 = arith.constant 0.000000e+00 : f32
    %broadcast_in_dim3A_761 = vector.shape_cast %reshape3A_757 : vector<1x128xf32> to vector<1x128xf32>
    %broadcast_in_dim3A_762 = vector.broadcast %broadcast_in_dim3A_761 : vector<1x128xf32> to vector<64x128xf32>
    %broadcast_in_dim3A_763 = vector.broadcast %jit3A_760 : f32 to vector<64x128xf32>
    %select_n3A_764 = arith.select %eq3A_759, %broadcast_in_dim3A_762, %broadcast_in_dim3A_763 : vector<64x128xi1>, vector<64x128xf32>
    %add3A_765 = arith.addf %add3A_745, %select_n3A_764 : vector<64x128xf32>
    %get3A_766 = arith.constant 4 : index
    %get3A_767 = arith.constant 6 : index
    %get3A_768 = arith.constant 0 : index
    %get3A_769 = vector.load %arg3[%get3A_766, %get3A_767, %get3A_768] : memref<16x8x128xi32, #tpu.memory_space<vmem>>, vector<1x1x128xi32>
    %get3A_770 = vector.shape_cast %get3A_769 : vector<1x1x128xi32> to vector<128xi32>
    %reshape3A_771 = vector.shape_cast %get3A_770 : vector<128xi32> to vector<1x128xi32>
    %get3A_772 = arith.constant 4 : index
    %get3A_773 = arith.constant 6 : index
    %get3A_774 = arith.constant 0 : index
    %get3A_775 = vector.load %arg2[%get3A_772, %get3A_773, %get3A_774] : memref<16x8x128xf32, #tpu.memory_space<vmem>>, vector<1x1x128xf32>
    %get3A_776 = vector.shape_cast %get3A_775 : vector<1x1x128xf32> to vector<128xf32>
    %reshape3A_777 = vector.shape_cast %get3A_776 : vector<128xf32> to vector<1x128xf32>
    %eq3A_778 = vector.broadcast %reshape3A_771 : vector<1x128xi32> to vector<64x128xi32>
    %eq3A_779 = arith.cmpi eq, %iota3A, %eq3A_778 : vector<64x128xi32>
    %jit3A_780 = arith.constant 0.000000e+00 : f32
    %broadcast_in_dim3A_781 = vector.shape_cast %reshape3A_777 : vector<1x128xf32> to vector<1x128xf32>
    %broadcast_in_dim3A_782 = vector.broadcast %broadcast_in_dim3A_781 : vector<1x128xf32> to vector<64x128xf32>
    %broadcast_in_dim3A_783 = vector.broadcast %jit3A_780 : f32 to vector<64x128xf32>
    %select_n3A_784 = arith.select %eq3A_779, %broadcast_in_dim3A_782, %broadcast_in_dim3A_783 : vector<64x128xi1>, vector<64x128xf32>
    %add3A_785 = arith.addf %add3A_765, %select_n3A_784 : vector<64x128xf32>
    %get3A_786 = arith.constant 4 : index
    %get3A_787 = arith.constant 7 : index
    %get3A_788 = arith.constant 0 : index
    %get3A_789 = vector.load %arg3[%get3A_786, %get3A_787, %get3A_788] : memref<16x8x128xi32, #tpu.memory_space<vmem>>, vector<1x1x128xi32>
    %get3A_790 = vector.shape_cast %get3A_789 : vector<1x1x128xi32> to vector<128xi32>
    %reshape3A_791 = vector.shape_cast %get3A_790 : vector<128xi32> to vector<1x128xi32>
    %get3A_792 = arith.constant 4 : index
    %get3A_793 = arith.constant 7 : index
    %get3A_794 = arith.constant 0 : index
    %get3A_795 = vector.load %arg2[%get3A_792, %get3A_793, %get3A_794] : memref<16x8x128xf32, #tpu.memory_space<vmem>>, vector<1x1x128xf32>
    %get3A_796 = vector.shape_cast %get3A_795 : vector<1x1x128xf32> to vector<128xf32>
    %reshape3A_797 = vector.shape_cast %get3A_796 : vector<128xf32> to vector<1x128xf32>
    %eq3A_798 = vector.broadcast %reshape3A_791 : vector<1x128xi32> to vector<64x128xi32>
    %eq3A_799 = arith.cmpi eq, %iota3A, %eq3A_798 : vector<64x128xi32>
    %jit3A_800 = arith.constant 0.000000e+00 : f32
    %broadcast_in_dim3A_801 = vector.shape_cast %reshape3A_797 : vector<1x128xf32> to vector<1x128xf32>
    %broadcast_in_dim3A_802 = vector.broadcast %broadcast_in_dim3A_801 : vector<1x128xf32> to vector<64x128xf32>
    %broadcast_in_dim3A_803 = vector.broadcast %jit3A_800 : f32 to vector<64x128xf32>
    %select_n3A_804 = arith.select %eq3A_799, %broadcast_in_dim3A_802, %broadcast_in_dim3A_803 : vector<64x128xi1>, vector<64x128xf32>
    %add3A_805 = arith.addf %add3A_785, %select_n3A_804 : vector<64x128xf32>
    %transpose3A_806 = tpu.transpose %add3A_805, [1, 0] : vector<64x128xf32> -> vector<128x64xf32>
    %broadcast_in_dim3A_807 = arith.constant 0.000000e+00 : f32
    %broadcast_in_dim3A_808 = vector.broadcast %broadcast_in_dim3A_807 : f32 to vector<64x128xf32>
    %get3A_809 = arith.constant 5 : index
    %get3A_810 = arith.constant 0 : index
    %get3A_811 = arith.constant 0 : index
    %get3A_812 = vector.load %arg3[%get3A_809, %get3A_810, %get3A_811] : memref<16x8x128xi32, #tpu.memory_space<vmem>>, vector<1x1x128xi32>
    %get3A_813 = vector.shape_cast %get3A_812 : vector<1x1x128xi32> to vector<128xi32>
    %reshape3A_814 = vector.shape_cast %get3A_813 : vector<128xi32> to vector<1x128xi32>
    %get3A_815 = arith.constant 5 : index
    %get3A_816 = arith.constant 0 : index
    %get3A_817 = arith.constant 0 : index
    %get3A_818 = vector.load %arg2[%get3A_815, %get3A_816, %get3A_817] : memref<16x8x128xf32, #tpu.memory_space<vmem>>, vector<1x1x128xf32>
    %get3A_819 = vector.shape_cast %get3A_818 : vector<1x1x128xf32> to vector<128xf32>
    %reshape3A_820 = vector.shape_cast %get3A_819 : vector<128xf32> to vector<1x128xf32>
    %eq3A_821 = vector.broadcast %reshape3A_814 : vector<1x128xi32> to vector<64x128xi32>
    %eq3A_822 = arith.cmpi eq, %iota3A, %eq3A_821 : vector<64x128xi32>
    %jit3A_823 = arith.constant 0.000000e+00 : f32
    %broadcast_in_dim3A_824 = vector.shape_cast %reshape3A_820 : vector<1x128xf32> to vector<1x128xf32>
    %broadcast_in_dim3A_825 = vector.broadcast %broadcast_in_dim3A_824 : vector<1x128xf32> to vector<64x128xf32>
    %broadcast_in_dim3A_826 = vector.broadcast %jit3A_823 : f32 to vector<64x128xf32>
    %select_n3A_827 = arith.select %eq3A_822, %broadcast_in_dim3A_825, %broadcast_in_dim3A_826 : vector<64x128xi1>, vector<64x128xf32>
    %add3A_828 = arith.addf %broadcast_in_dim3A_808, %select_n3A_827 : vector<64x128xf32>
    %get3A_829 = arith.constant 5 : index
    %get3A_830 = arith.constant 1 : index
    %get3A_831 = arith.constant 0 : index
    %get3A_832 = vector.load %arg3[%get3A_829, %get3A_830, %get3A_831] : memref<16x8x128xi32, #tpu.memory_space<vmem>>, vector<1x1x128xi32>
    %get3A_833 = vector.shape_cast %get3A_832 : vector<1x1x128xi32> to vector<128xi32>
    %reshape3A_834 = vector.shape_cast %get3A_833 : vector<128xi32> to vector<1x128xi32>
    %get3A_835 = arith.constant 5 : index
    %get3A_836 = arith.constant 1 : index
    %get3A_837 = arith.constant 0 : index
    %get3A_838 = vector.load %arg2[%get3A_835, %get3A_836, %get3A_837] : memref<16x8x128xf32, #tpu.memory_space<vmem>>, vector<1x1x128xf32>
    %get3A_839 = vector.shape_cast %get3A_838 : vector<1x1x128xf32> to vector<128xf32>
    %reshape3A_840 = vector.shape_cast %get3A_839 : vector<128xf32> to vector<1x128xf32>
    %eq3A_841 = vector.broadcast %reshape3A_834 : vector<1x128xi32> to vector<64x128xi32>
    %eq3A_842 = arith.cmpi eq, %iota3A, %eq3A_841 : vector<64x128xi32>
    %jit3A_843 = arith.constant 0.000000e+00 : f32
    %broadcast_in_dim3A_844 = vector.shape_cast %reshape3A_840 : vector<1x128xf32> to vector<1x128xf32>
    %broadcast_in_dim3A_845 = vector.broadcast %broadcast_in_dim3A_844 : vector<1x128xf32> to vector<64x128xf32>
    %broadcast_in_dim3A_846 = vector.broadcast %jit3A_843 : f32 to vector<64x128xf32>
    %select_n3A_847 = arith.select %eq3A_842, %broadcast_in_dim3A_845, %broadcast_in_dim3A_846 : vector<64x128xi1>, vector<64x128xf32>
    %add3A_848 = arith.addf %add3A_828, %select_n3A_847 : vector<64x128xf32>
    %get3A_849 = arith.constant 5 : index
    %get3A_850 = arith.constant 2 : index
    %get3A_851 = arith.constant 0 : index
    %get3A_852 = vector.load %arg3[%get3A_849, %get3A_850, %get3A_851] : memref<16x8x128xi32, #tpu.memory_space<vmem>>, vector<1x1x128xi32>
    %get3A_853 = vector.shape_cast %get3A_852 : vector<1x1x128xi32> to vector<128xi32>
    %reshape3A_854 = vector.shape_cast %get3A_853 : vector<128xi32> to vector<1x128xi32>
    %get3A_855 = arith.constant 5 : index
    %get3A_856 = arith.constant 2 : index
    %get3A_857 = arith.constant 0 : index
    %get3A_858 = vector.load %arg2[%get3A_855, %get3A_856, %get3A_857] : memref<16x8x128xf32, #tpu.memory_space<vmem>>, vector<1x1x128xf32>
    %get3A_859 = vector.shape_cast %get3A_858 : vector<1x1x128xf32> to vector<128xf32>
    %reshape3A_860 = vector.shape_cast %get3A_859 : vector<128xf32> to vector<1x128xf32>
    %eq3A_861 = vector.broadcast %reshape3A_854 : vector<1x128xi32> to vector<64x128xi32>
    %eq3A_862 = arith.cmpi eq, %iota3A, %eq3A_861 : vector<64x128xi32>
    %jit3A_863 = arith.constant 0.000000e+00 : f32
    %broadcast_in_dim3A_864 = vector.shape_cast %reshape3A_860 : vector<1x128xf32> to vector<1x128xf32>
    %broadcast_in_dim3A_865 = vector.broadcast %broadcast_in_dim3A_864 : vector<1x128xf32> to vector<64x128xf32>
    %broadcast_in_dim3A_866 = vector.broadcast %jit3A_863 : f32 to vector<64x128xf32>
    %select_n3A_867 = arith.select %eq3A_862, %broadcast_in_dim3A_865, %broadcast_in_dim3A_866 : vector<64x128xi1>, vector<64x128xf32>
    %add3A_868 = arith.addf %add3A_848, %select_n3A_867 : vector<64x128xf32>
    %get3A_869 = arith.constant 5 : index
    %get3A_870 = arith.constant 3 : index
    %get3A_871 = arith.constant 0 : index
    %get3A_872 = vector.load %arg3[%get3A_869, %get3A_870, %get3A_871] : memref<16x8x128xi32, #tpu.memory_space<vmem>>, vector<1x1x128xi32>
    %get3A_873 = vector.shape_cast %get3A_872 : vector<1x1x128xi32> to vector<128xi32>
    %reshape3A_874 = vector.shape_cast %get3A_873 : vector<128xi32> to vector<1x128xi32>
    %get3A_875 = arith.constant 5 : index
    %get3A_876 = arith.constant 3 : index
    %get3A_877 = arith.constant 0 : index
    %get3A_878 = vector.load %arg2[%get3A_875, %get3A_876, %get3A_877] : memref<16x8x128xf32, #tpu.memory_space<vmem>>, vector<1x1x128xf32>
    %get3A_879 = vector.shape_cast %get3A_878 : vector<1x1x128xf32> to vector<128xf32>
    %reshape3A_880 = vector.shape_cast %get3A_879 : vector<128xf32> to vector<1x128xf32>
    %eq3A_881 = vector.broadcast %reshape3A_874 : vector<1x128xi32> to vector<64x128xi32>
    %eq3A_882 = arith.cmpi eq, %iota3A, %eq3A_881 : vector<64x128xi32>
    %jit3A_883 = arith.constant 0.000000e+00 : f32
    %broadcast_in_dim3A_884 = vector.shape_cast %reshape3A_880 : vector<1x128xf32> to vector<1x128xf32>
    %broadcast_in_dim3A_885 = vector.broadcast %broadcast_in_dim3A_884 : vector<1x128xf32> to vector<64x128xf32>
    %broadcast_in_dim3A_886 = vector.broadcast %jit3A_883 : f32 to vector<64x128xf32>
    %select_n3A_887 = arith.select %eq3A_882, %broadcast_in_dim3A_885, %broadcast_in_dim3A_886 : vector<64x128xi1>, vector<64x128xf32>
    %add3A_888 = arith.addf %add3A_868, %select_n3A_887 : vector<64x128xf32>
    %get3A_889 = arith.constant 5 : index
    %get3A_890 = arith.constant 4 : index
    %get3A_891 = arith.constant 0 : index
    %get3A_892 = vector.load %arg3[%get3A_889, %get3A_890, %get3A_891] : memref<16x8x128xi32, #tpu.memory_space<vmem>>, vector<1x1x128xi32>
    %get3A_893 = vector.shape_cast %get3A_892 : vector<1x1x128xi32> to vector<128xi32>
    %reshape3A_894 = vector.shape_cast %get3A_893 : vector<128xi32> to vector<1x128xi32>
    %get3A_895 = arith.constant 5 : index
    %get3A_896 = arith.constant 4 : index
    %get3A_897 = arith.constant 0 : index
    %get3A_898 = vector.load %arg2[%get3A_895, %get3A_896, %get3A_897] : memref<16x8x128xf32, #tpu.memory_space<vmem>>, vector<1x1x128xf32>
    %get3A_899 = vector.shape_cast %get3A_898 : vector<1x1x128xf32> to vector<128xf32>
    %reshape3A_900 = vector.shape_cast %get3A_899 : vector<128xf32> to vector<1x128xf32>
    %eq3A_901 = vector.broadcast %reshape3A_894 : vector<1x128xi32> to vector<64x128xi32>
    %eq3A_902 = arith.cmpi eq, %iota3A, %eq3A_901 : vector<64x128xi32>
    %jit3A_903 = arith.constant 0.000000e+00 : f32
    %broadcast_in_dim3A_904 = vector.shape_cast %reshape3A_900 : vector<1x128xf32> to vector<1x128xf32>
    %broadcast_in_dim3A_905 = vector.broadcast %broadcast_in_dim3A_904 : vector<1x128xf32> to vector<64x128xf32>
    %broadcast_in_dim3A_906 = vector.broadcast %jit3A_903 : f32 to vector<64x128xf32>
    %select_n3A_907 = arith.select %eq3A_902, %broadcast_in_dim3A_905, %broadcast_in_dim3A_906 : vector<64x128xi1>, vector<64x128xf32>
    %add3A_908 = arith.addf %add3A_888, %select_n3A_907 : vector<64x128xf32>
    %get3A_909 = arith.constant 5 : index
    %get3A_910 = arith.constant 5 : index
    %get3A_911 = arith.constant 0 : index
    %get3A_912 = vector.load %arg3[%get3A_909, %get3A_910, %get3A_911] : memref<16x8x128xi32, #tpu.memory_space<vmem>>, vector<1x1x128xi32>
    %get3A_913 = vector.shape_cast %get3A_912 : vector<1x1x128xi32> to vector<128xi32>
    %reshape3A_914 = vector.shape_cast %get3A_913 : vector<128xi32> to vector<1x128xi32>
    %get3A_915 = arith.constant 5 : index
    %get3A_916 = arith.constant 5 : index
    %get3A_917 = arith.constant 0 : index
    %get3A_918 = vector.load %arg2[%get3A_915, %get3A_916, %get3A_917] : memref<16x8x128xf32, #tpu.memory_space<vmem>>, vector<1x1x128xf32>
    %get3A_919 = vector.shape_cast %get3A_918 : vector<1x1x128xf32> to vector<128xf32>
    %reshape3A_920 = vector.shape_cast %get3A_919 : vector<128xf32> to vector<1x128xf32>
    %eq3A_921 = vector.broadcast %reshape3A_914 : vector<1x128xi32> to vector<64x128xi32>
    %eq3A_922 = arith.cmpi eq, %iota3A, %eq3A_921 : vector<64x128xi32>
    %jit3A_923 = arith.constant 0.000000e+00 : f32
    %broadcast_in_dim3A_924 = vector.shape_cast %reshape3A_920 : vector<1x128xf32> to vector<1x128xf32>
    %broadcast_in_dim3A_925 = vector.broadcast %broadcast_in_dim3A_924 : vector<1x128xf32> to vector<64x128xf32>
    %broadcast_in_dim3A_926 = vector.broadcast %jit3A_923 : f32 to vector<64x128xf32>
    %select_n3A_927 = arith.select %eq3A_922, %broadcast_in_dim3A_925, %broadcast_in_dim3A_926 : vector<64x128xi1>, vector<64x128xf32>
    %add3A_928 = arith.addf %add3A_908, %select_n3A_927 : vector<64x128xf32>
    %get3A_929 = arith.constant 5 : index
    %get3A_930 = arith.constant 6 : index
    %get3A_931 = arith.constant 0 : index
    %get3A_932 = vector.load %arg3[%get3A_929, %get3A_930, %get3A_931] : memref<16x8x128xi32, #tpu.memory_space<vmem>>, vector<1x1x128xi32>
    %get3A_933 = vector.shape_cast %get3A_932 : vector<1x1x128xi32> to vector<128xi32>
    %reshape3A_934 = vector.shape_cast %get3A_933 : vector<128xi32> to vector<1x128xi32>
    %get3A_935 = arith.constant 5 : index
    %get3A_936 = arith.constant 6 : index
    %get3A_937 = arith.constant 0 : index
    %get3A_938 = vector.load %arg2[%get3A_935, %get3A_936, %get3A_937] : memref<16x8x128xf32, #tpu.memory_space<vmem>>, vector<1x1x128xf32>
    %get3A_939 = vector.shape_cast %get3A_938 : vector<1x1x128xf32> to vector<128xf32>
    %reshape3A_940 = vector.shape_cast %get3A_939 : vector<128xf32> to vector<1x128xf32>
    %eq3A_941 = vector.broadcast %reshape3A_934 : vector<1x128xi32> to vector<64x128xi32>
    %eq3A_942 = arith.cmpi eq, %iota3A, %eq3A_941 : vector<64x128xi32>
    %jit3A_943 = arith.constant 0.000000e+00 : f32
    %broadcast_in_dim3A_944 = vector.shape_cast %reshape3A_940 : vector<1x128xf32> to vector<1x128xf32>
    %broadcast_in_dim3A_945 = vector.broadcast %broadcast_in_dim3A_944 : vector<1x128xf32> to vector<64x128xf32>
    %broadcast_in_dim3A_946 = vector.broadcast %jit3A_943 : f32 to vector<64x128xf32>
    %select_n3A_947 = arith.select %eq3A_942, %broadcast_in_dim3A_945, %broadcast_in_dim3A_946 : vector<64x128xi1>, vector<64x128xf32>
    %add3A_948 = arith.addf %add3A_928, %select_n3A_947 : vector<64x128xf32>
    %get3A_949 = arith.constant 5 : index
    %get3A_950 = arith.constant 7 : index
    %get3A_951 = arith.constant 0 : index
    %get3A_952 = vector.load %arg3[%get3A_949, %get3A_950, %get3A_951] : memref<16x8x128xi32, #tpu.memory_space<vmem>>, vector<1x1x128xi32>
    %get3A_953 = vector.shape_cast %get3A_952 : vector<1x1x128xi32> to vector<128xi32>
    %reshape3A_954 = vector.shape_cast %get3A_953 : vector<128xi32> to vector<1x128xi32>
    %get3A_955 = arith.constant 5 : index
    %get3A_956 = arith.constant 7 : index
    %get3A_957 = arith.constant 0 : index
    %get3A_958 = vector.load %arg2[%get3A_955, %get3A_956, %get3A_957] : memref<16x8x128xf32, #tpu.memory_space<vmem>>, vector<1x1x128xf32>
    %get3A_959 = vector.shape_cast %get3A_958 : vector<1x1x128xf32> to vector<128xf32>
    %reshape3A_960 = vector.shape_cast %get3A_959 : vector<128xf32> to vector<1x128xf32>
    %eq3A_961 = vector.broadcast %reshape3A_954 : vector<1x128xi32> to vector<64x128xi32>
    %eq3A_962 = arith.cmpi eq, %iota3A, %eq3A_961 : vector<64x128xi32>
    %jit3A_963 = arith.constant 0.000000e+00 : f32
    %broadcast_in_dim3A_964 = vector.shape_cast %reshape3A_960 : vector<1x128xf32> to vector<1x128xf32>
    %broadcast_in_dim3A_965 = vector.broadcast %broadcast_in_dim3A_964 : vector<1x128xf32> to vector<64x128xf32>
    %broadcast_in_dim3A_966 = vector.broadcast %jit3A_963 : f32 to vector<64x128xf32>
    %select_n3A_967 = arith.select %eq3A_962, %broadcast_in_dim3A_965, %broadcast_in_dim3A_966 : vector<64x128xi1>, vector<64x128xf32>
    %add3A_968 = arith.addf %add3A_948, %select_n3A_967 : vector<64x128xf32>
    %transpose3A_969 = tpu.transpose %add3A_968, [1, 0] : vector<64x128xf32> -> vector<128x64xf32>
    %broadcast_in_dim3A_970 = arith.constant 0.000000e+00 : f32
    %broadcast_in_dim3A_971 = vector.broadcast %broadcast_in_dim3A_970 : f32 to vector<64x128xf32>
    %get3A_972 = arith.constant 6 : index
    %get3A_973 = arith.constant 0 : index
    %get3A_974 = arith.constant 0 : index
    %get3A_975 = vector.load %arg3[%get3A_972, %get3A_973, %get3A_974] : memref<16x8x128xi32, #tpu.memory_space<vmem>>, vector<1x1x128xi32>
    %get3A_976 = vector.shape_cast %get3A_975 : vector<1x1x128xi32> to vector<128xi32>
    %reshape3A_977 = vector.shape_cast %get3A_976 : vector<128xi32> to vector<1x128xi32>
    %get3A_978 = arith.constant 6 : index
    %get3A_979 = arith.constant 0 : index
    %get3A_980 = arith.constant 0 : index
    %get3A_981 = vector.load %arg2[%get3A_978, %get3A_979, %get3A_980] : memref<16x8x128xf32, #tpu.memory_space<vmem>>, vector<1x1x128xf32>
    %get3A_982 = vector.shape_cast %get3A_981 : vector<1x1x128xf32> to vector<128xf32>
    %reshape3A_983 = vector.shape_cast %get3A_982 : vector<128xf32> to vector<1x128xf32>
    %eq3A_984 = vector.broadcast %reshape3A_977 : vector<1x128xi32> to vector<64x128xi32>
    %eq3A_985 = arith.cmpi eq, %iota3A, %eq3A_984 : vector<64x128xi32>
    %jit3A_986 = arith.constant 0.000000e+00 : f32
    %broadcast_in_dim3A_987 = vector.shape_cast %reshape3A_983 : vector<1x128xf32> to vector<1x128xf32>
    %broadcast_in_dim3A_988 = vector.broadcast %broadcast_in_dim3A_987 : vector<1x128xf32> to vector<64x128xf32>
    %broadcast_in_dim3A_989 = vector.broadcast %jit3A_986 : f32 to vector<64x128xf32>
    %select_n3A_990 = arith.select %eq3A_985, %broadcast_in_dim3A_988, %broadcast_in_dim3A_989 : vector<64x128xi1>, vector<64x128xf32>
    %add3A_991 = arith.addf %broadcast_in_dim3A_971, %select_n3A_990 : vector<64x128xf32>
    %get3A_992 = arith.constant 6 : index
    %get3A_993 = arith.constant 1 : index
    %get3A_994 = arith.constant 0 : index
    %get3A_995 = vector.load %arg3[%get3A_992, %get3A_993, %get3A_994] : memref<16x8x128xi32, #tpu.memory_space<vmem>>, vector<1x1x128xi32>
    %get3A_996 = vector.shape_cast %get3A_995 : vector<1x1x128xi32> to vector<128xi32>
    %reshape3A_997 = vector.shape_cast %get3A_996 : vector<128xi32> to vector<1x128xi32>
    %get3A_998 = arith.constant 6 : index
    %get3A_999 = arith.constant 1 : index
    %get3A_1000 = arith.constant 0 : index
    %get3A_1001 = vector.load %arg2[%get3A_998, %get3A_999, %get3A_1000] : memref<16x8x128xf32, #tpu.memory_space<vmem>>, vector<1x1x128xf32>
    %get3A_1002 = vector.shape_cast %get3A_1001 : vector<1x1x128xf32> to vector<128xf32>
    %reshape3A_1003 = vector.shape_cast %get3A_1002 : vector<128xf32> to vector<1x128xf32>
    %eq3A_1004 = vector.broadcast %reshape3A_997 : vector<1x128xi32> to vector<64x128xi32>
    %eq3A_1005 = arith.cmpi eq, %iota3A, %eq3A_1004 : vector<64x128xi32>
    %jit3A_1006 = arith.constant 0.000000e+00 : f32
    %broadcast_in_dim3A_1007 = vector.shape_cast %reshape3A_1003 : vector<1x128xf32> to vector<1x128xf32>
    %broadcast_in_dim3A_1008 = vector.broadcast %broadcast_in_dim3A_1007 : vector<1x128xf32> to vector<64x128xf32>
    %broadcast_in_dim3A_1009 = vector.broadcast %jit3A_1006 : f32 to vector<64x128xf32>
    %select_n3A_1010 = arith.select %eq3A_1005, %broadcast_in_dim3A_1008, %broadcast_in_dim3A_1009 : vector<64x128xi1>, vector<64x128xf32>
    %add3A_1011 = arith.addf %add3A_991, %select_n3A_1010 : vector<64x128xf32>
    %get3A_1012 = arith.constant 6 : index
    %get3A_1013 = arith.constant 2 : index
    %get3A_1014 = arith.constant 0 : index
    %get3A_1015 = vector.load %arg3[%get3A_1012, %get3A_1013, %get3A_1014] : memref<16x8x128xi32, #tpu.memory_space<vmem>>, vector<1x1x128xi32>
    %get3A_1016 = vector.shape_cast %get3A_1015 : vector<1x1x128xi32> to vector<128xi32>
    %reshape3A_1017 = vector.shape_cast %get3A_1016 : vector<128xi32> to vector<1x128xi32>
    %get3A_1018 = arith.constant 6 : index
    %get3A_1019 = arith.constant 2 : index
    %get3A_1020 = arith.constant 0 : index
    %get3A_1021 = vector.load %arg2[%get3A_1018, %get3A_1019, %get3A_1020] : memref<16x8x128xf32, #tpu.memory_space<vmem>>, vector<1x1x128xf32>
    %get3A_1022 = vector.shape_cast %get3A_1021 : vector<1x1x128xf32> to vector<128xf32>
    %reshape3A_1023 = vector.shape_cast %get3A_1022 : vector<128xf32> to vector<1x128xf32>
    %eq3A_1024 = vector.broadcast %reshape3A_1017 : vector<1x128xi32> to vector<64x128xi32>
    %eq3A_1025 = arith.cmpi eq, %iota3A, %eq3A_1024 : vector<64x128xi32>
    %jit3A_1026 = arith.constant 0.000000e+00 : f32
    %broadcast_in_dim3A_1027 = vector.shape_cast %reshape3A_1023 : vector<1x128xf32> to vector<1x128xf32>
    %broadcast_in_dim3A_1028 = vector.broadcast %broadcast_in_dim3A_1027 : vector<1x128xf32> to vector<64x128xf32>
    %broadcast_in_dim3A_1029 = vector.broadcast %jit3A_1026 : f32 to vector<64x128xf32>
    %select_n3A_1030 = arith.select %eq3A_1025, %broadcast_in_dim3A_1028, %broadcast_in_dim3A_1029 : vector<64x128xi1>, vector<64x128xf32>
    %add3A_1031 = arith.addf %add3A_1011, %select_n3A_1030 : vector<64x128xf32>
    %get3A_1032 = arith.constant 6 : index
    %get3A_1033 = arith.constant 3 : index
    %get3A_1034 = arith.constant 0 : index
    %get3A_1035 = vector.load %arg3[%get3A_1032, %get3A_1033, %get3A_1034] : memref<16x8x128xi32, #tpu.memory_space<vmem>>, vector<1x1x128xi32>
    %get3A_1036 = vector.shape_cast %get3A_1035 : vector<1x1x128xi32> to vector<128xi32>
    %reshape3A_1037 = vector.shape_cast %get3A_1036 : vector<128xi32> to vector<1x128xi32>
    %get3A_1038 = arith.constant 6 : index
    %get3A_1039 = arith.constant 3 : index
    %get3A_1040 = arith.constant 0 : index
    %get3A_1041 = vector.load %arg2[%get3A_1038, %get3A_1039, %get3A_1040] : memref<16x8x128xf32, #tpu.memory_space<vmem>>, vector<1x1x128xf32>
    %get3A_1042 = vector.shape_cast %get3A_1041 : vector<1x1x128xf32> to vector<128xf32>
    %reshape3A_1043 = vector.shape_cast %get3A_1042 : vector<128xf32> to vector<1x128xf32>
    %eq3A_1044 = vector.broadcast %reshape3A_1037 : vector<1x128xi32> to vector<64x128xi32>
    %eq3A_1045 = arith.cmpi eq, %iota3A, %eq3A_1044 : vector<64x128xi32>
    %jit3A_1046 = arith.constant 0.000000e+00 : f32
    %broadcast_in_dim3A_1047 = vector.shape_cast %reshape3A_1043 : vector<1x128xf32> to vector<1x128xf32>
    %broadcast_in_dim3A_1048 = vector.broadcast %broadcast_in_dim3A_1047 : vector<1x128xf32> to vector<64x128xf32>
    %broadcast_in_dim3A_1049 = vector.broadcast %jit3A_1046 : f32 to vector<64x128xf32>
    %select_n3A_1050 = arith.select %eq3A_1045, %broadcast_in_dim3A_1048, %broadcast_in_dim3A_1049 : vector<64x128xi1>, vector<64x128xf32>
    %add3A_1051 = arith.addf %add3A_1031, %select_n3A_1050 : vector<64x128xf32>
    %get3A_1052 = arith.constant 6 : index
    %get3A_1053 = arith.constant 4 : index
    %get3A_1054 = arith.constant 0 : index
    %get3A_1055 = vector.load %arg3[%get3A_1052, %get3A_1053, %get3A_1054] : memref<16x8x128xi32, #tpu.memory_space<vmem>>, vector<1x1x128xi32>
    %get3A_1056 = vector.shape_cast %get3A_1055 : vector<1x1x128xi32> to vector<128xi32>
    %reshape3A_1057 = vector.shape_cast %get3A_1056 : vector<128xi32> to vector<1x128xi32>
    %get3A_1058 = arith.constant 6 : index
    %get3A_1059 = arith.constant 4 : index
    %get3A_1060 = arith.constant 0 : index
    %get3A_1061 = vector.load %arg2[%get3A_1058, %get3A_1059, %get3A_1060] : memref<16x8x128xf32, #tpu.memory_space<vmem>>, vector<1x1x128xf32>
    %get3A_1062 = vector.shape_cast %get3A_1061 : vector<1x1x128xf32> to vector<128xf32>
    %reshape3A_1063 = vector.shape_cast %get3A_1062 : vector<128xf32> to vector<1x128xf32>
    %eq3A_1064 = vector.broadcast %reshape3A_1057 : vector<1x128xi32> to vector<64x128xi32>
    %eq3A_1065 = arith.cmpi eq, %iota3A, %eq3A_1064 : vector<64x128xi32>
    %jit3A_1066 = arith.constant 0.000000e+00 : f32
    %broadcast_in_dim3A_1067 = vector.shape_cast %reshape3A_1063 : vector<1x128xf32> to vector<1x128xf32>
    %broadcast_in_dim3A_1068 = vector.broadcast %broadcast_in_dim3A_1067 : vector<1x128xf32> to vector<64x128xf32>
    %broadcast_in_dim3A_1069 = vector.broadcast %jit3A_1066 : f32 to vector<64x128xf32>
    %select_n3A_1070 = arith.select %eq3A_1065, %broadcast_in_dim3A_1068, %broadcast_in_dim3A_1069 : vector<64x128xi1>, vector<64x128xf32>
    %add3A_1071 = arith.addf %add3A_1051, %select_n3A_1070 : vector<64x128xf32>
    %get3A_1072 = arith.constant 6 : index
    %get3A_1073 = arith.constant 5 : index
    %get3A_1074 = arith.constant 0 : index
    %get3A_1075 = vector.load %arg3[%get3A_1072, %get3A_1073, %get3A_1074] : memref<16x8x128xi32, #tpu.memory_space<vmem>>, vector<1x1x128xi32>
    %get3A_1076 = vector.shape_cast %get3A_1075 : vector<1x1x128xi32> to vector<128xi32>
    %reshape3A_1077 = vector.shape_cast %get3A_1076 : vector<128xi32> to vector<1x128xi32>
    %get3A_1078 = arith.constant 6 : index
    %get3A_1079 = arith.constant 5 : index
    %get3A_1080 = arith.constant 0 : index
    %get3A_1081 = vector.load %arg2[%get3A_1078, %get3A_1079, %get3A_1080] : memref<16x8x128xf32, #tpu.memory_space<vmem>>, vector<1x1x128xf32>
    %get3A_1082 = vector.shape_cast %get3A_1081 : vector<1x1x128xf32> to vector<128xf32>
    %reshape3A_1083 = vector.shape_cast %get3A_1082 : vector<128xf32> to vector<1x128xf32>
    %eq3A_1084 = vector.broadcast %reshape3A_1077 : vector<1x128xi32> to vector<64x128xi32>
    %eq3A_1085 = arith.cmpi eq, %iota3A, %eq3A_1084 : vector<64x128xi32>
    %jit3A_1086 = arith.constant 0.000000e+00 : f32
    %broadcast_in_dim3A_1087 = vector.shape_cast %reshape3A_1083 : vector<1x128xf32> to vector<1x128xf32>
    %broadcast_in_dim3A_1088 = vector.broadcast %broadcast_in_dim3A_1087 : vector<1x128xf32> to vector<64x128xf32>
    %broadcast_in_dim3A_1089 = vector.broadcast %jit3A_1086 : f32 to vector<64x128xf32>
    %select_n3A_1090 = arith.select %eq3A_1085, %broadcast_in_dim3A_1088, %broadcast_in_dim3A_1089 : vector<64x128xi1>, vector<64x128xf32>
    %add3A_1091 = arith.addf %add3A_1071, %select_n3A_1090 : vector<64x128xf32>
    %get3A_1092 = arith.constant 6 : index
    %get3A_1093 = arith.constant 6 : index
    %get3A_1094 = arith.constant 0 : index
    %get3A_1095 = vector.load %arg3[%get3A_1092, %get3A_1093, %get3A_1094] : memref<16x8x128xi32, #tpu.memory_space<vmem>>, vector<1x1x128xi32>
    %get3A_1096 = vector.shape_cast %get3A_1095 : vector<1x1x128xi32> to vector<128xi32>
    %reshape3A_1097 = vector.shape_cast %get3A_1096 : vector<128xi32> to vector<1x128xi32>
    %get3A_1098 = arith.constant 6 : index
    %get3A_1099 = arith.constant 6 : index
    %get3A_1100 = arith.constant 0 : index
    %get3A_1101 = vector.load %arg2[%get3A_1098, %get3A_1099, %get3A_1100] : memref<16x8x128xf32, #tpu.memory_space<vmem>>, vector<1x1x128xf32>
    %get3A_1102 = vector.shape_cast %get3A_1101 : vector<1x1x128xf32> to vector<128xf32>
    %reshape3A_1103 = vector.shape_cast %get3A_1102 : vector<128xf32> to vector<1x128xf32>
    %eq3A_1104 = vector.broadcast %reshape3A_1097 : vector<1x128xi32> to vector<64x128xi32>
    %eq3A_1105 = arith.cmpi eq, %iota3A, %eq3A_1104 : vector<64x128xi32>
    %jit3A_1106 = arith.constant 0.000000e+00 : f32
    %broadcast_in_dim3A_1107 = vector.shape_cast %reshape3A_1103 : vector<1x128xf32> to vector<1x128xf32>
    %broadcast_in_dim3A_1108 = vector.broadcast %broadcast_in_dim3A_1107 : vector<1x128xf32> to vector<64x128xf32>
    %broadcast_in_dim3A_1109 = vector.broadcast %jit3A_1106 : f32 to vector<64x128xf32>
    %select_n3A_1110 = arith.select %eq3A_1105, %broadcast_in_dim3A_1108, %broadcast_in_dim3A_1109 : vector<64x128xi1>, vector<64x128xf32>
    %add3A_1111 = arith.addf %add3A_1091, %select_n3A_1110 : vector<64x128xf32>
    %get3A_1112 = arith.constant 6 : index
    %get3A_1113 = arith.constant 7 : index
    %get3A_1114 = arith.constant 0 : index
    %get3A_1115 = vector.load %arg3[%get3A_1112, %get3A_1113, %get3A_1114] : memref<16x8x128xi32, #tpu.memory_space<vmem>>, vector<1x1x128xi32>
    %get3A_1116 = vector.shape_cast %get3A_1115 : vector<1x1x128xi32> to vector<128xi32>
    %reshape3A_1117 = vector.shape_cast %get3A_1116 : vector<128xi32> to vector<1x128xi32>
    %get3A_1118 = arith.constant 6 : index
    %get3A_1119 = arith.constant 7 : index
    %get3A_1120 = arith.constant 0 : index
    %get3A_1121 = vector.load %arg2[%get3A_1118, %get3A_1119, %get3A_1120] : memref<16x8x128xf32, #tpu.memory_space<vmem>>, vector<1x1x128xf32>
    %get3A_1122 = vector.shape_cast %get3A_1121 : vector<1x1x128xf32> to vector<128xf32>
    %reshape3A_1123 = vector.shape_cast %get3A_1122 : vector<128xf32> to vector<1x128xf32>
    %eq3A_1124 = vector.broadcast %reshape3A_1117 : vector<1x128xi32> to vector<64x128xi32>
    %eq3A_1125 = arith.cmpi eq, %iota3A, %eq3A_1124 : vector<64x128xi32>
    %jit3A_1126 = arith.constant 0.000000e+00 : f32
    %broadcast_in_dim3A_1127 = vector.shape_cast %reshape3A_1123 : vector<1x128xf32> to vector<1x128xf32>
    %broadcast_in_dim3A_1128 = vector.broadcast %broadcast_in_dim3A_1127 : vector<1x128xf32> to vector<64x128xf32>
    %broadcast_in_dim3A_1129 = vector.broadcast %jit3A_1126 : f32 to vector<64x128xf32>
    %select_n3A_1130 = arith.select %eq3A_1125, %broadcast_in_dim3A_1128, %broadcast_in_dim3A_1129 : vector<64x128xi1>, vector<64x128xf32>
    %add3A_1131 = arith.addf %add3A_1111, %select_n3A_1130 : vector<64x128xf32>
    %transpose3A_1132 = tpu.transpose %add3A_1131, [1, 0] : vector<64x128xf32> -> vector<128x64xf32>
    %broadcast_in_dim3A_1133 = arith.constant 0.000000e+00 : f32
    %broadcast_in_dim3A_1134 = vector.broadcast %broadcast_in_dim3A_1133 : f32 to vector<64x128xf32>
    %get3A_1135 = arith.constant 7 : index
    %get3A_1136 = arith.constant 0 : index
    %get3A_1137 = arith.constant 0 : index
    %get3A_1138 = vector.load %arg3[%get3A_1135, %get3A_1136, %get3A_1137] : memref<16x8x128xi32, #tpu.memory_space<vmem>>, vector<1x1x128xi32>
    %get3A_1139 = vector.shape_cast %get3A_1138 : vector<1x1x128xi32> to vector<128xi32>
    %reshape3A_1140 = vector.shape_cast %get3A_1139 : vector<128xi32> to vector<1x128xi32>
    %get3A_1141 = arith.constant 7 : index
    %get3A_1142 = arith.constant 0 : index
    %get3A_1143 = arith.constant 0 : index
    %get3A_1144 = vector.load %arg2[%get3A_1141, %get3A_1142, %get3A_1143] : memref<16x8x128xf32, #tpu.memory_space<vmem>>, vector<1x1x128xf32>
    %get3A_1145 = vector.shape_cast %get3A_1144 : vector<1x1x128xf32> to vector<128xf32>
    %reshape3A_1146 = vector.shape_cast %get3A_1145 : vector<128xf32> to vector<1x128xf32>
    %eq3A_1147 = vector.broadcast %reshape3A_1140 : vector<1x128xi32> to vector<64x128xi32>
    %eq3A_1148 = arith.cmpi eq, %iota3A, %eq3A_1147 : vector<64x128xi32>
    %jit3A_1149 = arith.constant 0.000000e+00 : f32
    %broadcast_in_dim3A_1150 = vector.shape_cast %reshape3A_1146 : vector<1x128xf32> to vector<1x128xf32>
    %broadcast_in_dim3A_1151 = vector.broadcast %broadcast_in_dim3A_1150 : vector<1x128xf32> to vector<64x128xf32>
    %broadcast_in_dim3A_1152 = vector.broadcast %jit3A_1149 : f32 to vector<64x128xf32>
    %select_n3A_1153 = arith.select %eq3A_1148, %broadcast_in_dim3A_1151, %broadcast_in_dim3A_1152 : vector<64x128xi1>, vector<64x128xf32>
    %add3A_1154 = arith.addf %broadcast_in_dim3A_1134, %select_n3A_1153 : vector<64x128xf32>
    %get3A_1155 = arith.constant 7 : index
    %get3A_1156 = arith.constant 1 : index
    %get3A_1157 = arith.constant 0 : index
    %get3A_1158 = vector.load %arg3[%get3A_1155, %get3A_1156, %get3A_1157] : memref<16x8x128xi32, #tpu.memory_space<vmem>>, vector<1x1x128xi32>
    %get3A_1159 = vector.shape_cast %get3A_1158 : vector<1x1x128xi32> to vector<128xi32>
    %reshape3A_1160 = vector.shape_cast %get3A_1159 : vector<128xi32> to vector<1x128xi32>
    %get3A_1161 = arith.constant 7 : index
    %get3A_1162 = arith.constant 1 : index
    %get3A_1163 = arith.constant 0 : index
    %get3A_1164 = vector.load %arg2[%get3A_1161, %get3A_1162, %get3A_1163] : memref<16x8x128xf32, #tpu.memory_space<vmem>>, vector<1x1x128xf32>
    %get3A_1165 = vector.shape_cast %get3A_1164 : vector<1x1x128xf32> to vector<128xf32>
    %reshape3A_1166 = vector.shape_cast %get3A_1165 : vector<128xf32> to vector<1x128xf32>
    %eq3A_1167 = vector.broadcast %reshape3A_1160 : vector<1x128xi32> to vector<64x128xi32>
    %eq3A_1168 = arith.cmpi eq, %iota3A, %eq3A_1167 : vector<64x128xi32>
    %jit3A_1169 = arith.constant 0.000000e+00 : f32
    %broadcast_in_dim3A_1170 = vector.shape_cast %reshape3A_1166 : vector<1x128xf32> to vector<1x128xf32>
    %broadcast_in_dim3A_1171 = vector.broadcast %broadcast_in_dim3A_1170 : vector<1x128xf32> to vector<64x128xf32>
    %broadcast_in_dim3A_1172 = vector.broadcast %jit3A_1169 : f32 to vector<64x128xf32>
    %select_n3A_1173 = arith.select %eq3A_1168, %broadcast_in_dim3A_1171, %broadcast_in_dim3A_1172 : vector<64x128xi1>, vector<64x128xf32>
    %add3A_1174 = arith.addf %add3A_1154, %select_n3A_1173 : vector<64x128xf32>
    %get3A_1175 = arith.constant 7 : index
    %get3A_1176 = arith.constant 2 : index
    %get3A_1177 = arith.constant 0 : index
    %get3A_1178 = vector.load %arg3[%get3A_1175, %get3A_1176, %get3A_1177] : memref<16x8x128xi32, #tpu.memory_space<vmem>>, vector<1x1x128xi32>
    %get3A_1179 = vector.shape_cast %get3A_1178 : vector<1x1x128xi32> to vector<128xi32>
    %reshape3A_1180 = vector.shape_cast %get3A_1179 : vector<128xi32> to vector<1x128xi32>
    %get3A_1181 = arith.constant 7 : index
    %get3A_1182 = arith.constant 2 : index
    %get3A_1183 = arith.constant 0 : index
    %get3A_1184 = vector.load %arg2[%get3A_1181, %get3A_1182, %get3A_1183] : memref<16x8x128xf32, #tpu.memory_space<vmem>>, vector<1x1x128xf32>
    %get3A_1185 = vector.shape_cast %get3A_1184 : vector<1x1x128xf32> to vector<128xf32>
    %reshape3A_1186 = vector.shape_cast %get3A_1185 : vector<128xf32> to vector<1x128xf32>
    %eq3A_1187 = vector.broadcast %reshape3A_1180 : vector<1x128xi32> to vector<64x128xi32>
    %eq3A_1188 = arith.cmpi eq, %iota3A, %eq3A_1187 : vector<64x128xi32>
    %jit3A_1189 = arith.constant 0.000000e+00 : f32
    %broadcast_in_dim3A_1190 = vector.shape_cast %reshape3A_1186 : vector<1x128xf32> to vector<1x128xf32>
    %broadcast_in_dim3A_1191 = vector.broadcast %broadcast_in_dim3A_1190 : vector<1x128xf32> to vector<64x128xf32>
    %broadcast_in_dim3A_1192 = vector.broadcast %jit3A_1189 : f32 to vector<64x128xf32>
    %select_n3A_1193 = arith.select %eq3A_1188, %broadcast_in_dim3A_1191, %broadcast_in_dim3A_1192 : vector<64x128xi1>, vector<64x128xf32>
    %add3A_1194 = arith.addf %add3A_1174, %select_n3A_1193 : vector<64x128xf32>
    %get3A_1195 = arith.constant 7 : index
    %get3A_1196 = arith.constant 3 : index
    %get3A_1197 = arith.constant 0 : index
    %get3A_1198 = vector.load %arg3[%get3A_1195, %get3A_1196, %get3A_1197] : memref<16x8x128xi32, #tpu.memory_space<vmem>>, vector<1x1x128xi32>
    %get3A_1199 = vector.shape_cast %get3A_1198 : vector<1x1x128xi32> to vector<128xi32>
    %reshape3A_1200 = vector.shape_cast %get3A_1199 : vector<128xi32> to vector<1x128xi32>
    %get3A_1201 = arith.constant 7 : index
    %get3A_1202 = arith.constant 3 : index
    %get3A_1203 = arith.constant 0 : index
    %get3A_1204 = vector.load %arg2[%get3A_1201, %get3A_1202, %get3A_1203] : memref<16x8x128xf32, #tpu.memory_space<vmem>>, vector<1x1x128xf32>
    %get3A_1205 = vector.shape_cast %get3A_1204 : vector<1x1x128xf32> to vector<128xf32>
    %reshape3A_1206 = vector.shape_cast %get3A_1205 : vector<128xf32> to vector<1x128xf32>
    %eq3A_1207 = vector.broadcast %reshape3A_1200 : vector<1x128xi32> to vector<64x128xi32>
    %eq3A_1208 = arith.cmpi eq, %iota3A, %eq3A_1207 : vector<64x128xi32>
    %jit3A_1209 = arith.constant 0.000000e+00 : f32
    %broadcast_in_dim3A_1210 = vector.shape_cast %reshape3A_1206 : vector<1x128xf32> to vector<1x128xf32>
    %broadcast_in_dim3A_1211 = vector.broadcast %broadcast_in_dim3A_1210 : vector<1x128xf32> to vector<64x128xf32>
    %broadcast_in_dim3A_1212 = vector.broadcast %jit3A_1209 : f32 to vector<64x128xf32>
    %select_n3A_1213 = arith.select %eq3A_1208, %broadcast_in_dim3A_1211, %broadcast_in_dim3A_1212 : vector<64x128xi1>, vector<64x128xf32>
    %add3A_1214 = arith.addf %add3A_1194, %select_n3A_1213 : vector<64x128xf32>
    %get3A_1215 = arith.constant 7 : index
    %get3A_1216 = arith.constant 4 : index
    %get3A_1217 = arith.constant 0 : index
    %get3A_1218 = vector.load %arg3[%get3A_1215, %get3A_1216, %get3A_1217] : memref<16x8x128xi32, #tpu.memory_space<vmem>>, vector<1x1x128xi32>
    %get3A_1219 = vector.shape_cast %get3A_1218 : vector<1x1x128xi32> to vector<128xi32>
    %reshape3A_1220 = vector.shape_cast %get3A_1219 : vector<128xi32> to vector<1x128xi32>
    %get3A_1221 = arith.constant 7 : index
    %get3A_1222 = arith.constant 4 : index
    %get3A_1223 = arith.constant 0 : index
    %get3A_1224 = vector.load %arg2[%get3A_1221, %get3A_1222, %get3A_1223] : memref<16x8x128xf32, #tpu.memory_space<vmem>>, vector<1x1x128xf32>
    %get3A_1225 = vector.shape_cast %get3A_1224 : vector<1x1x128xf32> to vector<128xf32>
    %reshape3A_1226 = vector.shape_cast %get3A_1225 : vector<128xf32> to vector<1x128xf32>
    %eq3A_1227 = vector.broadcast %reshape3A_1220 : vector<1x128xi32> to vector<64x128xi32>
    %eq3A_1228 = arith.cmpi eq, %iota3A, %eq3A_1227 : vector<64x128xi32>
    %jit3A_1229 = arith.constant 0.000000e+00 : f32
    %broadcast_in_dim3A_1230 = vector.shape_cast %reshape3A_1226 : vector<1x128xf32> to vector<1x128xf32>
    %broadcast_in_dim3A_1231 = vector.broadcast %broadcast_in_dim3A_1230 : vector<1x128xf32> to vector<64x128xf32>
    %broadcast_in_dim3A_1232 = vector.broadcast %jit3A_1229 : f32 to vector<64x128xf32>
    %select_n3A_1233 = arith.select %eq3A_1228, %broadcast_in_dim3A_1231, %broadcast_in_dim3A_1232 : vector<64x128xi1>, vector<64x128xf32>
    %add3A_1234 = arith.addf %add3A_1214, %select_n3A_1233 : vector<64x128xf32>
    %get3A_1235 = arith.constant 7 : index
    %get3A_1236 = arith.constant 5 : index
    %get3A_1237 = arith.constant 0 : index
    %get3A_1238 = vector.load %arg3[%get3A_1235, %get3A_1236, %get3A_1237] : memref<16x8x128xi32, #tpu.memory_space<vmem>>, vector<1x1x128xi32>
    %get3A_1239 = vector.shape_cast %get3A_1238 : vector<1x1x128xi32> to vector<128xi32>
    %reshape3A_1240 = vector.shape_cast %get3A_1239 : vector<128xi32> to vector<1x128xi32>
    %get3A_1241 = arith.constant 7 : index
    %get3A_1242 = arith.constant 5 : index
    %get3A_1243 = arith.constant 0 : index
    %get3A_1244 = vector.load %arg2[%get3A_1241, %get3A_1242, %get3A_1243] : memref<16x8x128xf32, #tpu.memory_space<vmem>>, vector<1x1x128xf32>
    %get3A_1245 = vector.shape_cast %get3A_1244 : vector<1x1x128xf32> to vector<128xf32>
    %reshape3A_1246 = vector.shape_cast %get3A_1245 : vector<128xf32> to vector<1x128xf32>
    %eq3A_1247 = vector.broadcast %reshape3A_1240 : vector<1x128xi32> to vector<64x128xi32>
    %eq3A_1248 = arith.cmpi eq, %iota3A, %eq3A_1247 : vector<64x128xi32>
    %jit3A_1249 = arith.constant 0.000000e+00 : f32
    %broadcast_in_dim3A_1250 = vector.shape_cast %reshape3A_1246 : vector<1x128xf32> to vector<1x128xf32>
    %broadcast_in_dim3A_1251 = vector.broadcast %broadcast_in_dim3A_1250 : vector<1x128xf32> to vector<64x128xf32>
    %broadcast_in_dim3A_1252 = vector.broadcast %jit3A_1249 : f32 to vector<64x128xf32>
    %select_n3A_1253 = arith.select %eq3A_1248, %broadcast_in_dim3A_1251, %broadcast_in_dim3A_1252 : vector<64x128xi1>, vector<64x128xf32>
    %add3A_1254 = arith.addf %add3A_1234, %select_n3A_1253 : vector<64x128xf32>
    %get3A_1255 = arith.constant 7 : index
    %get3A_1256 = arith.constant 6 : index
    %get3A_1257 = arith.constant 0 : index
    %get3A_1258 = vector.load %arg3[%get3A_1255, %get3A_1256, %get3A_1257] : memref<16x8x128xi32, #tpu.memory_space<vmem>>, vector<1x1x128xi32>
    %get3A_1259 = vector.shape_cast %get3A_1258 : vector<1x1x128xi32> to vector<128xi32>
    %reshape3A_1260 = vector.shape_cast %get3A_1259 : vector<128xi32> to vector<1x128xi32>
    %get3A_1261 = arith.constant 7 : index
    %get3A_1262 = arith.constant 6 : index
    %get3A_1263 = arith.constant 0 : index
    %get3A_1264 = vector.load %arg2[%get3A_1261, %get3A_1262, %get3A_1263] : memref<16x8x128xf32, #tpu.memory_space<vmem>>, vector<1x1x128xf32>
    %get3A_1265 = vector.shape_cast %get3A_1264 : vector<1x1x128xf32> to vector<128xf32>
    %reshape3A_1266 = vector.shape_cast %get3A_1265 : vector<128xf32> to vector<1x128xf32>
    %eq3A_1267 = vector.broadcast %reshape3A_1260 : vector<1x128xi32> to vector<64x128xi32>
    %eq3A_1268 = arith.cmpi eq, %iota3A, %eq3A_1267 : vector<64x128xi32>
    %jit3A_1269 = arith.constant 0.000000e+00 : f32
    %broadcast_in_dim3A_1270 = vector.shape_cast %reshape3A_1266 : vector<1x128xf32> to vector<1x128xf32>
    %broadcast_in_dim3A_1271 = vector.broadcast %broadcast_in_dim3A_1270 : vector<1x128xf32> to vector<64x128xf32>
    %broadcast_in_dim3A_1272 = vector.broadcast %jit3A_1269 : f32 to vector<64x128xf32>
    %select_n3A_1273 = arith.select %eq3A_1268, %broadcast_in_dim3A_1271, %broadcast_in_dim3A_1272 : vector<64x128xi1>, vector<64x128xf32>
    %add3A_1274 = arith.addf %add3A_1254, %select_n3A_1273 : vector<64x128xf32>
    %get3A_1275 = arith.constant 7 : index
    %get3A_1276 = arith.constant 7 : index
    %get3A_1277 = arith.constant 0 : index
    %get3A_1278 = vector.load %arg3[%get3A_1275, %get3A_1276, %get3A_1277] : memref<16x8x128xi32, #tpu.memory_space<vmem>>, vector<1x1x128xi32>
    %get3A_1279 = vector.shape_cast %get3A_1278 : vector<1x1x128xi32> to vector<128xi32>
    %reshape3A_1280 = vector.shape_cast %get3A_1279 : vector<128xi32> to vector<1x128xi32>
    %get3A_1281 = arith.constant 7 : index
    %get3A_1282 = arith.constant 7 : index
    %get3A_1283 = arith.constant 0 : index
    %get3A_1284 = vector.load %arg2[%get3A_1281, %get3A_1282, %get3A_1283] : memref<16x8x128xf32, #tpu.memory_space<vmem>>, vector<1x1x128xf32>
    %get3A_1285 = vector.shape_cast %get3A_1284 : vector<1x1x128xf32> to vector<128xf32>
    %reshape3A_1286 = vector.shape_cast %get3A_1285 : vector<128xf32> to vector<1x128xf32>
    %eq3A_1287 = vector.broadcast %reshape3A_1280 : vector<1x128xi32> to vector<64x128xi32>
    %eq3A_1288 = arith.cmpi eq, %iota3A, %eq3A_1287 : vector<64x128xi32>
    %jit3A_1289 = arith.constant 0.000000e+00 : f32
    %broadcast_in_dim3A_1290 = vector.shape_cast %reshape3A_1286 : vector<1x128xf32> to vector<1x128xf32>
    %broadcast_in_dim3A_1291 = vector.broadcast %broadcast_in_dim3A_1290 : vector<1x128xf32> to vector<64x128xf32>
    %broadcast_in_dim3A_1292 = vector.broadcast %jit3A_1289 : f32 to vector<64x128xf32>
    %select_n3A_1293 = arith.select %eq3A_1288, %broadcast_in_dim3A_1291, %broadcast_in_dim3A_1292 : vector<64x128xi1>, vector<64x128xf32>
    %add3A_1294 = arith.addf %add3A_1274, %select_n3A_1293 : vector<64x128xf32>
    %transpose3A_1295 = tpu.transpose %add3A_1294, [1, 0] : vector<64x128xf32> -> vector<128x64xf32>
    %broadcast_in_dim3A_1296 = arith.constant 0.000000e+00 : f32
    %broadcast_in_dim3A_1297 = vector.broadcast %broadcast_in_dim3A_1296 : f32 to vector<64x128xf32>
    %get3A_1298 = arith.constant 8 : index
    %get3A_1299 = arith.constant 0 : index
    %get3A_1300 = arith.constant 0 : index
    %get3A_1301 = vector.load %arg3[%get3A_1298, %get3A_1299, %get3A_1300] : memref<16x8x128xi32, #tpu.memory_space<vmem>>, vector<1x1x128xi32>
    %get3A_1302 = vector.shape_cast %get3A_1301 : vector<1x1x128xi32> to vector<128xi32>
    %reshape3A_1303 = vector.shape_cast %get3A_1302 : vector<128xi32> to vector<1x128xi32>
    %get3A_1304 = arith.constant 8 : index
    %get3A_1305 = arith.constant 0 : index
    %get3A_1306 = arith.constant 0 : index
    %get3A_1307 = vector.load %arg2[%get3A_1304, %get3A_1305, %get3A_1306] : memref<16x8x128xf32, #tpu.memory_space<vmem>>, vector<1x1x128xf32>
    %get3A_1308 = vector.shape_cast %get3A_1307 : vector<1x1x128xf32> to vector<128xf32>
    %reshape3A_1309 = vector.shape_cast %get3A_1308 : vector<128xf32> to vector<1x128xf32>
    %eq3A_1310 = vector.broadcast %reshape3A_1303 : vector<1x128xi32> to vector<64x128xi32>
    %eq3A_1311 = arith.cmpi eq, %iota3A, %eq3A_1310 : vector<64x128xi32>
    %jit3A_1312 = arith.constant 0.000000e+00 : f32
    %broadcast_in_dim3A_1313 = vector.shape_cast %reshape3A_1309 : vector<1x128xf32> to vector<1x128xf32>
    %broadcast_in_dim3A_1314 = vector.broadcast %broadcast_in_dim3A_1313 : vector<1x128xf32> to vector<64x128xf32>
    %broadcast_in_dim3A_1315 = vector.broadcast %jit3A_1312 : f32 to vector<64x128xf32>
    %select_n3A_1316 = arith.select %eq3A_1311, %broadcast_in_dim3A_1314, %broadcast_in_dim3A_1315 : vector<64x128xi1>, vector<64x128xf32>
    %add3A_1317 = arith.addf %broadcast_in_dim3A_1297, %select_n3A_1316 : vector<64x128xf32>
    %get3A_1318 = arith.constant 8 : index
    %get3A_1319 = arith.constant 1 : index
    %get3A_1320 = arith.constant 0 : index
    %get3A_1321 = vector.load %arg3[%get3A_1318, %get3A_1319, %get3A_1320] : memref<16x8x128xi32, #tpu.memory_space<vmem>>, vector<1x1x128xi32>
    %get3A_1322 = vector.shape_cast %get3A_1321 : vector<1x1x128xi32> to vector<128xi32>
    %reshape3A_1323 = vector.shape_cast %get3A_1322 : vector<128xi32> to vector<1x128xi32>
    %get3A_1324 = arith.constant 8 : index
    %get3A_1325 = arith.constant 1 : index
    %get3A_1326 = arith.constant 0 : index
    %get3A_1327 = vector.load %arg2[%get3A_1324, %get3A_1325, %get3A_1326] : memref<16x8x128xf32, #tpu.memory_space<vmem>>, vector<1x1x128xf32>
    %get3A_1328 = vector.shape_cast %get3A_1327 : vector<1x1x128xf32> to vector<128xf32>
    %reshape3A_1329 = vector.shape_cast %get3A_1328 : vector<128xf32> to vector<1x128xf32>
    %eq3A_1330 = vector.broadcast %reshape3A_1323 : vector<1x128xi32> to vector<64x128xi32>
    %eq3A_1331 = arith.cmpi eq, %iota3A, %eq3A_1330 : vector<64x128xi32>
    %jit3A_1332 = arith.constant 0.000000e+00 : f32
    %broadcast_in_dim3A_1333 = vector.shape_cast %reshape3A_1329 : vector<1x128xf32> to vector<1x128xf32>
    %broadcast_in_dim3A_1334 = vector.broadcast %broadcast_in_dim3A_1333 : vector<1x128xf32> to vector<64x128xf32>
    %broadcast_in_dim3A_1335 = vector.broadcast %jit3A_1332 : f32 to vector<64x128xf32>
    %select_n3A_1336 = arith.select %eq3A_1331, %broadcast_in_dim3A_1334, %broadcast_in_dim3A_1335 : vector<64x128xi1>, vector<64x128xf32>
    %add3A_1337 = arith.addf %add3A_1317, %select_n3A_1336 : vector<64x128xf32>
    %get3A_1338 = arith.constant 8 : index
    %get3A_1339 = arith.constant 2 : index
    %get3A_1340 = arith.constant 0 : index
    %get3A_1341 = vector.load %arg3[%get3A_1338, %get3A_1339, %get3A_1340] : memref<16x8x128xi32, #tpu.memory_space<vmem>>, vector<1x1x128xi32>
    %get3A_1342 = vector.shape_cast %get3A_1341 : vector<1x1x128xi32> to vector<128xi32>
    %reshape3A_1343 = vector.shape_cast %get3A_1342 : vector<128xi32> to vector<1x128xi32>
    %get3A_1344 = arith.constant 8 : index
    %get3A_1345 = arith.constant 2 : index
    %get3A_1346 = arith.constant 0 : index
    %get3A_1347 = vector.load %arg2[%get3A_1344, %get3A_1345, %get3A_1346] : memref<16x8x128xf32, #tpu.memory_space<vmem>>, vector<1x1x128xf32>
    %get3A_1348 = vector.shape_cast %get3A_1347 : vector<1x1x128xf32> to vector<128xf32>
    %reshape3A_1349 = vector.shape_cast %get3A_1348 : vector<128xf32> to vector<1x128xf32>
    %eq3A_1350 = vector.broadcast %reshape3A_1343 : vector<1x128xi32> to vector<64x128xi32>
    %eq3A_1351 = arith.cmpi eq, %iota3A, %eq3A_1350 : vector<64x128xi32>
    %jit3A_1352 = arith.constant 0.000000e+00 : f32
    %broadcast_in_dim3A_1353 = vector.shape_cast %reshape3A_1349 : vector<1x128xf32> to vector<1x128xf32>
    %broadcast_in_dim3A_1354 = vector.broadcast %broadcast_in_dim3A_1353 : vector<1x128xf32> to vector<64x128xf32>
    %broadcast_in_dim3A_1355 = vector.broadcast %jit3A_1352 : f32 to vector<64x128xf32>
    %select_n3A_1356 = arith.select %eq3A_1351, %broadcast_in_dim3A_1354, %broadcast_in_dim3A_1355 : vector<64x128xi1>, vector<64x128xf32>
    %add3A_1357 = arith.addf %add3A_1337, %select_n3A_1356 : vector<64x128xf32>
    %get3A_1358 = arith.constant 8 : index
    %get3A_1359 = arith.constant 3 : index
    %get3A_1360 = arith.constant 0 : index
    %get3A_1361 = vector.load %arg3[%get3A_1358, %get3A_1359, %get3A_1360] : memref<16x8x128xi32, #tpu.memory_space<vmem>>, vector<1x1x128xi32>
    %get3A_1362 = vector.shape_cast %get3A_1361 : vector<1x1x128xi32> to vector<128xi32>
    %reshape3A_1363 = vector.shape_cast %get3A_1362 : vector<128xi32> to vector<1x128xi32>
    %get3A_1364 = arith.constant 8 : index
    %get3A_1365 = arith.constant 3 : index
    %get3A_1366 = arith.constant 0 : index
    %get3A_1367 = vector.load %arg2[%get3A_1364, %get3A_1365, %get3A_1366] : memref<16x8x128xf32, #tpu.memory_space<vmem>>, vector<1x1x128xf32>
    %get3A_1368 = vector.shape_cast %get3A_1367 : vector<1x1x128xf32> to vector<128xf32>
    %reshape3A_1369 = vector.shape_cast %get3A_1368 : vector<128xf32> to vector<1x128xf32>
    %eq3A_1370 = vector.broadcast %reshape3A_1363 : vector<1x128xi32> to vector<64x128xi32>
    %eq3A_1371 = arith.cmpi eq, %iota3A, %eq3A_1370 : vector<64x128xi32>
    %jit3A_1372 = arith.constant 0.000000e+00 : f32
    %broadcast_in_dim3A_1373 = vector.shape_cast %reshape3A_1369 : vector<1x128xf32> to vector<1x128xf32>
    %broadcast_in_dim3A_1374 = vector.broadcast %broadcast_in_dim3A_1373 : vector<1x128xf32> to vector<64x128xf32>
    %broadcast_in_dim3A_1375 = vector.broadcast %jit3A_1372 : f32 to vector<64x128xf32>
    %select_n3A_1376 = arith.select %eq3A_1371, %broadcast_in_dim3A_1374, %broadcast_in_dim3A_1375 : vector<64x128xi1>, vector<64x128xf32>
    %add3A_1377 = arith.addf %add3A_1357, %select_n3A_1376 : vector<64x128xf32>
    %get3A_1378 = arith.constant 8 : index
    %get3A_1379 = arith.constant 4 : index
    %get3A_1380 = arith.constant 0 : index
    %get3A_1381 = vector.load %arg3[%get3A_1378, %get3A_1379, %get3A_1380] : memref<16x8x128xi32, #tpu.memory_space<vmem>>, vector<1x1x128xi32>
    %get3A_1382 = vector.shape_cast %get3A_1381 : vector<1x1x128xi32> to vector<128xi32>
    %reshape3A_1383 = vector.shape_cast %get3A_1382 : vector<128xi32> to vector<1x128xi32>
    %get3A_1384 = arith.constant 8 : index
    %get3A_1385 = arith.constant 4 : index
    %get3A_1386 = arith.constant 0 : index
    %get3A_1387 = vector.load %arg2[%get3A_1384, %get3A_1385, %get3A_1386] : memref<16x8x128xf32, #tpu.memory_space<vmem>>, vector<1x1x128xf32>
    %get3A_1388 = vector.shape_cast %get3A_1387 : vector<1x1x128xf32> to vector<128xf32>
    %reshape3A_1389 = vector.shape_cast %get3A_1388 : vector<128xf32> to vector<1x128xf32>
    %eq3A_1390 = vector.broadcast %reshape3A_1383 : vector<1x128xi32> to vector<64x128xi32>
    %eq3A_1391 = arith.cmpi eq, %iota3A, %eq3A_1390 : vector<64x128xi32>
    %jit3A_1392 = arith.constant 0.000000e+00 : f32
    %broadcast_in_dim3A_1393 = vector.shape_cast %reshape3A_1389 : vector<1x128xf32> to vector<1x128xf32>
    %broadcast_in_dim3A_1394 = vector.broadcast %broadcast_in_dim3A_1393 : vector<1x128xf32> to vector<64x128xf32>
    %broadcast_in_dim3A_1395 = vector.broadcast %jit3A_1392 : f32 to vector<64x128xf32>
    %select_n3A_1396 = arith.select %eq3A_1391, %broadcast_in_dim3A_1394, %broadcast_in_dim3A_1395 : vector<64x128xi1>, vector<64x128xf32>
    %add3A_1397 = arith.addf %add3A_1377, %select_n3A_1396 : vector<64x128xf32>
    %get3A_1398 = arith.constant 8 : index
    %get3A_1399 = arith.constant 5 : index
    %get3A_1400 = arith.constant 0 : index
    %get3A_1401 = vector.load %arg3[%get3A_1398, %get3A_1399, %get3A_1400] : memref<16x8x128xi32, #tpu.memory_space<vmem>>, vector<1x1x128xi32>
    %get3A_1402 = vector.shape_cast %get3A_1401 : vector<1x1x128xi32> to vector<128xi32>
    %reshape3A_1403 = vector.shape_cast %get3A_1402 : vector<128xi32> to vector<1x128xi32>
    %get3A_1404 = arith.constant 8 : index
    %get3A_1405 = arith.constant 5 : index
    %get3A_1406 = arith.constant 0 : index
    %get3A_1407 = vector.load %arg2[%get3A_1404, %get3A_1405, %get3A_1406] : memref<16x8x128xf32, #tpu.memory_space<vmem>>, vector<1x1x128xf32>
    %get3A_1408 = vector.shape_cast %get3A_1407 : vector<1x1x128xf32> to vector<128xf32>
    %reshape3A_1409 = vector.shape_cast %get3A_1408 : vector<128xf32> to vector<1x128xf32>
    %eq3A_1410 = vector.broadcast %reshape3A_1403 : vector<1x128xi32> to vector<64x128xi32>
    %eq3A_1411 = arith.cmpi eq, %iota3A, %eq3A_1410 : vector<64x128xi32>
    %jit3A_1412 = arith.constant 0.000000e+00 : f32
    %broadcast_in_dim3A_1413 = vector.shape_cast %reshape3A_1409 : vector<1x128xf32> to vector<1x128xf32>
    %broadcast_in_dim3A_1414 = vector.broadcast %broadcast_in_dim3A_1413 : vector<1x128xf32> to vector<64x128xf32>
    %broadcast_in_dim3A_1415 = vector.broadcast %jit3A_1412 : f32 to vector<64x128xf32>
    %select_n3A_1416 = arith.select %eq3A_1411, %broadcast_in_dim3A_1414, %broadcast_in_dim3A_1415 : vector<64x128xi1>, vector<64x128xf32>
    %add3A_1417 = arith.addf %add3A_1397, %select_n3A_1416 : vector<64x128xf32>
    %get3A_1418 = arith.constant 8 : index
    %get3A_1419 = arith.constant 6 : index
    %get3A_1420 = arith.constant 0 : index
    %get3A_1421 = vector.load %arg3[%get3A_1418, %get3A_1419, %get3A_1420] : memref<16x8x128xi32, #tpu.memory_space<vmem>>, vector<1x1x128xi32>
    %get3A_1422 = vector.shape_cast %get3A_1421 : vector<1x1x128xi32> to vector<128xi32>
    %reshape3A_1423 = vector.shape_cast %get3A_1422 : vector<128xi32> to vector<1x128xi32>
    %get3A_1424 = arith.constant 8 : index
    %get3A_1425 = arith.constant 6 : index
    %get3A_1426 = arith.constant 0 : index
    %get3A_1427 = vector.load %arg2[%get3A_1424, %get3A_1425, %get3A_1426] : memref<16x8x128xf32, #tpu.memory_space<vmem>>, vector<1x1x128xf32>
    %get3A_1428 = vector.shape_cast %get3A_1427 : vector<1x1x128xf32> to vector<128xf32>
    %reshape3A_1429 = vector.shape_cast %get3A_1428 : vector<128xf32> to vector<1x128xf32>
    %eq3A_1430 = vector.broadcast %reshape3A_1423 : vector<1x128xi32> to vector<64x128xi32>
    %eq3A_1431 = arith.cmpi eq, %iota3A, %eq3A_1430 : vector<64x128xi32>
    %jit3A_1432 = arith.constant 0.000000e+00 : f32
    %broadcast_in_dim3A_1433 = vector.shape_cast %reshape3A_1429 : vector<1x128xf32> to vector<1x128xf32>
    %broadcast_in_dim3A_1434 = vector.broadcast %broadcast_in_dim3A_1433 : vector<1x128xf32> to vector<64x128xf32>
    %broadcast_in_dim3A_1435 = vector.broadcast %jit3A_1432 : f32 to vector<64x128xf32>
    %select_n3A_1436 = arith.select %eq3A_1431, %broadcast_in_dim3A_1434, %broadcast_in_dim3A_1435 : vector<64x128xi1>, vector<64x128xf32>
    %add3A_1437 = arith.addf %add3A_1417, %select_n3A_1436 : vector<64x128xf32>
    %get3A_1438 = arith.constant 8 : index
    %get3A_1439 = arith.constant 7 : index
    %get3A_1440 = arith.constant 0 : index
    %get3A_1441 = vector.load %arg3[%get3A_1438, %get3A_1439, %get3A_1440] : memref<16x8x128xi32, #tpu.memory_space<vmem>>, vector<1x1x128xi32>
    %get3A_1442 = vector.shape_cast %get3A_1441 : vector<1x1x128xi32> to vector<128xi32>
    %reshape3A_1443 = vector.shape_cast %get3A_1442 : vector<128xi32> to vector<1x128xi32>
    %get3A_1444 = arith.constant 8 : index
    %get3A_1445 = arith.constant 7 : index
    %get3A_1446 = arith.constant 0 : index
    %get3A_1447 = vector.load %arg2[%get3A_1444, %get3A_1445, %get3A_1446] : memref<16x8x128xf32, #tpu.memory_space<vmem>>, vector<1x1x128xf32>
    %get3A_1448 = vector.shape_cast %get3A_1447 : vector<1x1x128xf32> to vector<128xf32>
    %reshape3A_1449 = vector.shape_cast %get3A_1448 : vector<128xf32> to vector<1x128xf32>
    %eq3A_1450 = vector.broadcast %reshape3A_1443 : vector<1x128xi32> to vector<64x128xi32>
    %eq3A_1451 = arith.cmpi eq, %iota3A, %eq3A_1450 : vector<64x128xi32>
    %jit3A_1452 = arith.constant 0.000000e+00 : f32
    %broadcast_in_dim3A_1453 = vector.shape_cast %reshape3A_1449 : vector<1x128xf32> to vector<1x128xf32>
    %broadcast_in_dim3A_1454 = vector.broadcast %broadcast_in_dim3A_1453 : vector<1x128xf32> to vector<64x128xf32>
    %broadcast_in_dim3A_1455 = vector.broadcast %jit3A_1452 : f32 to vector<64x128xf32>
    %select_n3A_1456 = arith.select %eq3A_1451, %broadcast_in_dim3A_1454, %broadcast_in_dim3A_1455 : vector<64x128xi1>, vector<64x128xf32>
    %add3A_1457 = arith.addf %add3A_1437, %select_n3A_1456 : vector<64x128xf32>
    %transpose3A_1458 = tpu.transpose %add3A_1457, [1, 0] : vector<64x128xf32> -> vector<128x64xf32>
    %broadcast_in_dim3A_1459 = arith.constant 0.000000e+00 : f32
    %broadcast_in_dim3A_1460 = vector.broadcast %broadcast_in_dim3A_1459 : f32 to vector<64x128xf32>
    %get3A_1461 = arith.constant 9 : index
    %get3A_1462 = arith.constant 0 : index
    %get3A_1463 = arith.constant 0 : index
    %get3A_1464 = vector.load %arg3[%get3A_1461, %get3A_1462, %get3A_1463] : memref<16x8x128xi32, #tpu.memory_space<vmem>>, vector<1x1x128xi32>
    %get3A_1465 = vector.shape_cast %get3A_1464 : vector<1x1x128xi32> to vector<128xi32>
    %reshape3A_1466 = vector.shape_cast %get3A_1465 : vector<128xi32> to vector<1x128xi32>
    %get3A_1467 = arith.constant 9 : index
    %get3A_1468 = arith.constant 0 : index
    %get3A_1469 = arith.constant 0 : index
    %get3A_1470 = vector.load %arg2[%get3A_1467, %get3A_1468, %get3A_1469] : memref<16x8x128xf32, #tpu.memory_space<vmem>>, vector<1x1x128xf32>
    %get3A_1471 = vector.shape_cast %get3A_1470 : vector<1x1x128xf32> to vector<128xf32>
    %reshape3A_1472 = vector.shape_cast %get3A_1471 : vector<128xf32> to vector<1x128xf32>
    %eq3A_1473 = vector.broadcast %reshape3A_1466 : vector<1x128xi32> to vector<64x128xi32>
    %eq3A_1474 = arith.cmpi eq, %iota3A, %eq3A_1473 : vector<64x128xi32>
    %jit3A_1475 = arith.constant 0.000000e+00 : f32
    %broadcast_in_dim3A_1476 = vector.shape_cast %reshape3A_1472 : vector<1x128xf32> to vector<1x128xf32>
    %broadcast_in_dim3A_1477 = vector.broadcast %broadcast_in_dim3A_1476 : vector<1x128xf32> to vector<64x128xf32>
    %broadcast_in_dim3A_1478 = vector.broadcast %jit3A_1475 : f32 to vector<64x128xf32>
    %select_n3A_1479 = arith.select %eq3A_1474, %broadcast_in_dim3A_1477, %broadcast_in_dim3A_1478 : vector<64x128xi1>, vector<64x128xf32>
    %add3A_1480 = arith.addf %broadcast_in_dim3A_1460, %select_n3A_1479 : vector<64x128xf32>
    %get3A_1481 = arith.constant 9 : index
    %get3A_1482 = arith.constant 1 : index
    %get3A_1483 = arith.constant 0 : index
    %get3A_1484 = vector.load %arg3[%get3A_1481, %get3A_1482, %get3A_1483] : memref<16x8x128xi32, #tpu.memory_space<vmem>>, vector<1x1x128xi32>
    %get3A_1485 = vector.shape_cast %get3A_1484 : vector<1x1x128xi32> to vector<128xi32>
    %reshape3A_1486 = vector.shape_cast %get3A_1485 : vector<128xi32> to vector<1x128xi32>
    %get3A_1487 = arith.constant 9 : index
    %get3A_1488 = arith.constant 1 : index
    %get3A_1489 = arith.constant 0 : index
    %get3A_1490 = vector.load %arg2[%get3A_1487, %get3A_1488, %get3A_1489] : memref<16x8x128xf32, #tpu.memory_space<vmem>>, vector<1x1x128xf32>
    %get3A_1491 = vector.shape_cast %get3A_1490 : vector<1x1x128xf32> to vector<128xf32>
    %reshape3A_1492 = vector.shape_cast %get3A_1491 : vector<128xf32> to vector<1x128xf32>
    %eq3A_1493 = vector.broadcast %reshape3A_1486 : vector<1x128xi32> to vector<64x128xi32>
    %eq3A_1494 = arith.cmpi eq, %iota3A, %eq3A_1493 : vector<64x128xi32>
    %jit3A_1495 = arith.constant 0.000000e+00 : f32
    %broadcast_in_dim3A_1496 = vector.shape_cast %reshape3A_1492 : vector<1x128xf32> to vector<1x128xf32>
    %broadcast_in_dim3A_1497 = vector.broadcast %broadcast_in_dim3A_1496 : vector<1x128xf32> to vector<64x128xf32>
    %broadcast_in_dim3A_1498 = vector.broadcast %jit3A_1495 : f32 to vector<64x128xf32>
    %select_n3A_1499 = arith.select %eq3A_1494, %broadcast_in_dim3A_1497, %broadcast_in_dim3A_1498 : vector<64x128xi1>, vector<64x128xf32>
    %add3A_1500 = arith.addf %add3A_1480, %select_n3A_1499 : vector<64x128xf32>
    %get3A_1501 = arith.constant 9 : index
    %get3A_1502 = arith.constant 2 : index
    %get3A_1503 = arith.constant 0 : index
    %get3A_1504 = vector.load %arg3[%get3A_1501, %get3A_1502, %get3A_1503] : memref<16x8x128xi32, #tpu.memory_space<vmem>>, vector<1x1x128xi32>
    %get3A_1505 = vector.shape_cast %get3A_1504 : vector<1x1x128xi32> to vector<128xi32>
    %reshape3A_1506 = vector.shape_cast %get3A_1505 : vector<128xi32> to vector<1x128xi32>
    %get3A_1507 = arith.constant 9 : index
    %get3A_1508 = arith.constant 2 : index
    %get3A_1509 = arith.constant 0 : index
    %get3A_1510 = vector.load %arg2[%get3A_1507, %get3A_1508, %get3A_1509] : memref<16x8x128xf32, #tpu.memory_space<vmem>>, vector<1x1x128xf32>
    %get3A_1511 = vector.shape_cast %get3A_1510 : vector<1x1x128xf32> to vector<128xf32>
    %reshape3A_1512 = vector.shape_cast %get3A_1511 : vector<128xf32> to vector<1x128xf32>
    %eq3A_1513 = vector.broadcast %reshape3A_1506 : vector<1x128xi32> to vector<64x128xi32>
    %eq3A_1514 = arith.cmpi eq, %iota3A, %eq3A_1513 : vector<64x128xi32>
    %jit3A_1515 = arith.constant 0.000000e+00 : f32
    %broadcast_in_dim3A_1516 = vector.shape_cast %reshape3A_1512 : vector<1x128xf32> to vector<1x128xf32>
    %broadcast_in_dim3A_1517 = vector.broadcast %broadcast_in_dim3A_1516 : vector<1x128xf32> to vector<64x128xf32>
    %broadcast_in_dim3A_1518 = vector.broadcast %jit3A_1515 : f32 to vector<64x128xf32>
    %select_n3A_1519 = arith.select %eq3A_1514, %broadcast_in_dim3A_1517, %broadcast_in_dim3A_1518 : vector<64x128xi1>, vector<64x128xf32>
    %add3A_1520 = arith.addf %add3A_1500, %select_n3A_1519 : vector<64x128xf32>
    %get3A_1521 = arith.constant 9 : index
    %get3A_1522 = arith.constant 3 : index
    %get3A_1523 = arith.constant 0 : index
    %get3A_1524 = vector.load %arg3[%get3A_1521, %get3A_1522, %get3A_1523] : memref<16x8x128xi32, #tpu.memory_space<vmem>>, vector<1x1x128xi32>
    %get3A_1525 = vector.shape_cast %get3A_1524 : vector<1x1x128xi32> to vector<128xi32>
    %reshape3A_1526 = vector.shape_cast %get3A_1525 : vector<128xi32> to vector<1x128xi32>
    %get3A_1527 = arith.constant 9 : index
    %get3A_1528 = arith.constant 3 : index
    %get3A_1529 = arith.constant 0 : index
    %get3A_1530 = vector.load %arg2[%get3A_1527, %get3A_1528, %get3A_1529] : memref<16x8x128xf32, #tpu.memory_space<vmem>>, vector<1x1x128xf32>
    %get3A_1531 = vector.shape_cast %get3A_1530 : vector<1x1x128xf32> to vector<128xf32>
    %reshape3A_1532 = vector.shape_cast %get3A_1531 : vector<128xf32> to vector<1x128xf32>
    %eq3A_1533 = vector.broadcast %reshape3A_1526 : vector<1x128xi32> to vector<64x128xi32>
    %eq3A_1534 = arith.cmpi eq, %iota3A, %eq3A_1533 : vector<64x128xi32>
    %jit3A_1535 = arith.constant 0.000000e+00 : f32
    %broadcast_in_dim3A_1536 = vector.shape_cast %reshape3A_1532 : vector<1x128xf32> to vector<1x128xf32>
    %broadcast_in_dim3A_1537 = vector.broadcast %broadcast_in_dim3A_1536 : vector<1x128xf32> to vector<64x128xf32>
    %broadcast_in_dim3A_1538 = vector.broadcast %jit3A_1535 : f32 to vector<64x128xf32>
    %select_n3A_1539 = arith.select %eq3A_1534, %broadcast_in_dim3A_1537, %broadcast_in_dim3A_1538 : vector<64x128xi1>, vector<64x128xf32>
    %add3A_1540 = arith.addf %add3A_1520, %select_n3A_1539 : vector<64x128xf32>
    %get3A_1541 = arith.constant 9 : index
    %get3A_1542 = arith.constant 4 : index
    %get3A_1543 = arith.constant 0 : index
    %get3A_1544 = vector.load %arg3[%get3A_1541, %get3A_1542, %get3A_1543] : memref<16x8x128xi32, #tpu.memory_space<vmem>>, vector<1x1x128xi32>
    %get3A_1545 = vector.shape_cast %get3A_1544 : vector<1x1x128xi32> to vector<128xi32>
    %reshape3A_1546 = vector.shape_cast %get3A_1545 : vector<128xi32> to vector<1x128xi32>
    %get3A_1547 = arith.constant 9 : index
    %get3A_1548 = arith.constant 4 : index
    %get3A_1549 = arith.constant 0 : index
    %get3A_1550 = vector.load %arg2[%get3A_1547, %get3A_1548, %get3A_1549] : memref<16x8x128xf32, #tpu.memory_space<vmem>>, vector<1x1x128xf32>
    %get3A_1551 = vector.shape_cast %get3A_1550 : vector<1x1x128xf32> to vector<128xf32>
    %reshape3A_1552 = vector.shape_cast %get3A_1551 : vector<128xf32> to vector<1x128xf32>
    %eq3A_1553 = vector.broadcast %reshape3A_1546 : vector<1x128xi32> to vector<64x128xi32>
    %eq3A_1554 = arith.cmpi eq, %iota3A, %eq3A_1553 : vector<64x128xi32>
    %jit3A_1555 = arith.constant 0.000000e+00 : f32
    %broadcast_in_dim3A_1556 = vector.shape_cast %reshape3A_1552 : vector<1x128xf32> to vector<1x128xf32>
    %broadcast_in_dim3A_1557 = vector.broadcast %broadcast_in_dim3A_1556 : vector<1x128xf32> to vector<64x128xf32>
    %broadcast_in_dim3A_1558 = vector.broadcast %jit3A_1555 : f32 to vector<64x128xf32>
    %select_n3A_1559 = arith.select %eq3A_1554, %broadcast_in_dim3A_1557, %broadcast_in_dim3A_1558 : vector<64x128xi1>, vector<64x128xf32>
    %add3A_1560 = arith.addf %add3A_1540, %select_n3A_1559 : vector<64x128xf32>
    %get3A_1561 = arith.constant 9 : index
    %get3A_1562 = arith.constant 5 : index
    %get3A_1563 = arith.constant 0 : index
    %get3A_1564 = vector.load %arg3[%get3A_1561, %get3A_1562, %get3A_1563] : memref<16x8x128xi32, #tpu.memory_space<vmem>>, vector<1x1x128xi32>
    %get3A_1565 = vector.shape_cast %get3A_1564 : vector<1x1x128xi32> to vector<128xi32>
    %reshape3A_1566 = vector.shape_cast %get3A_1565 : vector<128xi32> to vector<1x128xi32>
    %get3A_1567 = arith.constant 9 : index
    %get3A_1568 = arith.constant 5 : index
    %get3A_1569 = arith.constant 0 : index
    %get3A_1570 = vector.load %arg2[%get3A_1567, %get3A_1568, %get3A_1569] : memref<16x8x128xf32, #tpu.memory_space<vmem>>, vector<1x1x128xf32>
    %get3A_1571 = vector.shape_cast %get3A_1570 : vector<1x1x128xf32> to vector<128xf32>
    %reshape3A_1572 = vector.shape_cast %get3A_1571 : vector<128xf32> to vector<1x128xf32>
    %eq3A_1573 = vector.broadcast %reshape3A_1566 : vector<1x128xi32> to vector<64x128xi32>
    %eq3A_1574 = arith.cmpi eq, %iota3A, %eq3A_1573 : vector<64x128xi32>
    %jit3A_1575 = arith.constant 0.000000e+00 : f32
    %broadcast_in_dim3A_1576 = vector.shape_cast %reshape3A_1572 : vector<1x128xf32> to vector<1x128xf32>
    %broadcast_in_dim3A_1577 = vector.broadcast %broadcast_in_dim3A_1576 : vector<1x128xf32> to vector<64x128xf32>
    %broadcast_in_dim3A_1578 = vector.broadcast %jit3A_1575 : f32 to vector<64x128xf32>
    %select_n3A_1579 = arith.select %eq3A_1574, %broadcast_in_dim3A_1577, %broadcast_in_dim3A_1578 : vector<64x128xi1>, vector<64x128xf32>
    %add3A_1580 = arith.addf %add3A_1560, %select_n3A_1579 : vector<64x128xf32>
    %get3A_1581 = arith.constant 9 : index
    %get3A_1582 = arith.constant 6 : index
    %get3A_1583 = arith.constant 0 : index
    %get3A_1584 = vector.load %arg3[%get3A_1581, %get3A_1582, %get3A_1583] : memref<16x8x128xi32, #tpu.memory_space<vmem>>, vector<1x1x128xi32>
    %get3A_1585 = vector.shape_cast %get3A_1584 : vector<1x1x128xi32> to vector<128xi32>
    %reshape3A_1586 = vector.shape_cast %get3A_1585 : vector<128xi32> to vector<1x128xi32>
    %get3A_1587 = arith.constant 9 : index
    %get3A_1588 = arith.constant 6 : index
    %get3A_1589 = arith.constant 0 : index
    %get3A_1590 = vector.load %arg2[%get3A_1587, %get3A_1588, %get3A_1589] : memref<16x8x128xf32, #tpu.memory_space<vmem>>, vector<1x1x128xf32>
    %get3A_1591 = vector.shape_cast %get3A_1590 : vector<1x1x128xf32> to vector<128xf32>
    %reshape3A_1592 = vector.shape_cast %get3A_1591 : vector<128xf32> to vector<1x128xf32>
    %eq3A_1593 = vector.broadcast %reshape3A_1586 : vector<1x128xi32> to vector<64x128xi32>
    %eq3A_1594 = arith.cmpi eq, %iota3A, %eq3A_1593 : vector<64x128xi32>
    %jit3A_1595 = arith.constant 0.000000e+00 : f32
    %broadcast_in_dim3A_1596 = vector.shape_cast %reshape3A_1592 : vector<1x128xf32> to vector<1x128xf32>
    %broadcast_in_dim3A_1597 = vector.broadcast %broadcast_in_dim3A_1596 : vector<1x128xf32> to vector<64x128xf32>
    %broadcast_in_dim3A_1598 = vector.broadcast %jit3A_1595 : f32 to vector<64x128xf32>
    %select_n3A_1599 = arith.select %eq3A_1594, %broadcast_in_dim3A_1597, %broadcast_in_dim3A_1598 : vector<64x128xi1>, vector<64x128xf32>
    %add3A_1600 = arith.addf %add3A_1580, %select_n3A_1599 : vector<64x128xf32>
    %get3A_1601 = arith.constant 9 : index
    %get3A_1602 = arith.constant 7 : index
    %get3A_1603 = arith.constant 0 : index
    %get3A_1604 = vector.load %arg3[%get3A_1601, %get3A_1602, %get3A_1603] : memref<16x8x128xi32, #tpu.memory_space<vmem>>, vector<1x1x128xi32>
    %get3A_1605 = vector.shape_cast %get3A_1604 : vector<1x1x128xi32> to vector<128xi32>
    %reshape3A_1606 = vector.shape_cast %get3A_1605 : vector<128xi32> to vector<1x128xi32>
    %get3A_1607 = arith.constant 9 : index
    %get3A_1608 = arith.constant 7 : index
    %get3A_1609 = arith.constant 0 : index
    %get3A_1610 = vector.load %arg2[%get3A_1607, %get3A_1608, %get3A_1609] : memref<16x8x128xf32, #tpu.memory_space<vmem>>, vector<1x1x128xf32>
    %get3A_1611 = vector.shape_cast %get3A_1610 : vector<1x1x128xf32> to vector<128xf32>
    %reshape3A_1612 = vector.shape_cast %get3A_1611 : vector<128xf32> to vector<1x128xf32>
    %eq3A_1613 = vector.broadcast %reshape3A_1606 : vector<1x128xi32> to vector<64x128xi32>
    %eq3A_1614 = arith.cmpi eq, %iota3A, %eq3A_1613 : vector<64x128xi32>
    %jit3A_1615 = arith.constant 0.000000e+00 : f32
    %broadcast_in_dim3A_1616 = vector.shape_cast %reshape3A_1612 : vector<1x128xf32> to vector<1x128xf32>
    %broadcast_in_dim3A_1617 = vector.broadcast %broadcast_in_dim3A_1616 : vector<1x128xf32> to vector<64x128xf32>
    %broadcast_in_dim3A_1618 = vector.broadcast %jit3A_1615 : f32 to vector<64x128xf32>
    %select_n3A_1619 = arith.select %eq3A_1614, %broadcast_in_dim3A_1617, %broadcast_in_dim3A_1618 : vector<64x128xi1>, vector<64x128xf32>
    %add3A_1620 = arith.addf %add3A_1600, %select_n3A_1619 : vector<64x128xf32>
    %transpose3A_1621 = tpu.transpose %add3A_1620, [1, 0] : vector<64x128xf32> -> vector<128x64xf32>
    %broadcast_in_dim3A_1622 = arith.constant 0.000000e+00 : f32
    %broadcast_in_dim3A_1623 = vector.broadcast %broadcast_in_dim3A_1622 : f32 to vector<64x128xf32>
    %get3A_1624 = arith.constant 10 : index
    %get3A_1625 = arith.constant 0 : index
    %get3A_1626 = arith.constant 0 : index
    %get3A_1627 = vector.load %arg3[%get3A_1624, %get3A_1625, %get3A_1626] : memref<16x8x128xi32, #tpu.memory_space<vmem>>, vector<1x1x128xi32>
    %get3A_1628 = vector.shape_cast %get3A_1627 : vector<1x1x128xi32> to vector<128xi32>
    %reshape3A_1629 = vector.shape_cast %get3A_1628 : vector<128xi32> to vector<1x128xi32>
    %get3A_1630 = arith.constant 10 : index
    %get3A_1631 = arith.constant 0 : index
    %get3A_1632 = arith.constant 0 : index
    %get3A_1633 = vector.load %arg2[%get3A_1630, %get3A_1631, %get3A_1632] : memref<16x8x128xf32, #tpu.memory_space<vmem>>, vector<1x1x128xf32>
    %get3A_1634 = vector.shape_cast %get3A_1633 : vector<1x1x128xf32> to vector<128xf32>
    %reshape3A_1635 = vector.shape_cast %get3A_1634 : vector<128xf32> to vector<1x128xf32>
    %eq3A_1636 = vector.broadcast %reshape3A_1629 : vector<1x128xi32> to vector<64x128xi32>
    %eq3A_1637 = arith.cmpi eq, %iota3A, %eq3A_1636 : vector<64x128xi32>
    %jit3A_1638 = arith.constant 0.000000e+00 : f32
    %broadcast_in_dim3A_1639 = vector.shape_cast %reshape3A_1635 : vector<1x128xf32> to vector<1x128xf32>
    %broadcast_in_dim3A_1640 = vector.broadcast %broadcast_in_dim3A_1639 : vector<1x128xf32> to vector<64x128xf32>
    %broadcast_in_dim3A_1641 = vector.broadcast %jit3A_1638 : f32 to vector<64x128xf32>
    %select_n3A_1642 = arith.select %eq3A_1637, %broadcast_in_dim3A_1640, %broadcast_in_dim3A_1641 : vector<64x128xi1>, vector<64x128xf32>
    %add3A_1643 = arith.addf %broadcast_in_dim3A_1623, %select_n3A_1642 : vector<64x128xf32>
    %get3A_1644 = arith.constant 10 : index
    %get3A_1645 = arith.constant 1 : index
    %get3A_1646 = arith.constant 0 : index
    %get3A_1647 = vector.load %arg3[%get3A_1644, %get3A_1645, %get3A_1646] : memref<16x8x128xi32, #tpu.memory_space<vmem>>, vector<1x1x128xi32>
    %get3A_1648 = vector.shape_cast %get3A_1647 : vector<1x1x128xi32> to vector<128xi32>
    %reshape3A_1649 = vector.shape_cast %get3A_1648 : vector<128xi32> to vector<1x128xi32>
    %get3A_1650 = arith.constant 10 : index
    %get3A_1651 = arith.constant 1 : index
    %get3A_1652 = arith.constant 0 : index
    %get3A_1653 = vector.load %arg2[%get3A_1650, %get3A_1651, %get3A_1652] : memref<16x8x128xf32, #tpu.memory_space<vmem>>, vector<1x1x128xf32>
    %get3A_1654 = vector.shape_cast %get3A_1653 : vector<1x1x128xf32> to vector<128xf32>
    %reshape3A_1655 = vector.shape_cast %get3A_1654 : vector<128xf32> to vector<1x128xf32>
    %eq3A_1656 = vector.broadcast %reshape3A_1649 : vector<1x128xi32> to vector<64x128xi32>
    %eq3A_1657 = arith.cmpi eq, %iota3A, %eq3A_1656 : vector<64x128xi32>
    %jit3A_1658 = arith.constant 0.000000e+00 : f32
    %broadcast_in_dim3A_1659 = vector.shape_cast %reshape3A_1655 : vector<1x128xf32> to vector<1x128xf32>
    %broadcast_in_dim3A_1660 = vector.broadcast %broadcast_in_dim3A_1659 : vector<1x128xf32> to vector<64x128xf32>
    %broadcast_in_dim3A_1661 = vector.broadcast %jit3A_1658 : f32 to vector<64x128xf32>
    %select_n3A_1662 = arith.select %eq3A_1657, %broadcast_in_dim3A_1660, %broadcast_in_dim3A_1661 : vector<64x128xi1>, vector<64x128xf32>
    %add3A_1663 = arith.addf %add3A_1643, %select_n3A_1662 : vector<64x128xf32>
    %get3A_1664 = arith.constant 10 : index
    %get3A_1665 = arith.constant 2 : index
    %get3A_1666 = arith.constant 0 : index
    %get3A_1667 = vector.load %arg3[%get3A_1664, %get3A_1665, %get3A_1666] : memref<16x8x128xi32, #tpu.memory_space<vmem>>, vector<1x1x128xi32>
    %get3A_1668 = vector.shape_cast %get3A_1667 : vector<1x1x128xi32> to vector<128xi32>
    %reshape3A_1669 = vector.shape_cast %get3A_1668 : vector<128xi32> to vector<1x128xi32>
    %get3A_1670 = arith.constant 10 : index
    %get3A_1671 = arith.constant 2 : index
    %get3A_1672 = arith.constant 0 : index
    %get3A_1673 = vector.load %arg2[%get3A_1670, %get3A_1671, %get3A_1672] : memref<16x8x128xf32, #tpu.memory_space<vmem>>, vector<1x1x128xf32>
    %get3A_1674 = vector.shape_cast %get3A_1673 : vector<1x1x128xf32> to vector<128xf32>
    %reshape3A_1675 = vector.shape_cast %get3A_1674 : vector<128xf32> to vector<1x128xf32>
    %eq3A_1676 = vector.broadcast %reshape3A_1669 : vector<1x128xi32> to vector<64x128xi32>
    %eq3A_1677 = arith.cmpi eq, %iota3A, %eq3A_1676 : vector<64x128xi32>
    %jit3A_1678 = arith.constant 0.000000e+00 : f32
    %broadcast_in_dim3A_1679 = vector.shape_cast %reshape3A_1675 : vector<1x128xf32> to vector<1x128xf32>
    %broadcast_in_dim3A_1680 = vector.broadcast %broadcast_in_dim3A_1679 : vector<1x128xf32> to vector<64x128xf32>
    %broadcast_in_dim3A_1681 = vector.broadcast %jit3A_1678 : f32 to vector<64x128xf32>
    %select_n3A_1682 = arith.select %eq3A_1677, %broadcast_in_dim3A_1680, %broadcast_in_dim3A_1681 : vector<64x128xi1>, vector<64x128xf32>
    %add3A_1683 = arith.addf %add3A_1663, %select_n3A_1682 : vector<64x128xf32>
    %get3A_1684 = arith.constant 10 : index
    %get3A_1685 = arith.constant 3 : index
    %get3A_1686 = arith.constant 0 : index
    %get3A_1687 = vector.load %arg3[%get3A_1684, %get3A_1685, %get3A_1686] : memref<16x8x128xi32, #tpu.memory_space<vmem>>, vector<1x1x128xi32>
    %get3A_1688 = vector.shape_cast %get3A_1687 : vector<1x1x128xi32> to vector<128xi32>
    %reshape3A_1689 = vector.shape_cast %get3A_1688 : vector<128xi32> to vector<1x128xi32>
    %get3A_1690 = arith.constant 10 : index
    %get3A_1691 = arith.constant 3 : index
    %get3A_1692 = arith.constant 0 : index
    %get3A_1693 = vector.load %arg2[%get3A_1690, %get3A_1691, %get3A_1692] : memref<16x8x128xf32, #tpu.memory_space<vmem>>, vector<1x1x128xf32>
    %get3A_1694 = vector.shape_cast %get3A_1693 : vector<1x1x128xf32> to vector<128xf32>
    %reshape3A_1695 = vector.shape_cast %get3A_1694 : vector<128xf32> to vector<1x128xf32>
    %eq3A_1696 = vector.broadcast %reshape3A_1689 : vector<1x128xi32> to vector<64x128xi32>
    %eq3A_1697 = arith.cmpi eq, %iota3A, %eq3A_1696 : vector<64x128xi32>
    %jit3A_1698 = arith.constant 0.000000e+00 : f32
    %broadcast_in_dim3A_1699 = vector.shape_cast %reshape3A_1695 : vector<1x128xf32> to vector<1x128xf32>
    %broadcast_in_dim3A_1700 = vector.broadcast %broadcast_in_dim3A_1699 : vector<1x128xf32> to vector<64x128xf32>
    %broadcast_in_dim3A_1701 = vector.broadcast %jit3A_1698 : f32 to vector<64x128xf32>
    %select_n3A_1702 = arith.select %eq3A_1697, %broadcast_in_dim3A_1700, %broadcast_in_dim3A_1701 : vector<64x128xi1>, vector<64x128xf32>
    %add3A_1703 = arith.addf %add3A_1683, %select_n3A_1702 : vector<64x128xf32>
    %get3A_1704 = arith.constant 10 : index
    %get3A_1705 = arith.constant 4 : index
    %get3A_1706 = arith.constant 0 : index
    %get3A_1707 = vector.load %arg3[%get3A_1704, %get3A_1705, %get3A_1706] : memref<16x8x128xi32, #tpu.memory_space<vmem>>, vector<1x1x128xi32>
    %get3A_1708 = vector.shape_cast %get3A_1707 : vector<1x1x128xi32> to vector<128xi32>
    %reshape3A_1709 = vector.shape_cast %get3A_1708 : vector<128xi32> to vector<1x128xi32>
    %get3A_1710 = arith.constant 10 : index
    %get3A_1711 = arith.constant 4 : index
    %get3A_1712 = arith.constant 0 : index
    %get3A_1713 = vector.load %arg2[%get3A_1710, %get3A_1711, %get3A_1712] : memref<16x8x128xf32, #tpu.memory_space<vmem>>, vector<1x1x128xf32>
    %get3A_1714 = vector.shape_cast %get3A_1713 : vector<1x1x128xf32> to vector<128xf32>
    %reshape3A_1715 = vector.shape_cast %get3A_1714 : vector<128xf32> to vector<1x128xf32>
    %eq3A_1716 = vector.broadcast %reshape3A_1709 : vector<1x128xi32> to vector<64x128xi32>
    %eq3A_1717 = arith.cmpi eq, %iota3A, %eq3A_1716 : vector<64x128xi32>
    %jit3A_1718 = arith.constant 0.000000e+00 : f32
    %broadcast_in_dim3A_1719 = vector.shape_cast %reshape3A_1715 : vector<1x128xf32> to vector<1x128xf32>
    %broadcast_in_dim3A_1720 = vector.broadcast %broadcast_in_dim3A_1719 : vector<1x128xf32> to vector<64x128xf32>
    %broadcast_in_dim3A_1721 = vector.broadcast %jit3A_1718 : f32 to vector<64x128xf32>
    %select_n3A_1722 = arith.select %eq3A_1717, %broadcast_in_dim3A_1720, %broadcast_in_dim3A_1721 : vector<64x128xi1>, vector<64x128xf32>
    %add3A_1723 = arith.addf %add3A_1703, %select_n3A_1722 : vector<64x128xf32>
    %get3A_1724 = arith.constant 10 : index
    %get3A_1725 = arith.constant 5 : index
    %get3A_1726 = arith.constant 0 : index
    %get3A_1727 = vector.load %arg3[%get3A_1724, %get3A_1725, %get3A_1726] : memref<16x8x128xi32, #tpu.memory_space<vmem>>, vector<1x1x128xi32>
    %get3A_1728 = vector.shape_cast %get3A_1727 : vector<1x1x128xi32> to vector<128xi32>
    %reshape3A_1729 = vector.shape_cast %get3A_1728 : vector<128xi32> to vector<1x128xi32>
    %get3A_1730 = arith.constant 10 : index
    %get3A_1731 = arith.constant 5 : index
    %get3A_1732 = arith.constant 0 : index
    %get3A_1733 = vector.load %arg2[%get3A_1730, %get3A_1731, %get3A_1732] : memref<16x8x128xf32, #tpu.memory_space<vmem>>, vector<1x1x128xf32>
    %get3A_1734 = vector.shape_cast %get3A_1733 : vector<1x1x128xf32> to vector<128xf32>
    %reshape3A_1735 = vector.shape_cast %get3A_1734 : vector<128xf32> to vector<1x128xf32>
    %eq3A_1736 = vector.broadcast %reshape3A_1729 : vector<1x128xi32> to vector<64x128xi32>
    %eq3A_1737 = arith.cmpi eq, %iota3A, %eq3A_1736 : vector<64x128xi32>
    %jit3A_1738 = arith.constant 0.000000e+00 : f32
    %broadcast_in_dim3A_1739 = vector.shape_cast %reshape3A_1735 : vector<1x128xf32> to vector<1x128xf32>
    %broadcast_in_dim3A_1740 = vector.broadcast %broadcast_in_dim3A_1739 : vector<1x128xf32> to vector<64x128xf32>
    %broadcast_in_dim3A_1741 = vector.broadcast %jit3A_1738 : f32 to vector<64x128xf32>
    %select_n3A_1742 = arith.select %eq3A_1737, %broadcast_in_dim3A_1740, %broadcast_in_dim3A_1741 : vector<64x128xi1>, vector<64x128xf32>
    %add3A_1743 = arith.addf %add3A_1723, %select_n3A_1742 : vector<64x128xf32>
    %get3A_1744 = arith.constant 10 : index
    %get3A_1745 = arith.constant 6 : index
    %get3A_1746 = arith.constant 0 : index
    %get3A_1747 = vector.load %arg3[%get3A_1744, %get3A_1745, %get3A_1746] : memref<16x8x128xi32, #tpu.memory_space<vmem>>, vector<1x1x128xi32>
    %get3A_1748 = vector.shape_cast %get3A_1747 : vector<1x1x128xi32> to vector<128xi32>
    %reshape3A_1749 = vector.shape_cast %get3A_1748 : vector<128xi32> to vector<1x128xi32>
    %get3A_1750 = arith.constant 10 : index
    %get3A_1751 = arith.constant 6 : index
    %get3A_1752 = arith.constant 0 : index
    %get3A_1753 = vector.load %arg2[%get3A_1750, %get3A_1751, %get3A_1752] : memref<16x8x128xf32, #tpu.memory_space<vmem>>, vector<1x1x128xf32>
    %get3A_1754 = vector.shape_cast %get3A_1753 : vector<1x1x128xf32> to vector<128xf32>
    %reshape3A_1755 = vector.shape_cast %get3A_1754 : vector<128xf32> to vector<1x128xf32>
    %eq3A_1756 = vector.broadcast %reshape3A_1749 : vector<1x128xi32> to vector<64x128xi32>
    %eq3A_1757 = arith.cmpi eq, %iota3A, %eq3A_1756 : vector<64x128xi32>
    %jit3A_1758 = arith.constant 0.000000e+00 : f32
    %broadcast_in_dim3A_1759 = vector.shape_cast %reshape3A_1755 : vector<1x128xf32> to vector<1x128xf32>
    %broadcast_in_dim3A_1760 = vector.broadcast %broadcast_in_dim3A_1759 : vector<1x128xf32> to vector<64x128xf32>
    %broadcast_in_dim3A_1761 = vector.broadcast %jit3A_1758 : f32 to vector<64x128xf32>
    %select_n3A_1762 = arith.select %eq3A_1757, %broadcast_in_dim3A_1760, %broadcast_in_dim3A_1761 : vector<64x128xi1>, vector<64x128xf32>
    %add3A_1763 = arith.addf %add3A_1743, %select_n3A_1762 : vector<64x128xf32>
    %get3A_1764 = arith.constant 10 : index
    %get3A_1765 = arith.constant 7 : index
    %get3A_1766 = arith.constant 0 : index
    %get3A_1767 = vector.load %arg3[%get3A_1764, %get3A_1765, %get3A_1766] : memref<16x8x128xi32, #tpu.memory_space<vmem>>, vector<1x1x128xi32>
    %get3A_1768 = vector.shape_cast %get3A_1767 : vector<1x1x128xi32> to vector<128xi32>
    %reshape3A_1769 = vector.shape_cast %get3A_1768 : vector<128xi32> to vector<1x128xi32>
    %get3A_1770 = arith.constant 10 : index
    %get3A_1771 = arith.constant 7 : index
    %get3A_1772 = arith.constant 0 : index
    %get3A_1773 = vector.load %arg2[%get3A_1770, %get3A_1771, %get3A_1772] : memref<16x8x128xf32, #tpu.memory_space<vmem>>, vector<1x1x128xf32>
    %get3A_1774 = vector.shape_cast %get3A_1773 : vector<1x1x128xf32> to vector<128xf32>
    %reshape3A_1775 = vector.shape_cast %get3A_1774 : vector<128xf32> to vector<1x128xf32>
    %eq3A_1776 = vector.broadcast %reshape3A_1769 : vector<1x128xi32> to vector<64x128xi32>
    %eq3A_1777 = arith.cmpi eq, %iota3A, %eq3A_1776 : vector<64x128xi32>
    %jit3A_1778 = arith.constant 0.000000e+00 : f32
    %broadcast_in_dim3A_1779 = vector.shape_cast %reshape3A_1775 : vector<1x128xf32> to vector<1x128xf32>
    %broadcast_in_dim3A_1780 = vector.broadcast %broadcast_in_dim3A_1779 : vector<1x128xf32> to vector<64x128xf32>
    %broadcast_in_dim3A_1781 = vector.broadcast %jit3A_1778 : f32 to vector<64x128xf32>
    %select_n3A_1782 = arith.select %eq3A_1777, %broadcast_in_dim3A_1780, %broadcast_in_dim3A_1781 : vector<64x128xi1>, vector<64x128xf32>
    %add3A_1783 = arith.addf %add3A_1763, %select_n3A_1782 : vector<64x128xf32>
    %transpose3A_1784 = tpu.transpose %add3A_1783, [1, 0] : vector<64x128xf32> -> vector<128x64xf32>
    %broadcast_in_dim3A_1785 = arith.constant 0.000000e+00 : f32
    %broadcast_in_dim3A_1786 = vector.broadcast %broadcast_in_dim3A_1785 : f32 to vector<64x128xf32>
    %get3A_1787 = arith.constant 11 : index
    %get3A_1788 = arith.constant 0 : index
    %get3A_1789 = arith.constant 0 : index
    %get3A_1790 = vector.load %arg3[%get3A_1787, %get3A_1788, %get3A_1789] : memref<16x8x128xi32, #tpu.memory_space<vmem>>, vector<1x1x128xi32>
    %get3A_1791 = vector.shape_cast %get3A_1790 : vector<1x1x128xi32> to vector<128xi32>
    %reshape3A_1792 = vector.shape_cast %get3A_1791 : vector<128xi32> to vector<1x128xi32>
    %get3A_1793 = arith.constant 11 : index
    %get3A_1794 = arith.constant 0 : index
    %get3A_1795 = arith.constant 0 : index
    %get3A_1796 = vector.load %arg2[%get3A_1793, %get3A_1794, %get3A_1795] : memref<16x8x128xf32, #tpu.memory_space<vmem>>, vector<1x1x128xf32>
    %get3A_1797 = vector.shape_cast %get3A_1796 : vector<1x1x128xf32> to vector<128xf32>
    %reshape3A_1798 = vector.shape_cast %get3A_1797 : vector<128xf32> to vector<1x128xf32>
    %eq3A_1799 = vector.broadcast %reshape3A_1792 : vector<1x128xi32> to vector<64x128xi32>
    %eq3A_1800 = arith.cmpi eq, %iota3A, %eq3A_1799 : vector<64x128xi32>
    %jit3A_1801 = arith.constant 0.000000e+00 : f32
    %broadcast_in_dim3A_1802 = vector.shape_cast %reshape3A_1798 : vector<1x128xf32> to vector<1x128xf32>
    %broadcast_in_dim3A_1803 = vector.broadcast %broadcast_in_dim3A_1802 : vector<1x128xf32> to vector<64x128xf32>
    %broadcast_in_dim3A_1804 = vector.broadcast %jit3A_1801 : f32 to vector<64x128xf32>
    %select_n3A_1805 = arith.select %eq3A_1800, %broadcast_in_dim3A_1803, %broadcast_in_dim3A_1804 : vector<64x128xi1>, vector<64x128xf32>
    %add3A_1806 = arith.addf %broadcast_in_dim3A_1786, %select_n3A_1805 : vector<64x128xf32>
    %get3A_1807 = arith.constant 11 : index
    %get3A_1808 = arith.constant 1 : index
    %get3A_1809 = arith.constant 0 : index
    %get3A_1810 = vector.load %arg3[%get3A_1807, %get3A_1808, %get3A_1809] : memref<16x8x128xi32, #tpu.memory_space<vmem>>, vector<1x1x128xi32>
    %get3A_1811 = vector.shape_cast %get3A_1810 : vector<1x1x128xi32> to vector<128xi32>
    %reshape3A_1812 = vector.shape_cast %get3A_1811 : vector<128xi32> to vector<1x128xi32>
    %get3A_1813 = arith.constant 11 : index
    %get3A_1814 = arith.constant 1 : index
    %get3A_1815 = arith.constant 0 : index
    %get3A_1816 = vector.load %arg2[%get3A_1813, %get3A_1814, %get3A_1815] : memref<16x8x128xf32, #tpu.memory_space<vmem>>, vector<1x1x128xf32>
    %get3A_1817 = vector.shape_cast %get3A_1816 : vector<1x1x128xf32> to vector<128xf32>
    %reshape3A_1818 = vector.shape_cast %get3A_1817 : vector<128xf32> to vector<1x128xf32>
    %eq3A_1819 = vector.broadcast %reshape3A_1812 : vector<1x128xi32> to vector<64x128xi32>
    %eq3A_1820 = arith.cmpi eq, %iota3A, %eq3A_1819 : vector<64x128xi32>
    %jit3A_1821 = arith.constant 0.000000e+00 : f32
    %broadcast_in_dim3A_1822 = vector.shape_cast %reshape3A_1818 : vector<1x128xf32> to vector<1x128xf32>
    %broadcast_in_dim3A_1823 = vector.broadcast %broadcast_in_dim3A_1822 : vector<1x128xf32> to vector<64x128xf32>
    %broadcast_in_dim3A_1824 = vector.broadcast %jit3A_1821 : f32 to vector<64x128xf32>
    %select_n3A_1825 = arith.select %eq3A_1820, %broadcast_in_dim3A_1823, %broadcast_in_dim3A_1824 : vector<64x128xi1>, vector<64x128xf32>
    %add3A_1826 = arith.addf %add3A_1806, %select_n3A_1825 : vector<64x128xf32>
    %get3A_1827 = arith.constant 11 : index
    %get3A_1828 = arith.constant 2 : index
    %get3A_1829 = arith.constant 0 : index
    %get3A_1830 = vector.load %arg3[%get3A_1827, %get3A_1828, %get3A_1829] : memref<16x8x128xi32, #tpu.memory_space<vmem>>, vector<1x1x128xi32>
    %get3A_1831 = vector.shape_cast %get3A_1830 : vector<1x1x128xi32> to vector<128xi32>
    %reshape3A_1832 = vector.shape_cast %get3A_1831 : vector<128xi32> to vector<1x128xi32>
    %get3A_1833 = arith.constant 11 : index
    %get3A_1834 = arith.constant 2 : index
    %get3A_1835 = arith.constant 0 : index
    %get3A_1836 = vector.load %arg2[%get3A_1833, %get3A_1834, %get3A_1835] : memref<16x8x128xf32, #tpu.memory_space<vmem>>, vector<1x1x128xf32>
    %get3A_1837 = vector.shape_cast %get3A_1836 : vector<1x1x128xf32> to vector<128xf32>
    %reshape3A_1838 = vector.shape_cast %get3A_1837 : vector<128xf32> to vector<1x128xf32>
    %eq3A_1839 = vector.broadcast %reshape3A_1832 : vector<1x128xi32> to vector<64x128xi32>
    %eq3A_1840 = arith.cmpi eq, %iota3A, %eq3A_1839 : vector<64x128xi32>
    %jit3A_1841 = arith.constant 0.000000e+00 : f32
    %broadcast_in_dim3A_1842 = vector.shape_cast %reshape3A_1838 : vector<1x128xf32> to vector<1x128xf32>
    %broadcast_in_dim3A_1843 = vector.broadcast %broadcast_in_dim3A_1842 : vector<1x128xf32> to vector<64x128xf32>
    %broadcast_in_dim3A_1844 = vector.broadcast %jit3A_1841 : f32 to vector<64x128xf32>
    %select_n3A_1845 = arith.select %eq3A_1840, %broadcast_in_dim3A_1843, %broadcast_in_dim3A_1844 : vector<64x128xi1>, vector<64x128xf32>
    %add3A_1846 = arith.addf %add3A_1826, %select_n3A_1845 : vector<64x128xf32>
    %get3A_1847 = arith.constant 11 : index
    %get3A_1848 = arith.constant 3 : index
    %get3A_1849 = arith.constant 0 : index
    %get3A_1850 = vector.load %arg3[%get3A_1847, %get3A_1848, %get3A_1849] : memref<16x8x128xi32, #tpu.memory_space<vmem>>, vector<1x1x128xi32>
    %get3A_1851 = vector.shape_cast %get3A_1850 : vector<1x1x128xi32> to vector<128xi32>
    %reshape3A_1852 = vector.shape_cast %get3A_1851 : vector<128xi32> to vector<1x128xi32>
    %get3A_1853 = arith.constant 11 : index
    %get3A_1854 = arith.constant 3 : index
    %get3A_1855 = arith.constant 0 : index
    %get3A_1856 = vector.load %arg2[%get3A_1853, %get3A_1854, %get3A_1855] : memref<16x8x128xf32, #tpu.memory_space<vmem>>, vector<1x1x128xf32>
    %get3A_1857 = vector.shape_cast %get3A_1856 : vector<1x1x128xf32> to vector<128xf32>
    %reshape3A_1858 = vector.shape_cast %get3A_1857 : vector<128xf32> to vector<1x128xf32>
    %eq3A_1859 = vector.broadcast %reshape3A_1852 : vector<1x128xi32> to vector<64x128xi32>
    %eq3A_1860 = arith.cmpi eq, %iota3A, %eq3A_1859 : vector<64x128xi32>
    %jit3A_1861 = arith.constant 0.000000e+00 : f32
    %broadcast_in_dim3A_1862 = vector.shape_cast %reshape3A_1858 : vector<1x128xf32> to vector<1x128xf32>
    %broadcast_in_dim3A_1863 = vector.broadcast %broadcast_in_dim3A_1862 : vector<1x128xf32> to vector<64x128xf32>
    %broadcast_in_dim3A_1864 = vector.broadcast %jit3A_1861 : f32 to vector<64x128xf32>
    %select_n3A_1865 = arith.select %eq3A_1860, %broadcast_in_dim3A_1863, %broadcast_in_dim3A_1864 : vector<64x128xi1>, vector<64x128xf32>
    %add3A_1866 = arith.addf %add3A_1846, %select_n3A_1865 : vector<64x128xf32>
    %get3A_1867 = arith.constant 11 : index
    %get3A_1868 = arith.constant 4 : index
    %get3A_1869 = arith.constant 0 : index
    %get3A_1870 = vector.load %arg3[%get3A_1867, %get3A_1868, %get3A_1869] : memref<16x8x128xi32, #tpu.memory_space<vmem>>, vector<1x1x128xi32>
    %get3A_1871 = vector.shape_cast %get3A_1870 : vector<1x1x128xi32> to vector<128xi32>
    %reshape3A_1872 = vector.shape_cast %get3A_1871 : vector<128xi32> to vector<1x128xi32>
    %get3A_1873 = arith.constant 11 : index
    %get3A_1874 = arith.constant 4 : index
    %get3A_1875 = arith.constant 0 : index
    %get3A_1876 = vector.load %arg2[%get3A_1873, %get3A_1874, %get3A_1875] : memref<16x8x128xf32, #tpu.memory_space<vmem>>, vector<1x1x128xf32>
    %get3A_1877 = vector.shape_cast %get3A_1876 : vector<1x1x128xf32> to vector<128xf32>
    %reshape3A_1878 = vector.shape_cast %get3A_1877 : vector<128xf32> to vector<1x128xf32>
    %eq3A_1879 = vector.broadcast %reshape3A_1872 : vector<1x128xi32> to vector<64x128xi32>
    %eq3A_1880 = arith.cmpi eq, %iota3A, %eq3A_1879 : vector<64x128xi32>
    %jit3A_1881 = arith.constant 0.000000e+00 : f32
    %broadcast_in_dim3A_1882 = vector.shape_cast %reshape3A_1878 : vector<1x128xf32> to vector<1x128xf32>
    %broadcast_in_dim3A_1883 = vector.broadcast %broadcast_in_dim3A_1882 : vector<1x128xf32> to vector<64x128xf32>
    %broadcast_in_dim3A_1884 = vector.broadcast %jit3A_1881 : f32 to vector<64x128xf32>
    %select_n3A_1885 = arith.select %eq3A_1880, %broadcast_in_dim3A_1883, %broadcast_in_dim3A_1884 : vector<64x128xi1>, vector<64x128xf32>
    %add3A_1886 = arith.addf %add3A_1866, %select_n3A_1885 : vector<64x128xf32>
    %get3A_1887 = arith.constant 11 : index
    %get3A_1888 = arith.constant 5 : index
    %get3A_1889 = arith.constant 0 : index
    %get3A_1890 = vector.load %arg3[%get3A_1887, %get3A_1888, %get3A_1889] : memref<16x8x128xi32, #tpu.memory_space<vmem>>, vector<1x1x128xi32>
    %get3A_1891 = vector.shape_cast %get3A_1890 : vector<1x1x128xi32> to vector<128xi32>
    %reshape3A_1892 = vector.shape_cast %get3A_1891 : vector<128xi32> to vector<1x128xi32>
    %get3A_1893 = arith.constant 11 : index
    %get3A_1894 = arith.constant 5 : index
    %get3A_1895 = arith.constant 0 : index
    %get3A_1896 = vector.load %arg2[%get3A_1893, %get3A_1894, %get3A_1895] : memref<16x8x128xf32, #tpu.memory_space<vmem>>, vector<1x1x128xf32>
    %get3A_1897 = vector.shape_cast %get3A_1896 : vector<1x1x128xf32> to vector<128xf32>
    %reshape3A_1898 = vector.shape_cast %get3A_1897 : vector<128xf32> to vector<1x128xf32>
    %eq3A_1899 = vector.broadcast %reshape3A_1892 : vector<1x128xi32> to vector<64x128xi32>
    %eq3A_1900 = arith.cmpi eq, %iota3A, %eq3A_1899 : vector<64x128xi32>
    %jit3A_1901 = arith.constant 0.000000e+00 : f32
    %broadcast_in_dim3A_1902 = vector.shape_cast %reshape3A_1898 : vector<1x128xf32> to vector<1x128xf32>
    %broadcast_in_dim3A_1903 = vector.broadcast %broadcast_in_dim3A_1902 : vector<1x128xf32> to vector<64x128xf32>
    %broadcast_in_dim3A_1904 = vector.broadcast %jit3A_1901 : f32 to vector<64x128xf32>
    %select_n3A_1905 = arith.select %eq3A_1900, %broadcast_in_dim3A_1903, %broadcast_in_dim3A_1904 : vector<64x128xi1>, vector<64x128xf32>
    %add3A_1906 = arith.addf %add3A_1886, %select_n3A_1905 : vector<64x128xf32>
    %get3A_1907 = arith.constant 11 : index
    %get3A_1908 = arith.constant 6 : index
    %get3A_1909 = arith.constant 0 : index
    %get3A_1910 = vector.load %arg3[%get3A_1907, %get3A_1908, %get3A_1909] : memref<16x8x128xi32, #tpu.memory_space<vmem>>, vector<1x1x128xi32>
    %get3A_1911 = vector.shape_cast %get3A_1910 : vector<1x1x128xi32> to vector<128xi32>
    %reshape3A_1912 = vector.shape_cast %get3A_1911 : vector<128xi32> to vector<1x128xi32>
    %get3A_1913 = arith.constant 11 : index
    %get3A_1914 = arith.constant 6 : index
    %get3A_1915 = arith.constant 0 : index
    %get3A_1916 = vector.load %arg2[%get3A_1913, %get3A_1914, %get3A_1915] : memref<16x8x128xf32, #tpu.memory_space<vmem>>, vector<1x1x128xf32>
    %get3A_1917 = vector.shape_cast %get3A_1916 : vector<1x1x128xf32> to vector<128xf32>
    %reshape3A_1918 = vector.shape_cast %get3A_1917 : vector<128xf32> to vector<1x128xf32>
    %eq3A_1919 = vector.broadcast %reshape3A_1912 : vector<1x128xi32> to vector<64x128xi32>
    %eq3A_1920 = arith.cmpi eq, %iota3A, %eq3A_1919 : vector<64x128xi32>
    %jit3A_1921 = arith.constant 0.000000e+00 : f32
    %broadcast_in_dim3A_1922 = vector.shape_cast %reshape3A_1918 : vector<1x128xf32> to vector<1x128xf32>
    %broadcast_in_dim3A_1923 = vector.broadcast %broadcast_in_dim3A_1922 : vector<1x128xf32> to vector<64x128xf32>
    %broadcast_in_dim3A_1924 = vector.broadcast %jit3A_1921 : f32 to vector<64x128xf32>
    %select_n3A_1925 = arith.select %eq3A_1920, %broadcast_in_dim3A_1923, %broadcast_in_dim3A_1924 : vector<64x128xi1>, vector<64x128xf32>
    %add3A_1926 = arith.addf %add3A_1906, %select_n3A_1925 : vector<64x128xf32>
    %get3A_1927 = arith.constant 11 : index
    %get3A_1928 = arith.constant 7 : index
    %get3A_1929 = arith.constant 0 : index
    %get3A_1930 = vector.load %arg3[%get3A_1927, %get3A_1928, %get3A_1929] : memref<16x8x128xi32, #tpu.memory_space<vmem>>, vector<1x1x128xi32>
    %get3A_1931 = vector.shape_cast %get3A_1930 : vector<1x1x128xi32> to vector<128xi32>
    %reshape3A_1932 = vector.shape_cast %get3A_1931 : vector<128xi32> to vector<1x128xi32>
    %get3A_1933 = arith.constant 11 : index
    %get3A_1934 = arith.constant 7 : index
    %get3A_1935 = arith.constant 0 : index
    %get3A_1936 = vector.load %arg2[%get3A_1933, %get3A_1934, %get3A_1935] : memref<16x8x128xf32, #tpu.memory_space<vmem>>, vector<1x1x128xf32>
    %get3A_1937 = vector.shape_cast %get3A_1936 : vector<1x1x128xf32> to vector<128xf32>
    %reshape3A_1938 = vector.shape_cast %get3A_1937 : vector<128xf32> to vector<1x128xf32>
    %eq3A_1939 = vector.broadcast %reshape3A_1932 : vector<1x128xi32> to vector<64x128xi32>
    %eq3A_1940 = arith.cmpi eq, %iota3A, %eq3A_1939 : vector<64x128xi32>
    %jit3A_1941 = arith.constant 0.000000e+00 : f32
    %broadcast_in_dim3A_1942 = vector.shape_cast %reshape3A_1938 : vector<1x128xf32> to vector<1x128xf32>
    %broadcast_in_dim3A_1943 = vector.broadcast %broadcast_in_dim3A_1942 : vector<1x128xf32> to vector<64x128xf32>
    %broadcast_in_dim3A_1944 = vector.broadcast %jit3A_1941 : f32 to vector<64x128xf32>
    %select_n3A_1945 = arith.select %eq3A_1940, %broadcast_in_dim3A_1943, %broadcast_in_dim3A_1944 : vector<64x128xi1>, vector<64x128xf32>
    %add3A_1946 = arith.addf %add3A_1926, %select_n3A_1945 : vector<64x128xf32>
    %transpose3A_1947 = tpu.transpose %add3A_1946, [1, 0] : vector<64x128xf32> -> vector<128x64xf32>
    %broadcast_in_dim3A_1948 = arith.constant 0.000000e+00 : f32
    %broadcast_in_dim3A_1949 = vector.broadcast %broadcast_in_dim3A_1948 : f32 to vector<64x128xf32>
    %get3A_1950 = arith.constant 12 : index
    %get3A_1951 = arith.constant 0 : index
    %get3A_1952 = arith.constant 0 : index
    %get3A_1953 = vector.load %arg3[%get3A_1950, %get3A_1951, %get3A_1952] : memref<16x8x128xi32, #tpu.memory_space<vmem>>, vector<1x1x128xi32>
    %get3A_1954 = vector.shape_cast %get3A_1953 : vector<1x1x128xi32> to vector<128xi32>
    %reshape3A_1955 = vector.shape_cast %get3A_1954 : vector<128xi32> to vector<1x128xi32>
    %get3A_1956 = arith.constant 12 : index
    %get3A_1957 = arith.constant 0 : index
    %get3A_1958 = arith.constant 0 : index
    %get3A_1959 = vector.load %arg2[%get3A_1956, %get3A_1957, %get3A_1958] : memref<16x8x128xf32, #tpu.memory_space<vmem>>, vector<1x1x128xf32>
    %get3A_1960 = vector.shape_cast %get3A_1959 : vector<1x1x128xf32> to vector<128xf32>
    %reshape3A_1961 = vector.shape_cast %get3A_1960 : vector<128xf32> to vector<1x128xf32>
    %eq3A_1962 = vector.broadcast %reshape3A_1955 : vector<1x128xi32> to vector<64x128xi32>
    %eq3A_1963 = arith.cmpi eq, %iota3A, %eq3A_1962 : vector<64x128xi32>
    %jit3A_1964 = arith.constant 0.000000e+00 : f32
    %broadcast_in_dim3A_1965 = vector.shape_cast %reshape3A_1961 : vector<1x128xf32> to vector<1x128xf32>
    %broadcast_in_dim3A_1966 = vector.broadcast %broadcast_in_dim3A_1965 : vector<1x128xf32> to vector<64x128xf32>
    %broadcast_in_dim3A_1967 = vector.broadcast %jit3A_1964 : f32 to vector<64x128xf32>
    %select_n3A_1968 = arith.select %eq3A_1963, %broadcast_in_dim3A_1966, %broadcast_in_dim3A_1967 : vector<64x128xi1>, vector<64x128xf32>
    %add3A_1969 = arith.addf %broadcast_in_dim3A_1949, %select_n3A_1968 : vector<64x128xf32>
    %get3A_1970 = arith.constant 12 : index
    %get3A_1971 = arith.constant 1 : index
    %get3A_1972 = arith.constant 0 : index
    %get3A_1973 = vector.load %arg3[%get3A_1970, %get3A_1971, %get3A_1972] : memref<16x8x128xi32, #tpu.memory_space<vmem>>, vector<1x1x128xi32>
    %get3A_1974 = vector.shape_cast %get3A_1973 : vector<1x1x128xi32> to vector<128xi32>
    %reshape3A_1975 = vector.shape_cast %get3A_1974 : vector<128xi32> to vector<1x128xi32>
    %get3A_1976 = arith.constant 12 : index
    %get3A_1977 = arith.constant 1 : index
    %get3A_1978 = arith.constant 0 : index
    %get3A_1979 = vector.load %arg2[%get3A_1976, %get3A_1977, %get3A_1978] : memref<16x8x128xf32, #tpu.memory_space<vmem>>, vector<1x1x128xf32>
    %get3A_1980 = vector.shape_cast %get3A_1979 : vector<1x1x128xf32> to vector<128xf32>
    %reshape3A_1981 = vector.shape_cast %get3A_1980 : vector<128xf32> to vector<1x128xf32>
    %eq3A_1982 = vector.broadcast %reshape3A_1975 : vector<1x128xi32> to vector<64x128xi32>
    %eq3A_1983 = arith.cmpi eq, %iota3A, %eq3A_1982 : vector<64x128xi32>
    %jit3A_1984 = arith.constant 0.000000e+00 : f32
    %broadcast_in_dim3A_1985 = vector.shape_cast %reshape3A_1981 : vector<1x128xf32> to vector<1x128xf32>
    %broadcast_in_dim3A_1986 = vector.broadcast %broadcast_in_dim3A_1985 : vector<1x128xf32> to vector<64x128xf32>
    %broadcast_in_dim3A_1987 = vector.broadcast %jit3A_1984 : f32 to vector<64x128xf32>
    %select_n3A_1988 = arith.select %eq3A_1983, %broadcast_in_dim3A_1986, %broadcast_in_dim3A_1987 : vector<64x128xi1>, vector<64x128xf32>
    %add3A_1989 = arith.addf %add3A_1969, %select_n3A_1988 : vector<64x128xf32>
    %get3A_1990 = arith.constant 12 : index
    %get3A_1991 = arith.constant 2 : index
    %get3A_1992 = arith.constant 0 : index
    %get3A_1993 = vector.load %arg3[%get3A_1990, %get3A_1991, %get3A_1992] : memref<16x8x128xi32, #tpu.memory_space<vmem>>, vector<1x1x128xi32>
    %get3A_1994 = vector.shape_cast %get3A_1993 : vector<1x1x128xi32> to vector<128xi32>
    %reshape3A_1995 = vector.shape_cast %get3A_1994 : vector<128xi32> to vector<1x128xi32>
    %get3A_1996 = arith.constant 12 : index
    %get3A_1997 = arith.constant 2 : index
    %get3A_1998 = arith.constant 0 : index
    %get3A_1999 = vector.load %arg2[%get3A_1996, %get3A_1997, %get3A_1998] : memref<16x8x128xf32, #tpu.memory_space<vmem>>, vector<1x1x128xf32>
    %get3A_2000 = vector.shape_cast %get3A_1999 : vector<1x1x128xf32> to vector<128xf32>
    %reshape3A_2001 = vector.shape_cast %get3A_2000 : vector<128xf32> to vector<1x128xf32>
    %eq3A_2002 = vector.broadcast %reshape3A_1995 : vector<1x128xi32> to vector<64x128xi32>
    %eq3A_2003 = arith.cmpi eq, %iota3A, %eq3A_2002 : vector<64x128xi32>
    %jit3A_2004 = arith.constant 0.000000e+00 : f32
    %broadcast_in_dim3A_2005 = vector.shape_cast %reshape3A_2001 : vector<1x128xf32> to vector<1x128xf32>
    %broadcast_in_dim3A_2006 = vector.broadcast %broadcast_in_dim3A_2005 : vector<1x128xf32> to vector<64x128xf32>
    %broadcast_in_dim3A_2007 = vector.broadcast %jit3A_2004 : f32 to vector<64x128xf32>
    %select_n3A_2008 = arith.select %eq3A_2003, %broadcast_in_dim3A_2006, %broadcast_in_dim3A_2007 : vector<64x128xi1>, vector<64x128xf32>
    %add3A_2009 = arith.addf %add3A_1989, %select_n3A_2008 : vector<64x128xf32>
    %get3A_2010 = arith.constant 12 : index
    %get3A_2011 = arith.constant 3 : index
    %get3A_2012 = arith.constant 0 : index
    %get3A_2013 = vector.load %arg3[%get3A_2010, %get3A_2011, %get3A_2012] : memref<16x8x128xi32, #tpu.memory_space<vmem>>, vector<1x1x128xi32>
    %get3A_2014 = vector.shape_cast %get3A_2013 : vector<1x1x128xi32> to vector<128xi32>
    %reshape3A_2015 = vector.shape_cast %get3A_2014 : vector<128xi32> to vector<1x128xi32>
    %get3A_2016 = arith.constant 12 : index
    %get3A_2017 = arith.constant 3 : index
    %get3A_2018 = arith.constant 0 : index
    %get3A_2019 = vector.load %arg2[%get3A_2016, %get3A_2017, %get3A_2018] : memref<16x8x128xf32, #tpu.memory_space<vmem>>, vector<1x1x128xf32>
    %get3A_2020 = vector.shape_cast %get3A_2019 : vector<1x1x128xf32> to vector<128xf32>
    %reshape3A_2021 = vector.shape_cast %get3A_2020 : vector<128xf32> to vector<1x128xf32>
    %eq3A_2022 = vector.broadcast %reshape3A_2015 : vector<1x128xi32> to vector<64x128xi32>
    %eq3A_2023 = arith.cmpi eq, %iota3A, %eq3A_2022 : vector<64x128xi32>
    %jit3A_2024 = arith.constant 0.000000e+00 : f32
    %broadcast_in_dim3A_2025 = vector.shape_cast %reshape3A_2021 : vector<1x128xf32> to vector<1x128xf32>
    %broadcast_in_dim3A_2026 = vector.broadcast %broadcast_in_dim3A_2025 : vector<1x128xf32> to vector<64x128xf32>
    %broadcast_in_dim3A_2027 = vector.broadcast %jit3A_2024 : f32 to vector<64x128xf32>
    %select_n3A_2028 = arith.select %eq3A_2023, %broadcast_in_dim3A_2026, %broadcast_in_dim3A_2027 : vector<64x128xi1>, vector<64x128xf32>
    %add3A_2029 = arith.addf %add3A_2009, %select_n3A_2028 : vector<64x128xf32>
    %get3A_2030 = arith.constant 12 : index
    %get3A_2031 = arith.constant 4 : index
    %get3A_2032 = arith.constant 0 : index
    %get3A_2033 = vector.load %arg3[%get3A_2030, %get3A_2031, %get3A_2032] : memref<16x8x128xi32, #tpu.memory_space<vmem>>, vector<1x1x128xi32>
    %get3A_2034 = vector.shape_cast %get3A_2033 : vector<1x1x128xi32> to vector<128xi32>
    %reshape3A_2035 = vector.shape_cast %get3A_2034 : vector<128xi32> to vector<1x128xi32>
    %get3A_2036 = arith.constant 12 : index
    %get3A_2037 = arith.constant 4 : index
    %get3A_2038 = arith.constant 0 : index
    %get3A_2039 = vector.load %arg2[%get3A_2036, %get3A_2037, %get3A_2038] : memref<16x8x128xf32, #tpu.memory_space<vmem>>, vector<1x1x128xf32>
    %get3A_2040 = vector.shape_cast %get3A_2039 : vector<1x1x128xf32> to vector<128xf32>
    %reshape3A_2041 = vector.shape_cast %get3A_2040 : vector<128xf32> to vector<1x128xf32>
    %eq3A_2042 = vector.broadcast %reshape3A_2035 : vector<1x128xi32> to vector<64x128xi32>
    %eq3A_2043 = arith.cmpi eq, %iota3A, %eq3A_2042 : vector<64x128xi32>
    %jit3A_2044 = arith.constant 0.000000e+00 : f32
    %broadcast_in_dim3A_2045 = vector.shape_cast %reshape3A_2041 : vector<1x128xf32> to vector<1x128xf32>
    %broadcast_in_dim3A_2046 = vector.broadcast %broadcast_in_dim3A_2045 : vector<1x128xf32> to vector<64x128xf32>
    %broadcast_in_dim3A_2047 = vector.broadcast %jit3A_2044 : f32 to vector<64x128xf32>
    %select_n3A_2048 = arith.select %eq3A_2043, %broadcast_in_dim3A_2046, %broadcast_in_dim3A_2047 : vector<64x128xi1>, vector<64x128xf32>
    %add3A_2049 = arith.addf %add3A_2029, %select_n3A_2048 : vector<64x128xf32>
    %get3A_2050 = arith.constant 12 : index
    %get3A_2051 = arith.constant 5 : index
    %get3A_2052 = arith.constant 0 : index
    %get3A_2053 = vector.load %arg3[%get3A_2050, %get3A_2051, %get3A_2052] : memref<16x8x128xi32, #tpu.memory_space<vmem>>, vector<1x1x128xi32>
    %get3A_2054 = vector.shape_cast %get3A_2053 : vector<1x1x128xi32> to vector<128xi32>
    %reshape3A_2055 = vector.shape_cast %get3A_2054 : vector<128xi32> to vector<1x128xi32>
    %get3A_2056 = arith.constant 12 : index
    %get3A_2057 = arith.constant 5 : index
    %get3A_2058 = arith.constant 0 : index
    %get3A_2059 = vector.load %arg2[%get3A_2056, %get3A_2057, %get3A_2058] : memref<16x8x128xf32, #tpu.memory_space<vmem>>, vector<1x1x128xf32>
    %get3A_2060 = vector.shape_cast %get3A_2059 : vector<1x1x128xf32> to vector<128xf32>
    %reshape3A_2061 = vector.shape_cast %get3A_2060 : vector<128xf32> to vector<1x128xf32>
    %eq3A_2062 = vector.broadcast %reshape3A_2055 : vector<1x128xi32> to vector<64x128xi32>
    %eq3A_2063 = arith.cmpi eq, %iota3A, %eq3A_2062 : vector<64x128xi32>
    %jit3A_2064 = arith.constant 0.000000e+00 : f32
    %broadcast_in_dim3A_2065 = vector.shape_cast %reshape3A_2061 : vector<1x128xf32> to vector<1x128xf32>
    %broadcast_in_dim3A_2066 = vector.broadcast %broadcast_in_dim3A_2065 : vector<1x128xf32> to vector<64x128xf32>
    %broadcast_in_dim3A_2067 = vector.broadcast %jit3A_2064 : f32 to vector<64x128xf32>
    %select_n3A_2068 = arith.select %eq3A_2063, %broadcast_in_dim3A_2066, %broadcast_in_dim3A_2067 : vector<64x128xi1>, vector<64x128xf32>
    %add3A_2069 = arith.addf %add3A_2049, %select_n3A_2068 : vector<64x128xf32>
    %get3A_2070 = arith.constant 12 : index
    %get3A_2071 = arith.constant 6 : index
    %get3A_2072 = arith.constant 0 : index
    %get3A_2073 = vector.load %arg3[%get3A_2070, %get3A_2071, %get3A_2072] : memref<16x8x128xi32, #tpu.memory_space<vmem>>, vector<1x1x128xi32>
    %get3A_2074 = vector.shape_cast %get3A_2073 : vector<1x1x128xi32> to vector<128xi32>
    %reshape3A_2075 = vector.shape_cast %get3A_2074 : vector<128xi32> to vector<1x128xi32>
    %get3A_2076 = arith.constant 12 : index
    %get3A_2077 = arith.constant 6 : index
    %get3A_2078 = arith.constant 0 : index
    %get3A_2079 = vector.load %arg2[%get3A_2076, %get3A_2077, %get3A_2078] : memref<16x8x128xf32, #tpu.memory_space<vmem>>, vector<1x1x128xf32>
    %get3A_2080 = vector.shape_cast %get3A_2079 : vector<1x1x128xf32> to vector<128xf32>
    %reshape3A_2081 = vector.shape_cast %get3A_2080 : vector<128xf32> to vector<1x128xf32>
    %eq3A_2082 = vector.broadcast %reshape3A_2075 : vector<1x128xi32> to vector<64x128xi32>
    %eq3A_2083 = arith.cmpi eq, %iota3A, %eq3A_2082 : vector<64x128xi32>
    %jit3A_2084 = arith.constant 0.000000e+00 : f32
    %broadcast_in_dim3A_2085 = vector.shape_cast %reshape3A_2081 : vector<1x128xf32> to vector<1x128xf32>
    %broadcast_in_dim3A_2086 = vector.broadcast %broadcast_in_dim3A_2085 : vector<1x128xf32> to vector<64x128xf32>
    %broadcast_in_dim3A_2087 = vector.broadcast %jit3A_2084 : f32 to vector<64x128xf32>
    %select_n3A_2088 = arith.select %eq3A_2083, %broadcast_in_dim3A_2086, %broadcast_in_dim3A_2087 : vector<64x128xi1>, vector<64x128xf32>
    %add3A_2089 = arith.addf %add3A_2069, %select_n3A_2088 : vector<64x128xf32>
    %get3A_2090 = arith.constant 12 : index
    %get3A_2091 = arith.constant 7 : index
    %get3A_2092 = arith.constant 0 : index
    %get3A_2093 = vector.load %arg3[%get3A_2090, %get3A_2091, %get3A_2092] : memref<16x8x128xi32, #tpu.memory_space<vmem>>, vector<1x1x128xi32>
    %get3A_2094 = vector.shape_cast %get3A_2093 : vector<1x1x128xi32> to vector<128xi32>
    %reshape3A_2095 = vector.shape_cast %get3A_2094 : vector<128xi32> to vector<1x128xi32>
    %get3A_2096 = arith.constant 12 : index
    %get3A_2097 = arith.constant 7 : index
    %get3A_2098 = arith.constant 0 : index
    %get3A_2099 = vector.load %arg2[%get3A_2096, %get3A_2097, %get3A_2098] : memref<16x8x128xf32, #tpu.memory_space<vmem>>, vector<1x1x128xf32>
    %get3A_2100 = vector.shape_cast %get3A_2099 : vector<1x1x128xf32> to vector<128xf32>
    %reshape3A_2101 = vector.shape_cast %get3A_2100 : vector<128xf32> to vector<1x128xf32>
    %eq3A_2102 = vector.broadcast %reshape3A_2095 : vector<1x128xi32> to vector<64x128xi32>
    %eq3A_2103 = arith.cmpi eq, %iota3A, %eq3A_2102 : vector<64x128xi32>
    %jit3A_2104 = arith.constant 0.000000e+00 : f32
    %broadcast_in_dim3A_2105 = vector.shape_cast %reshape3A_2101 : vector<1x128xf32> to vector<1x128xf32>
    %broadcast_in_dim3A_2106 = vector.broadcast %broadcast_in_dim3A_2105 : vector<1x128xf32> to vector<64x128xf32>
    %broadcast_in_dim3A_2107 = vector.broadcast %jit3A_2104 : f32 to vector<64x128xf32>
    %select_n3A_2108 = arith.select %eq3A_2103, %broadcast_in_dim3A_2106, %broadcast_in_dim3A_2107 : vector<64x128xi1>, vector<64x128xf32>
    %add3A_2109 = arith.addf %add3A_2089, %select_n3A_2108 : vector<64x128xf32>
    %transpose3A_2110 = tpu.transpose %add3A_2109, [1, 0] : vector<64x128xf32> -> vector<128x64xf32>
    %broadcast_in_dim3A_2111 = arith.constant 0.000000e+00 : f32
    %broadcast_in_dim3A_2112 = vector.broadcast %broadcast_in_dim3A_2111 : f32 to vector<64x128xf32>
    %get3A_2113 = arith.constant 13 : index
    %get3A_2114 = arith.constant 0 : index
    %get3A_2115 = arith.constant 0 : index
    %get3A_2116 = vector.load %arg3[%get3A_2113, %get3A_2114, %get3A_2115] : memref<16x8x128xi32, #tpu.memory_space<vmem>>, vector<1x1x128xi32>
    %get3A_2117 = vector.shape_cast %get3A_2116 : vector<1x1x128xi32> to vector<128xi32>
    %reshape3A_2118 = vector.shape_cast %get3A_2117 : vector<128xi32> to vector<1x128xi32>
    %get3A_2119 = arith.constant 13 : index
    %get3A_2120 = arith.constant 0 : index
    %get3A_2121 = arith.constant 0 : index
    %get3A_2122 = vector.load %arg2[%get3A_2119, %get3A_2120, %get3A_2121] : memref<16x8x128xf32, #tpu.memory_space<vmem>>, vector<1x1x128xf32>
    %get3A_2123 = vector.shape_cast %get3A_2122 : vector<1x1x128xf32> to vector<128xf32>
    %reshape3A_2124 = vector.shape_cast %get3A_2123 : vector<128xf32> to vector<1x128xf32>
    %eq3A_2125 = vector.broadcast %reshape3A_2118 : vector<1x128xi32> to vector<64x128xi32>
    %eq3A_2126 = arith.cmpi eq, %iota3A, %eq3A_2125 : vector<64x128xi32>
    %jit3A_2127 = arith.constant 0.000000e+00 : f32
    %broadcast_in_dim3A_2128 = vector.shape_cast %reshape3A_2124 : vector<1x128xf32> to vector<1x128xf32>
    %broadcast_in_dim3A_2129 = vector.broadcast %broadcast_in_dim3A_2128 : vector<1x128xf32> to vector<64x128xf32>
    %broadcast_in_dim3A_2130 = vector.broadcast %jit3A_2127 : f32 to vector<64x128xf32>
    %select_n3A_2131 = arith.select %eq3A_2126, %broadcast_in_dim3A_2129, %broadcast_in_dim3A_2130 : vector<64x128xi1>, vector<64x128xf32>
    %add3A_2132 = arith.addf %broadcast_in_dim3A_2112, %select_n3A_2131 : vector<64x128xf32>
    %get3A_2133 = arith.constant 13 : index
    %get3A_2134 = arith.constant 1 : index
    %get3A_2135 = arith.constant 0 : index
    %get3A_2136 = vector.load %arg3[%get3A_2133, %get3A_2134, %get3A_2135] : memref<16x8x128xi32, #tpu.memory_space<vmem>>, vector<1x1x128xi32>
    %get3A_2137 = vector.shape_cast %get3A_2136 : vector<1x1x128xi32> to vector<128xi32>
    %reshape3A_2138 = vector.shape_cast %get3A_2137 : vector<128xi32> to vector<1x128xi32>
    %get3A_2139 = arith.constant 13 : index
    %get3A_2140 = arith.constant 1 : index
    %get3A_2141 = arith.constant 0 : index
    %get3A_2142 = vector.load %arg2[%get3A_2139, %get3A_2140, %get3A_2141] : memref<16x8x128xf32, #tpu.memory_space<vmem>>, vector<1x1x128xf32>
    %get3A_2143 = vector.shape_cast %get3A_2142 : vector<1x1x128xf32> to vector<128xf32>
    %reshape3A_2144 = vector.shape_cast %get3A_2143 : vector<128xf32> to vector<1x128xf32>
    %eq3A_2145 = vector.broadcast %reshape3A_2138 : vector<1x128xi32> to vector<64x128xi32>
    %eq3A_2146 = arith.cmpi eq, %iota3A, %eq3A_2145 : vector<64x128xi32>
    %jit3A_2147 = arith.constant 0.000000e+00 : f32
    %broadcast_in_dim3A_2148 = vector.shape_cast %reshape3A_2144 : vector<1x128xf32> to vector<1x128xf32>
    %broadcast_in_dim3A_2149 = vector.broadcast %broadcast_in_dim3A_2148 : vector<1x128xf32> to vector<64x128xf32>
    %broadcast_in_dim3A_2150 = vector.broadcast %jit3A_2147 : f32 to vector<64x128xf32>
    %select_n3A_2151 = arith.select %eq3A_2146, %broadcast_in_dim3A_2149, %broadcast_in_dim3A_2150 : vector<64x128xi1>, vector<64x128xf32>
    %add3A_2152 = arith.addf %add3A_2132, %select_n3A_2151 : vector<64x128xf32>
    %get3A_2153 = arith.constant 13 : index
    %get3A_2154 = arith.constant 2 : index
    %get3A_2155 = arith.constant 0 : index
    %get3A_2156 = vector.load %arg3[%get3A_2153, %get3A_2154, %get3A_2155] : memref<16x8x128xi32, #tpu.memory_space<vmem>>, vector<1x1x128xi32>
    %get3A_2157 = vector.shape_cast %get3A_2156 : vector<1x1x128xi32> to vector<128xi32>
    %reshape3A_2158 = vector.shape_cast %get3A_2157 : vector<128xi32> to vector<1x128xi32>
    %get3A_2159 = arith.constant 13 : index
    %get3A_2160 = arith.constant 2 : index
    %get3A_2161 = arith.constant 0 : index
    %get3A_2162 = vector.load %arg2[%get3A_2159, %get3A_2160, %get3A_2161] : memref<16x8x128xf32, #tpu.memory_space<vmem>>, vector<1x1x128xf32>
    %get3A_2163 = vector.shape_cast %get3A_2162 : vector<1x1x128xf32> to vector<128xf32>
    %reshape3A_2164 = vector.shape_cast %get3A_2163 : vector<128xf32> to vector<1x128xf32>
    %eq3A_2165 = vector.broadcast %reshape3A_2158 : vector<1x128xi32> to vector<64x128xi32>
    %eq3A_2166 = arith.cmpi eq, %iota3A, %eq3A_2165 : vector<64x128xi32>
    %jit3A_2167 = arith.constant 0.000000e+00 : f32
    %broadcast_in_dim3A_2168 = vector.shape_cast %reshape3A_2164 : vector<1x128xf32> to vector<1x128xf32>
    %broadcast_in_dim3A_2169 = vector.broadcast %broadcast_in_dim3A_2168 : vector<1x128xf32> to vector<64x128xf32>
    %broadcast_in_dim3A_2170 = vector.broadcast %jit3A_2167 : f32 to vector<64x128xf32>
    %select_n3A_2171 = arith.select %eq3A_2166, %broadcast_in_dim3A_2169, %broadcast_in_dim3A_2170 : vector<64x128xi1>, vector<64x128xf32>
    %add3A_2172 = arith.addf %add3A_2152, %select_n3A_2171 : vector<64x128xf32>
    %get3A_2173 = arith.constant 13 : index
    %get3A_2174 = arith.constant 3 : index
    %get3A_2175 = arith.constant 0 : index
    %get3A_2176 = vector.load %arg3[%get3A_2173, %get3A_2174, %get3A_2175] : memref<16x8x128xi32, #tpu.memory_space<vmem>>, vector<1x1x128xi32>
    %get3A_2177 = vector.shape_cast %get3A_2176 : vector<1x1x128xi32> to vector<128xi32>
    %reshape3A_2178 = vector.shape_cast %get3A_2177 : vector<128xi32> to vector<1x128xi32>
    %get3A_2179 = arith.constant 13 : index
    %get3A_2180 = arith.constant 3 : index
    %get3A_2181 = arith.constant 0 : index
    %get3A_2182 = vector.load %arg2[%get3A_2179, %get3A_2180, %get3A_2181] : memref<16x8x128xf32, #tpu.memory_space<vmem>>, vector<1x1x128xf32>
    %get3A_2183 = vector.shape_cast %get3A_2182 : vector<1x1x128xf32> to vector<128xf32>
    %reshape3A_2184 = vector.shape_cast %get3A_2183 : vector<128xf32> to vector<1x128xf32>
    %eq3A_2185 = vector.broadcast %reshape3A_2178 : vector<1x128xi32> to vector<64x128xi32>
    %eq3A_2186 = arith.cmpi eq, %iota3A, %eq3A_2185 : vector<64x128xi32>
    %jit3A_2187 = arith.constant 0.000000e+00 : f32
    %broadcast_in_dim3A_2188 = vector.shape_cast %reshape3A_2184 : vector<1x128xf32> to vector<1x128xf32>
    %broadcast_in_dim3A_2189 = vector.broadcast %broadcast_in_dim3A_2188 : vector<1x128xf32> to vector<64x128xf32>
    %broadcast_in_dim3A_2190 = vector.broadcast %jit3A_2187 : f32 to vector<64x128xf32>
    %select_n3A_2191 = arith.select %eq3A_2186, %broadcast_in_dim3A_2189, %broadcast_in_dim3A_2190 : vector<64x128xi1>, vector<64x128xf32>
    %add3A_2192 = arith.addf %add3A_2172, %select_n3A_2191 : vector<64x128xf32>
    %get3A_2193 = arith.constant 13 : index
    %get3A_2194 = arith.constant 4 : index
    %get3A_2195 = arith.constant 0 : index
    %get3A_2196 = vector.load %arg3[%get3A_2193, %get3A_2194, %get3A_2195] : memref<16x8x128xi32, #tpu.memory_space<vmem>>, vector<1x1x128xi32>
    %get3A_2197 = vector.shape_cast %get3A_2196 : vector<1x1x128xi32> to vector<128xi32>
    %reshape3A_2198 = vector.shape_cast %get3A_2197 : vector<128xi32> to vector<1x128xi32>
    %get3A_2199 = arith.constant 13 : index
    %get3A_2200 = arith.constant 4 : index
    %get3A_2201 = arith.constant 0 : index
    %get3A_2202 = vector.load %arg2[%get3A_2199, %get3A_2200, %get3A_2201] : memref<16x8x128xf32, #tpu.memory_space<vmem>>, vector<1x1x128xf32>
    %get3A_2203 = vector.shape_cast %get3A_2202 : vector<1x1x128xf32> to vector<128xf32>
    %reshape3A_2204 = vector.shape_cast %get3A_2203 : vector<128xf32> to vector<1x128xf32>
    %eq3A_2205 = vector.broadcast %reshape3A_2198 : vector<1x128xi32> to vector<64x128xi32>
    %eq3A_2206 = arith.cmpi eq, %iota3A, %eq3A_2205 : vector<64x128xi32>
    %jit3A_2207 = arith.constant 0.000000e+00 : f32
    %broadcast_in_dim3A_2208 = vector.shape_cast %reshape3A_2204 : vector<1x128xf32> to vector<1x128xf32>
    %broadcast_in_dim3A_2209 = vector.broadcast %broadcast_in_dim3A_2208 : vector<1x128xf32> to vector<64x128xf32>
    %broadcast_in_dim3A_2210 = vector.broadcast %jit3A_2207 : f32 to vector<64x128xf32>
    %select_n3A_2211 = arith.select %eq3A_2206, %broadcast_in_dim3A_2209, %broadcast_in_dim3A_2210 : vector<64x128xi1>, vector<64x128xf32>
    %add3A_2212 = arith.addf %add3A_2192, %select_n3A_2211 : vector<64x128xf32>
    %get3A_2213 = arith.constant 13 : index
    %get3A_2214 = arith.constant 5 : index
    %get3A_2215 = arith.constant 0 : index
    %get3A_2216 = vector.load %arg3[%get3A_2213, %get3A_2214, %get3A_2215] : memref<16x8x128xi32, #tpu.memory_space<vmem>>, vector<1x1x128xi32>
    %get3A_2217 = vector.shape_cast %get3A_2216 : vector<1x1x128xi32> to vector<128xi32>
    %reshape3A_2218 = vector.shape_cast %get3A_2217 : vector<128xi32> to vector<1x128xi32>
    %get3A_2219 = arith.constant 13 : index
    %get3A_2220 = arith.constant 5 : index
    %get3A_2221 = arith.constant 0 : index
    %get3A_2222 = vector.load %arg2[%get3A_2219, %get3A_2220, %get3A_2221] : memref<16x8x128xf32, #tpu.memory_space<vmem>>, vector<1x1x128xf32>
    %get3A_2223 = vector.shape_cast %get3A_2222 : vector<1x1x128xf32> to vector<128xf32>
    %reshape3A_2224 = vector.shape_cast %get3A_2223 : vector<128xf32> to vector<1x128xf32>
    %eq3A_2225 = vector.broadcast %reshape3A_2218 : vector<1x128xi32> to vector<64x128xi32>
    %eq3A_2226 = arith.cmpi eq, %iota3A, %eq3A_2225 : vector<64x128xi32>
    %jit3A_2227 = arith.constant 0.000000e+00 : f32
    %broadcast_in_dim3A_2228 = vector.shape_cast %reshape3A_2224 : vector<1x128xf32> to vector<1x128xf32>
    %broadcast_in_dim3A_2229 = vector.broadcast %broadcast_in_dim3A_2228 : vector<1x128xf32> to vector<64x128xf32>
    %broadcast_in_dim3A_2230 = vector.broadcast %jit3A_2227 : f32 to vector<64x128xf32>
    %select_n3A_2231 = arith.select %eq3A_2226, %broadcast_in_dim3A_2229, %broadcast_in_dim3A_2230 : vector<64x128xi1>, vector<64x128xf32>
    %add3A_2232 = arith.addf %add3A_2212, %select_n3A_2231 : vector<64x128xf32>
    %get3A_2233 = arith.constant 13 : index
    %get3A_2234 = arith.constant 6 : index
    %get3A_2235 = arith.constant 0 : index
    %get3A_2236 = vector.load %arg3[%get3A_2233, %get3A_2234, %get3A_2235] : memref<16x8x128xi32, #tpu.memory_space<vmem>>, vector<1x1x128xi32>
    %get3A_2237 = vector.shape_cast %get3A_2236 : vector<1x1x128xi32> to vector<128xi32>
    %reshape3A_2238 = vector.shape_cast %get3A_2237 : vector<128xi32> to vector<1x128xi32>
    %get3A_2239 = arith.constant 13 : index
    %get3A_2240 = arith.constant 6 : index
    %get3A_2241 = arith.constant 0 : index
    %get3A_2242 = vector.load %arg2[%get3A_2239, %get3A_2240, %get3A_2241] : memref<16x8x128xf32, #tpu.memory_space<vmem>>, vector<1x1x128xf32>
    %get3A_2243 = vector.shape_cast %get3A_2242 : vector<1x1x128xf32> to vector<128xf32>
    %reshape3A_2244 = vector.shape_cast %get3A_2243 : vector<128xf32> to vector<1x128xf32>
    %eq3A_2245 = vector.broadcast %reshape3A_2238 : vector<1x128xi32> to vector<64x128xi32>
    %eq3A_2246 = arith.cmpi eq, %iota3A, %eq3A_2245 : vector<64x128xi32>
    %jit3A_2247 = arith.constant 0.000000e+00 : f32
    %broadcast_in_dim3A_2248 = vector.shape_cast %reshape3A_2244 : vector<1x128xf32> to vector<1x128xf32>
    %broadcast_in_dim3A_2249 = vector.broadcast %broadcast_in_dim3A_2248 : vector<1x128xf32> to vector<64x128xf32>
    %broadcast_in_dim3A_2250 = vector.broadcast %jit3A_2247 : f32 to vector<64x128xf32>
    %select_n3A_2251 = arith.select %eq3A_2246, %broadcast_in_dim3A_2249, %broadcast_in_dim3A_2250 : vector<64x128xi1>, vector<64x128xf32>
    %add3A_2252 = arith.addf %add3A_2232, %select_n3A_2251 : vector<64x128xf32>
    %get3A_2253 = arith.constant 13 : index
    %get3A_2254 = arith.constant 7 : index
    %get3A_2255 = arith.constant 0 : index
    %get3A_2256 = vector.load %arg3[%get3A_2253, %get3A_2254, %get3A_2255] : memref<16x8x128xi32, #tpu.memory_space<vmem>>, vector<1x1x128xi32>
    %get3A_2257 = vector.shape_cast %get3A_2256 : vector<1x1x128xi32> to vector<128xi32>
    %reshape3A_2258 = vector.shape_cast %get3A_2257 : vector<128xi32> to vector<1x128xi32>
    %get3A_2259 = arith.constant 13 : index
    %get3A_2260 = arith.constant 7 : index
    %get3A_2261 = arith.constant 0 : index
    %get3A_2262 = vector.load %arg2[%get3A_2259, %get3A_2260, %get3A_2261] : memref<16x8x128xf32, #tpu.memory_space<vmem>>, vector<1x1x128xf32>
    %get3A_2263 = vector.shape_cast %get3A_2262 : vector<1x1x128xf32> to vector<128xf32>
    %reshape3A_2264 = vector.shape_cast %get3A_2263 : vector<128xf32> to vector<1x128xf32>
    %eq3A_2265 = vector.broadcast %reshape3A_2258 : vector<1x128xi32> to vector<64x128xi32>
    %eq3A_2266 = arith.cmpi eq, %iota3A, %eq3A_2265 : vector<64x128xi32>
    %jit3A_2267 = arith.constant 0.000000e+00 : f32
    %broadcast_in_dim3A_2268 = vector.shape_cast %reshape3A_2264 : vector<1x128xf32> to vector<1x128xf32>
    %broadcast_in_dim3A_2269 = vector.broadcast %broadcast_in_dim3A_2268 : vector<1x128xf32> to vector<64x128xf32>
    %broadcast_in_dim3A_2270 = vector.broadcast %jit3A_2267 : f32 to vector<64x128xf32>
    %select_n3A_2271 = arith.select %eq3A_2266, %broadcast_in_dim3A_2269, %broadcast_in_dim3A_2270 : vector<64x128xi1>, vector<64x128xf32>
    %add3A_2272 = arith.addf %add3A_2252, %select_n3A_2271 : vector<64x128xf32>
    %transpose3A_2273 = tpu.transpose %add3A_2272, [1, 0] : vector<64x128xf32> -> vector<128x64xf32>
    %broadcast_in_dim3A_2274 = arith.constant 0.000000e+00 : f32
    %broadcast_in_dim3A_2275 = vector.broadcast %broadcast_in_dim3A_2274 : f32 to vector<64x128xf32>
    %get3A_2276 = arith.constant 14 : index
    %get3A_2277 = arith.constant 0 : index
    %get3A_2278 = arith.constant 0 : index
    %get3A_2279 = vector.load %arg3[%get3A_2276, %get3A_2277, %get3A_2278] : memref<16x8x128xi32, #tpu.memory_space<vmem>>, vector<1x1x128xi32>
    %get3A_2280 = vector.shape_cast %get3A_2279 : vector<1x1x128xi32> to vector<128xi32>
    %reshape3A_2281 = vector.shape_cast %get3A_2280 : vector<128xi32> to vector<1x128xi32>
    %get3A_2282 = arith.constant 14 : index
    %get3A_2283 = arith.constant 0 : index
    %get3A_2284 = arith.constant 0 : index
    %get3A_2285 = vector.load %arg2[%get3A_2282, %get3A_2283, %get3A_2284] : memref<16x8x128xf32, #tpu.memory_space<vmem>>, vector<1x1x128xf32>
    %get3A_2286 = vector.shape_cast %get3A_2285 : vector<1x1x128xf32> to vector<128xf32>
    %reshape3A_2287 = vector.shape_cast %get3A_2286 : vector<128xf32> to vector<1x128xf32>
    %eq3A_2288 = vector.broadcast %reshape3A_2281 : vector<1x128xi32> to vector<64x128xi32>
    %eq3A_2289 = arith.cmpi eq, %iota3A, %eq3A_2288 : vector<64x128xi32>
    %jit3A_2290 = arith.constant 0.000000e+00 : f32
    %broadcast_in_dim3A_2291 = vector.shape_cast %reshape3A_2287 : vector<1x128xf32> to vector<1x128xf32>
    %broadcast_in_dim3A_2292 = vector.broadcast %broadcast_in_dim3A_2291 : vector<1x128xf32> to vector<64x128xf32>
    %broadcast_in_dim3A_2293 = vector.broadcast %jit3A_2290 : f32 to vector<64x128xf32>
    %select_n3A_2294 = arith.select %eq3A_2289, %broadcast_in_dim3A_2292, %broadcast_in_dim3A_2293 : vector<64x128xi1>, vector<64x128xf32>
    %add3A_2295 = arith.addf %broadcast_in_dim3A_2275, %select_n3A_2294 : vector<64x128xf32>
    %get3A_2296 = arith.constant 14 : index
    %get3A_2297 = arith.constant 1 : index
    %get3A_2298 = arith.constant 0 : index
    %get3A_2299 = vector.load %arg3[%get3A_2296, %get3A_2297, %get3A_2298] : memref<16x8x128xi32, #tpu.memory_space<vmem>>, vector<1x1x128xi32>
    %get3A_2300 = vector.shape_cast %get3A_2299 : vector<1x1x128xi32> to vector<128xi32>
    %reshape3A_2301 = vector.shape_cast %get3A_2300 : vector<128xi32> to vector<1x128xi32>
    %get3A_2302 = arith.constant 14 : index
    %get3A_2303 = arith.constant 1 : index
    %get3A_2304 = arith.constant 0 : index
    %get3A_2305 = vector.load %arg2[%get3A_2302, %get3A_2303, %get3A_2304] : memref<16x8x128xf32, #tpu.memory_space<vmem>>, vector<1x1x128xf32>
    %get3A_2306 = vector.shape_cast %get3A_2305 : vector<1x1x128xf32> to vector<128xf32>
    %reshape3A_2307 = vector.shape_cast %get3A_2306 : vector<128xf32> to vector<1x128xf32>
    %eq3A_2308 = vector.broadcast %reshape3A_2301 : vector<1x128xi32> to vector<64x128xi32>
    %eq3A_2309 = arith.cmpi eq, %iota3A, %eq3A_2308 : vector<64x128xi32>
    %jit3A_2310 = arith.constant 0.000000e+00 : f32
    %broadcast_in_dim3A_2311 = vector.shape_cast %reshape3A_2307 : vector<1x128xf32> to vector<1x128xf32>
    %broadcast_in_dim3A_2312 = vector.broadcast %broadcast_in_dim3A_2311 : vector<1x128xf32> to vector<64x128xf32>
    %broadcast_in_dim3A_2313 = vector.broadcast %jit3A_2310 : f32 to vector<64x128xf32>
    %select_n3A_2314 = arith.select %eq3A_2309, %broadcast_in_dim3A_2312, %broadcast_in_dim3A_2313 : vector<64x128xi1>, vector<64x128xf32>
    %add3A_2315 = arith.addf %add3A_2295, %select_n3A_2314 : vector<64x128xf32>
    %get3A_2316 = arith.constant 14 : index
    %get3A_2317 = arith.constant 2 : index
    %get3A_2318 = arith.constant 0 : index
    %get3A_2319 = vector.load %arg3[%get3A_2316, %get3A_2317, %get3A_2318] : memref<16x8x128xi32, #tpu.memory_space<vmem>>, vector<1x1x128xi32>
    %get3A_2320 = vector.shape_cast %get3A_2319 : vector<1x1x128xi32> to vector<128xi32>
    %reshape3A_2321 = vector.shape_cast %get3A_2320 : vector<128xi32> to vector<1x128xi32>
    %get3A_2322 = arith.constant 14 : index
    %get3A_2323 = arith.constant 2 : index
    %get3A_2324 = arith.constant 0 : index
    %get3A_2325 = vector.load %arg2[%get3A_2322, %get3A_2323, %get3A_2324] : memref<16x8x128xf32, #tpu.memory_space<vmem>>, vector<1x1x128xf32>
    %get3A_2326 = vector.shape_cast %get3A_2325 : vector<1x1x128xf32> to vector<128xf32>
    %reshape3A_2327 = vector.shape_cast %get3A_2326 : vector<128xf32> to vector<1x128xf32>
    %eq3A_2328 = vector.broadcast %reshape3A_2321 : vector<1x128xi32> to vector<64x128xi32>
    %eq3A_2329 = arith.cmpi eq, %iota3A, %eq3A_2328 : vector<64x128xi32>
    %jit3A_2330 = arith.constant 0.000000e+00 : f32
    %broadcast_in_dim3A_2331 = vector.shape_cast %reshape3A_2327 : vector<1x128xf32> to vector<1x128xf32>
    %broadcast_in_dim3A_2332 = vector.broadcast %broadcast_in_dim3A_2331 : vector<1x128xf32> to vector<64x128xf32>
    %broadcast_in_dim3A_2333 = vector.broadcast %jit3A_2330 : f32 to vector<64x128xf32>
    %select_n3A_2334 = arith.select %eq3A_2329, %broadcast_in_dim3A_2332, %broadcast_in_dim3A_2333 : vector<64x128xi1>, vector<64x128xf32>
    %add3A_2335 = arith.addf %add3A_2315, %select_n3A_2334 : vector<64x128xf32>
    %get3A_2336 = arith.constant 14 : index
    %get3A_2337 = arith.constant 3 : index
    %get3A_2338 = arith.constant 0 : index
    %get3A_2339 = vector.load %arg3[%get3A_2336, %get3A_2337, %get3A_2338] : memref<16x8x128xi32, #tpu.memory_space<vmem>>, vector<1x1x128xi32>
    %get3A_2340 = vector.shape_cast %get3A_2339 : vector<1x1x128xi32> to vector<128xi32>
    %reshape3A_2341 = vector.shape_cast %get3A_2340 : vector<128xi32> to vector<1x128xi32>
    %get3A_2342 = arith.constant 14 : index
    %get3A_2343 = arith.constant 3 : index
    %get3A_2344 = arith.constant 0 : index
    %get3A_2345 = vector.load %arg2[%get3A_2342, %get3A_2343, %get3A_2344] : memref<16x8x128xf32, #tpu.memory_space<vmem>>, vector<1x1x128xf32>
    %get3A_2346 = vector.shape_cast %get3A_2345 : vector<1x1x128xf32> to vector<128xf32>
    %reshape3A_2347 = vector.shape_cast %get3A_2346 : vector<128xf32> to vector<1x128xf32>
    %eq3A_2348 = vector.broadcast %reshape3A_2341 : vector<1x128xi32> to vector<64x128xi32>
    %eq3A_2349 = arith.cmpi eq, %iota3A, %eq3A_2348 : vector<64x128xi32>
    %jit3A_2350 = arith.constant 0.000000e+00 : f32
    %broadcast_in_dim3A_2351 = vector.shape_cast %reshape3A_2347 : vector<1x128xf32> to vector<1x128xf32>
    %broadcast_in_dim3A_2352 = vector.broadcast %broadcast_in_dim3A_2351 : vector<1x128xf32> to vector<64x128xf32>
    %broadcast_in_dim3A_2353 = vector.broadcast %jit3A_2350 : f32 to vector<64x128xf32>
    %select_n3A_2354 = arith.select %eq3A_2349, %broadcast_in_dim3A_2352, %broadcast_in_dim3A_2353 : vector<64x128xi1>, vector<64x128xf32>
    %add3A_2355 = arith.addf %add3A_2335, %select_n3A_2354 : vector<64x128xf32>
    %get3A_2356 = arith.constant 14 : index
    %get3A_2357 = arith.constant 4 : index
    %get3A_2358 = arith.constant 0 : index
    %get3A_2359 = vector.load %arg3[%get3A_2356, %get3A_2357, %get3A_2358] : memref<16x8x128xi32, #tpu.memory_space<vmem>>, vector<1x1x128xi32>
    %get3A_2360 = vector.shape_cast %get3A_2359 : vector<1x1x128xi32> to vector<128xi32>
    %reshape3A_2361 = vector.shape_cast %get3A_2360 : vector<128xi32> to vector<1x128xi32>
    %get3A_2362 = arith.constant 14 : index
    %get3A_2363 = arith.constant 4 : index
    %get3A_2364 = arith.constant 0 : index
    %get3A_2365 = vector.load %arg2[%get3A_2362, %get3A_2363, %get3A_2364] : memref<16x8x128xf32, #tpu.memory_space<vmem>>, vector<1x1x128xf32>
    %get3A_2366 = vector.shape_cast %get3A_2365 : vector<1x1x128xf32> to vector<128xf32>
    %reshape3A_2367 = vector.shape_cast %get3A_2366 : vector<128xf32> to vector<1x128xf32>
    %eq3A_2368 = vector.broadcast %reshape3A_2361 : vector<1x128xi32> to vector<64x128xi32>
    %eq3A_2369 = arith.cmpi eq, %iota3A, %eq3A_2368 : vector<64x128xi32>
    %jit3A_2370 = arith.constant 0.000000e+00 : f32
    %broadcast_in_dim3A_2371 = vector.shape_cast %reshape3A_2367 : vector<1x128xf32> to vector<1x128xf32>
    %broadcast_in_dim3A_2372 = vector.broadcast %broadcast_in_dim3A_2371 : vector<1x128xf32> to vector<64x128xf32>
    %broadcast_in_dim3A_2373 = vector.broadcast %jit3A_2370 : f32 to vector<64x128xf32>
    %select_n3A_2374 = arith.select %eq3A_2369, %broadcast_in_dim3A_2372, %broadcast_in_dim3A_2373 : vector<64x128xi1>, vector<64x128xf32>
    %add3A_2375 = arith.addf %add3A_2355, %select_n3A_2374 : vector<64x128xf32>
    %get3A_2376 = arith.constant 14 : index
    %get3A_2377 = arith.constant 5 : index
    %get3A_2378 = arith.constant 0 : index
    %get3A_2379 = vector.load %arg3[%get3A_2376, %get3A_2377, %get3A_2378] : memref<16x8x128xi32, #tpu.memory_space<vmem>>, vector<1x1x128xi32>
    %get3A_2380 = vector.shape_cast %get3A_2379 : vector<1x1x128xi32> to vector<128xi32>
    %reshape3A_2381 = vector.shape_cast %get3A_2380 : vector<128xi32> to vector<1x128xi32>
    %get3A_2382 = arith.constant 14 : index
    %get3A_2383 = arith.constant 5 : index
    %get3A_2384 = arith.constant 0 : index
    %get3A_2385 = vector.load %arg2[%get3A_2382, %get3A_2383, %get3A_2384] : memref<16x8x128xf32, #tpu.memory_space<vmem>>, vector<1x1x128xf32>
    %get3A_2386 = vector.shape_cast %get3A_2385 : vector<1x1x128xf32> to vector<128xf32>
    %reshape3A_2387 = vector.shape_cast %get3A_2386 : vector<128xf32> to vector<1x128xf32>
    %eq3A_2388 = vector.broadcast %reshape3A_2381 : vector<1x128xi32> to vector<64x128xi32>
    %eq3A_2389 = arith.cmpi eq, %iota3A, %eq3A_2388 : vector<64x128xi32>
    %jit3A_2390 = arith.constant 0.000000e+00 : f32
    %broadcast_in_dim3A_2391 = vector.shape_cast %reshape3A_2387 : vector<1x128xf32> to vector<1x128xf32>
    %broadcast_in_dim3A_2392 = vector.broadcast %broadcast_in_dim3A_2391 : vector<1x128xf32> to vector<64x128xf32>
    %broadcast_in_dim3A_2393 = vector.broadcast %jit3A_2390 : f32 to vector<64x128xf32>
    %select_n3A_2394 = arith.select %eq3A_2389, %broadcast_in_dim3A_2392, %broadcast_in_dim3A_2393 : vector<64x128xi1>, vector<64x128xf32>
    %add3A_2395 = arith.addf %add3A_2375, %select_n3A_2394 : vector<64x128xf32>
    %get3A_2396 = arith.constant 14 : index
    %get3A_2397 = arith.constant 6 : index
    %get3A_2398 = arith.constant 0 : index
    %get3A_2399 = vector.load %arg3[%get3A_2396, %get3A_2397, %get3A_2398] : memref<16x8x128xi32, #tpu.memory_space<vmem>>, vector<1x1x128xi32>
    %get3A_2400 = vector.shape_cast %get3A_2399 : vector<1x1x128xi32> to vector<128xi32>
    %reshape3A_2401 = vector.shape_cast %get3A_2400 : vector<128xi32> to vector<1x128xi32>
    %get3A_2402 = arith.constant 14 : index
    %get3A_2403 = arith.constant 6 : index
    %get3A_2404 = arith.constant 0 : index
    %get3A_2405 = vector.load %arg2[%get3A_2402, %get3A_2403, %get3A_2404] : memref<16x8x128xf32, #tpu.memory_space<vmem>>, vector<1x1x128xf32>
    %get3A_2406 = vector.shape_cast %get3A_2405 : vector<1x1x128xf32> to vector<128xf32>
    %reshape3A_2407 = vector.shape_cast %get3A_2406 : vector<128xf32> to vector<1x128xf32>
    %eq3A_2408 = vector.broadcast %reshape3A_2401 : vector<1x128xi32> to vector<64x128xi32>
    %eq3A_2409 = arith.cmpi eq, %iota3A, %eq3A_2408 : vector<64x128xi32>
    %jit3A_2410 = arith.constant 0.000000e+00 : f32
    %broadcast_in_dim3A_2411 = vector.shape_cast %reshape3A_2407 : vector<1x128xf32> to vector<1x128xf32>
    %broadcast_in_dim3A_2412 = vector.broadcast %broadcast_in_dim3A_2411 : vector<1x128xf32> to vector<64x128xf32>
    %broadcast_in_dim3A_2413 = vector.broadcast %jit3A_2410 : f32 to vector<64x128xf32>
    %select_n3A_2414 = arith.select %eq3A_2409, %broadcast_in_dim3A_2412, %broadcast_in_dim3A_2413 : vector<64x128xi1>, vector<64x128xf32>
    %add3A_2415 = arith.addf %add3A_2395, %select_n3A_2414 : vector<64x128xf32>
    %get3A_2416 = arith.constant 14 : index
    %get3A_2417 = arith.constant 7 : index
    %get3A_2418 = arith.constant 0 : index
    %get3A_2419 = vector.load %arg3[%get3A_2416, %get3A_2417, %get3A_2418] : memref<16x8x128xi32, #tpu.memory_space<vmem>>, vector<1x1x128xi32>
    %get3A_2420 = vector.shape_cast %get3A_2419 : vector<1x1x128xi32> to vector<128xi32>
    %reshape3A_2421 = vector.shape_cast %get3A_2420 : vector<128xi32> to vector<1x128xi32>
    %get3A_2422 = arith.constant 14 : index
    %get3A_2423 = arith.constant 7 : index
    %get3A_2424 = arith.constant 0 : index
    %get3A_2425 = vector.load %arg2[%get3A_2422, %get3A_2423, %get3A_2424] : memref<16x8x128xf32, #tpu.memory_space<vmem>>, vector<1x1x128xf32>
    %get3A_2426 = vector.shape_cast %get3A_2425 : vector<1x1x128xf32> to vector<128xf32>
    %reshape3A_2427 = vector.shape_cast %get3A_2426 : vector<128xf32> to vector<1x128xf32>
    %eq3A_2428 = vector.broadcast %reshape3A_2421 : vector<1x128xi32> to vector<64x128xi32>
    %eq3A_2429 = arith.cmpi eq, %iota3A, %eq3A_2428 : vector<64x128xi32>
    %jit3A_2430 = arith.constant 0.000000e+00 : f32
    %broadcast_in_dim3A_2431 = vector.shape_cast %reshape3A_2427 : vector<1x128xf32> to vector<1x128xf32>
    %broadcast_in_dim3A_2432 = vector.broadcast %broadcast_in_dim3A_2431 : vector<1x128xf32> to vector<64x128xf32>
    %broadcast_in_dim3A_2433 = vector.broadcast %jit3A_2430 : f32 to vector<64x128xf32>
    %select_n3A_2434 = arith.select %eq3A_2429, %broadcast_in_dim3A_2432, %broadcast_in_dim3A_2433 : vector<64x128xi1>, vector<64x128xf32>
    %add3A_2435 = arith.addf %add3A_2415, %select_n3A_2434 : vector<64x128xf32>
    %transpose3A_2436 = tpu.transpose %add3A_2435, [1, 0] : vector<64x128xf32> -> vector<128x64xf32>
    %broadcast_in_dim3A_2437 = arith.constant 0.000000e+00 : f32
    %broadcast_in_dim3A_2438 = vector.broadcast %broadcast_in_dim3A_2437 : f32 to vector<64x128xf32>
    %get3A_2439 = arith.constant 15 : index
    %get3A_2440 = arith.constant 0 : index
    %get3A_2441 = arith.constant 0 : index
    %get3A_2442 = vector.load %arg3[%get3A_2439, %get3A_2440, %get3A_2441] : memref<16x8x128xi32, #tpu.memory_space<vmem>>, vector<1x1x128xi32>
    %get3A_2443 = vector.shape_cast %get3A_2442 : vector<1x1x128xi32> to vector<128xi32>
    %reshape3A_2444 = vector.shape_cast %get3A_2443 : vector<128xi32> to vector<1x128xi32>
    %get3A_2445 = arith.constant 15 : index
    %get3A_2446 = arith.constant 0 : index
    %get3A_2447 = arith.constant 0 : index
    %get3A_2448 = vector.load %arg2[%get3A_2445, %get3A_2446, %get3A_2447] : memref<16x8x128xf32, #tpu.memory_space<vmem>>, vector<1x1x128xf32>
    %get3A_2449 = vector.shape_cast %get3A_2448 : vector<1x1x128xf32> to vector<128xf32>
    %reshape3A_2450 = vector.shape_cast %get3A_2449 : vector<128xf32> to vector<1x128xf32>
    %eq3A_2451 = vector.broadcast %reshape3A_2444 : vector<1x128xi32> to vector<64x128xi32>
    %eq3A_2452 = arith.cmpi eq, %iota3A, %eq3A_2451 : vector<64x128xi32>
    %jit3A_2453 = arith.constant 0.000000e+00 : f32
    %broadcast_in_dim3A_2454 = vector.shape_cast %reshape3A_2450 : vector<1x128xf32> to vector<1x128xf32>
    %broadcast_in_dim3A_2455 = vector.broadcast %broadcast_in_dim3A_2454 : vector<1x128xf32> to vector<64x128xf32>
    %broadcast_in_dim3A_2456 = vector.broadcast %jit3A_2453 : f32 to vector<64x128xf32>
    %select_n3A_2457 = arith.select %eq3A_2452, %broadcast_in_dim3A_2455, %broadcast_in_dim3A_2456 : vector<64x128xi1>, vector<64x128xf32>
    %add3A_2458 = arith.addf %broadcast_in_dim3A_2438, %select_n3A_2457 : vector<64x128xf32>
    %get3A_2459 = arith.constant 15 : index
    %get3A_2460 = arith.constant 1 : index
    %get3A_2461 = arith.constant 0 : index
    %get3A_2462 = vector.load %arg3[%get3A_2459, %get3A_2460, %get3A_2461] : memref<16x8x128xi32, #tpu.memory_space<vmem>>, vector<1x1x128xi32>
    %get3A_2463 = vector.shape_cast %get3A_2462 : vector<1x1x128xi32> to vector<128xi32>
    %reshape3A_2464 = vector.shape_cast %get3A_2463 : vector<128xi32> to vector<1x128xi32>
    %get3A_2465 = arith.constant 15 : index
    %get3A_2466 = arith.constant 1 : index
    %get3A_2467 = arith.constant 0 : index
    %get3A_2468 = vector.load %arg2[%get3A_2465, %get3A_2466, %get3A_2467] : memref<16x8x128xf32, #tpu.memory_space<vmem>>, vector<1x1x128xf32>
    %get3A_2469 = vector.shape_cast %get3A_2468 : vector<1x1x128xf32> to vector<128xf32>
    %reshape3A_2470 = vector.shape_cast %get3A_2469 : vector<128xf32> to vector<1x128xf32>
    %eq3A_2471 = vector.broadcast %reshape3A_2464 : vector<1x128xi32> to vector<64x128xi32>
    %eq3A_2472 = arith.cmpi eq, %iota3A, %eq3A_2471 : vector<64x128xi32>
    %jit3A_2473 = arith.constant 0.000000e+00 : f32
    %broadcast_in_dim3A_2474 = vector.shape_cast %reshape3A_2470 : vector<1x128xf32> to vector<1x128xf32>
    %broadcast_in_dim3A_2475 = vector.broadcast %broadcast_in_dim3A_2474 : vector<1x128xf32> to vector<64x128xf32>
    %broadcast_in_dim3A_2476 = vector.broadcast %jit3A_2473 : f32 to vector<64x128xf32>
    %select_n3A_2477 = arith.select %eq3A_2472, %broadcast_in_dim3A_2475, %broadcast_in_dim3A_2476 : vector<64x128xi1>, vector<64x128xf32>
    %add3A_2478 = arith.addf %add3A_2458, %select_n3A_2477 : vector<64x128xf32>
    %get3A_2479 = arith.constant 15 : index
    %get3A_2480 = arith.constant 2 : index
    %get3A_2481 = arith.constant 0 : index
    %get3A_2482 = vector.load %arg3[%get3A_2479, %get3A_2480, %get3A_2481] : memref<16x8x128xi32, #tpu.memory_space<vmem>>, vector<1x1x128xi32>
    %get3A_2483 = vector.shape_cast %get3A_2482 : vector<1x1x128xi32> to vector<128xi32>
    %reshape3A_2484 = vector.shape_cast %get3A_2483 : vector<128xi32> to vector<1x128xi32>
    %get3A_2485 = arith.constant 15 : index
    %get3A_2486 = arith.constant 2 : index
    %get3A_2487 = arith.constant 0 : index
    %get3A_2488 = vector.load %arg2[%get3A_2485, %get3A_2486, %get3A_2487] : memref<16x8x128xf32, #tpu.memory_space<vmem>>, vector<1x1x128xf32>
    %get3A_2489 = vector.shape_cast %get3A_2488 : vector<1x1x128xf32> to vector<128xf32>
    %reshape3A_2490 = vector.shape_cast %get3A_2489 : vector<128xf32> to vector<1x128xf32>
    %eq3A_2491 = vector.broadcast %reshape3A_2484 : vector<1x128xi32> to vector<64x128xi32>
    %eq3A_2492 = arith.cmpi eq, %iota3A, %eq3A_2491 : vector<64x128xi32>
    %jit3A_2493 = arith.constant 0.000000e+00 : f32
    %broadcast_in_dim3A_2494 = vector.shape_cast %reshape3A_2490 : vector<1x128xf32> to vector<1x128xf32>
    %broadcast_in_dim3A_2495 = vector.broadcast %broadcast_in_dim3A_2494 : vector<1x128xf32> to vector<64x128xf32>
    %broadcast_in_dim3A_2496 = vector.broadcast %jit3A_2493 : f32 to vector<64x128xf32>
    %select_n3A_2497 = arith.select %eq3A_2492, %broadcast_in_dim3A_2495, %broadcast_in_dim3A_2496 : vector<64x128xi1>, vector<64x128xf32>
    %add3A_2498 = arith.addf %add3A_2478, %select_n3A_2497 : vector<64x128xf32>
    %get3A_2499 = arith.constant 15 : index
    %get3A_2500 = arith.constant 3 : index
    %get3A_2501 = arith.constant 0 : index
    %get3A_2502 = vector.load %arg3[%get3A_2499, %get3A_2500, %get3A_2501] : memref<16x8x128xi32, #tpu.memory_space<vmem>>, vector<1x1x128xi32>
    %get3A_2503 = vector.shape_cast %get3A_2502 : vector<1x1x128xi32> to vector<128xi32>
    %reshape3A_2504 = vector.shape_cast %get3A_2503 : vector<128xi32> to vector<1x128xi32>
    %get3A_2505 = arith.constant 15 : index
    %get3A_2506 = arith.constant 3 : index
    %get3A_2507 = arith.constant 0 : index
    %get3A_2508 = vector.load %arg2[%get3A_2505, %get3A_2506, %get3A_2507] : memref<16x8x128xf32, #tpu.memory_space<vmem>>, vector<1x1x128xf32>
    %get3A_2509 = vector.shape_cast %get3A_2508 : vector<1x1x128xf32> to vector<128xf32>
    %reshape3A_2510 = vector.shape_cast %get3A_2509 : vector<128xf32> to vector<1x128xf32>
    %eq3A_2511 = vector.broadcast %reshape3A_2504 : vector<1x128xi32> to vector<64x128xi32>
    %eq3A_2512 = arith.cmpi eq, %iota3A, %eq3A_2511 : vector<64x128xi32>
    %jit3A_2513 = arith.constant 0.000000e+00 : f32
    %broadcast_in_dim3A_2514 = vector.shape_cast %reshape3A_2510 : vector<1x128xf32> to vector<1x128xf32>
    %broadcast_in_dim3A_2515 = vector.broadcast %broadcast_in_dim3A_2514 : vector<1x128xf32> to vector<64x128xf32>
    %broadcast_in_dim3A_2516 = vector.broadcast %jit3A_2513 : f32 to vector<64x128xf32>
    %select_n3A_2517 = arith.select %eq3A_2512, %broadcast_in_dim3A_2515, %broadcast_in_dim3A_2516 : vector<64x128xi1>, vector<64x128xf32>
    %add3A_2518 = arith.addf %add3A_2498, %select_n3A_2517 : vector<64x128xf32>
    %get3A_2519 = arith.constant 15 : index
    %get3A_2520 = arith.constant 4 : index
    %get3A_2521 = arith.constant 0 : index
    %get3A_2522 = vector.load %arg3[%get3A_2519, %get3A_2520, %get3A_2521] : memref<16x8x128xi32, #tpu.memory_space<vmem>>, vector<1x1x128xi32>
    %get3A_2523 = vector.shape_cast %get3A_2522 : vector<1x1x128xi32> to vector<128xi32>
    %reshape3A_2524 = vector.shape_cast %get3A_2523 : vector<128xi32> to vector<1x128xi32>
    %get3A_2525 = arith.constant 15 : index
    %get3A_2526 = arith.constant 4 : index
    %get3A_2527 = arith.constant 0 : index
    %get3A_2528 = vector.load %arg2[%get3A_2525, %get3A_2526, %get3A_2527] : memref<16x8x128xf32, #tpu.memory_space<vmem>>, vector<1x1x128xf32>
    %get3A_2529 = vector.shape_cast %get3A_2528 : vector<1x1x128xf32> to vector<128xf32>
    %reshape3A_2530 = vector.shape_cast %get3A_2529 : vector<128xf32> to vector<1x128xf32>
    %eq3A_2531 = vector.broadcast %reshape3A_2524 : vector<1x128xi32> to vector<64x128xi32>
    %eq3A_2532 = arith.cmpi eq, %iota3A, %eq3A_2531 : vector<64x128xi32>
    %jit3A_2533 = arith.constant 0.000000e+00 : f32
    %broadcast_in_dim3A_2534 = vector.shape_cast %reshape3A_2530 : vector<1x128xf32> to vector<1x128xf32>
    %broadcast_in_dim3A_2535 = vector.broadcast %broadcast_in_dim3A_2534 : vector<1x128xf32> to vector<64x128xf32>
    %broadcast_in_dim3A_2536 = vector.broadcast %jit3A_2533 : f32 to vector<64x128xf32>
    %select_n3A_2537 = arith.select %eq3A_2532, %broadcast_in_dim3A_2535, %broadcast_in_dim3A_2536 : vector<64x128xi1>, vector<64x128xf32>
    %add3A_2538 = arith.addf %add3A_2518, %select_n3A_2537 : vector<64x128xf32>
    %get3A_2539 = arith.constant 15 : index
    %get3A_2540 = arith.constant 5 : index
    %get3A_2541 = arith.constant 0 : index
    %get3A_2542 = vector.load %arg3[%get3A_2539, %get3A_2540, %get3A_2541] : memref<16x8x128xi32, #tpu.memory_space<vmem>>, vector<1x1x128xi32>
    %get3A_2543 = vector.shape_cast %get3A_2542 : vector<1x1x128xi32> to vector<128xi32>
    %reshape3A_2544 = vector.shape_cast %get3A_2543 : vector<128xi32> to vector<1x128xi32>
    %get3A_2545 = arith.constant 15 : index
    %get3A_2546 = arith.constant 5 : index
    %get3A_2547 = arith.constant 0 : index
    %get3A_2548 = vector.load %arg2[%get3A_2545, %get3A_2546, %get3A_2547] : memref<16x8x128xf32, #tpu.memory_space<vmem>>, vector<1x1x128xf32>
    %get3A_2549 = vector.shape_cast %get3A_2548 : vector<1x1x128xf32> to vector<128xf32>
    %reshape3A_2550 = vector.shape_cast %get3A_2549 : vector<128xf32> to vector<1x128xf32>
    %eq3A_2551 = vector.broadcast %reshape3A_2544 : vector<1x128xi32> to vector<64x128xi32>
    %eq3A_2552 = arith.cmpi eq, %iota3A, %eq3A_2551 : vector<64x128xi32>
    %jit3A_2553 = arith.constant 0.000000e+00 : f32
    %broadcast_in_dim3A_2554 = vector.shape_cast %reshape3A_2550 : vector<1x128xf32> to vector<1x128xf32>
    %broadcast_in_dim3A_2555 = vector.broadcast %broadcast_in_dim3A_2554 : vector<1x128xf32> to vector<64x128xf32>
    %broadcast_in_dim3A_2556 = vector.broadcast %jit3A_2553 : f32 to vector<64x128xf32>
    %select_n3A_2557 = arith.select %eq3A_2552, %broadcast_in_dim3A_2555, %broadcast_in_dim3A_2556 : vector<64x128xi1>, vector<64x128xf32>
    %add3A_2558 = arith.addf %add3A_2538, %select_n3A_2557 : vector<64x128xf32>
    %get3A_2559 = arith.constant 15 : index
    %get3A_2560 = arith.constant 6 : index
    %get3A_2561 = arith.constant 0 : index
    %get3A_2562 = vector.load %arg3[%get3A_2559, %get3A_2560, %get3A_2561] : memref<16x8x128xi32, #tpu.memory_space<vmem>>, vector<1x1x128xi32>
    %get3A_2563 = vector.shape_cast %get3A_2562 : vector<1x1x128xi32> to vector<128xi32>
    %reshape3A_2564 = vector.shape_cast %get3A_2563 : vector<128xi32> to vector<1x128xi32>
    %get3A_2565 = arith.constant 15 : index
    %get3A_2566 = arith.constant 6 : index
    %get3A_2567 = arith.constant 0 : index
    %get3A_2568 = vector.load %arg2[%get3A_2565, %get3A_2566, %get3A_2567] : memref<16x8x128xf32, #tpu.memory_space<vmem>>, vector<1x1x128xf32>
    %get3A_2569 = vector.shape_cast %get3A_2568 : vector<1x1x128xf32> to vector<128xf32>
    %reshape3A_2570 = vector.shape_cast %get3A_2569 : vector<128xf32> to vector<1x128xf32>
    %eq3A_2571 = vector.broadcast %reshape3A_2564 : vector<1x128xi32> to vector<64x128xi32>
    %eq3A_2572 = arith.cmpi eq, %iota3A, %eq3A_2571 : vector<64x128xi32>
    %jit3A_2573 = arith.constant 0.000000e+00 : f32
    %broadcast_in_dim3A_2574 = vector.shape_cast %reshape3A_2570 : vector<1x128xf32> to vector<1x128xf32>
    %broadcast_in_dim3A_2575 = vector.broadcast %broadcast_in_dim3A_2574 : vector<1x128xf32> to vector<64x128xf32>
    %broadcast_in_dim3A_2576 = vector.broadcast %jit3A_2573 : f32 to vector<64x128xf32>
    %select_n3A_2577 = arith.select %eq3A_2572, %broadcast_in_dim3A_2575, %broadcast_in_dim3A_2576 : vector<64x128xi1>, vector<64x128xf32>
    %add3A_2578 = arith.addf %add3A_2558, %select_n3A_2577 : vector<64x128xf32>
    %get3A_2579 = arith.constant 15 : index
    %get3A_2580 = arith.constant 7 : index
    %get3A_2581 = arith.constant 0 : index
    %get3A_2582 = vector.load %arg3[%get3A_2579, %get3A_2580, %get3A_2581] : memref<16x8x128xi32, #tpu.memory_space<vmem>>, vector<1x1x128xi32>
    %get3A_2583 = vector.shape_cast %get3A_2582 : vector<1x1x128xi32> to vector<128xi32>
    %reshape3A_2584 = vector.shape_cast %get3A_2583 : vector<128xi32> to vector<1x128xi32>
    %get3A_2585 = arith.constant 15 : index
    %get3A_2586 = arith.constant 7 : index
    %get3A_2587 = arith.constant 0 : index
    %get3A_2588 = vector.load %arg2[%get3A_2585, %get3A_2586, %get3A_2587] : memref<16x8x128xf32, #tpu.memory_space<vmem>>, vector<1x1x128xf32>
    %get3A_2589 = vector.shape_cast %get3A_2588 : vector<1x1x128xf32> to vector<128xf32>
    %reshape3A_2590 = vector.shape_cast %get3A_2589 : vector<128xf32> to vector<1x128xf32>
    %eq3A_2591 = vector.broadcast %reshape3A_2584 : vector<1x128xi32> to vector<64x128xi32>
    %eq3A_2592 = arith.cmpi eq, %iota3A, %eq3A_2591 : vector<64x128xi32>
    %jit3A_2593 = arith.constant 0.000000e+00 : f32
    %broadcast_in_dim3A_2594 = vector.shape_cast %reshape3A_2590 : vector<1x128xf32> to vector<1x128xf32>
    %broadcast_in_dim3A_2595 = vector.broadcast %broadcast_in_dim3A_2594 : vector<1x128xf32> to vector<64x128xf32>
    %broadcast_in_dim3A_2596 = vector.broadcast %jit3A_2593 : f32 to vector<64x128xf32>
    %select_n3A_2597 = arith.select %eq3A_2592, %broadcast_in_dim3A_2595, %broadcast_in_dim3A_2596 : vector<64x128xi1>, vector<64x128xf32>
    %add3A_2598 = arith.addf %add3A_2578, %select_n3A_2597 : vector<64x128xf32>
    %transpose3A_2599 = tpu.transpose %add3A_2598, [1, 0] : vector<64x128xf32> -> vector<128x64xf32>
    %concatenate3A = tpu.concatenate %transpose3A, %transpose3A_317, %transpose3A_480, %transpose3A_643, %transpose3A_806, %transpose3A_969, %transpose3A_1132, %transpose3A_1295, %transpose3A_1458, %transpose3A_1621, %transpose3A_1784, %transpose3A_1947, %transpose3A_2110, %transpose3A_2273, %transpose3A_2436, %transpose3A_2599 in 0 : vector<128x64xf32>, vector<128x64xf32>, vector<128x64xf32>, vector<128x64xf32>, vector<128x64xf32>, vector<128x64xf32>, vector<128x64xf32>, vector<128x64xf32>, vector<128x64xf32>, vector<128x64xf32>, vector<128x64xf32>, vector<128x64xf32>, vector<128x64xf32>, vector<128x64xf32>, vector<128x64xf32>, vector<128x64xf32> -> vector<2048x64xf32>
    %get3A_2600 = arith.constant 0 : index
    %get3A_2601 = arith.constant 0 : index
    %get3A_2602 = vector.load %arg1[%get3A_2600, %get3A_2601] : memref<2048x64xf32, #tpu.memory_space<vmem>>, vector<2048x64xf32>
    %mul3A = arith.mulf %get3A_2602, %concatenate3A : vector<2048x64xf32>
    %get3A_2603 = arith.constant 0 : index
    %get3A_2604 = arith.constant 0 : index
    %get3A_2605 = vector.load %arg4[%get3A_2603, %get3A_2604] : memref<64x1024xf32, #tpu.memory_space<vmem>>, vector<64x1024xf32>
    %dot_general3A = arith.constant dense<0.000000e+00> : vector<2048x1024xf32>
    %dot_general3A_2606 = tpu.matmul %mul3A, %get3A_2605, %dot_general3A {dimension_numbers = #tpu.dot_dimension_numbers<[1], [0], [0], [1], [0, 0, 1, 1], [], []>, transpose_lhs_hint = false} : vector<2048x64xf32>, vector<64x1024xf32>, vector<2048x1024xf32> -> vector<2048x1024xf32>
    %mul3A_2607 = arith.constant 4.000000e+00 : f32
    %mul3A_2608 = vector.broadcast %mul3A_2607 : f32 to vector<2048x1024xf32>
    %mul3A_2609 = arith.mulf %dot_general3A_2606, %mul3A_2608 : vector<2048x1024xf32>
    %swap3A = arith.constant 0 : index
    %swap3A_2610 = arith.constant 0 : index
    %swap3A_2611 = vector.load %arg5[%swap3A, %swap3A_2610] : memref<2048x1024xf32, #tpu.memory_space<vmem>>, vector<2048x1024xf32>
    tpu.vector_store %arg5[%swap3A, %swap3A_2610], %mul3A_2609 {strides = array<i32>} : memref<2048x1024xf32, #tpu.memory_space<vmem>>, vector<2048x1024xf32>,
    return
  }
  func.func @transform_0(%arg0: i32) -> (i32, i32) {
    %c0_i32 = arith.constant 0 : i32
    %c0_i32_0 = arith.constant 0 : i32
    return %arg0, %c0_i32 : i32, i32
  }
  func.func @transform_1(%arg0: i32) -> (i32, i32, i32) {
    %c0_i32 = arith.constant 0 : i32
    %c0_i32_0 = arith.constant 0 : i32
    %c0_i32_1 = arith.constant 0 : i32
    return %arg0, %c0_i32, %c0_i32_0 : i32, i32, i32
  }
  func.func @transform_2(%arg0: i32) -> (i32, i32, i32) {
    %c0_i32 = arith.constant 0 : i32
    %c0_i32_0 = arith.constant 0 : i32
    %c0_i32_1 = arith.constant 0 : i32
    return %arg0, %c0_i32, %c0_i32_0 : i32, i32, i32
  }
  func.func @transform_3(%arg0: i32) -> (i32, i32) {
    %c0_i32 = arith.constant 0 : i32
    %c0_i32_0 = arith.constant 0 : i32
    %c0_i32_1 = arith.constant 0 : i32
    return %c0_i32, %c0_i32_0 : i32, i32
  }
  func.func @transform_4(%arg0: i32) -> (i32, i32) {
    %c0_i32 = arith.constant 0 : i32
    %c0_i32_0 = arith.constant 0 : i32
    return %arg0, %c0_i32 : i32, i32
  }
}

</mosaic_0001>

<sc_bundles>
// kernel: kernel.11.cloned.1.call-start
scs
__scs_entry_jumppad:
0x0: {  	(pc) =	sbr.rel $0x88, $3  }
0x1: {  	(tag) =	ssettag $0x0;
	lr =	simm.s32 $0x1  }
0x2: {  	[smem:$0x3F9C] =	sst lr;
	_ =	strace $0xD0000000  }
0x3: {  	_ = 	snop  }
0x4: {  	_ = 	snop  }
0x5: {  	_ = 	snop  }
0x6: {  	_ = 	snop  }
0x7: {  	_ = 	snop  }
__scs_overlays_trampoline_lowered:
0x8: {  	[smem:$0x3FAB] =	sst s0  }
0x9: {  	[smem:$0x3FAC] =	sst s1  }
0xa: {  	[smem:$0x3FAD] =	sst s2  }
0xb: {  	[smem:$0x3FAE] =	sst s3  }
0xc: {  	[smem:$0x3FAF] =	sst s4  }
0xd: {  	[smem:$0x3FB0] =	sst s5  }
0xe: {  	[smem:$0x3FB1] =	sst s6  }
0xf: {  	[smem:$0x3FB2] =	sst s7  }
0x10: {  	[smem:$0x3FB3] =	sst s8  }
0x11: {  	[smem:$0x3FB4] =	sst s9;
	s0 =	simm.s32 @!p0 $0x0  }
0x12: {  	s1 =	sld [smem:$0x3F9A];
	s0 =	simm.s32 @p0 $0x1  }
0x13: {  	[smem:$0x3FB5] =	sst s0;
	s0 =	simm.s32 @!p1 $0x0  }
0x14: {  	s2 =	sld [smem:$0x3F99];
	s0 =	simm.s32 @p1 $0x1  }
0x15: {  	[smem:$0x3FB6] =	sst s0;
	s0 =	simm.s32 @!p2 $0x0  }
0x16: {  	s3 =	sld [smem:$0x3FDB];
	s0 =	simm.s32 @p2 $0x1  }
0x17: {  	s4 =	simm.s32 $0x1BF5;
	[smem:$0x3FB8] =	sst s0  }
0x18: {  	s0 =	sld [smem:$0x3F9B];
	_ =	swait.ge [sflag:s4], $0x0  }
0x19: {  	s7 =	sld [smem:$0x3F9C]  }
0x1a: {  	s8 =	sadd.s32 $0xFFFFE003, lr  }
0x1b: {  	s9 =	sadd.s32 $0xFFFFFEF7, lr;
	s5 =	simm.s32 $0xFFFFFFFF;
	p2 =	slt.u32 s8, $0xFFFFF086  }
0x1c: {  	p1 =	slt.u32 s9, $0xF7A;
	s5 =	simm.s32 @!p2 $0x0  }
0x1d: {  	s5 =	simm.s32 @p1 $0x1;
	p0 =	seq.s32 s7, s2  }
0x1e: {  	s7 =	smul.u32 @!p0 $0xF7A, s2;
	p2 =	seq.s32 @!p0 s5, $0x0  }
0x1f: {  	s9 =	smul.u32 $0xF7A, s1;
	s8 =	simm.s32 @!p0 $0x1BF5;
	p2 =	por !p2, p0  }
0x20: {  	[sflag:s8] =	ssyncset.s32 @!p0 $0xFFFFF086;
	s6 =	sadd.s32 @!p0 s3, s7;
	s7 =	simm.s32 @!p0 $0x108  }
0x21: {  	s3 =	sadd.s32 s3, s9;
	s6 =	sadd.s32 @!p0 $0x88, s6;
	s7 =	simm.s32 @p2 $0x1082  }
0x22: {  	[simem:s7], [sflag:s8] =	dma.local @!p0 [hbm:s6], $0xF7A  }
0x23: {  	s9 =	sor.u32 $0xD0000000, s2;
	s6 =	simm.s32 $0x108;
	_ =	swait.ge @!p0 [sflag:s8], $0x0  }
0x24: {  	s3 =	sadd.s32 $0x88, s3;
	s6 =	simm.s32 @!p1 $0x1082;
	[sflag:s4] =	ssyncset.s32 $0xFFFFF086  }
0x25: {  	[simem:s6], [sflag:s4] =	dma.local [hbm:s3], $0xF7A  }
0x26: {  	[smem:$0x3F9C] =	sst s1;
	(tag) =	ssettag s2;
	_ =	strace s9  }
0x27: {  	s1 =	sld [smem:$0x3FAC]  }
0x28: {  	s2 =	sld [smem:$0x3FAD]  }
0x29: {  	s4 =	sld [smem:$0x3FAF]  }
0x2a: {  	p0 =	seq.s32 s5, $0x0;
	s5 =	sld [smem:$0x3FB0]  }
0x2b: {  	s6 =	sld [smem:$0x3FB1]  }
0x2c: {  	s7 =	sld [smem:$0x3FB2]  }
0x2d: {  	s3 =	simm.s32 $0x108;
	s8 =	sld [smem:$0x3FB3]  }
0x2e: {  	s3 =	simm.s32 @!p0 $0x1082;
	s9 =	sld [smem:$0x3FB4]  }
0x2f: {  	lr =	sadd.s32 s0, s3;
	s0 =	sld [smem:$0x3FAB]  }
0x30: {  	s3 =	sld [smem:$0x3FAE]  }
0x31: {  	[smem:$0x3FB7] =	sst s10  }
0x32: {  	s10 =	sld [smem:$0x3FB5];
	_ =	sdelay $0x3  }
0x33: {  	p0 =	seq.s32 s10, $0x1;
	s10 =	sld [smem:$0x3FB7];
	_ =	sdelay $0x3  }
0x34: {  	[smem:$0x3FB7] =	sst s10  }
0x35: {  	s10 =	sld [smem:$0x3FB6];
	_ =	sdelay $0x3  }
0x36: {  	p1 =	seq.s32 s10, $0x1;
	s10 =	sld [smem:$0x3FB7];
	_ =	sdelay $0x3  }
0x37: {  	[smem:$0x3FB7] =	sst s10  }
0x38: {  	s10 =	sld [smem:$0x3FB8]  }
0x39: {  	_ = 	snop;
	(pc) =	sbr.ind lr, $3  }
0x3a: {  	_ = 	snop  }
0x3b: {  	_ = 	snop  }
0x3c: {  	p2 =	seq.s32 s10, $0x1;
	s10 =	sld [smem:$0x3FB7]  }
0x3d: {  	_ =	shalt  }
0x3e: {  	_ =	shalt  }
0x3f: {  	_ =	shalt  }
0x40: {  	_ =	shalt  }
0x41: {  	_ =	shalt  }
0x42: {  	_ =	shalt  }
0x43: {  	_ =	shalt  }
0x44: {  	_ =	shalt  }
0x45: {  	_ =	shalt  }
0x46: {  	_ =	shalt  }
0x47: {  	_ =	shalt  }
0x48: {  	_ =	shalt  }
0x49: {  	_ =	shalt  }
0x4a: {  	_ =	shalt  }
0x4b: {  	_ =	shalt  }
0x4c: {  	_ =	shalt  }
0x4d: {  	_ =	shalt  }
0x4e: {  	_ =	shalt  }
0x4f: {  	_ =	shalt  }
0x50: {  	_ =	shalt  }
0x51: {  	_ =	shalt  }
0x52: {  	_ =	shalt  }
0x53: {  	_ =	shalt  }
0x54: {  	_ =	shalt  }
0x55: {  	_ =	shalt  }
0x56: {  	_ =	shalt  }
0x57: {  	_ =	shalt  }
0x58: {  	_ =	shalt  }
0x59: {  	_ =	shalt  }
0x5a: {  	_ =	shalt  }
0x5b: {  	_ =	shalt  }
0x5c: {  	_ =	shalt  }
0x5d: {  	_ =	shalt  }
0x5e: {  	_ =	shalt  }
0x5f: {  	_ =	shalt  }
0x60: {  	_ =	shalt  }
0x61: {  	_ =	shalt  }
0x62: {  	_ =	shalt  }
0x63: {  	_ =	shalt  }
0x64: {  	_ =	shalt  }
0x65: {  	_ =	shalt  }
0x66: {  	_ =	shalt  }
0x67: {  	_ =	shalt  }
0x68: {  	_ =	shalt  }
0x69: {  	_ =	shalt  }
0x6a: {  	_ =	shalt  }
0x6b: {  	_ =	shalt  }
0x6c: {  	_ =	shalt  }
0x6d: {  	_ =	shalt  }
0x6e: {  	_ =	shalt  }
0x6f: {  	_ =	shalt  }
0x70: {  	_ =	shalt  }
0x71: {  	_ =	shalt  }
0x72: {  	_ =	shalt  }
0x73: {  	_ =	shalt  }
0x74: {  	_ =	shalt  }
0x75: {  	_ =	shalt  }
0x76: {  	_ =	shalt  }
0x77: {  	_ =	shalt  }
0x78: {  	_ =	shalt  }
0x79: {  	_ =	shalt  }
0x7a: {  	_ =	shalt  }
0x7b: {  	_ =	shalt  }
0x7c: {  	_ =	shalt  }
0x7d: {  	_ =	shalt  }
0x7e: {  	_ =	shalt  }
0x7f: {  	_ =	shalt  }
0x80: {  	_ =	shalt  }
0x81: {  	_ =	shalt  }
0x82: {  	_ =	shalt  }
0x83: {  	_ =	shalt  }
0x84: {  	_ =	shalt  }
0x85: {  	_ =	shalt  }
0x86: {  	_ =	shalt  }
0x87: {  	_ =	shalt  }
.Lfunc_end0:
.L_simem_size_0:
called_computation_lowered:
.L_overlay_start_0:
0x88: {  	s2 =	sld [smem:$0x3FD9]  }
0x89: {  	s3 =	sld [smem:$0x3FFE];
	_ =	sdelay $0x1  }
0x8a: {  	s1 =	srdreg.scid  }
0x8b: {  	s0 =	sand.u32 $0x1, s1  }
0x8c: {  	s17 =	sshll.u32 s0, $0xA;
	s2 =	sadd.s32 s3, s2  }
0x8d: {  	s2 =	sadd.s32 s2, s17  }
0x8e: {  	[smem:$0x3FC3] =	sst s2  }
0x8f: {  	_ = 	snop  }
0x90: {  	(tm) =	ssettm $0x1  }
0x91: {  	s18 =	sld [smem:$0x3FFB];
	_ =	sdelay $0x3  }
0x92: {  	_ =	strace s18  }
0x93: {  	s2 =	sld [smem:$0x3FFC];
	_ =	sdelay $0x3  }
0x94: {  	_ =	strace s2  }
0x95: {  	s2 =	sld [smem:$0x3FFD];
	_ =	sdelay $0x3  }
0x96: {  	_ =	strace s2  }
0x97: {  	_ =	strace $0x8FFFFFFF  }
0x98: {  	s19 =	sld [smem:$0x3FDB];
	_ =	sdelay $0x1  }
0x99: {  	s20 =	simm.s32 $_scs_section_size  }
0x9a: {  	s4 =	simm.s32 $_size__tile_overlayer_lowered;
	s5 =	simm.s32 $_tile_overlayer_lowered  }
0x9b: {  	s6 =	simm.s32 $0x1BFF;
	s21 =	sshll.u32 s5, $0x1;
	s3 =	sadd.s32 s20, s19  }
0x9c: {  	s22 =	simm.s32 $0x0;
	s4 =	sshll.u32 s4, $0x1;
	s5 =	sadd.s32 s21, s3  }
0x9d: {  	[timem:s22], [sflag:s6] =	dma.local [hbm:s5], s4  }
0x9e: {  	_ =	swait.ge [sflag:s6], s4  }
0x9f: {  	s4 =	ssub.s32 $0x0, s4;
	[sflag:s6] =	ssyncset.done $0x0  }
0xa0: {  	[sflag:s6] =	ssyncadd.s32 s4;
	_ =	sdelay $0x1  }
0xa1: {  	s23 =	simm.s32 $0x1B8B  }
0xa2: {  	_ =	swait.ge [sflag:s23], $0x1  }
0xa3: {  	[sflag:s23] =	ssyncset.done $0x0  }
0xa4: {  	[sflag:s23] =	ssyncadd.s32 $0xFFFFFFFF  }
0xa5: {  	s4 =	sld [smem:$0x0]  }
0xa6: {  	s5 =	sand.u32 $0xFFFFFFFE, s1  }
0xa7: {  	p0 =	sne.s32 s1, s5  }
0xa8: {  	s5 =	sshll.u32 @p0 s5, $0xE  }
0xa9: {  	s5 =	sadd.s32 @p0 $0x11B8D, s5;
	s6 =	sshll.u32 @p0 s4, $0x11  }
0xaa: {  	s5 =	sor.u32 @p0 s6, s5  }
0xab: {  	[sflag:s5] =	ssyncadd.remote.s32 @p0 $0x1;
	_ =	sdelay $0x1  }
0xac: {  	s5 =	simm.s32 @p0 $0x1B8D  }
0xad: {  	_ =	swait.eq @p0 [sflag:s5], $0x1  }
0xae: {  	[sflag:s5] =	ssyncadd.s32 @p0 $0xFFFFFFFF  }
0xaf: {  	s6 =	sshll.u32 @!p0 s1, $0xE  }
0xb0: {  	s6 =	sor.u32 @!p0 $0x4000, s6;
	s5 =	simm.s32 @!p0 $0x1B8D  }
0xb1: {  	s4 =	sshll.u32 @!p0 s4, $0x11;
	s6 =	sadd.s32 @!p0 $0x11B8D, s6;
	_ =	swait.eq @!p0 [sflag:s5], $0x1  }
0xb2: {  	s4 =	sor.u32 @!p0 s4, s6;
	[sflag:s5] =	ssyncadd.s32 @!p0 $0xFFFFFFFF  }
0xb3: {  	s25 =	simm.s32 $0x1B8E;
	s24 =	sld [smem:$0x3FFE];
	[sflag:s4] =	ssyncadd.remote.s32 @!p0 $0x1  }
0xb4: {  	s26 =	simm.s32 $execute0_lowered;
	[smem:$0x3FD2] =	sst s25  }
0xb5: {  	s5 =	sshll.u32 s26, $0x1;
	_ =	strace $0x8000004F;
	[dreg:$0x1] =	wrdreg $0xFFFFFFFF  }
0xb6: {  	s28 =	simm.s32 $_size_execute0_lowered;
	s3 =	sadd.s32 s3, s5;
	[dreg:$0x0] =	wrdreg $0x0  }
0xb7: {  	s5 =	sshll.u32 s28, $0x1;
	[dreg:$0x2] =	wrdreg s3  }
0xb8: {  	[dreg:$0x3] =	wrdreg s5  }
0xb9: {  	[dreg:$0x4] =	wrdreg $0xC0  }
0xba: {  	_ =	task [dreg:s22], $0x5FFFF  }
0xbb: {  	[dreg:$0x1] =	wrdreg $0xFFFFFFFF  }
0xbc: {  	[dreg:$0x0] =	wrdreg $0x60  }
0xbd: {  	[dreg:$0x2] =	wrdreg s24  }
0xbe: {  	[dreg:$0x3] =	wrdreg $0x9  }
0xbf: {  	_ =	task.clear_ibuf [dreg:s22], $0x4FFFF;
	_ =	strace $0x9000004F  }
0xc0: {  	s29 =	simm.s32 $0x9;
	_ =	strace $0x80000051  }
0xc1: {  	_ =	swait.ge [sflag:s29], $0x1  }
0xc2: {  	[sflag:s29] =	ssyncadd.s32 $0xFFFFFFFF  }
0xc3: {  	_ =	strace $0x90000051  }
0xc4: {  	_ =	sfence  }
0xc5: {  	s30 =	sld [smem:$0x0];
	_ =	sdelay $0x2  }
0xc6: {  	s31 =	sshll.u32 s1, $0xD;
	s1 =	sshrl.u32 s1, $0x2  }
0xc7: {  	s4 =	sand.u32 $0x4000, s31;
	s1 =	sadd.s32 s1, s30  }
0xc8: {  	s0 =	sor.u32 s4, s0;
	s1 =	sshll.u32 s1, $0x11  }
0xc9: {  	s0 =	sor.u32 s1, s0  }
0xca: {  	s0 =	sadd.s32 $0x8F2B, s0  }
0xcb: {  	[sflag:s0] =	ssyncadd.remote.s32 $0x1  }
0xcc: {  	_ =	sfence.sel $0xFFFF  }
0xcd: {  	[dreg:$0x0] =	wrdreg $0xFFFFFFFF;
	(pc) =	sbr.abs _section_cstart, $3  }
0xce: {  	[dreg:$0x1] =	wrdreg $0xFFFFFFFF  }
0xcf: {  	_ =	task.clear_ibuf [dreg:s22], $0x2FFFF;
	_ =	strace $0x9FFFFFFF  }
0xd0: {  	(tm) =	ssettm $0x7FFFFFFF  }
0xd1: {  	_ =	shalt  }
tec
execute0_lowered:
.L_overlay_start_1:
0x0: {  	(tag) =	ssettag $0x1  }
0x1: {  	s3 =	rddreg [dreg:$0x0]  }
0x2: {  	s0 =	rddreg [dreg:$0x1];
	s2 =	simm.s32 $0x0;
	s4 =	srdreg.scid  }
0x3: {  	s1 =	stileid.u32;
	s8 =	simm.s32 $0x2000;
	s9 =	simm.s32 $0x2400  }
0x4: {  	[smem:$0x7FF] =	sst s2;
	s4 =	sand.u32 $0x1, s4;
	s5 =	sshll.u32 s1, $0x1  }
0x5: {  	s10 =	simm.s32 $0x0;
	_ =	strace $0x80000050;
	s5 =	sor.u32 s4, s5  }
0x6: {  	s4 =	ssub.s32 $0x2, s4;
	s6 =	sshll.u32 s5, $0xA;
	s5 =	sshll.u32 s5, $0x7  }
0x7: {  	s31 =	sshrl.u32 s4, $0x1;
	s6 =	sadd.s32 s6, s3;
	s5 =	sadd.s32 s5, s3  }
0x8: {  	s7 =	ssub.s32 s4, s31;
	s3 =	sadd.s32 $0x19200, s6;
	s4 =	sadd.s32 $0x21200, s5  }
0x9: {  	s5 =	sadd.s32 $0x22200, s5;
	s6 =	smax.u32 s7, $0x1;
	s7 =	simm.s32 $0x1  }
.LBB2_1:
0xa: {  	[tilespmem:s2], [sflag:$0x1] =	stream.linear.gather [hbm4b:s3+s2], $0x2000, $0x38;
	[tilespmem:$0x2800] =	vst v63  }
0xb: {  	_ =	swait.ge [sflag:s7], $0x2000  }
0xc: {  	[sflag:s7] =	ssyncset.done $0x0  }
0xd: {  	s11 =	simm.s32 $0x100;
	s12 =	simm.s32 $0x0;
	[sflag:s7] =	ssyncadd.s32 $0xFFFFE000  }
.LBB2_2:
0xe: {  	v0 =	vld [tilespmem:s11+$0xFFFFFF00];
	_ =	sdelay $0x2  }
0xf: {  	v2 =	vld [tilespmem:s11+$0xFFFFFF80]  }
0x10: {  	v3 =	vimm.f32 $-Inf  }
0x11: {  	vm0 =	vgt.f32 v0, v3  }
0x12: {  	v4 =	vimm.s32 $0x0;
	s13 =	simm.s32 $0x0;
	v1 =	vsel vm0, v3, v0  }
0x13: {  	v5 =	vsel vm0, s13, v4;
	v7 =	vnsel vm0, s13, v4;
	v8 =	vsel vm0, v0, v3  }
0x14: {  	v6 =	vsel vm0, v1, v3;
	v1 =	vld [tilespmem:s11+$0x0];
	v3 =	vsel vm0, v7, v4;
	vm0 =	vgt.f32 v2, v8  }
0x15: {  	s31 =	simm.s32 $0x1;
	vm1 =	vgt.f32 v2, v6;
	v7 =	vsel vm0, v2, v8  }
0x16: {  	v10 =	vnsel vm0, s31, v5;
	v11 =	vsel vm0, s31, v5;
	v9 =	vsel vm1, v6, v2  }
0x17: {  	v0 =	vld [tilespmem:s11+$0x80];
	v4 =	vnsel vm1, s31, v3;
	v2 =	vsel vm0, v8, v2;
	v8 =	vsel vm1, v10, v3  }
0x18: {  	v10 =	vsel vm1, v2, v6;
	v9 =	vsel vm1, v9, v6;
	v5 =	vsel vm1, v4, v3  }
0x19: {  	s14 =	simm.s32 $0x2;
	vm3 =	vgt.f32 v1, v7;
	vm4 =	vgt.f32 v1, v10;
	vm2 =	vgt.f32 v1, v9  }
0x1a: {  	v2 =	vsel vm3, s14, v11;
	v6 =	vsel vm3, v7, v1;
	v13 =	vsel vm3, v1, v7  }
0x1b: {  	v7 =	vsel vm4, v10, v1;
	v14 =	vsel vm2, v9, v1;
	v15 =	vnsel vm4, s14, v8  }
0x1c: {  	v11 =	vnsel vm3, s14, v11;
	vm0 =	vgt.f32 v0, v13;
	v17 =	vsel vm4, v6, v10  }
0x1d: {  	v6 =	vsel vm4, v11, v8;
	v8 =	vnsel vm2, s14, v5;
	v7 =	vsel vm2, v7, v9  }
0x1e: {  	v20 =	vsel vm2, v14, v9;
	vm3 =	vgt.f32 v0, v17;
	v12 =	vsel vm2, v8, v5  }
0x1f: {  	s17 =	simm.s32 $0x3;
	v8 =	vsel vm2, v15, v5;
	vm5 =	vgt.f32 v0, v7;
	vm4 =	vgt.f32 v0, v20  }
0x20: {  	v15 =	vsel vm0, v0, v13;
	v19 =	vnsel vm0, s17, v2;
	v10 =	vsel vm3, v17, v0  }
0x21: {  	v11 =	vnsel vm3, s17, v6;
	v14 =	vnsel vm5, s17, v8;
	v18 =	vsel vm5, v7, v0  }
0x22: {  	v25 =	vsel vm4, v20, v0;
	v24 =	vsel vm4, v20, v0;
	v10 =	vsel vm5, v10, v7  }
0x23: {  	v7 =	vsel vm5, v11, v8;
	v11 =	vsel vm0, v13, v0;
	v8 =	vnsel vm4, s17, v12  }
0x24: {  	v26 =	vmovc v20;
	v23 =	vsel vm4, v24, v20;
	v21 =	vsel vm4, v18, v20;
	v22 =	vsel vm3, v11, v17  }
0x25: {  	s15 =	simm.s32 $0x4;
	s16 =	sadd.s32 $0x200, s11;
	s13 =	sshll.u32 s12, $0x4;
	v16 =	vnsel vm4, s17, v12;
	v11 =	vsel vm4, v14, v12;
	v14 =	vsel vm4, v8, v12;
	v17 =	vmovc v12;
	v18 =	vmovc v9  }
.LBB2_3:
0x26: {  	v13 =	vld [tilespmem:s16+$0xFFFFFF00];
	p0 =	sne.s32 s15, $0x3C;
	v9 =	vsel vm2, v9, v1;
	vm5 =	vgt.f32 v0, v20;
	v6 =	vsel vm3, v19, v6;
	s18 =	smov.u32 s15;
	s15 =	sadd.s32 $0x4, s15  }
0x27: {  	v19 =	vsel vm5, v25, v20;
	v20 =	vsel vm5, v20, v0;
	v25 =	vnsel vm5, s17, v12  }
0x28: {  	v16 =	vsel vm5, v16, v12;
	v12 =	vsel vm4, v20, v26;
	v17 =	vsel vm4, v25, v17  }
0x29: {  	v3 =	vsel vm1, v4, v3;
	vm1 =	vgt.f32 v1, v18;
	v1 =	vnsel vm2, s14, v5  }
0x2a: {  	v2 =	vsel vm0, s17, v2;
	v3 =	vsel vm1, v1, v3;
	v5 =	vld [tilespmem:s16+$0xFFFFFF80]  }
0x2b: {  	v1 =	vsel vm1, v9, v18;
	vm6 =	vgt.f32 v13, v15;
	vm5 =	vgt.f32 v13, v22  }
0x2c: {  	vm3 =	vgt.f32 v0, v1;
	vm4 =	vgt.f32 v13, v21;
	v4 =	vsel vm6, v15, v13  }
0x2d: {  	v18 =	vsel vm3, v24, v1;
	vm0 =	vgt.f32 v13, v10;
	v0 =	vsel vm4, v21, v13  }
0x2e: {  	vm7 =	vgt.f32 v13, v23;
	v9 =	vsel vm6, s18, v2;
	v1 =	vnsel vm4, s18, v11  }
0x2f: {  	vm1 =	vgt.f32 v13, v12;
	v4 =	vsel vm5, v4, v22;
	v20 =	vsel vm7, v0, v23  }
0x30: {  	v24 =	vnsel vm7, s18, v14;
	v0 =	vnsel vm5, s18, v6;
	vm2 =	vgt.f32 v5, v20  }
0x31: {  	s17 =	sadd.s32 $0x1, s18;
	v25 =	vnsel vm1, s18, v17;
	v23 =	vsel vm7, v23, v13;
	v26 =	vsel vm2, v20, v5  }
0x32: {  	v15 =	vsel vm6, v13, v15;
	v27 =	vsel vm0, v10, v13;
	vm8 =	vgt.f32 v5, v4  }
0x33: {  	v3 =	vsel vm3, v8, v3;
	v14 =	vsel vm7, v1, v14;
	v28 =	vsel vm8, v4, v5;
	v1 =	vld [tilespmem:s16+$0x0]  }
0x34: {  	v8 =	vsel vm5, v22, v13;
	v22 =	vnsel vm0, s18, v7;
	vm9 =	vgt.f32 v5, v15  }
0x35: {  	vm3 =	vgt.f32 v13, v19;
	v2 =	vnsel vm6, s18, v2;
	v7 =	vsel vm0, v0, v7;
	v0 =	vld [tilespmem:s16+$0x80]  }
0x36: {  	v2 =	vsel vm5, v2, v6;
	v21 =	vsel vm4, v27, v21;
	v6 =	vsel vm3, v23, v19  }
0x37: {  	v11 =	vsel vm4, v22, v11;
	v22 =	vsel vm9, v5, v15;
	v23 =	vnsel vm8, s17, v2  }
0x38: {  	vm7 =	vgt.f32 v5, v21;
	vm4 =	vgt.f32 v5, v6;
	v27 =	vsel vm9, s17, v9  }
0x39: {  	vm5 =	vgt.f32 v13, v18;
	v19 =	vsel vm3, v19, v13;
	v9 =	vnsel vm9, s17, v9  }
0x3a: {  	v8 =	vsel vm0, v8, v10;
	v10 =	vsel vm9, v15, v5;
	v15 =	vsel vm8, v9, v2  }
0x3b: {  	s14 =	sadd.s32 $0x2, s18;
	v24 =	vsel vm3, v24, v16;
	v4 =	vsel vm8, v10, v4;
	vm10 =	vgt.f32 v1, v22  }
0x3c: {  	v9 =	vsel vm7, v21, v5;
	v26 =	vsel vm4, v26, v6;
	v2 =	vsel vm10, s14, v27  }
0x3d: {  	v10 =	vsel vm1, v19, v12;
	v19 =	vsel vm2, v9, v20;
	v20 =	vsel vm10, v22, v1  }
0x3e: {  	vm9 =	vgt.f32 v5, v8;
	v6 =	vsel vm4, v6, v5;
	vm6 =	vgt.f32 v1, v19  }
0x3f: {  	vm8 =	vgt.f32 v5, v10;
	vm11 =	vgt.f32 v1, v4;
	v22 =	vsel vm10, v1, v22  }
0x40: {  	v29 =	vsel vm11, v4, v1;
	v30 =	vsel vm6, v19, v1;
	vm0 =	vgt.f32 v0, v22  }
0x41: {  	v28 =	vsel vm9, v28, v8;
	v9 =	vsel vm8, v6, v10;
	v31 =	vnsel vm11, s14, v15  }
0x42: {  	v32 =	vnsel vm2, s17, v14;
	v23 =	vsel vm9, v23, v7;
	v6 =	vnsel vm10, s14, v27  }
0x43: {  	v27 =	vnsel vm7, s17, v11;
	v33 =	vsel vm11, v20, v4;
	v6 =	vsel vm11, v6, v15  }
0x44: {  	v4 =	vnsel vm9, s17, v7;
	v7 =	vsel vm2, v27, v14;
	v14 =	vnsel vm4, s17, v24  }
0x45: {  	v10 =	vsel vm8, v10, v5;
	v15 =	vnsel vm3, s18, v16;
	vm3 =	vgt.f32 v0, v33  }
0x46: {  	v8 =	vsel vm9, v8, v5;
	v15 =	vsel vm1, v15, v17;
	v16 =	vsel vm3, v33, v0  }
0x47: {  	v8 =	vsel vm7, v8, v21;
	v11 =	vsel vm7, v4, v11;
	v17 =	vnsel vm6, s14, v7  }
0x48: {  	v12 =	vsel vm1, v12, v13;
	vm9 =	vgt.f32 v1, v28;
	v4 =	vnsel vm8, s17, v15  }
0x49: {  	v3 =	vsel vm5, v25, v3;
	vm7 =	vgt.f32 v1, v8;
	v13 =	vnsel vm9, s14, v23  }
0x4a: {  	v12 =	vsel vm5, v12, v18;
	v13 =	vsel vm7, v13, v11;
	v11 =	vnsel vm7, s14, v11  }
0x4b: {  	vm1 =	vgt.f32 v5, v12;
	v20 =	vsel vm7, v8, v1;
	v21 =	vsel vm6, v11, v7  }
0x4c: {  	v5 =	vsel vm8, v14, v15;
	v18 =	vsel vm1, v10, v12;
	s17 =	sadd.s32 $0x3, s18;
	v7 =	vsel vm9, v31, v23  }
0x4d: {  	vm2 =	vgt.f32 v1, v9;
	v11 =	vsel vm9, v29, v28;
	v14 =	vnsel vm3, s17, v6  }
0x4e: {  	vm5 =	vgt.f32 v1, v26;
	v23 =	vsel vm6, v20, v19;
	vm6 =	vgt.f32 v0, v11  }
0x4f: {  	v20 =	vsel vm5, v30, v26;
	v10 =	vsel vm6, v16, v11;
	v27 =	vnsel vm6, s17, v7  }
0x50: {  	v24 =	vsel vm4, v32, v24;
	v19 =	vsel vm9, v28, v1;
	v26 =	vsel vm5, v26, v1  }
0x51: {  	v12 =	vsel vm5, v17, v24;
	vm8 =	vgt.f32 v0, v23;
	v28 =	vsel vm6, v11, v0  }
0x52: {  	v15 =	vsel vm0, v0, v22;
	v25 =	vsel vm8, v23, v0;
	v16 =	vnsel vm8, s17, v21  }
0x53: {  	v8 =	vsel vm7, v19, v8;
	v26 =	vsel vm2, v26, v9;
	v7 =	vsel vm6, v14, v7  }
.Ltmp0:
0x54: {  	v19 =	vnsel vm0, s17, v2;
	vm6 =	vgt.f32 v0, v8;
	vm4 =	vgt.f32 v0, v26;
	(pc) =	sbr.rel @p0 .LBB2_3-.Ltmp0, $4  }
0x55: {  	v11 =	vsel vm0, v22, v0;
	v14 =	vsel vm6, v8, v0;
	v29 =	vnsel vm6, s17, v13  }
0x56: {  	v17 =	vnsel vm5, s14, v24;
	v22 =	vsel vm3, v11, v33;
	v23 =	vsel vm8, v14, v23  }
0x57: {  	v17 =	vsel vm2, v17, v5;
	v11 =	vsel vm6, v27, v13;
	v14 =	vsel vm8, v29, v21  }
0x58: {  	s16 =	sadd.s32 $0x200, s16;
	v24 =	vsel vm4, v26, v0;
	v21 =	vsel vm6, v28, v8;
	v8 =	vnsel vm4, s17, v17  }
0x59: {  	v13 =	vsub.f32 v15, v15  }
0x5a: {  	v22 =	vsub.f32 v22, v15  }
0x5b: {  	v13 =	vmul.f32 $1.442695020e+00, v13  }
0x5c: {  	v10 =	vsub.f32 v10, v15;
	v22 =	vmul.f32 $1.442695020e+00, v22  }
0x5d: {  	(erf) = vpow2.f32 v13  }
0x5e: {  	v32 =	vsub.f32 v21, v15;
	v10 =	vmul.f32 $1.442695020e+00, v10;
	(erf) = vpow2.f32 v22  }
0x5f: {  	v9 =	vsel vm2, v9, v1;
	vm6 =	vgt.f32 v0, v20;
	vm5 =	vgt.f32 v1, v18  }
0x60: {  	v34 =	vsub.f32 v23, v15;
	v33 =	vmul.f32 $1.442695020e+00, v32;
	(erf) = vpow2.f32 v10  }
0x61: {  	v35 =	vsel vm6, v25, v20;
	v36 =	vsel vm6, v20, v0;
	v9 =	vsel vm5, v9, v18  }
0x62: {  	v37 =	vmul.f32 $1.442695020e+00, v34;
	v38 =	vsub.f32 v35, v15;
	(erf) = vpow2.f32 v33  }
0x63: {  	v39 =	vsel vm4, v36, v26;
	vm7 =	vgt.f32 v0, v9  }
0x64: {  	v41 =	vsub.f32 v39, v15;
	v40 =	vmul.f32 $1.442695020e+00, v38;
	(erf) = vpow2.f32 v37  }
0x65: {  	v9 =	vsel vm7, v24, v9  }
0x66: {  	v44 =	vsub.f32 v9, v15;
	v43 =	vmul.f32 $1.442695020e+00, v41;
	v42 =	vpop (erf);
	(erf) = vpow2.f32 v40  }
0x67: {  	v45 =	vpop (erf)  }
0x68: {  	v46 =	vmul.f32 $1.442695020e+00, v44;
	(erf) = vpow2.f32 v43;
	v47 =	vadd.f32 v45, v42  }
0x69: {  	v48 =	vpop (erf)  }
0x6a: {  	(erf) = vpow2.f32 v46;
	v49 =	vadd.f32 v48, v47  }
0x6b: {  	v50 =	vpop (erf)  }
0x6c: {  	v0 =	vadd.f32 v50, v49  }
0x6d: {  	v51 =	vpop (erf)  }
0x6e: {  	v0 =	vadd.f32 v51, v0  }
0x6f: {  	v52 =	vpop (erf)  }
0x70: {  	v0 =	vadd.f32 v52, v0  }
0x71: {  	v53 =	vpop (erf)  }
0x72: {  	v0 =	vadd.f32 v53, v0  }
0x73: {  	v54 =	vpop (erf)  }
0x74: {  	v0 =	vadd.f32 v54, v0;
	_ =	sdelay $0x1  }
0x75: {  	(erf) = vrcp.f32 v0;
	_ =	sdelay $0x4  }
0x76: {  	[tilespmem:s13+$0x2500] =	vst v7  }
0x77: {  	[tilespmem:s13+$0x2580] =	vst v11  }
0x78: {  	v2 =	vsel vm0, s17, v2;
	[tilespmem:s13+$0x2600] =	vst v14  }
0x79: {  	v55 =	vsel vm3, v19, v6;
	[tilespmem:s13+$0x2400] =	vst v2  }
0x7a: {  	[tilespmem:s13+$0x2480] =	vst v55;
	v59 =	vnsel vm6, s17, v12;
	v60 =	vsel vm6, v16, v12;
	v0 =	vpop (erf)  }
0x7b: {  	v2 =	vsel vm4, v59, v17;
	[tilespmem:s13+$0x2680] =	vst v60;
	v10 =	vmul.f32 v0, v42  }
0x7c: {  	[tilespmem:s13+$0x2700] =	vst v2;
	v9 =	vmul.f32 v0, v45  }
0x7d: {  	v56 =	vmul.f32 v0, v48;
	[tilespmem:s13+$0x2000] =	vst v10  }
0x7e: {  	v1 =	vmul.f32 v0, v50;
	[tilespmem:s13+$0x2080] =	vst v9  }
0x7f: {  	s12 =	sadd.s32 $0x1, s12;
	v57 =	vmul.f32 v0, v51;
	[tilespmem:s13+$0x2100] =	vst v56  }
0x80: {  	p0 =	sne.s32 s12, $0x8;
	v58 =	vmul.f32 v0, v52;
	[tilespmem:s13+$0x2180] =	vst v1  }
.Ltmp1:
0x81: {  	v61 =	vmul.f32 v0, v53;
	[tilespmem:s13+$0x2200] =	vst v57;
	(pc) =	sbr.rel @p0 .LBB2_2-.Ltmp1, $4  }
0x82: {  	v3 =	vsel vm1, v4, v3;
	v62 =	vnsel vm2, s14, v5;
	v0 =	vmul.f32 v0, v54;
	[tilespmem:s13+$0x2280] =	vst v58  }
0x83: {  	v63 =	vsel vm5, v62, v3;
	[tilespmem:s13+$0x2300] =	vst v61  }
0x84: {  	v1 =	vsel vm7, v8, v63;
	[tilespmem:s13+$0x2380] =	vst v0  }
0x85: {  	s11 =	sadd.s32 $0x10, s11;
	[tilespmem:s13+$0x2780] =	vst v1  }
0x86: {  	[hbm4b:s4+s2] =	stream.linear.scatter [tilespmem:s8], [sflag:$0x1], $0x400, $0x38;
	[tilespmem:$0x2800] =	vst v63  }
0x87: {  	s10 =	sadd.s32 $0x1, s10;
	_ =	swait.ge [sflag:s7], $0x400  }
0x88: {  	p0 =	sne.s32 s10, s6;
	[sflag:s7] =	ssyncset.done $0x0  }
.Ltmp2:
0x89: {  	[sflag:s7] =	ssyncadd.s32 $0xFFFFFC00;
	(pc) =	sbr.rel @p0 .LBB2_1-.Ltmp2, $4  }
0x8a: {  	[hbm4b:s5+s2] =	stream.linear.scatter [tilespmem:s9], [sflag:$0x1], $0x400, $0x38;
	[tilespmem:$0x2800] =	vst v63  }
0x8b: {  	_ =	swait.ge [sflag:s7], $0x400  }
0x8c: {  	[sflag:s7] =	ssyncset.done $0x0  }
0x8d: {  	[sflag:s7] =	ssyncadd.s32 $0xFFFFFC00  }
0x8e: {  	_ =	sfence.sel $0x180000  }
0x8f: {  	[bflag:$0x0] =	sbarrier.arrive $0xFFFF  }
0x90: {  	p0 =	sne.s32 s1, $0x0;
	_ =	strace $0x90000050  }
0x91: {  	s0 =	sadd.s32 @!p0 $0x100000, s0;
	[bflag:$0x2] =	sbarrier.arrive $0xFFFF  }
0x92: {  	[sflag:s0] =	ssyncadd.tile.s32 @!p0 $0x1;
	_ =	shalt  }
.Lfunc_end2:
_tile_overlayer_lowered:
.L_overlay_start_2:
0x93: {  	(tag) =	ssettag $0x2  }
0x94: {  	s0 =	rddreg [dreg:$0x0];
	s2 =	stileid.u32  }
0x95: {  	s1 =	rddreg [dreg:$0x1];
	p0 =	sne.s32 s2, $0x0  }
0x96: {  	s3 =	rddreg [dreg:$0x2];
	[bflag:$0x3] =	sbarrier.arrive $0xFFFF;
	s2 =	simm.s32 @!p0 $0x1C01  }
0x97: {  	[timem:s3], [sflag:s2] =	dma.local @!p0 [hbm:s0], s1  }
0x98: {  	s0 =	simm.s32 @!p0 $0x1  }
0x99: {  	_ =	swait.ge @!p0 [sflag:s0], s1  }
0x9a: {  	s1 =	ssub.s32 @!p0 $0x0, s1;
	[sflag:s0] =	ssyncset.done @!p0 $0x0  }
0x9b: {  	[sflag:s0] =	ssyncadd.s32 @!p0 s1  }
0x9c: {  	[bflag:$0x3] =	sbarrier.arrive $0xFFFF  }
0x9d: {  	_ =	shalt  }

// kernel: kernel.14.cloned.1.call-start
scs
__scs_entry_jumppad:
0x0: {  	(pc) =	sbr.rel $0x88, $3  }
0x1: {  	(tag) =	ssettag $0x0;
	lr =	simm.s32 $0x1  }
0x2: {  	[smem:$0x3F9C] =	sst lr;
	_ =	strace $0xD0000000  }
0x3: {  	_ = 	snop  }
0x4: {  	_ = 	snop  }
0x5: {  	_ = 	snop  }
0x6: {  	_ = 	snop  }
0x7: {  	_ = 	snop  }
__scs_overlays_trampoline_lowered:
0x8: {  	[smem:$0x3FAB] =	sst s0  }
0x9: {  	[smem:$0x3FAC] =	sst s1  }
0xa: {  	[smem:$0x3FAD] =	sst s2  }
0xb: {  	[smem:$0x3FAE] =	sst s3  }
0xc: {  	[smem:$0x3FAF] =	sst s4  }
0xd: {  	[smem:$0x3FB0] =	sst s5  }
0xe: {  	[smem:$0x3FB1] =	sst s6  }
0xf: {  	[smem:$0x3FB2] =	sst s7  }
0x10: {  	[smem:$0x3FB3] =	sst s8  }
0x11: {  	[smem:$0x3FB4] =	sst s9;
	s0 =	simm.s32 @!p0 $0x0  }
0x12: {  	s1 =	sld [smem:$0x3F9A];
	s0 =	simm.s32 @p0 $0x1  }
0x13: {  	[smem:$0x3FB5] =	sst s0;
	s0 =	simm.s32 @!p1 $0x0  }
0x14: {  	s2 =	sld [smem:$0x3F99];
	s0 =	simm.s32 @p1 $0x1  }
0x15: {  	[smem:$0x3FB6] =	sst s0;
	s0 =	simm.s32 @!p2 $0x0  }
0x16: {  	s3 =	sld [smem:$0x3FDB];
	s0 =	simm.s32 @p2 $0x1  }
0x17: {  	s4 =	simm.s32 $0x1BF5;
	[smem:$0x3FB8] =	sst s0  }
0x18: {  	s0 =	sld [smem:$0x3F9B];
	_ =	swait.ge [sflag:s4], $0x0  }
0x19: {  	s7 =	sld [smem:$0x3F9C]  }
0x1a: {  	s8 =	sadd.s32 $0xFFFFE003, lr  }
0x1b: {  	s9 =	sadd.s32 $0xFFFFFEF7, lr;
	s5 =	simm.s32 $0xFFFFFFFF;
	p2 =	slt.u32 s8, $0xFFFFF086  }
0x1c: {  	p1 =	slt.u32 s9, $0xF7A;
	s5 =	simm.s32 @!p2 $0x0  }
0x1d: {  	s5 =	simm.s32 @p1 $0x1;
	p0 =	seq.s32 s7, s2  }
0x1e: {  	s7 =	smul.u32 @!p0 $0xF7A, s2;
	p2 =	seq.s32 @!p0 s5, $0x0  }
0x1f: {  	s9 =	smul.u32 $0xF7A, s1;
	s8 =	simm.s32 @!p0 $0x1BF5;
	p2 =	por !p2, p0  }
0x20: {  	[sflag:s8] =	ssyncset.s32 @!p0 $0xFFFFF086;
	s6 =	sadd.s32 @!p0 s3, s7;
	s7 =	simm.s32 @!p0 $0x108  }
0x21: {  	s3 =	sadd.s32 s3, s9;
	s6 =	sadd.s32 @!p0 $0x88, s6;
	s7 =	simm.s32 @p2 $0x1082  }
0x22: {  	[simem:s7], [sflag:s8] =	dma.local @!p0 [hbm:s6], $0xF7A  }
0x23: {  	s9 =	sor.u32 $0xD0000000, s2;
	s6 =	simm.s32 $0x108;
	_ =	swait.ge @!p0 [sflag:s8], $0x0  }
0x24: {  	s3 =	sadd.s32 $0x88, s3;
	s6 =	simm.s32 @!p1 $0x1082;
	[sflag:s4] =	ssyncset.s32 $0xFFFFF086  }
0x25: {  	[simem:s6], [sflag:s4] =	dma.local [hbm:s3], $0xF7A  }
0x26: {  	[smem:$0x3F9C] =	sst s1;
	(tag) =	ssettag s2;
	_ =	strace s9  }
0x27: {  	s1 =	sld [smem:$0x3FAC]  }
0x28: {  	s2 =	sld [smem:$0x3FAD]  }
0x29: {  	s4 =	sld [smem:$0x3FAF]  }
0x2a: {  	p0 =	seq.s32 s5, $0x0;
	s5 =	sld [smem:$0x3FB0]  }
0x2b: {  	s6 =	sld [smem:$0x3FB1]  }
0x2c: {  	s7 =	sld [smem:$0x3FB2]  }
0x2d: {  	s3 =	simm.s32 $0x108;
	s8 =	sld [smem:$0x3FB3]  }
0x2e: {  	s3 =	simm.s32 @!p0 $0x1082;
	s9 =	sld [smem:$0x3FB4]  }
0x2f: {  	lr =	sadd.s32 s0, s3;
	s0 =	sld [smem:$0x3FAB]  }
0x30: {  	s3 =	sld [smem:$0x3FAE]  }
0x31: {  	[smem:$0x3FB7] =	sst s10  }
0x32: {  	s10 =	sld [smem:$0x3FB5];
	_ =	sdelay $0x3  }
0x33: {  	p0 =	seq.s32 s10, $0x1;
	s10 =	sld [smem:$0x3FB7];
	_ =	sdelay $0x3  }
0x34: {  	[smem:$0x3FB7] =	sst s10  }
0x35: {  	s10 =	sld [smem:$0x3FB6];
	_ =	sdelay $0x3  }
0x36: {  	p1 =	seq.s32 s10, $0x1;
	s10 =	sld [smem:$0x3FB7];
	_ =	sdelay $0x3  }
0x37: {  	[smem:$0x3FB7] =	sst s10  }
0x38: {  	s10 =	sld [smem:$0x3FB8]  }
0x39: {  	_ = 	snop;
	(pc) =	sbr.ind lr, $3  }
0x3a: {  	_ = 	snop  }
0x3b: {  	_ = 	snop  }
0x3c: {  	p2 =	seq.s32 s10, $0x1;
	s10 =	sld [smem:$0x3FB7]  }
0x3d: {  	_ =	shalt  }
0x3e: {  	_ =	shalt  }
0x3f: {  	_ =	shalt  }
0x40: {  	_ =	shalt  }
0x41: {  	_ =	shalt  }
0x42: {  	_ =	shalt  }
0x43: {  	_ =	shalt  }
0x44: {  	_ =	shalt  }
0x45: {  	_ =	shalt  }
0x46: {  	_ =	shalt  }
0x47: {  	_ =	shalt  }
0x48: {  	_ =	shalt  }
0x49: {  	_ =	shalt  }
0x4a: {  	_ =	shalt  }
0x4b: {  	_ =	shalt  }
0x4c: {  	_ =	shalt  }
0x4d: {  	_ =	shalt  }
0x4e: {  	_ =	shalt  }
0x4f: {  	_ =	shalt  }
0x50: {  	_ =	shalt  }
0x51: {  	_ =	shalt  }
0x52: {  	_ =	shalt  }
0x53: {  	_ =	shalt  }
0x54: {  	_ =	shalt  }
0x55: {  	_ =	shalt  }
0x56: {  	_ =	shalt  }
0x57: {  	_ =	shalt  }
0x58: {  	_ =	shalt  }
0x59: {  	_ =	shalt  }
0x5a: {  	_ =	shalt  }
0x5b: {  	_ =	shalt  }
0x5c: {  	_ =	shalt  }
0x5d: {  	_ =	shalt  }
0x5e: {  	_ =	shalt  }
0x5f: {  	_ =	shalt  }
0x60: {  	_ =	shalt  }
0x61: {  	_ =	shalt  }
0x62: {  	_ =	shalt  }
0x63: {  	_ =	shalt  }
0x64: {  	_ =	shalt  }
0x65: {  	_ =	shalt  }
0x66: {  	_ =	shalt  }
0x67: {  	_ =	shalt  }
0x68: {  	_ =	shalt  }
0x69: {  	_ =	shalt  }
0x6a: {  	_ =	shalt  }
0x6b: {  	_ =	shalt  }
0x6c: {  	_ =	shalt  }
0x6d: {  	_ =	shalt  }
0x6e: {  	_ =	shalt  }
0x6f: {  	_ =	shalt  }
0x70: {  	_ =	shalt  }
0x71: {  	_ =	shalt  }
0x72: {  	_ =	shalt  }
0x73: {  	_ =	shalt  }
0x74: {  	_ =	shalt  }
0x75: {  	_ =	shalt  }
0x76: {  	_ =	shalt  }
0x77: {  	_ =	shalt  }
0x78: {  	_ =	shalt  }
0x79: {  	_ =	shalt  }
0x7a: {  	_ =	shalt  }
0x7b: {  	_ =	shalt  }
0x7c: {  	_ =	shalt  }
0x7d: {  	_ =	shalt  }
0x7e: {  	_ =	shalt  }
0x7f: {  	_ =	shalt  }
0x80: {  	_ =	shalt  }
0x81: {  	_ =	shalt  }
0x82: {  	_ =	shalt  }
0x83: {  	_ =	shalt  }
0x84: {  	_ =	shalt  }
0x85: {  	_ =	shalt  }
0x86: {  	_ =	shalt  }
0x87: {  	_ =	shalt  }
.Lfunc_end0:
.L_simem_size_0:
called_computation.1_lowered:
.L_overlay_start_0:
0x88: {  	s2 =	sld [smem:$0x3FD9]  }
0x89: {  	s3 =	sld [smem:$0x3FFE];
	_ =	sdelay $0x1  }
0x8a: {  	s1 =	srdreg.scid  }
0x8b: {  	s0 =	sand.u32 $0x1, s1  }
0x8c: {  	s17 =	sshll.u32 s0, $0xA;
	s2 =	sadd.s32 s3, s2  }
0x8d: {  	s2 =	sadd.s32 s2, s17  }
0x8e: {  	[smem:$0x3FC3] =	sst s2  }
0x8f: {  	_ = 	snop  }
0x90: {  	(tm) =	ssettm $0x1  }
0x91: {  	s18 =	sld [smem:$0x3FFB];
	_ =	sdelay $0x3  }
0x92: {  	_ =	strace s18  }
0x93: {  	s2 =	sld [smem:$0x3FFC];
	_ =	sdelay $0x3  }
0x94: {  	_ =	strace s2  }
0x95: {  	s2 =	sld [smem:$0x3FFD];
	_ =	sdelay $0x3  }
0x96: {  	_ =	strace s2  }
0x97: {  	_ =	strace $0x8FFFFFFF  }
0x98: {  	s19 =	sld [smem:$0x3FDB];
	_ =	sdelay $0x1  }
0x99: {  	s20 =	simm.s32 $_scs_section_size  }
0x9a: {  	s4 =	simm.s32 $_size__tile_overlayer_lowered;
	s5 =	simm.s32 $_tile_overlayer_lowered  }
0x9b: {  	s6 =	simm.s32 $0x1BFF;
	s21 =	sshll.u32 s5, $0x1;
	s3 =	sadd.s32 s20, s19  }
0x9c: {  	s22 =	simm.s32 $0x0;
	s4 =	sshll.u32 s4, $0x1;
	s5 =	sadd.s32 s21, s3  }
0x9d: {  	[timem:s22], [sflag:s6] =	dma.local [hbm:s5], s4  }
0x9e: {  	_ =	swait.ge [sflag:s6], s4  }
0x9f: {  	s4 =	ssub.s32 $0x0, s4;
	[sflag:s6] =	ssyncset.done $0x0  }
0xa0: {  	[sflag:s6] =	ssyncadd.s32 s4;
	_ =	sdelay $0x1  }
0xa1: {  	s23 =	simm.s32 $0x1B8B  }
0xa2: {  	_ =	swait.ge [sflag:s23], $0x1  }
0xa3: {  	[sflag:s23] =	ssyncset.done $0x0  }
0xa4: {  	[sflag:s23] =	ssyncadd.s32 $0xFFFFFFFF  }
0xa5: {  	s4 =	sld [smem:$0x0]  }
0xa6: {  	s5 =	sand.u32 $0xFFFFFFFE, s1  }
0xa7: {  	p0 =	sne.s32 s1, s5  }
0xa8: {  	s5 =	sshll.u32 @p0 s5, $0xE  }
0xa9: {  	s5 =	sadd.s32 @p0 $0x11B8D, s5;
	s6 =	sshll.u32 @p0 s4, $0x11  }
0xaa: {  	s5 =	sor.u32 @p0 s6, s5  }
0xab: {  	[sflag:s5] =	ssyncadd.remote.s32 @p0 $0x1;
	_ =	sdelay $0x1  }
0xac: {  	s5 =	simm.s32 @p0 $0x1B8D  }
0xad: {  	_ =	swait.eq @p0 [sflag:s5], $0x1  }
0xae: {  	[sflag:s5] =	ssyncadd.s32 @p0 $0xFFFFFFFF  }
0xaf: {  	s6 =	sshll.u32 @!p0 s1, $0xE  }
0xb0: {  	s6 =	sor.u32 @!p0 $0x4000, s6;
	s5 =	simm.s32 @!p0 $0x1B8D  }
0xb1: {  	s4 =	sshll.u32 @!p0 s4, $0x11;
	s6 =	sadd.s32 @!p0 $0x11B8D, s6;
	_ =	swait.eq @!p0 [sflag:s5], $0x1  }
0xb2: {  	s4 =	sor.u32 @!p0 s4, s6;
	[sflag:s5] =	ssyncadd.s32 @!p0 $0xFFFFFFFF  }
0xb3: {  	s25 =	simm.s32 $0x1B8E;
	s24 =	sld [smem:$0x3FFE];
	[sflag:s4] =	ssyncadd.remote.s32 @!p0 $0x1  }
0xb4: {  	s26 =	simm.s32 $execute0_lowered;
	[smem:$0x3FD2] =	sst s25  }
0xb5: {  	s5 =	sshll.u32 s26, $0x1;
	_ =	strace $0x8000004C;
	[dreg:$0x1] =	wrdreg $0xFFFFFFFF  }
0xb6: {  	s28 =	simm.s32 $_size_execute0_lowered;
	s3 =	sadd.s32 s3, s5;
	[dreg:$0x0] =	wrdreg $0x0  }
0xb7: {  	s5 =	sshll.u32 s28, $0x1;
	[dreg:$0x2] =	wrdreg s3  }
0xb8: {  	[dreg:$0x3] =	wrdreg s5  }
0xb9: {  	[dreg:$0x4] =	wrdreg $0xC0  }
0xba: {  	_ =	task [dreg:s22], $0x5FFFF  }
0xbb: {  	[dreg:$0x1] =	wrdreg $0xFFFFFFFF  }
0xbc: {  	[dreg:$0x0] =	wrdreg $0x60  }
0xbd: {  	[dreg:$0x2] =	wrdreg s24  }
0xbe: {  	[dreg:$0x3] =	wrdreg $0xA  }
0xbf: {  	_ =	task.clear_ibuf [dreg:s22], $0x4FFFF;
	_ =	strace $0x9000004C  }
0xc0: {  	s29 =	simm.s32 $0xA;
	_ =	strace $0x8000004E  }
0xc1: {  	_ =	swait.ge [sflag:s29], $0x1  }
0xc2: {  	[sflag:s29] =	ssyncadd.s32 $0xFFFFFFFF  }
0xc3: {  	_ =	strace $0x9000004E  }
0xc4: {  	_ =	sfence  }
0xc5: {  	s30 =	sld [smem:$0x0];
	_ =	sdelay $0x2  }
0xc6: {  	s31 =	sshll.u32 s1, $0xD;
	s1 =	sshrl.u32 s1, $0x2  }
0xc7: {  	s4 =	sand.u32 $0x4000, s31;
	s1 =	sadd.s32 s1, s30  }
0xc8: {  	s0 =	sor.u32 s4, s0;
	s1 =	sshll.u32 s1, $0x11  }
0xc9: {  	s0 =	sor.u32 s1, s0  }
0xca: {  	s0 =	sadd.s32 $0x8F2B, s0  }
0xcb: {  	[sflag:s0] =	ssyncadd.remote.s32 $0x1  }
0xcc: {  	_ =	sfence.sel $0xFFFF  }
0xcd: {  	[dreg:$0x0] =	wrdreg $0xFFFFFFFF;
	(pc) =	sbr.abs _section_cstart, $3  }
0xce: {  	[dreg:$0x1] =	wrdreg $0xFFFFFFFF  }
0xcf: {  	_ =	task.clear_ibuf [dreg:s22], $0x2FFFF;
	_ =	strace $0x9FFFFFFF  }
0xd0: {  	(tm) =	ssettm $0x7FFFFFFF  }
0xd1: {  	_ =	shalt  }
tec
execute0_lowered:
.L_overlay_start_1:
0x0: {  	(tag) =	ssettag $0x1  }
0x1: {  	s3 =	rddreg [dreg:$0x0]  }
0x2: {  	s0 =	rddreg [dreg:$0x1];
	s2 =	simm.s32 $0x0;
	s4 =	srdreg.scid  }
0x3: {  	s1 =	stileid.u32;
	s8 =	simm.s32 $0x2000;
	s9 =	simm.s32 $0x2400  }
0x4: {  	[smem:$0x7FF] =	sst s2;
	s4 =	sand.u32 $0x1, s4;
	s5 =	sshll.u32 s1, $0x1  }
0x5: {  	s10 =	simm.s32 $0x0;
	_ =	strace $0x8000004D;
	s5 =	sor.u32 s4, s5  }
0x6: {  	s4 =	ssub.s32 $0x2, s4;
	s6 =	sshll.u32 s5, $0xA;
	s5 =	sshll.u32 s5, $0x7  }
0x7: {  	s31 =	sshrl.u32 s4, $0x1;
	s6 =	sadd.s32 s6, s3;
	s5 =	sadd.s32 s5, s3  }
0x8: {  	s7 =	ssub.s32 s4, s31;
	s3 =	sadd.s32 $0xF200, s6;
	s4 =	sadd.s32 $0x17200, s5  }
0x9: {  	s5 =	sadd.s32 $0x18200, s5;
	s6 =	smax.u32 s7, $0x1;
	s7 =	simm.s32 $0x1  }
.LBB2_1:
0xa: {  	[tilespmem:s2], [sflag:$0x1] =	stream.linear.gather [hbm4b:s3+s2], $0x2000, $0x38;
	[tilespmem:$0x2800] =	vst v63  }
0xb: {  	_ =	swait.ge [sflag:s7], $0x2000  }
0xc: {  	[sflag:s7] =	ssyncset.done $0x0  }
0xd: {  	s11 =	simm.s32 $0x100;
	s12 =	simm.s32 $0x0;
	[sflag:s7] =	ssyncadd.s32 $0xFFFFE000  }
.LBB2_2:
0xe: {  	v0 =	vld [tilespmem:s11+$0xFFFFFF00];
	_ =	sdelay $0x2  }
0xf: {  	v2 =	vld [tilespmem:s11+$0xFFFFFF80]  }
0x10: {  	v3 =	vimm.f32 $-Inf  }
0x11: {  	vm0 =	vgt.f32 v0, v3  }
0x12: {  	v4 =	vimm.s32 $0x0;
	s13 =	simm.s32 $0x0;
	v1 =	vsel vm0, v3, v0  }
0x13: {  	v5 =	vsel vm0, s13, v4;
	v7 =	vnsel vm0, s13, v4;
	v8 =	vsel vm0, v0, v3  }
0x14: {  	v6 =	vsel vm0, v1, v3;
	v1 =	vld [tilespmem:s11+$0x0];
	v3 =	vsel vm0, v7, v4;
	vm0 =	vgt.f32 v2, v8  }
0x15: {  	s31 =	simm.s32 $0x1;
	vm1 =	vgt.f32 v2, v6;
	v7 =	vsel vm0, v2, v8  }
0x16: {  	v10 =	vnsel vm0, s31, v5;
	v11 =	vsel vm0, s31, v5;
	v9 =	vsel vm1, v6, v2  }
0x17: {  	v0 =	vld [tilespmem:s11+$0x80];
	v4 =	vnsel vm1, s31, v3;
	v2 =	vsel vm0, v8, v2;
	v8 =	vsel vm1, v10, v3  }
0x18: {  	v10 =	vsel vm1, v2, v6;
	v9 =	vsel vm1, v9, v6;
	v5 =	vsel vm1, v4, v3  }
0x19: {  	s14 =	simm.s32 $0x2;
	vm3 =	vgt.f32 v1, v7;
	vm4 =	vgt.f32 v1, v10;
	vm2 =	vgt.f32 v1, v9  }
0x1a: {  	v2 =	vsel vm3, s14, v11;
	v6 =	vsel vm3, v7, v1;
	v13 =	vsel vm3, v1, v7  }
0x1b: {  	v7 =	vsel vm4, v10, v1;
	v14 =	vsel vm2, v9, v1;
	v15 =	vnsel vm4, s14, v8  }
0x1c: {  	v11 =	vnsel vm3, s14, v11;
	vm0 =	vgt.f32 v0, v13;
	v17 =	vsel vm4, v6, v10  }
0x1d: {  	v6 =	vsel vm4, v11, v8;
	v8 =	vnsel vm2, s14, v5;
	v7 =	vsel vm2, v7, v9  }
0x1e: {  	v20 =	vsel vm2, v14, v9;
	vm3 =	vgt.f32 v0, v17;
	v12 =	vsel vm2, v8, v5  }
0x1f: {  	s17 =	simm.s32 $0x3;
	v8 =	vsel vm2, v15, v5;
	vm5 =	vgt.f32 v0, v7;
	vm4 =	vgt.f32 v0, v20  }
0x20: {  	v15 =	vsel vm0, v0, v13;
	v19 =	vnsel vm0, s17, v2;
	v10 =	vsel vm3, v17, v0  }
0x21: {  	v11 =	vnsel vm3, s17, v6;
	v14 =	vnsel vm5, s17, v8;
	v18 =	vsel vm5, v7, v0  }
0x22: {  	v25 =	vsel vm4, v20, v0;
	v24 =	vsel vm4, v20, v0;
	v10 =	vsel vm5, v10, v7  }
0x23: {  	v7 =	vsel vm5, v11, v8;
	v11 =	vsel vm0, v13, v0;
	v8 =	vnsel vm4, s17, v12  }
0x24: {  	v26 =	vmovc v20;
	v23 =	vsel vm4, v24, v20;
	v21 =	vsel vm4, v18, v20;
	v22 =	vsel vm3, v11, v17  }
0x25: {  	s15 =	simm.s32 $0x4;
	s16 =	sadd.s32 $0x200, s11;
	s13 =	sshll.u32 s12, $0x4;
	v16 =	vnsel vm4, s17, v12;
	v11 =	vsel vm4, v14, v12;
	v14 =	vsel vm4, v8, v12;
	v17 =	vmovc v12;
	v18 =	vmovc v9  }
.LBB2_3:
0x26: {  	v13 =	vld [tilespmem:s16+$0xFFFFFF00];
	p0 =	sne.s32 s15, $0x3C;
	v9 =	vsel vm2, v9, v1;
	vm5 =	vgt.f32 v0, v20;
	v6 =	vsel vm3, v19, v6;
	s18 =	smov.u32 s15;
	s15 =	sadd.s32 $0x4, s15  }
0x27: {  	v19 =	vsel vm5, v25, v20;
	v20 =	vsel vm5, v20, v0;
	v25 =	vnsel vm5, s17, v12  }
0x28: {  	v16 =	vsel vm5, v16, v12;
	v12 =	vsel vm4, v20, v26;
	v17 =	vsel vm4, v25, v17  }
0x29: {  	v3 =	vsel vm1, v4, v3;
	vm1 =	vgt.f32 v1, v18;
	v1 =	vnsel vm2, s14, v5  }
0x2a: {  	v2 =	vsel vm0, s17, v2;
	v3 =	vsel vm1, v1, v3;
	v5 =	vld [tilespmem:s16+$0xFFFFFF80]  }
0x2b: {  	v1 =	vsel vm1, v9, v18;
	vm6 =	vgt.f32 v13, v15;
	vm5 =	vgt.f32 v13, v22  }
0x2c: {  	vm3 =	vgt.f32 v0, v1;
	vm4 =	vgt.f32 v13, v21;
	v4 =	vsel vm6, v15, v13  }
0x2d: {  	v18 =	vsel vm3, v24, v1;
	vm0 =	vgt.f32 v13, v10;
	v0 =	vsel vm4, v21, v13  }
0x2e: {  	vm7 =	vgt.f32 v13, v23;
	v9 =	vsel vm6, s18, v2;
	v1 =	vnsel vm4, s18, v11  }
0x2f: {  	vm1 =	vgt.f32 v13, v12;
	v4 =	vsel vm5, v4, v22;
	v20 =	vsel vm7, v0, v23  }
0x30: {  	v24 =	vnsel vm7, s18, v14;
	v0 =	vnsel vm5, s18, v6;
	vm2 =	vgt.f32 v5, v20  }
0x31: {  	s17 =	sadd.s32 $0x1, s18;
	v25 =	vnsel vm1, s18, v17;
	v23 =	vsel vm7, v23, v13;
	v26 =	vsel vm2, v20, v5  }
0x32: {  	v15 =	vsel vm6, v13, v15;
	v27 =	vsel vm0, v10, v13;
	vm8 =	vgt.f32 v5, v4  }
0x33: {  	v3 =	vsel vm3, v8, v3;
	v14 =	vsel vm7, v1, v14;
	v28 =	vsel vm8, v4, v5;
	v1 =	vld [tilespmem:s16+$0x0]  }
0x34: {  	v8 =	vsel vm5, v22, v13;
	v22 =	vnsel vm0, s18, v7;
	vm9 =	vgt.f32 v5, v15  }
0x35: {  	vm3 =	vgt.f32 v13, v19;
	v2 =	vnsel vm6, s18, v2;
	v7 =	vsel vm0, v0, v7;
	v0 =	vld [tilespmem:s16+$0x80]  }
0x36: {  	v2 =	vsel vm5, v2, v6;
	v21 =	vsel vm4, v27, v21;
	v6 =	vsel vm3, v23, v19  }
0x37: {  	v11 =	vsel vm4, v22, v11;
	v22 =	vsel vm9, v5, v15;
	v23 =	vnsel vm8, s17, v2  }
0x38: {  	vm7 =	vgt.f32 v5, v21;
	vm4 =	vgt.f32 v5, v6;
	v27 =	vsel vm9, s17, v9  }
0x39: {  	vm5 =	vgt.f32 v13, v18;
	v19 =	vsel vm3, v19, v13;
	v9 =	vnsel vm9, s17, v9  }
0x3a: {  	v8 =	vsel vm0, v8, v10;
	v10 =	vsel vm9, v15, v5;
	v15 =	vsel vm8, v9, v2  }
0x3b: {  	s14 =	sadd.s32 $0x2, s18;
	v24 =	vsel vm3, v24, v16;
	v4 =	vsel vm8, v10, v4;
	vm10 =	vgt.f32 v1, v22  }
0x3c: {  	v9 =	vsel vm7, v21, v5;
	v26 =	vsel vm4, v26, v6;
	v2 =	vsel vm10, s14, v27  }
0x3d: {  	v10 =	vsel vm1, v19, v12;
	v19 =	vsel vm2, v9, v20;
	v20 =	vsel vm10, v22, v1  }
0x3e: {  	vm9 =	vgt.f32 v5, v8;
	v6 =	vsel vm4, v6, v5;
	vm6 =	vgt.f32 v1, v19  }
0x3f: {  	vm8 =	vgt.f32 v5, v10;
	vm11 =	vgt.f32 v1, v4;
	v22 =	vsel vm10, v1, v22  }
0x40: {  	v29 =	vsel vm11, v4, v1;
	v30 =	vsel vm6, v19, v1;
	vm0 =	vgt.f32 v0, v22  }
0x41: {  	v28 =	vsel vm9, v28, v8;
	v9 =	vsel vm8, v6, v10;
	v31 =	vnsel vm11, s14, v15  }
0x42: {  	v32 =	vnsel vm2, s17, v14;
	v23 =	vsel vm9, v23, v7;
	v6 =	vnsel vm10, s14, v27  }
0x43: {  	v27 =	vnsel vm7, s17, v11;
	v33 =	vsel vm11, v20, v4;
	v6 =	vsel vm11, v6, v15  }
0x44: {  	v4 =	vnsel vm9, s17, v7;
	v7 =	vsel vm2, v27, v14;
	v14 =	vnsel vm4, s17, v24  }
0x45: {  	v10 =	vsel vm8, v10, v5;
	v15 =	vnsel vm3, s18, v16;
	vm3 =	vgt.f32 v0, v33  }
0x46: {  	v8 =	vsel vm9, v8, v5;
	v15 =	vsel vm1, v15, v17;
	v16 =	vsel vm3, v33, v0  }
0x47: {  	v8 =	vsel vm7, v8, v21;
	v11 =	vsel vm7, v4, v11;
	v17 =	vnsel vm6, s14, v7  }
0x48: {  	v12 =	vsel vm1, v12, v13;
	vm9 =	vgt.f32 v1, v28;
	v4 =	vnsel vm8, s17, v15  }
0x49: {  	v3 =	vsel vm5, v25, v3;
	vm7 =	vgt.f32 v1, v8;
	v13 =	vnsel vm9, s14, v23  }
0x4a: {  	v12 =	vsel vm5, v12, v18;
	v13 =	vsel vm7, v13, v11;
	v11 =	vnsel vm7, s14, v11  }
0x4b: {  	vm1 =	vgt.f32 v5, v12;
	v20 =	vsel vm7, v8, v1;
	v21 =	vsel vm6, v11, v7  }
0x4c: {  	v5 =	vsel vm8, v14, v15;
	v18 =	vsel vm1, v10, v12;
	s17 =	sadd.s32 $0x3, s18;
	v7 =	vsel vm9, v31, v23  }
0x4d: {  	vm2 =	vgt.f32 v1, v9;
	v11 =	vsel vm9, v29, v28;
	v14 =	vnsel vm3, s17, v6  }
0x4e: {  	vm5 =	vgt.f32 v1, v26;
	v23 =	vsel vm6, v20, v19;
	vm6 =	vgt.f32 v0, v11  }
0x4f: {  	v20 =	vsel vm5, v30, v26;
	v10 =	vsel vm6, v16, v11;
	v27 =	vnsel vm6, s17, v7  }
0x50: {  	v24 =	vsel vm4, v32, v24;
	v19 =	vsel vm9, v28, v1;
	v26 =	vsel vm5, v26, v1  }
0x51: {  	v12 =	vsel vm5, v17, v24;
	vm8 =	vgt.f32 v0, v23;
	v28 =	vsel vm6, v11, v0  }
0x52: {  	v15 =	vsel vm0, v0, v22;
	v25 =	vsel vm8, v23, v0;
	v16 =	vnsel vm8, s17, v21  }
0x53: {  	v8 =	vsel vm7, v19, v8;
	v26 =	vsel vm2, v26, v9;
	v7 =	vsel vm6, v14, v7  }
.Ltmp0:
0x54: {  	v19 =	vnsel vm0, s17, v2;
	vm6 =	vgt.f32 v0, v8;
	vm4 =	vgt.f32 v0, v26;
	(pc) =	sbr.rel @p0 .LBB2_3-.Ltmp0, $4  }
0x55: {  	v11 =	vsel vm0, v22, v0;
	v14 =	vsel vm6, v8, v0;
	v29 =	vnsel vm6, s17, v13  }
0x56: {  	v17 =	vnsel vm5, s14, v24;
	v22 =	vsel vm3, v11, v33;
	v23 =	vsel vm8, v14, v23  }
0x57: {  	v17 =	vsel vm2, v17, v5;
	v11 =	vsel vm6, v27, v13;
	v14 =	vsel vm8, v29, v21  }
0x58: {  	s16 =	sadd.s32 $0x200, s16;
	v24 =	vsel vm4, v26, v0;
	v21 =	vsel vm6, v28, v8;
	v8 =	vnsel vm4, s17, v17  }
0x59: {  	v13 =	vsub.f32 v15, v15  }
0x5a: {  	v22 =	vsub.f32 v22, v15  }
0x5b: {  	v13 =	vmul.f32 $1.442695020e+00, v13  }
0x5c: {  	v10 =	vsub.f32 v10, v15;
	v22 =	vmul.f32 $1.442695020e+00, v22  }
0x5d: {  	(erf) = vpow2.f32 v13  }
0x5e: {  	v32 =	vsub.f32 v21, v15;
	v10 =	vmul.f32 $1.442695020e+00, v10;
	(erf) = vpow2.f32 v22  }
0x5f: {  	v9 =	vsel vm2, v9, v1;
	vm6 =	vgt.f32 v0, v20;
	vm5 =	vgt.f32 v1, v18  }
0x60: {  	v34 =	vsub.f32 v23, v15;
	v33 =	vmul.f32 $1.442695020e+00, v32;
	(erf) = vpow2.f32 v10  }
0x61: {  	v35 =	vsel vm6, v25, v20;
	v36 =	vsel vm6, v20, v0;
	v9 =	vsel vm5, v9, v18  }
0x62: {  	v37 =	vmul.f32 $1.442695020e+00, v34;
	v38 =	vsub.f32 v35, v15;
	(erf) = vpow2.f32 v33  }
0x63: {  	v39 =	vsel vm4, v36, v26;
	vm7 =	vgt.f32 v0, v9  }
0x64: {  	v41 =	vsub.f32 v39, v15;
	v40 =	vmul.f32 $1.442695020e+00, v38;
	(erf) = vpow2.f32 v37  }
0x65: {  	v9 =	vsel vm7, v24, v9  }
0x66: {  	v44 =	vsub.f32 v9, v15;
	v43 =	vmul.f32 $1.442695020e+00, v41;
	v42 =	vpop (erf);
	(erf) = vpow2.f32 v40  }
0x67: {  	v45 =	vpop (erf)  }
0x68: {  	v46 =	vmul.f32 $1.442695020e+00, v44;
	(erf) = vpow2.f32 v43;
	v47 =	vadd.f32 v45, v42  }
0x69: {  	v48 =	vpop (erf)  }
0x6a: {  	(erf) = vpow2.f32 v46;
	v49 =	vadd.f32 v48, v47  }
0x6b: {  	v50 =	vpop (erf)  }
0x6c: {  	v0 =	vadd.f32 v50, v49  }
0x6d: {  	v51 =	vpop (erf)  }
0x6e: {  	v0 =	vadd.f32 v51, v0  }
0x6f: {  	v52 =	vpop (erf)  }
0x70: {  	v0 =	vadd.f32 v52, v0  }
0x71: {  	v53 =	vpop (erf)  }
0x72: {  	v0 =	vadd.f32 v53, v0  }
0x73: {  	v54 =	vpop (erf)  }
0x74: {  	v0 =	vadd.f32 v54, v0;
	_ =	sdelay $0x1  }
0x75: {  	(erf) = vrcp.f32 v0;
	_ =	sdelay $0x4  }
0x76: {  	[tilespmem:s13+$0x2500] =	vst v7  }
0x77: {  	[tilespmem:s13+$0x2580] =	vst v11  }
0x78: {  	v2 =	vsel vm0, s17, v2;
	[tilespmem:s13+$0x2600] =	vst v14  }
0x79: {  	v55 =	vsel vm3, v19, v6;
	[tilespmem:s13+$0x2400] =	vst v2  }
0x7a: {  	[tilespmem:s13+$0x2480] =	vst v55;
	v59 =	vnsel vm6, s17, v12;
	v60 =	vsel vm6, v16, v12;
	v0 =	vpop (erf)  }
0x7b: {  	v2 =	vsel vm4, v59, v17;
	[tilespmem:s13+$0x2680] =	vst v60;
	v10 =	vmul.f32 v0, v42  }
0x7c: {  	[tilespmem:s13+$0x2700] =	vst v2;
	v9 =	vmul.f32 v0, v45  }
0x7d: {  	v56 =	vmul.f32 v0, v48;
	[tilespmem:s13+$0x2000] =	vst v10  }
0x7e: {  	v1 =	vmul.f32 v0, v50;
	[tilespmem:s13+$0x2080] =	vst v9  }
0x7f: {  	s12 =	sadd.s32 $0x1, s12;
	v57 =	vmul.f32 v0, v51;
	[tilespmem:s13+$0x2100] =	vst v56  }
0x80: {  	p0 =	sne.s32 s12, $0x8;
	v58 =	vmul.f32 v0, v52;
	[tilespmem:s13+$0x2180] =	vst v1  }
.Ltmp1:
0x81: {  	v61 =	vmul.f32 v0, v53;
	[tilespmem:s13+$0x2200] =	vst v57;
	(pc) =	sbr.rel @p0 .LBB2_2-.Ltmp1, $4  }
0x82: {  	v3 =	vsel vm1, v4, v3;
	v62 =	vnsel vm2, s14, v5;
	v0 =	vmul.f32 v0, v54;
	[tilespmem:s13+$0x2280] =	vst v58  }
0x83: {  	v63 =	vsel vm5, v62, v3;
	[tilespmem:s13+$0x2300] =	vst v61  }
0x84: {  	v1 =	vsel vm7, v8, v63;
	[tilespmem:s13+$0x2380] =	vst v0  }
0x85: {  	s11 =	sadd.s32 $0x10, s11;
	[tilespmem:s13+$0x2780] =	vst v1  }
0x86: {  	[hbm4b:s4+s2] =	stream.linear.scatter [tilespmem:s8], [sflag:$0x1], $0x400, $0x38;
	[tilespmem:$0x2800] =	vst v63  }
0x87: {  	s10 =	sadd.s32 $0x1, s10;
	_ =	swait.ge [sflag:s7], $0x400  }
0x88: {  	p0 =	sne.s32 s10, s6;
	[sflag:s7] =	ssyncset.done $0x0  }
.Ltmp2:
0x89: {  	[sflag:s7] =	ssyncadd.s32 $0xFFFFFC00;
	(pc) =	sbr.rel @p0 .LBB2_1-.Ltmp2, $4  }
0x8a: {  	[hbm4b:s5+s2] =	stream.linear.scatter [tilespmem:s9], [sflag:$0x1], $0x400, $0x38;
	[tilespmem:$0x2800] =	vst v63  }
0x8b: {  	_ =	swait.ge [sflag:s7], $0x400  }
0x8c: {  	[sflag:s7] =	ssyncset.done $0x0  }
0x8d: {  	[sflag:s7] =	ssyncadd.s32 $0xFFFFFC00  }
0x8e: {  	_ =	sfence.sel $0x180000  }
0x8f: {  	[bflag:$0x0] =	sbarrier.arrive $0xFFFF  }
0x90: {  	p0 =	sne.s32 s1, $0x0;
	_ =	strace $0x9000004D  }
0x91: {  	s0 =	sadd.s32 @!p0 $0x100000, s0;
	[bflag:$0x2] =	sbarrier.arrive $0xFFFF  }
0x92: {  	[sflag:s0] =	ssyncadd.tile.s32 @!p0 $0x1;
	_ =	shalt  }
.Lfunc_end2:
_tile_overlayer_lowered:
.L_overlay_start_2:
0x93: {  	(tag) =	ssettag $0x2  }
0x94: {  	s0 =	rddreg [dreg:$0x0];
	s2 =	stileid.u32  }
0x95: {  	s1 =	rddreg [dreg:$0x1];
	p0 =	sne.s32 s2, $0x0  }
0x96: {  	s3 =	rddreg [dreg:$0x2];
	[bflag:$0x3] =	sbarrier.arrive $0xFFFF;
	s2 =	simm.s32 @!p0 $0x1C01  }
0x97: {  	[timem:s3], [sflag:s2] =	dma.local @!p0 [hbm:s0], s1  }
0x98: {  	s0 =	simm.s32 @!p0 $0x1  }
0x99: {  	_ =	swait.ge @!p0 [sflag:s0], s1  }
0x9a: {  	s1 =	ssub.s32 @!p0 $0x0, s1;
	[sflag:s0] =	ssyncset.done @!p0 $0x0  }
0x9b: {  	[sflag:s0] =	ssyncadd.s32 @!p0 s1  }
0x9c: {  	[bflag:$0x3] =	sbarrier.arrive $0xFFFF  }
0x9d: {  	_ =	shalt  }

// kernel: kernel.17.cloned.1.call-start
scs
__scs_entry_jumppad:
0x0: {  	(pc) =	sbr.rel $0x88, $3  }
0x1: {  	(tag) =	ssettag $0x0;
	lr =	simm.s32 $0x1  }
0x2: {  	[smem:$0x3F9C] =	sst lr;
	_ =	strace $0xD0000000  }
0x3: {  	_ = 	snop  }
0x4: {  	_ = 	snop  }
0x5: {  	_ = 	snop  }
0x6: {  	_ = 	snop  }
0x7: {  	_ = 	snop  }
__scs_overlays_trampoline_lowered:
0x8: {  	[smem:$0x3FAB] =	sst s0  }
0x9: {  	[smem:$0x3FAC] =	sst s1  }
0xa: {  	[smem:$0x3FAD] =	sst s2  }
0xb: {  	[smem:$0x3FAE] =	sst s3  }
0xc: {  	[smem:$0x3FAF] =	sst s4  }
0xd: {  	[smem:$0x3FB0] =	sst s5  }
0xe: {  	[smem:$0x3FB1] =	sst s6  }
0xf: {  	[smem:$0x3FB2] =	sst s7  }
0x10: {  	[smem:$0x3FB3] =	sst s8  }
0x11: {  	[smem:$0x3FB4] =	sst s9;
	s0 =	simm.s32 @!p0 $0x0  }
0x12: {  	s1 =	sld [smem:$0x3F9A];
	s0 =	simm.s32 @p0 $0x1  }
0x13: {  	[smem:$0x3FB5] =	sst s0;
	s0 =	simm.s32 @!p1 $0x0  }
0x14: {  	s2 =	sld [smem:$0x3F99];
	s0 =	simm.s32 @p1 $0x1  }
0x15: {  	[smem:$0x3FB6] =	sst s0;
	s0 =	simm.s32 @!p2 $0x0  }
0x16: {  	s3 =	sld [smem:$0x3FDB];
	s0 =	simm.s32 @p2 $0x1  }
0x17: {  	s4 =	simm.s32 $0x1BF5;
	[smem:$0x3FB8] =	sst s0  }
0x18: {  	s0 =	sld [smem:$0x3F9B];
	_ =	swait.ge [sflag:s4], $0x0  }
0x19: {  	s7 =	sld [smem:$0x3F9C]  }
0x1a: {  	s8 =	sadd.s32 $0xFFFFE003, lr  }
0x1b: {  	s9 =	sadd.s32 $0xFFFFFEF7, lr;
	s5 =	simm.s32 $0xFFFFFFFF;
	p2 =	slt.u32 s8, $0xFFFFF086  }
0x1c: {  	p1 =	slt.u32 s9, $0xF7A;
	s5 =	simm.s32 @!p2 $0x0  }
0x1d: {  	s5 =	simm.s32 @p1 $0x1;
	p0 =	seq.s32 s7, s2  }
0x1e: {  	s7 =	smul.u32 @!p0 $0xF7A, s2;
	p2 =	seq.s32 @!p0 s5, $0x0  }
0x1f: {  	s9 =	smul.u32 $0xF7A, s1;
	s8 =	simm.s32 @!p0 $0x1BF5;
	p2 =	por !p2, p0  }
0x20: {  	[sflag:s8] =	ssyncset.s32 @!p0 $0xFFFFF086;
	s6 =	sadd.s32 @!p0 s3, s7;
	s7 =	simm.s32 @!p0 $0x108  }
0x21: {  	s3 =	sadd.s32 s3, s9;
	s6 =	sadd.s32 @!p0 $0x88, s6;
	s7 =	simm.s32 @p2 $0x1082  }
0x22: {  	[simem:s7], [sflag:s8] =	dma.local @!p0 [hbm:s6], $0xF7A  }
0x23: {  	s9 =	sor.u32 $0xD0000000, s2;
	s6 =	simm.s32 $0x108;
	_ =	swait.ge @!p0 [sflag:s8], $0x0  }
0x24: {  	s3 =	sadd.s32 $0x88, s3;
	s6 =	simm.s32 @!p1 $0x1082;
	[sflag:s4] =	ssyncset.s32 $0xFFFFF086  }
0x25: {  	[simem:s6], [sflag:s4] =	dma.local [hbm:s3], $0xF7A  }
0x26: {  	[smem:$0x3F9C] =	sst s1;
	(tag) =	ssettag s2;
	_ =	strace s9  }
0x27: {  	s1 =	sld [smem:$0x3FAC]  }
0x28: {  	s2 =	sld [smem:$0x3FAD]  }
0x29: {  	s4 =	sld [smem:$0x3FAF]  }
0x2a: {  	p0 =	seq.s32 s5, $0x0;
	s5 =	sld [smem:$0x3FB0]  }
0x2b: {  	s6 =	sld [smem:$0x3FB1]  }
0x2c: {  	s7 =	sld [smem:$0x3FB2]  }
0x2d: {  	s3 =	simm.s32 $0x108;
	s8 =	sld [smem:$0x3FB3]  }
0x2e: {  	s3 =	simm.s32 @!p0 $0x1082;
	s9 =	sld [smem:$0x3FB4]  }
0x2f: {  	lr =	sadd.s32 s0, s3;
	s0 =	sld [smem:$0x3FAB]  }
0x30: {  	s3 =	sld [smem:$0x3FAE]  }
0x31: {  	[smem:$0x3FB7] =	sst s10  }
0x32: {  	s10 =	sld [smem:$0x3FB5];
	_ =	sdelay $0x3  }
0x33: {  	p0 =	seq.s32 s10, $0x1;
	s10 =	sld [smem:$0x3FB7];
	_ =	sdelay $0x3  }
0x34: {  	[smem:$0x3FB7] =	sst s10  }
0x35: {  	s10 =	sld [smem:$0x3FB6];
	_ =	sdelay $0x3  }
0x36: {  	p1 =	seq.s32 s10, $0x1;
	s10 =	sld [smem:$0x3FB7];
	_ =	sdelay $0x3  }
0x37: {  	[smem:$0x3FB7] =	sst s10  }
0x38: {  	s10 =	sld [smem:$0x3FB8]  }
0x39: {  	_ = 	snop;
	(pc) =	sbr.ind lr, $3  }
0x3a: {  	_ = 	snop  }
0x3b: {  	_ = 	snop  }
0x3c: {  	p2 =	seq.s32 s10, $0x1;
	s10 =	sld [smem:$0x3FB7]  }
0x3d: {  	_ =	shalt  }
0x3e: {  	_ =	shalt  }
0x3f: {  	_ =	shalt  }
0x40: {  	_ =	shalt  }
0x41: {  	_ =	shalt  }
0x42: {  	_ =	shalt  }
0x43: {  	_ =	shalt  }
0x44: {  	_ =	shalt  }
0x45: {  	_ =	shalt  }
0x46: {  	_ =	shalt  }
0x47: {  	_ =	shalt  }
0x48: {  	_ =	shalt  }
0x49: {  	_ =	shalt  }
0x4a: {  	_ =	shalt  }
0x4b: {  	_ =	shalt  }
0x4c: {  	_ =	shalt  }
0x4d: {  	_ =	shalt  }
0x4e: {  	_ =	shalt  }
0x4f: {  	_ =	shalt  }
0x50: {  	_ =	shalt  }
0x51: {  	_ =	shalt  }
0x52: {  	_ =	shalt  }
0x53: {  	_ =	shalt  }
0x54: {  	_ =	shalt  }
0x55: {  	_ =	shalt  }
0x56: {  	_ =	shalt  }
0x57: {  	_ =	shalt  }
0x58: {  	_ =	shalt  }
0x59: {  	_ =	shalt  }
0x5a: {  	_ =	shalt  }
0x5b: {  	_ =	shalt  }
0x5c: {  	_ =	shalt  }
0x5d: {  	_ =	shalt  }
0x5e: {  	_ =	shalt  }
0x5f: {  	_ =	shalt  }
0x60: {  	_ =	shalt  }
0x61: {  	_ =	shalt  }
0x62: {  	_ =	shalt  }
0x63: {  	_ =	shalt  }
0x64: {  	_ =	shalt  }
0x65: {  	_ =	shalt  }
0x66: {  	_ =	shalt  }
0x67: {  	_ =	shalt  }
0x68: {  	_ =	shalt  }
0x69: {  	_ =	shalt  }
0x6a: {  	_ =	shalt  }
0x6b: {  	_ =	shalt  }
0x6c: {  	_ =	shalt  }
0x6d: {  	_ =	shalt  }
0x6e: {  	_ =	shalt  }
0x6f: {  	_ =	shalt  }
0x70: {  	_ =	shalt  }
0x71: {  	_ =	shalt  }
0x72: {  	_ =	shalt  }
0x73: {  	_ =	shalt  }
0x74: {  	_ =	shalt  }
0x75: {  	_ =	shalt  }
0x76: {  	_ =	shalt  }
0x77: {  	_ =	shalt  }
0x78: {  	_ =	shalt  }
0x79: {  	_ =	shalt  }
0x7a: {  	_ =	shalt  }
0x7b: {  	_ =	shalt  }
0x7c: {  	_ =	shalt  }
0x7d: {  	_ =	shalt  }
0x7e: {  	_ =	shalt  }
0x7f: {  	_ =	shalt  }
0x80: {  	_ =	shalt  }
0x81: {  	_ =	shalt  }
0x82: {  	_ =	shalt  }
0x83: {  	_ =	shalt  }
0x84: {  	_ =	shalt  }
0x85: {  	_ =	shalt  }
0x86: {  	_ =	shalt  }
0x87: {  	_ =	shalt  }
.Lfunc_end0:
.L_simem_size_0:
called_computation.2_lowered:
.L_overlay_start_0:
0x88: {  	s2 =	sld [smem:$0x3FD9]  }
0x89: {  	s3 =	sld [smem:$0x3FFE];
	_ =	sdelay $0x1  }
0x8a: {  	s1 =	srdreg.scid  }
0x8b: {  	s0 =	sand.u32 $0x1, s1  }
0x8c: {  	s17 =	sshll.u32 s0, $0xA;
	s2 =	sadd.s32 s3, s2  }
0x8d: {  	s2 =	sadd.s32 s2, s17  }
0x8e: {  	[smem:$0x3FC3] =	sst s2  }
0x8f: {  	_ = 	snop  }
0x90: {  	(tm) =	ssettm $0x1  }
0x91: {  	s18 =	sld [smem:$0x3FFB];
	_ =	sdelay $0x3  }
0x92: {  	_ =	strace s18  }
0x93: {  	s2 =	sld [smem:$0x3FFC];
	_ =	sdelay $0x3  }
0x94: {  	_ =	strace s2  }
0x95: {  	s2 =	sld [smem:$0x3FFD];
	_ =	sdelay $0x3  }
0x96: {  	_ =	strace s2  }
0x97: {  	_ =	strace $0x8FFFFFFF  }
0x98: {  	s19 =	sld [smem:$0x3FDB];
	_ =	sdelay $0x1  }
0x99: {  	s20 =	simm.s32 $_scs_section_size  }
0x9a: {  	s4 =	simm.s32 $_size__tile_overlayer_lowered;
	s5 =	simm.s32 $_tile_overlayer_lowered  }
0x9b: {  	s6 =	simm.s32 $0x1BFF;
	s21 =	sshll.u32 s5, $0x1;
	s3 =	sadd.s32 s20, s19  }
0x9c: {  	s22 =	simm.s32 $0x0;
	s4 =	sshll.u32 s4, $0x1;
	s5 =	sadd.s32 s21, s3  }
0x9d: {  	[timem:s22], [sflag:s6] =	dma.local [hbm:s5], s4  }
0x9e: {  	_ =	swait.ge [sflag:s6], s4  }
0x9f: {  	s4 =	ssub.s32 $0x0, s4;
	[sflag:s6] =	ssyncset.done $0x0  }
0xa0: {  	[sflag:s6] =	ssyncadd.s32 s4;
	_ =	sdelay $0x1  }
0xa1: {  	s23 =	simm.s32 $0x1B8B  }
0xa2: {  	_ =	swait.ge [sflag:s23], $0x1  }
0xa3: {  	[sflag:s23] =	ssyncset.done $0x0  }
0xa4: {  	[sflag:s23] =	ssyncadd.s32 $0xFFFFFFFF  }
0xa5: {  	s4 =	sld [smem:$0x0]  }
0xa6: {  	s5 =	sand.u32 $0xFFFFFFFE, s1  }
0xa7: {  	p0 =	sne.s32 s1, s5  }
0xa8: {  	s5 =	sshll.u32 @p0 s5, $0xE  }
0xa9: {  	s5 =	sadd.s32 @p0 $0x11B8D, s5;
	s6 =	sshll.u32 @p0 s4, $0x11  }
0xaa: {  	s5 =	sor.u32 @p0 s6, s5  }
0xab: {  	[sflag:s5] =	ssyncadd.remote.s32 @p0 $0x1;
	_ =	sdelay $0x1  }
0xac: {  	s5 =	simm.s32 @p0 $0x1B8D  }
0xad: {  	_ =	swait.eq @p0 [sflag:s5], $0x1  }
0xae: {  	[sflag:s5] =	ssyncadd.s32 @p0 $0xFFFFFFFF  }
0xaf: {  	s6 =	sshll.u32 @!p0 s1, $0xE  }
0xb0: {  	s6 =	sor.u32 @!p0 $0x4000, s6;
	s5 =	simm.s32 @!p0 $0x1B8D  }
0xb1: {  	s4 =	sshll.u32 @!p0 s4, $0x11;
	s6 =	sadd.s32 @!p0 $0x11B8D, s6;
	_ =	swait.eq @!p0 [sflag:s5], $0x1  }
0xb2: {  	s4 =	sor.u32 @!p0 s4, s6;
	[sflag:s5] =	ssyncadd.s32 @!p0 $0xFFFFFFFF  }
0xb3: {  	s25 =	simm.s32 $0x1B8E;
	s24 =	sld [smem:$0x3FFE];
	[sflag:s4] =	ssyncadd.remote.s32 @!p0 $0x1  }
0xb4: {  	s26 =	simm.s32 $execute0_lowered;
	[smem:$0x3FD2] =	sst s25  }
0xb5: {  	s5 =	sshll.u32 s26, $0x1;
	_ =	strace $0x80000049;
	[dreg:$0x1] =	wrdreg $0xFFFFFFFF  }
0xb6: {  	s28 =	simm.s32 $_size_execute0_lowered;
	s3 =	sadd.s32 s3, s5;
	[dreg:$0x0] =	wrdreg $0x0  }
0xb7: {  	s5 =	sshll.u32 s28, $0x1;
	[dreg:$0x2] =	wrdreg s3  }
0xb8: {  	[dreg:$0x3] =	wrdreg s5  }
0xb9: {  	[dreg:$0x4] =	wrdreg $0xC0  }
0xba: {  	_ =	task [dreg:s22], $0x5FFFF  }
0xbb: {  	[dreg:$0x1] =	wrdreg $0xFFFFFFFF  }
0xbc: {  	[dreg:$0x0] =	wrdreg $0x60  }
0xbd: {  	[dreg:$0x2] =	wrdreg s24  }
0xbe: {  	[dreg:$0x3] =	wrdreg $0xB  }
0xbf: {  	_ =	task.clear_ibuf [dreg:s22], $0x4FFFF;
	_ =	strace $0x90000049  }
0xc0: {  	s29 =	simm.s32 $0xB;
	_ =	strace $0x8000004B  }
0xc1: {  	_ =	swait.ge [sflag:s29], $0x1  }
0xc2: {  	[sflag:s29] =	ssyncadd.s32 $0xFFFFFFFF  }
0xc3: {  	_ =	strace $0x9000004B  }
0xc4: {  	_ =	sfence  }
0xc5: {  	s30 =	sld [smem:$0x0];
	_ =	sdelay $0x2  }
0xc6: {  	s31 =	sshll.u32 s1, $0xD;
	s1 =	sshrl.u32 s1, $0x2  }
0xc7: {  	s4 =	sand.u32 $0x4000, s31;
	s1 =	sadd.s32 s1, s30  }
0xc8: {  	s0 =	sor.u32 s4, s0;
	s1 =	sshll.u32 s1, $0x11  }
0xc9: {  	s0 =	sor.u32 s1, s0  }
0xca: {  	s0 =	sadd.s32 $0x8F2B, s0  }
0xcb: {  	[sflag:s0] =	ssyncadd.remote.s32 $0x1  }
0xcc: {  	_ =	sfence.sel $0xFFFF  }
0xcd: {  	[dreg:$0x0] =	wrdreg $0xFFFFFFFF;
	(pc) =	sbr.abs _section_cstart, $3  }
0xce: {  	[dreg:$0x1] =	wrdreg $0xFFFFFFFF  }
0xcf: {  	_ =	task.clear_ibuf [dreg:s22], $0x2FFFF;
	_ =	strace $0x9FFFFFFF  }
0xd0: {  	(tm) =	ssettm $0x7FFFFFFF  }
0xd1: {  	_ =	shalt  }
tec
execute0_lowered:
.L_overlay_start_1:
0x0: {  	(tag) =	ssettag $0x1  }
0x1: {  	s3 =	rddreg [dreg:$0x0]  }
0x2: {  	s0 =	rddreg [dreg:$0x1];
	s2 =	simm.s32 $0x0;
	s4 =	srdreg.scid  }
0x3: {  	s1 =	stileid.u32;
	s8 =	simm.s32 $0x2000;
	s9 =	simm.s32 $0x2400  }
0x4: {  	[smem:$0x7FF] =	sst s2;
	s4 =	sand.u32 $0x1, s4;
	s5 =	sshll.u32 s1, $0x1  }
0x5: {  	s10 =	simm.s32 $0x0;
	_ =	strace $0x8000004A;
	s5 =	sor.u32 s4, s5  }
0x6: {  	s4 =	ssub.s32 $0x2, s4;
	s6 =	sshll.u32 s5, $0xA;
	s5 =	sshll.u32 s5, $0x7  }
0x7: {  	s31 =	sshrl.u32 s4, $0x1;
	s6 =	sadd.s32 s6, s3;
	s5 =	sadd.s32 s5, s3  }
0x8: {  	s7 =	ssub.s32 s4, s31;
	s3 =	sadd.s32 $0x5200, s6;
	s4 =	sadd.s32 $0xD200, s5  }
0x9: {  	s5 =	sadd.s32 $0xE200, s5;
	s6 =	smax.u32 s7, $0x1;
	s7 =	simm.s32 $0x1  }
.LBB2_1:
0xa: {  	[tilespmem:s2], [sflag:$0x1] =	stream.linear.gather [hbm4b:s3+s2], $0x2000, $0x38;
	[tilespmem:$0x2800] =	vst v63  }
0xb: {  	_ =	swait.ge [sflag:s7], $0x2000  }
0xc: {  	[sflag:s7] =	ssyncset.done $0x0  }
0xd: {  	s11 =	simm.s32 $0x100;
	s12 =	simm.s32 $0x0;
	[sflag:s7] =	ssyncadd.s32 $0xFFFFE000  }
.LBB2_2:
0xe: {  	v0 =	vld [tilespmem:s11+$0xFFFFFF00];
	_ =	sdelay $0x2  }
0xf: {  	v2 =	vld [tilespmem:s11+$0xFFFFFF80]  }
0x10: {  	v3 =	vimm.f32 $-Inf  }
0x11: {  	vm0 =	vgt.f32 v0, v3  }
0x12: {  	v4 =	vimm.s32 $0x0;
	s13 =	simm.s32 $0x0;
	v1 =	vsel vm0, v3, v0  }
0x13: {  	v5 =	vsel vm0, s13, v4;
	v7 =	vnsel vm0, s13, v4;
	v8 =	vsel vm0, v0, v3  }
0x14: {  	v6 =	vsel vm0, v1, v3;
	v1 =	vld [tilespmem:s11+$0x0];
	v3 =	vsel vm0, v7, v4;
	vm0 =	vgt.f32 v2, v8  }
0x15: {  	s31 =	simm.s32 $0x1;
	vm1 =	vgt.f32 v2, v6;
	v7 =	vsel vm0, v2, v8  }
0x16: {  	v10 =	vnsel vm0, s31, v5;
	v11 =	vsel vm0, s31, v5;
	v9 =	vsel vm1, v6, v2  }
0x17: {  	v0 =	vld [tilespmem:s11+$0x80];
	v4 =	vnsel vm1, s31, v3;
	v2 =	vsel vm0, v8, v2;
	v8 =	vsel vm1, v10, v3  }
0x18: {  	v10 =	vsel vm1, v2, v6;
	v9 =	vsel vm1, v9, v6;
	v5 =	vsel vm1, v4, v3  }
0x19: {  	s14 =	simm.s32 $0x2;
	vm3 =	vgt.f32 v1, v7;
	vm4 =	vgt.f32 v1, v10;
	vm2 =	vgt.f32 v1, v9  }
0x1a: {  	v2 =	vsel vm3, s14, v11;
	v6 =	vsel vm3, v7, v1;
	v13 =	vsel vm3, v1, v7  }
0x1b: {  	v7 =	vsel vm4, v10, v1;
	v14 =	vsel vm2, v9, v1;
	v15 =	vnsel vm4, s14, v8  }
0x1c: {  	v11 =	vnsel vm3, s14, v11;
	vm0 =	vgt.f32 v0, v13;
	v17 =	vsel vm4, v6, v10  }
0x1d: {  	v6 =	vsel vm4, v11, v8;
	v8 =	vnsel vm2, s14, v5;
	v7 =	vsel vm2, v7, v9  }
0x1e: {  	v20 =	vsel vm2, v14, v9;
	vm3 =	vgt.f32 v0, v17;
	v12 =	vsel vm2, v8, v5  }
0x1f: {  	s17 =	simm.s32 $0x3;
	v8 =	vsel vm2, v15, v5;
	vm5 =	vgt.f32 v0, v7;
	vm4 =	vgt.f32 v0, v20  }
0x20: {  	v15 =	vsel vm0, v0, v13;
	v19 =	vnsel vm0, s17, v2;
	v10 =	vsel vm3, v17, v0  }
0x21: {  	v11 =	vnsel vm3, s17, v6;
	v14 =	vnsel vm5, s17, v8;
	v18 =	vsel vm5, v7, v0  }
0x22: {  	v25 =	vsel vm4, v20, v0;
	v24 =	vsel vm4, v20, v0;
	v10 =	vsel vm5, v10, v7  }
0x23: {  	v7 =	vsel vm5, v11, v8;
	v11 =	vsel vm0, v13, v0;
	v8 =	vnsel vm4, s17, v12  }
0x24: {  	v26 =	vmovc v20;
	v23 =	vsel vm4, v24, v20;
	v21 =	vsel vm4, v18, v20;
	v22 =	vsel vm3, v11, v17  }
0x25: {  	s15 =	simm.s32 $0x4;
	s16 =	sadd.s32 $0x200, s11;
	s13 =	sshll.u32 s12, $0x4;
	v16 =	vnsel vm4, s17, v12;
	v11 =	vsel vm4, v14, v12;
	v14 =	vsel vm4, v8, v12;
	v17 =	vmovc v12;
	v18 =	vmovc v9  }
.LBB2_3:
0x26: {  	v13 =	vld [tilespmem:s16+$0xFFFFFF00];
	p0 =	sne.s32 s15, $0x3C;
	v9 =	vsel vm2, v9, v1;
	vm5 =	vgt.f32 v0, v20;
	v6 =	vsel vm3, v19, v6;
	s18 =	smov.u32 s15;
	s15 =	sadd.s32 $0x4, s15  }
0x27: {  	v19 =	vsel vm5, v25, v20;
	v20 =	vsel vm5, v20, v0;
	v25 =	vnsel vm5, s17, v12  }
0x28: {  	v16 =	vsel vm5, v16, v12;
	v12 =	vsel vm4, v20, v26;
	v17 =	vsel vm4, v25, v17  }
0x29: {  	v3 =	vsel vm1, v4, v3;
	vm1 =	vgt.f32 v1, v18;
	v1 =	vnsel vm2, s14, v5  }
0x2a: {  	v2 =	vsel vm0, s17, v2;
	v3 =	vsel vm1, v1, v3;
	v5 =	vld [tilespmem:s16+$0xFFFFFF80]  }
0x2b: {  	v1 =	vsel vm1, v9, v18;
	vm6 =	vgt.f32 v13, v15;
	vm5 =	vgt.f32 v13, v22  }
0x2c: {  	vm3 =	vgt.f32 v0, v1;
	vm4 =	vgt.f32 v13, v21;
	v4 =	vsel vm6, v15, v13  }
0x2d: {  	v18 =	vsel vm3, v24, v1;
	vm0 =	vgt.f32 v13, v10;
	v0 =	vsel vm4, v21, v13  }
0x2e: {  	vm7 =	vgt.f32 v13, v23;
	v9 =	vsel vm6, s18, v2;
	v1 =	vnsel vm4, s18, v11  }
0x2f: {  	vm1 =	vgt.f32 v13, v12;
	v4 =	vsel vm5, v4, v22;
	v20 =	vsel vm7, v0, v23  }
0x30: {  	v24 =	vnsel vm7, s18, v14;
	v0 =	vnsel vm5, s18, v6;
	vm2 =	vgt.f32 v5, v20  }
0x31: {  	s17 =	sadd.s32 $0x1, s18;
	v25 =	vnsel vm1, s18, v17;
	v23 =	vsel vm7, v23, v13;
	v26 =	vsel vm2, v20, v5  }
0x32: {  	v15 =	vsel vm6, v13, v15;
	v27 =	vsel vm0, v10, v13;
	vm8 =	vgt.f32 v5, v4  }
0x33: {  	v3 =	vsel vm3, v8, v3;
	v14 =	vsel vm7, v1, v14;
	v28 =	vsel vm8, v4, v5;
	v1 =	vld [tilespmem:s16+$0x0]  }
0x34: {  	v8 =	vsel vm5, v22, v13;
	v22 =	vnsel vm0, s18, v7;
	vm9 =	vgt.f32 v5, v15  }
0x35: {  	vm3 =	vgt.f32 v13, v19;
	v2 =	vnsel vm6, s18, v2;
	v7 =	vsel vm0, v0, v7;
	v0 =	vld [tilespmem:s16+$0x80]  }
0x36: {  	v2 =	vsel vm5, v2, v6;
	v21 =	vsel vm4, v27, v21;
	v6 =	vsel vm3, v23, v19  }
0x37: {  	v11 =	vsel vm4, v22, v11;
	v22 =	vsel vm9, v5, v15;
	v23 =	vnsel vm8, s17, v2  }
0x38: {  	vm7 =	vgt.f32 v5, v21;
	vm4 =	vgt.f32 v5, v6;
	v27 =	vsel vm9, s17, v9  }
0x39: {  	vm5 =	vgt.f32 v13, v18;
	v19 =	vsel vm3, v19, v13;
	v9 =	vnsel vm9, s17, v9  }
0x3a: {  	v8 =	vsel vm0, v8, v10;
	v10 =	vsel vm9, v15, v5;
	v15 =	vsel vm8, v9, v2  }
0x3b: {  	s14 =	sadd.s32 $0x2, s18;
	v24 =	vsel vm3, v24, v16;
	v4 =	vsel vm8, v10, v4;
	vm10 =	vgt.f32 v1, v22  }
0x3c: {  	v9 =	vsel vm7, v21, v5;
	v26 =	vsel vm4, v26, v6;
	v2 =	vsel vm10, s14, v27  }
0x3d: {  	v10 =	vsel vm1, v19, v12;
	v19 =	vsel vm2, v9, v20;
	v20 =	vsel vm10, v22, v1  }
0x3e: {  	vm9 =	vgt.f32 v5, v8;
	v6 =	vsel vm4, v6, v5;
	vm6 =	vgt.f32 v1, v19  }
0x3f: {  	vm8 =	vgt.f32 v5, v10;
	vm11 =	vgt.f32 v1, v4;
	v22 =	vsel vm10, v1, v22  }
0x40: {  	v29 =	vsel vm11, v4, v1;
	v30 =	vsel vm6, v19, v1;
	vm0 =	vgt.f32 v0, v22  }
0x41: {  	v28 =	vsel vm9, v28, v8;
	v9 =	vsel vm8, v6, v10;
	v31 =	vnsel vm11, s14, v15  }
0x42: {  	v32 =	vnsel vm2, s17, v14;
	v23 =	vsel vm9, v23, v7;
	v6 =	vnsel vm10, s14, v27  }
0x43: {  	v27 =	vnsel vm7, s17, v11;
	v33 =	vsel vm11, v20, v4;
	v6 =	vsel vm11, v6, v15  }
0x44: {  	v4 =	vnsel vm9, s17, v7;
	v7 =	vsel vm2, v27, v14;
	v14 =	vnsel vm4, s17, v24  }
0x45: {  	v10 =	vsel vm8, v10, v5;
	v15 =	vnsel vm3, s18, v16;
	vm3 =	vgt.f32 v0, v33  }
0x46: {  	v8 =	vsel vm9, v8, v5;
	v15 =	vsel vm1, v15, v17;
	v16 =	vsel vm3, v33, v0  }
0x47: {  	v8 =	vsel vm7, v8, v21;
	v11 =	vsel vm7, v4, v11;
	v17 =	vnsel vm6, s14, v7  }
0x48: {  	v12 =	vsel vm1, v12, v13;
	vm9 =	vgt.f32 v1, v28;
	v4 =	vnsel vm8, s17, v15  }
0x49: {  	v3 =	vsel vm5, v25, v3;
	vm7 =	vgt.f32 v1, v8;
	v13 =	vnsel vm9, s14, v23  }
0x4a: {  	v12 =	vsel vm5, v12, v18;
	v13 =	vsel vm7, v13, v11;
	v11 =	vnsel vm7, s14, v11  }
0x4b: {  	vm1 =	vgt.f32 v5, v12;
	v20 =	vsel vm7, v8, v1;
	v21 =	vsel vm6, v11, v7  }
0x4c: {  	v5 =	vsel vm8, v14, v15;
	v18 =	vsel vm1, v10, v12;
	s17 =	sadd.s32 $0x3, s18;
	v7 =	vsel vm9, v31, v23  }
0x4d: {  	vm2 =	vgt.f32 v1, v9;
	v11 =	vsel vm9, v29, v28;
	v14 =	vnsel vm3, s17, v6  }
0x4e: {  	vm5 =	vgt.f32 v1, v26;
	v23 =	vsel vm6, v20, v19;
	vm6 =	vgt.f32 v0, v11  }
0x4f: {  	v20 =	vsel vm5, v30, v26;
	v10 =	vsel vm6, v16, v11;
	v27 =	vnsel vm6, s17, v7  }
0x50: {  	v24 =	vsel vm4, v32, v24;
	v19 =	vsel vm9, v28, v1;
	v26 =	vsel vm5, v26, v1  }
0x51: {  	v12 =	vsel vm5, v17, v24;
	vm8 =	vgt.f32 v0, v23;
	v28 =	vsel vm6, v11, v0  }
0x52: {  	v15 =	vsel vm0, v0, v22;
	v25 =	vsel vm8, v23, v0;
	v16 =	vnsel vm8, s17, v21  }
0x53: {  	v8 =	vsel vm7, v19, v8;
	v26 =	vsel vm2, v26, v9;
	v7 =	vsel vm6, v14, v7  }
.Ltmp0:
0x54: {  	v19 =	vnsel vm0, s17, v2;
	vm6 =	vgt.f32 v0, v8;
	vm4 =	vgt.f32 v0, v26;
	(pc) =	sbr.rel @p0 .LBB2_3-.Ltmp0, $4  }
0x55: {  	v11 =	vsel vm0, v22, v0;
	v14 =	vsel vm6, v8, v0;
	v29 =	vnsel vm6, s17, v13  }
0x56: {  	v17 =	vnsel vm5, s14, v24;
	v22 =	vsel vm3, v11, v33;
	v23 =	vsel vm8, v14, v23  }
0x57: {  	v17 =	vsel vm2, v17, v5;
	v11 =	vsel vm6, v27, v13;
	v14 =	vsel vm8, v29, v21  }
0x58: {  	s16 =	sadd.s32 $0x200, s16;
	v24 =	vsel vm4, v26, v0;
	v21 =	vsel vm6, v28, v8;
	v8 =	vnsel vm4, s17, v17  }
0x59: {  	v13 =	vsub.f32 v15, v15  }
0x5a: {  	v22 =	vsub.f32 v22, v15  }
0x5b: {  	v13 =	vmul.f32 $1.442695020e+00, v13  }
0x5c: {  	v10 =	vsub.f32 v10, v15;
	v22 =	vmul.f32 $1.442695020e+00, v22  }
0x5d: {  	(erf) = vpow2.f32 v13  }
0x5e: {  	v32 =	vsub.f32 v21, v15;
	v10 =	vmul.f32 $1.442695020e+00, v10;
	(erf) = vpow2.f32 v22  }
0x5f: {  	v9 =	vsel vm2, v9, v1;
	vm6 =	vgt.f32 v0, v20;
	vm5 =	vgt.f32 v1, v18  }
0x60: {  	v34 =	vsub.f32 v23, v15;
	v33 =	vmul.f32 $1.442695020e+00, v32;
	(erf) = vpow2.f32 v10  }
0x61: {  	v35 =	vsel vm6, v25, v20;
	v36 =	vsel vm6, v20, v0;
	v9 =	vsel vm5, v9, v18  }
0x62: {  	v37 =	vmul.f32 $1.442695020e+00, v34;
	v38 =	vsub.f32 v35, v15;
	(erf) = vpow2.f32 v33  }
0x63: {  	v39 =	vsel vm4, v36, v26;
	vm7 =	vgt.f32 v0, v9  }
0x64: {  	v41 =	vsub.f32 v39, v15;
	v40 =	vmul.f32 $1.442695020e+00, v38;
	(erf) = vpow2.f32 v37  }
0x65: {  	v9 =	vsel vm7, v24, v9  }
0x66: {  	v44 =	vsub.f32 v9, v15;
	v43 =	vmul.f32 $1.442695020e+00, v41;
	v42 =	vpop (erf);
	(erf) = vpow2.f32 v40  }
0x67: {  	v45 =	vpop (erf)  }
0x68: {  	v46 =	vmul.f32 $1.442695020e+00, v44;
	(erf) = vpow2.f32 v43;
	v47 =	vadd.f32 v45, v42  }
0x69: {  	v48 =	vpop (erf)  }
0x6a: {  	(erf) = vpow2.f32 v46;
	v49 =	vadd.f32 v48, v47  }
0x6b: {  	v50 =	vpop (erf)  }
0x6c: {  	v0 =	vadd.f32 v50, v49  }
0x6d: {  	v51 =	vpop (erf)  }
0x6e: {  	v0 =	vadd.f32 v51, v0  }
0x6f: {  	v52 =	vpop (erf)  }
0x70: {  	v0 =	vadd.f32 v52, v0  }
0x71: {  	v53 =	vpop (erf)  }
0x72: {  	v0 =	vadd.f32 v53, v0  }
0x73: {  	v54 =	vpop (erf)  }
0x74: {  	v0 =	vadd.f32 v54, v0;
	_ =	sdelay $0x1  }
0x75: {  	(erf) = vrcp.f32 v0;
	_ =	sdelay $0x4  }
0x76: {  	[tilespmem:s13+$0x2500] =	vst v7  }
0x77: {  	[tilespmem:s13+$0x2580] =	vst v11  }
0x78: {  	v2 =	vsel vm0, s17, v2;
	[tilespmem:s13+$0x2600] =	vst v14  }
0x79: {  	v55 =	vsel vm3, v19, v6;
	[tilespmem:s13+$0x2400] =	vst v2  }
0x7a: {  	[tilespmem:s13+$0x2480] =	vst v55;
	v59 =	vnsel vm6, s17, v12;
	v60 =	vsel vm6, v16, v12;
	v0 =	vpop (erf)  }
0x7b: {  	v2 =	vsel vm4, v59, v17;
	[tilespmem:s13+$0x2680] =	vst v60;
	v10 =	vmul.f32 v0, v42  }
0x7c: {  	[tilespmem:s13+$0x2700] =	vst v2;
	v9 =	vmul.f32 v0, v45  }
0x7d: {  	v56 =	vmul.f32 v0, v48;
	[tilespmem:s13+$0x2000] =	vst v10  }
0x7e: {  	v1 =	vmul.f32 v0, v50;
	[tilespmem:s13+$0x2080] =	vst v9  }
0x7f: {  	s12 =	sadd.s32 $0x1, s12;
	v57 =	vmul.f32 v0, v51;
	[tilespmem:s13+$0x2100] =	vst v56  }
0x80: {  	p0 =	sne.s32 s12, $0x8;
	v58 =	vmul.f32 v0, v52;
	[tilespmem:s13+$0x2180] =	vst v1  }
.Ltmp1:
0x81: {  	v61 =	vmul.f32 v0, v53;
	[tilespmem:s13+$0x2200] =	vst v57;
	(pc) =	sbr.rel @p0 .LBB2_2-.Ltmp1, $4  }
0x82: {  	v3 =	vsel vm1, v4, v3;
	v62 =	vnsel vm2, s14, v5;
	v0 =	vmul.f32 v0, v54;
	[tilespmem:s13+$0x2280] =	vst v58  }
0x83: {  	v63 =	vsel vm5, v62, v3;
	[tilespmem:s13+$0x2300] =	vst v61  }
0x84: {  	v1 =	vsel vm7, v8, v63;
	[tilespmem:s13+$0x2380] =	vst v0  }
0x85: {  	s11 =	sadd.s32 $0x10, s11;
	[tilespmem:s13+$0x2780] =	vst v1  }
0x86: {  	[hbm4b:s4+s2] =	stream.linear.scatter [tilespmem:s8], [sflag:$0x1], $0x400, $0x38;
	[tilespmem:$0x2800] =	vst v63  }
0x87: {  	s10 =	sadd.s32 $0x1, s10;
	_ =	swait.ge [sflag:s7], $0x400  }
0x88: {  	p0 =	sne.s32 s10, s6;
	[sflag:s7] =	ssyncset.done $0x0  }
.Ltmp2:
0x89: {  	[sflag:s7] =	ssyncadd.s32 $0xFFFFFC00;
	(pc) =	sbr.rel @p0 .LBB2_1-.Ltmp2, $4  }
0x8a: {  	[hbm4b:s5+s2] =	stream.linear.scatter [tilespmem:s9], [sflag:$0x1], $0x400, $0x38;
	[tilespmem:$0x2800] =	vst v63  }
0x8b: {  	_ =	swait.ge [sflag:s7], $0x400  }
0x8c: {  	[sflag:s7] =	ssyncset.done $0x0  }
0x8d: {  	[sflag:s7] =	ssyncadd.s32 $0xFFFFFC00  }
0x8e: {  	_ =	sfence.sel $0x180000  }
0x8f: {  	[bflag:$0x0] =	sbarrier.arrive $0xFFFF  }
0x90: {  	p0 =	sne.s32 s1, $0x0;
	_ =	strace $0x9000004A  }
0x91: {  	s0 =	sadd.s32 @!p0 $0x100000, s0;
	[bflag:$0x2] =	sbarrier.arrive $0xFFFF  }
0x92: {  	[sflag:s0] =	ssyncadd.tile.s32 @!p0 $0x1;
	_ =	shalt  }
.Lfunc_end2:
_tile_overlayer_lowered:
.L_overlay_start_2:
0x93: {  	(tag) =	ssettag $0x2  }
0x94: {  	s0 =	rddreg [dreg:$0x0];
	s2 =	stileid.u32  }
0x95: {  	s1 =	rddreg [dreg:$0x1];
	p0 =	sne.s32 s2, $0x0  }
0x96: {  	s3 =	rddreg [dreg:$0x2];
	[bflag:$0x3] =	sbarrier.arrive $0xFFFF;
	s2 =	simm.s32 @!p0 $0x1C01  }
0x97: {  	[timem:s3], [sflag:s2] =	dma.local @!p0 [hbm:s0], s1  }
0x98: {  	s0 =	simm.s32 @!p0 $0x1  }
0x99: {  	_ =	swait.ge @!p0 [sflag:s0], s1  }
0x9a: {  	s1 =	ssub.s32 @!p0 $0x0, s1;
	[sflag:s0] =	ssyncset.done @!p0 $0x0  }
0x9b: {  	[sflag:s0] =	ssyncadd.s32 @!p0 s1  }
0x9c: {  	[bflag:$0x3] =	sbarrier.arrive $0xFFFF  }
0x9d: {  	_ =	shalt  }

// kernel: kernel.20.cloned.1.call-start
scs
__scs_entry_jumppad:
0x0: {  	(pc) =	sbr.rel $0x88, $3  }
0x1: {  	(tag) =	ssettag $0x0;
	lr =	simm.s32 $0x1  }
0x2: {  	[smem:$0x3F9C] =	sst lr;
	_ =	strace $0xD0000000  }
0x3: {  	_ = 	snop  }
0x4: {  	_ = 	snop  }
0x5: {  	_ = 	snop  }
0x6: {  	_ = 	snop  }
0x7: {  	_ = 	snop  }
__scs_overlays_trampoline_lowered:
0x8: {  	[smem:$0x3FAB] =	sst s0  }
0x9: {  	[smem:$0x3FAC] =	sst s1  }
0xa: {  	[smem:$0x3FAD] =	sst s2  }
0xb: {  	[smem:$0x3FAE] =	sst s3  }
0xc: {  	[smem:$0x3FAF] =	sst s4  }
0xd: {  	[smem:$0x3FB0] =	sst s5  }
0xe: {  	[smem:$0x3FB1] =	sst s6  }
0xf: {  	[smem:$0x3FB2] =	sst s7  }
0x10: {  	[smem:$0x3FB3] =	sst s8  }
0x11: {  	[smem:$0x3FB4] =	sst s9;
	s0 =	simm.s32 @!p0 $0x0  }
0x12: {  	s1 =	sld [smem:$0x3F9A];
	s0 =	simm.s32 @p0 $0x1  }
0x13: {  	[smem:$0x3FB5] =	sst s0;
	s0 =	simm.s32 @!p1 $0x0  }
0x14: {  	s2 =	sld [smem:$0x3F99];
	s0 =	simm.s32 @p1 $0x1  }
0x15: {  	[smem:$0x3FB6] =	sst s0;
	s0 =	simm.s32 @!p2 $0x0  }
0x16: {  	s3 =	sld [smem:$0x3FDB];
	s0 =	simm.s32 @p2 $0x1  }
0x17: {  	s4 =	simm.s32 $0x1BF5;
	[smem:$0x3FB8] =	sst s0  }
0x18: {  	s0 =	sld [smem:$0x3F9B];
	_ =	swait.ge [sflag:s4], $0x0  }
0x19: {  	s7 =	sld [smem:$0x3F9C]  }
0x1a: {  	s8 =	sadd.s32 $0xFFFFE003, lr  }
0x1b: {  	s9 =	sadd.s32 $0xFFFFFEF7, lr;
	s5 =	simm.s32 $0xFFFFFFFF;
	p2 =	slt.u32 s8, $0xFFFFF086  }
0x1c: {  	p1 =	slt.u32 s9, $0xF7A;
	s5 =	simm.s32 @!p2 $0x0  }
0x1d: {  	s5 =	simm.s32 @p1 $0x1;
	p0 =	seq.s32 s7, s2  }
0x1e: {  	s7 =	smul.u32 @!p0 $0xF7A, s2;
	p2 =	seq.s32 @!p0 s5, $0x0  }
0x1f: {  	s9 =	smul.u32 $0xF7A, s1;
	s8 =	simm.s32 @!p0 $0x1BF5;
	p2 =	por !p2, p0  }
0x20: {  	[sflag:s8] =	ssyncset.s32 @!p0 $0xFFFFF086;
	s6 =	sadd.s32 @!p0 s3, s7;
	s7 =	simm.s32 @!p0 $0x108  }
0x21: {  	s3 =	sadd.s32 s3, s9;
	s6 =	sadd.s32 @!p0 $0x88, s6;
	s7 =	simm.s32 @p2 $0x1082  }
0x22: {  	[simem:s7], [sflag:s8] =	dma.local @!p0 [hbm:s6], $0xF7A  }
0x23: {  	s9 =	sor.u32 $0xD0000000, s2;
	s6 =	simm.s32 $0x108;
	_ =	swait.ge @!p0 [sflag:s8], $0x0  }
0x24: {  	s3 =	sadd.s32 $0x88, s3;
	s6 =	simm.s32 @!p1 $0x1082;
	[sflag:s4] =	ssyncset.s32 $0xFFFFF086  }
0x25: {  	[simem:s6], [sflag:s4] =	dma.local [hbm:s3], $0xF7A  }
0x26: {  	[smem:$0x3F9C] =	sst s1;
	(tag) =	ssettag s2;
	_ =	strace s9  }
0x27: {  	s1 =	sld [smem:$0x3FAC]  }
0x28: {  	s2 =	sld [smem:$0x3FAD]  }
0x29: {  	s4 =	sld [smem:$0x3FAF]  }
0x2a: {  	p0 =	seq.s32 s5, $0x0;
	s5 =	sld [smem:$0x3FB0]  }
0x2b: {  	s6 =	sld [smem:$0x3FB1]  }
0x2c: {  	s7 =	sld [smem:$0x3FB2]  }
0x2d: {  	s3 =	simm.s32 $0x108;
	s8 =	sld [smem:$0x3FB3]  }
0x2e: {  	s3 =	simm.s32 @!p0 $0x1082;
	s9 =	sld [smem:$0x3FB4]  }
0x2f: {  	lr =	sadd.s32 s0, s3;
	s0 =	sld [smem:$0x3FAB]  }
0x30: {  	s3 =	sld [smem:$0x3FAE]  }
0x31: {  	[smem:$0x3FB7] =	sst s10  }
0x32: {  	s10 =	sld [smem:$0x3FB5];
	_ =	sdelay $0x3  }
0x33: {  	p0 =	seq.s32 s10, $0x1;
	s10 =	sld [smem:$0x3FB7];
	_ =	sdelay $0x3  }
0x34: {  	[smem:$0x3FB7] =	sst s10  }
0x35: {  	s10 =	sld [smem:$0x3FB6];
	_ =	sdelay $0x3  }
0x36: {  	p1 =	seq.s32 s10, $0x1;
	s10 =	sld [smem:$0x3FB7];
	_ =	sdelay $0x3  }
0x37: {  	[smem:$0x3FB7] =	sst s10  }
0x38: {  	s10 =	sld [smem:$0x3FB8]  }
0x39: {  	_ = 	snop;
	(pc) =	sbr.ind lr, $3  }
0x3a: {  	_ = 	snop  }
0x3b: {  	_ = 	snop  }
0x3c: {  	p2 =	seq.s32 s10, $0x1;
	s10 =	sld [smem:$0x3FB7]  }
0x3d: {  	_ =	shalt  }
0x3e: {  	_ =	shalt  }
0x3f: {  	_ =	shalt  }
0x40: {  	_ =	shalt  }
0x41: {  	_ =	shalt  }
0x42: {  	_ =	shalt  }
0x43: {  	_ =	shalt  }
0x44: {  	_ =	shalt  }
0x45: {  	_ =	shalt  }
0x46: {  	_ =	shalt  }
0x47: {  	_ =	shalt  }
0x48: {  	_ =	shalt  }
0x49: {  	_ =	shalt  }
0x4a: {  	_ =	shalt  }
0x4b: {  	_ =	shalt  }
0x4c: {  	_ =	shalt  }
0x4d: {  	_ =	shalt  }
0x4e: {  	_ =	shalt  }
0x4f: {  	_ =	shalt  }
0x50: {  	_ =	shalt  }
0x51: {  	_ =	shalt  }
0x52: {  	_ =	shalt  }
0x53: {  	_ =	shalt  }
0x54: {  	_ =	shalt  }
0x55: {  	_ =	shalt  }
0x56: {  	_ =	shalt  }
0x57: {  	_ =	shalt  }
0x58: {  	_ =	shalt  }
0x59: {  	_ =	shalt  }
0x5a: {  	_ =	shalt  }
0x5b: {  	_ =	shalt  }
0x5c: {  	_ =	shalt  }
0x5d: {  	_ =	shalt  }
0x5e: {  	_ =	shalt  }
0x5f: {  	_ =	shalt  }
0x60: {  	_ =	shalt  }
0x61: {  	_ =	shalt  }
0x62: {  	_ =	shalt  }
0x63: {  	_ =	shalt  }
0x64: {  	_ =	shalt  }
0x65: {  	_ =	shalt  }
0x66: {  	_ =	shalt  }
0x67: {  	_ =	shalt  }
0x68: {  	_ =	shalt  }
0x69: {  	_ =	shalt  }
0x6a: {  	_ =	shalt  }
0x6b: {  	_ =	shalt  }
0x6c: {  	_ =	shalt  }
0x6d: {  	_ =	shalt  }
0x6e: {  	_ =	shalt  }
0x6f: {  	_ =	shalt  }
0x70: {  	_ =	shalt  }
0x71: {  	_ =	shalt  }
0x72: {  	_ =	shalt  }
0x73: {  	_ =	shalt  }
0x74: {  	_ =	shalt  }
0x75: {  	_ =	shalt  }
0x76: {  	_ =	shalt  }
0x77: {  	_ =	shalt  }
0x78: {  	_ =	shalt  }
0x79: {  	_ =	shalt  }
0x7a: {  	_ =	shalt  }
0x7b: {  	_ =	shalt  }
0x7c: {  	_ =	shalt  }
0x7d: {  	_ =	shalt  }
0x7e: {  	_ =	shalt  }
0x7f: {  	_ =	shalt  }
0x80: {  	_ =	shalt  }
0x81: {  	_ =	shalt  }
0x82: {  	_ =	shalt  }
0x83: {  	_ =	shalt  }
0x84: {  	_ =	shalt  }
0x85: {  	_ =	shalt  }
0x86: {  	_ =	shalt  }
0x87: {  	_ =	shalt  }
.Lfunc_end0:
.L_simem_size_0:
called_computation.3_lowered:
.L_overlay_start_0:
0x88: {  	s2 =	sld [smem:$0x3FD9]  }
0x89: {  	s3 =	sld [smem:$0x3FFE];
	_ =	sdelay $0x1  }
0x8a: {  	s1 =	srdreg.scid  }
0x8b: {  	s0 =	sand.u32 $0x1, s1  }
0x8c: {  	s17 =	sshll.u32 s0, $0xA;
	s2 =	sadd.s32 s3, s2  }
0x8d: {  	s2 =	sadd.s32 s2, s17  }
0x8e: {  	[smem:$0x3FC3] =	sst s2  }
0x8f: {  	_ = 	snop  }
0x90: {  	s2 =	sld [smem:$0x3FD0];
	(tm) =	ssettm $0x1  }
0x91: {  	s18 =	sld [smem:$0x3FFB];
	_ =	sdelay $0x3  }
0x92: {  	_ =	strace s18  }
0x93: {  	s3 =	sld [smem:$0x3FFC];
	_ =	sdelay $0x3  }
0x94: {  	_ =	strace s3  }
0x95: {  	s3 =	sld [smem:$0x3FFD];
	_ =	sdelay $0x3  }
0x96: {  	_ =	strace s3  }
0x97: {  	_ =	strace $0x8FFFFFFF  }
0x98: {  	s19 =	sld [smem:$0x3FDB];
	_ =	sdelay $0x1  }
0x99: {  	s4 =	simm.s32 $_scs_section_size  }
0x9a: {  	s5 =	simm.s32 $_size__tile_overlayer_lowered;
	s6 =	simm.s32 $_tile_overlayer_lowered  }
0x9b: {  	s22 =	simm.s32 $0x1BFF;
	s21 =	sshll.u32 s6, $0x1;
	s3 =	sadd.s32 s4, s19  }
0x9c: {  	s7 =	simm.s32 $0x0;
	s20 =	sshll.u32 s5, $0x1;
	s5 =	sadd.s32 s21, s3  }
0x9d: {  	[timem:s7], [sflag:s22] =	dma.local [hbm:s5], s20  }
0x9e: {  	_ =	swait.ge [sflag:s22], s20  }
0x9f: {  	s4 =	ssub.s32 $0x0, s20;
	[sflag:s22] =	ssyncset.done $0x0  }
0xa0: {  	[sflag:s22] =	ssyncadd.s32 s4;
	_ =	sdelay $0x1  }
0xa1: {  	s23 =	simm.s32 $0x1B8B  }
0xa2: {  	_ =	swait.ge [sflag:s23], $0x1  }
0xa3: {  	[sflag:s23] =	ssyncset.done $0x0  }
0xa4: {  	s25 =	simm.s32 $0x1B8E;
	s24 =	sld [smem:$0x3FFE];
	[sflag:s23] =	ssyncadd.s32 $0xFFFFFFFF  }
0xa5: {  	s26 =	simm.s32 $execute0_lowered;
	[smem:$0x3FD2] =	sst s25  }
0xa6: {  	s5 =	sshll.u32 s26, $0x1;
	_ =	strace $0x80000046;
	[dreg:$0x1] =	wrdreg $0xFFFFFFFF  }
0xa7: {  	s28 =	simm.s32 $_size_execute0_lowered;
	s3 =	sadd.s32 s3, s5;
	[dreg:$0x0] =	wrdreg $0x0  }
0xa8: {  	s5 =	sshll.u32 s28, $0x1;
	[dreg:$0x2] =	wrdreg s3  }
0xa9: {  	[dreg:$0x3] =	wrdreg s5  }
0xaa: {  	[dreg:$0x4] =	wrdreg $0xC0  }
0xab: {  	_ =	task [dreg:s7], $0x5FFFF  }
0xac: {  	[dreg:$0x1] =	wrdreg $0xFFFFFFFF  }
0xad: {  	[dreg:$0x0] =	wrdreg $0x60  }
0xae: {  	[dreg:$0x2] =	wrdreg s2  }
0xaf: {  	[dreg:$0x3] =	wrdreg s24  }
0xb0: {  	[dreg:$0x4] =	wrdreg $0xC  }
0xb1: {  	_ =	task.clear_ibuf [dreg:s7], $0x5FFFF;
	_ =	strace $0x90000046  }
0xb2: {  	s29 =	simm.s32 $0xC;
	_ =	strace $0x80000048  }
0xb3: {  	_ =	swait.ge [sflag:s29], $0x1  }
0xb4: {  	[sflag:s29] =	ssyncadd.s32 $0xFFFFFFFF  }
0xb5: {  	_ =	strace $0x90000048  }
0xb6: {  	_ =	sfence  }
0xb7: {  	s30 =	sld [smem:$0x0];
	_ =	sdelay $0x2  }
0xb8: {  	s31 =	sshll.u32 s1, $0xD;
	s1 =	sshrl.u32 s1, $0x2  }
0xb9: {  	s3 =	sand.u32 $0x4000, s31;
	s1 =	sadd.s32 s1, s30  }
0xba: {  	s0 =	sor.u32 s3, s0;
	s1 =	sshll.u32 s1, $0x11  }
0xbb: {  	s0 =	sor.u32 s1, s0  }
0xbc: {  	s0 =	sadd.s32 $0x8F2B, s0  }
0xbd: {  	[sflag:s0] =	ssyncadd.remote.s32 $0x1  }
0xbe: {  	_ =	sfence.sel $0xFFFF  }
0xbf: {  	[dreg:$0x0] =	wrdreg $0xFFFFFFFF;
	(pc) =	sbr.abs _section_cstart, $3  }
0xc0: {  	[dreg:$0x1] =	wrdreg $0xFFFFFFFF  }
0xc1: {  	_ =	task.clear_ibuf [dreg:s7], $0x2FFFF;
	_ =	strace $0x9FFFFFFF  }
0xc2: {  	(tm) =	ssettm $0x7FFFFFFF  }
0xc3: {  	_ =	shalt  }
tec
execute0_lowered:
.L_overlay_start_1:
0x0: {  	(tag) =	ssettag $0x1  }
0x1: {  	s3 =	rddreg [dreg:$0x0]  }
0x2: {  	s4 =	rddreg [dreg:$0x1]  }
0x3: {  	s0 =	rddreg [dreg:$0x2];
	s5 =	srdreg.scid  }
0x4: {  	s1 =	stileid.u32;
	s2 =	simm.s32 $0x0;
	s9 =	simm.s32 $0x2400  }
0x5: {  	s10 =	simm.s32 $0x0;
	s5 =	sand.u32 $0x1, s5;
	s6 =	sshll.u32 s1, $0x1  }
0x6: {  	[smem:$0x7FF] =	sst s2;
	s6 =	sor.u32 s5, s6;
	s5 =	ssub.s32 $0x2, s5  }
0x7: {  	_ =	strace $0x80000047;
	s7 =	sshll.u32 s6, $0x7;
	s31 =	sshrl.u32 s5, $0x1  }
0x8: {  	s6 =	sshll.u32 s6, $0xA;
	s7 =	sadd.s32 s7, s4;
	s8 =	ssub.s32 s5, s31  }
0x9: {  	s3 =	sadd.s32 s3, s6;
	s4 =	sadd.s32 $0x3200, s7;
	s5 =	sadd.s32 $0x4200, s7  }
0xa: {  	s6 =	smax.u32 s8, $0x1;
	s7 =	simm.s32 $0x1;
	s8 =	simm.s32 $0x2000  }
.LBB2_1:
0xb: {  	[tilespmem:s2], [sflag:$0x1] =	stream.linear.gather [hbm4b:s3+s2], $0x2000, $0x38;
	[tilespmem:$0x2800] =	vst v63  }
0xc: {  	_ =	swait.ge [sflag:s7], $0x2000  }
0xd: {  	[sflag:s7] =	ssyncset.done $0x0  }
0xe: {  	s11 =	simm.s32 $0x100;
	s12 =	simm.s32 $0x0;
	[sflag:s7] =	ssyncadd.s32 $0xFFFFE000  }
.LBB2_2:
0xf: {  	v0 =	vld [tilespmem:s11+$0xFFFFFF00];
	_ =	sdelay $0x2  }
0x10: {  	v2 =	vld [tilespmem:s11+$0xFFFFFF80]  }
0x11: {  	v3 =	vimm.f32 $-Inf  }
0x12: {  	vm0 =	vgt.f32 v0, v3  }
0x13: {  	v4 =	vimm.s32 $0x0;
	s13 =	simm.s32 $0x0;
	v1 =	vsel vm0, v3, v0  }
0x14: {  	v5 =	vsel vm0, s13, v4;
	v7 =	vnsel vm0, s13, v4;
	v8 =	vsel vm0, v0, v3  }
0x15: {  	v6 =	vsel vm0, v1, v3;
	v1 =	vld [tilespmem:s11+$0x0];
	v3 =	vsel vm0, v7, v4;
	vm0 =	vgt.f32 v2, v8  }
0x16: {  	s31 =	simm.s32 $0x1;
	vm1 =	vgt.f32 v2, v6;
	v7 =	vsel vm0, v2, v8  }
0x17: {  	v10 =	vnsel vm0, s31, v5;
	v11 =	vsel vm0, s31, v5;
	v9 =	vsel vm1, v6, v2  }
0x18: {  	v0 =	vld [tilespmem:s11+$0x80];
	v4 =	vnsel vm1, s31, v3;
	v2 =	vsel vm0, v8, v2;
	v8 =	vsel vm1, v10, v3  }
0x19: {  	v10 =	vsel vm1, v2, v6;
	v9 =	vsel vm1, v9, v6;
	v5 =	vsel vm1, v4, v3  }
0x1a: {  	s14 =	simm.s32 $0x2;
	vm3 =	vgt.f32 v1, v7;
	vm4 =	vgt.f32 v1, v10;
	vm2 =	vgt.f32 v1, v9  }
0x1b: {  	v2 =	vsel vm3, s14, v11;
	v6 =	vsel vm3, v7, v1;
	v13 =	vsel vm3, v1, v7  }
0x1c: {  	v7 =	vsel vm4, v10, v1;
	v14 =	vsel vm2, v9, v1;
	v15 =	vnsel vm4, s14, v8  }
0x1d: {  	v11 =	vnsel vm3, s14, v11;
	vm0 =	vgt.f32 v0, v13;
	v17 =	vsel vm4, v6, v10  }
0x1e: {  	v6 =	vsel vm4, v11, v8;
	v8 =	vnsel vm2, s14, v5;
	v7 =	vsel vm2, v7, v9  }
0x1f: {  	v20 =	vsel vm2, v14, v9;
	vm3 =	vgt.f32 v0, v17;
	v12 =	vsel vm2, v8, v5  }
0x20: {  	s17 =	simm.s32 $0x3;
	v8 =	vsel vm2, v15, v5;
	vm5 =	vgt.f32 v0, v7;
	vm4 =	vgt.f32 v0, v20  }
0x21: {  	v15 =	vsel vm0, v0, v13;
	v19 =	vnsel vm0, s17, v2;
	v10 =	vsel vm3, v17, v0  }
0x22: {  	v11 =	vnsel vm3, s17, v6;
	v14 =	vnsel vm5, s17, v8;
	v18 =	vsel vm5, v7, v0  }
0x23: {  	v25 =	vsel vm4, v20, v0;
	v24 =	vsel vm4, v20, v0;
	v10 =	vsel vm5, v10, v7  }
0x24: {  	v7 =	vsel vm5, v11, v8;
	v11 =	vsel vm0, v13, v0;
	v8 =	vnsel vm4, s17, v12  }
0x25: {  	v26 =	vmovc v20;
	v23 =	vsel vm4, v24, v20;
	v21 =	vsel vm4, v18, v20;
	v22 =	vsel vm3, v11, v17  }
0x26: {  	s15 =	simm.s32 $0x4;
	s16 =	sadd.s32 $0x200, s11;
	s13 =	sshll.u32 s12, $0x4;
	v16 =	vnsel vm4, s17, v12;
	v11 =	vsel vm4, v14, v12;
	v14 =	vsel vm4, v8, v12;
	v17 =	vmovc v12;
	v18 =	vmovc v9  }
.LBB2_3:
0x27: {  	v13 =	vld [tilespmem:s16+$0xFFFFFF00];
	p0 =	sne.s32 s15, $0x3C;
	v9 =	vsel vm2, v9, v1;
	vm5 =	vgt.f32 v0, v20;
	v6 =	vsel vm3, v19, v6;
	s18 =	smov.u32 s15;
	s15 =	sadd.s32 $0x4, s15  }
0x28: {  	v19 =	vsel vm5, v25, v20;
	v20 =	vsel vm5, v20, v0;
	v25 =	vnsel vm5, s17, v12  }
0x29: {  	v16 =	vsel vm5, v16, v12;
	v12 =	vsel vm4, v20, v26;
	v17 =	vsel vm4, v25, v17  }
0x2a: {  	v3 =	vsel vm1, v4, v3;
	vm1 =	vgt.f32 v1, v18;
	v1 =	vnsel vm2, s14, v5  }
0x2b: {  	v2 =	vsel vm0, s17, v2;
	v3 =	vsel vm1, v1, v3;
	v5 =	vld [tilespmem:s16+$0xFFFFFF80]  }
0x2c: {  	v1 =	vsel vm1, v9, v18;
	vm6 =	vgt.f32 v13, v15;
	vm5 =	vgt.f32 v13, v22  }
0x2d: {  	vm3 =	vgt.f32 v0, v1;
	vm4 =	vgt.f32 v13, v21;
	v4 =	vsel vm6, v15, v13  }
0x2e: {  	v18 =	vsel vm3, v24, v1;
	vm0 =	vgt.f32 v13, v10;
	v0 =	vsel vm4, v21, v13  }
0x2f: {  	vm7 =	vgt.f32 v13, v23;
	v9 =	vsel vm6, s18, v2;
	v1 =	vnsel vm4, s18, v11  }
0x30: {  	vm1 =	vgt.f32 v13, v12;
	v4 =	vsel vm5, v4, v22;
	v20 =	vsel vm7, v0, v23  }
0x31: {  	v24 =	vnsel vm7, s18, v14;
	v0 =	vnsel vm5, s18, v6;
	vm2 =	vgt.f32 v5, v20  }
0x32: {  	s17 =	sadd.s32 $0x1, s18;
	v25 =	vnsel vm1, s18, v17;
	v23 =	vsel vm7, v23, v13;
	v26 =	vsel vm2, v20, v5  }
0x33: {  	v15 =	vsel vm6, v13, v15;
	v27 =	vsel vm0, v10, v13;
	vm8 =	vgt.f32 v5, v4  }
0x34: {  	v3 =	vsel vm3, v8, v3;
	v14 =	vsel vm7, v1, v14;
	v28 =	vsel vm8, v4, v5;
	v1 =	vld [tilespmem:s16+$0x0]  }
0x35: {  	v8 =	vsel vm5, v22, v13;
	v22 =	vnsel vm0, s18, v7;
	vm9 =	vgt.f32 v5, v15  }
0x36: {  	vm3 =	vgt.f32 v13, v19;
	v2 =	vnsel vm6, s18, v2;
	v7 =	vsel vm0, v0, v7;
	v0 =	vld [tilespmem:s16+$0x80]  }
0x37: {  	v2 =	vsel vm5, v2, v6;
	v21 =	vsel vm4, v27, v21;
	v6 =	vsel vm3, v23, v19  }
0x38: {  	v11 =	vsel vm4, v22, v11;
	v22 =	vsel vm9, v5, v15;
	v23 =	vnsel vm8, s17, v2  }
0x39: {  	vm7 =	vgt.f32 v5, v21;
	vm4 =	vgt.f32 v5, v6;
	v27 =	vsel vm9, s17, v9  }
0x3a: {  	vm5 =	vgt.f32 v13, v18;
	v19 =	vsel vm3, v19, v13;
	v9 =	vnsel vm9, s17, v9  }
0x3b: {  	v8 =	vsel vm0, v8, v10;
	v10 =	vsel vm9, v15, v5;
	v15 =	vsel vm8, v9, v2  }
0x3c: {  	s14 =	sadd.s32 $0x2, s18;
	v24 =	vsel vm3, v24, v16;
	v4 =	vsel vm8, v10, v4;
	vm10 =	vgt.f32 v1, v22  }
0x3d: {  	v9 =	vsel vm7, v21, v5;
	v26 =	vsel vm4, v26, v6;
	v2 =	vsel vm10, s14, v27  }
0x3e: {  	v10 =	vsel vm1, v19, v12;
	v19 =	vsel vm2, v9, v20;
	v20 =	vsel vm10, v22, v1  }
0x3f: {  	vm9 =	vgt.f32 v5, v8;
	v6 =	vsel vm4, v6, v5;
	vm6 =	vgt.f32 v1, v19  }
0x40: {  	vm8 =	vgt.f32 v5, v10;
	vm11 =	vgt.f32 v1, v4;
	v22 =	vsel vm10, v1, v22  }
0x41: {  	v29 =	vsel vm11, v4, v1;
	v30 =	vsel vm6, v19, v1;
	vm0 =	vgt.f32 v0, v22  }
0x42: {  	v28 =	vsel vm9, v28, v8;
	v9 =	vsel vm8, v6, v10;
	v31 =	vnsel vm11, s14, v15  }
0x43: {  	v32 =	vnsel vm2, s17, v14;
	v23 =	vsel vm9, v23, v7;
	v6 =	vnsel vm10, s14, v27  }
0x44: {  	v27 =	vnsel vm7, s17, v11;
	v33 =	vsel vm11, v20, v4;
	v6 =	vsel vm11, v6, v15  }
0x45: {  	v4 =	vnsel vm9, s17, v7;
	v7 =	vsel vm2, v27, v14;
	v14 =	vnsel vm4, s17, v24  }
0x46: {  	v10 =	vsel vm8, v10, v5;
	v15 =	vnsel vm3, s18, v16;
	vm3 =	vgt.f32 v0, v33  }
0x47: {  	v8 =	vsel vm9, v8, v5;
	v15 =	vsel vm1, v15, v17;
	v16 =	vsel vm3, v33, v0  }
0x48: {  	v8 =	vsel vm7, v8, v21;
	v11 =	vsel vm7, v4, v11;
	v17 =	vnsel vm6, s14, v7  }
0x49: {  	v12 =	vsel vm1, v12, v13;
	vm9 =	vgt.f32 v1, v28;
	v4 =	vnsel vm8, s17, v15  }
0x4a: {  	v3 =	vsel vm5, v25, v3;
	vm7 =	vgt.f32 v1, v8;
	v13 =	vnsel vm9, s14, v23  }
0x4b: {  	v12 =	vsel vm5, v12, v18;
	v13 =	vsel vm7, v13, v11;
	v11 =	vnsel vm7, s14, v11  }
0x4c: {  	vm1 =	vgt.f32 v5, v12;
	v20 =	vsel vm7, v8, v1;
	v21 =	vsel vm6, v11, v7  }
0x4d: {  	v5 =	vsel vm8, v14, v15;
	v18 =	vsel vm1, v10, v12;
	s17 =	sadd.s32 $0x3, s18;
	v7 =	vsel vm9, v31, v23  }
0x4e: {  	vm2 =	vgt.f32 v1, v9;
	v11 =	vsel vm9, v29, v28;
	v14 =	vnsel vm3, s17, v6  }
0x4f: {  	vm5 =	vgt.f32 v1, v26;
	v23 =	vsel vm6, v20, v19;
	vm6 =	vgt.f32 v0, v11  }
0x50: {  	v20 =	vsel vm5, v30, v26;
	v10 =	vsel vm6, v16, v11;
	v27 =	vnsel vm6, s17, v7  }
0x51: {  	v24 =	vsel vm4, v32, v24;
	v19 =	vsel vm9, v28, v1;
	v26 =	vsel vm5, v26, v1  }
0x52: {  	v12 =	vsel vm5, v17, v24;
	vm8 =	vgt.f32 v0, v23;
	v28 =	vsel vm6, v11, v0  }
0x53: {  	v15 =	vsel vm0, v0, v22;
	v25 =	vsel vm8, v23, v0;
	v16 =	vnsel vm8, s17, v21  }
0x54: {  	v8 =	vsel vm7, v19, v8;
	v26 =	vsel vm2, v26, v9;
	v7 =	vsel vm6, v14, v7  }
.Ltmp0:
0x55: {  	v19 =	vnsel vm0, s17, v2;
	vm6 =	vgt.f32 v0, v8;
	vm4 =	vgt.f32 v0, v26;
	(pc) =	sbr.rel @p0 .LBB2_3-.Ltmp0, $4  }
0x56: {  	v11 =	vsel vm0, v22, v0;
	v14 =	vsel vm6, v8, v0;
	v29 =	vnsel vm6, s17, v13  }
0x57: {  	v17 =	vnsel vm5, s14, v24;
	v22 =	vsel vm3, v11, v33;
	v23 =	vsel vm8, v14, v23  }
0x58: {  	v17 =	vsel vm2, v17, v5;
	v11 =	vsel vm6, v27, v13;
	v14 =	vsel vm8, v29, v21  }
0x59: {  	s16 =	sadd.s32 $0x200, s16;
	v24 =	vsel vm4, v26, v0;
	v21 =	vsel vm6, v28, v8;
	v8 =	vnsel vm4, s17, v17  }
0x5a: {  	v13 =	vsub.f32 v15, v15  }
0x5b: {  	v22 =	vsub.f32 v22, v15  }
0x5c: {  	v13 =	vmul.f32 $1.442695020e+00, v13  }
0x5d: {  	v10 =	vsub.f32 v10, v15;
	v22 =	vmul.f32 $1.442695020e+00, v22  }
0x5e: {  	(erf) = vpow2.f32 v13  }
0x5f: {  	v32 =	vsub.f32 v21, v15;
	v10 =	vmul.f32 $1.442695020e+00, v10;
	(erf) = vpow2.f32 v22  }
0x60: {  	v9 =	vsel vm2, v9, v1;
	vm6 =	vgt.f32 v0, v20;
	vm5 =	vgt.f32 v1, v18  }
0x61: {  	v34 =	vsub.f32 v23, v15;
	v33 =	vmul.f32 $1.442695020e+00, v32;
	(erf) = vpow2.f32 v10  }
0x62: {  	v35 =	vsel vm6, v25, v20;
	v36 =	vsel vm6, v20, v0;
	v9 =	vsel vm5, v9, v18  }
0x63: {  	v37 =	vmul.f32 $1.442695020e+00, v34;
	v38 =	vsub.f32 v35, v15;
	(erf) = vpow2.f32 v33  }
0x64: {  	v39 =	vsel vm4, v36, v26;
	vm7 =	vgt.f32 v0, v9  }
0x65: {  	v41 =	vsub.f32 v39, v15;
	v40 =	vmul.f32 $1.442695020e+00, v38;
	(erf) = vpow2.f32 v37  }
0x66: {  	v9 =	vsel vm7, v24, v9  }
0x67: {  	v44 =	vsub.f32 v9, v15;
	v43 =	vmul.f32 $1.442695020e+00, v41;
	v42 =	vpop (erf);
	(erf) = vpow2.f32 v40  }
0x68: {  	v45 =	vpop (erf)  }
0x69: {  	v46 =	vmul.f32 $1.442695020e+00, v44;
	(erf) = vpow2.f32 v43;
	v47 =	vadd.f32 v45, v42  }
0x6a: {  	v48 =	vpop (erf)  }
0x6b: {  	(erf) = vpow2.f32 v46;
	v49 =	vadd.f32 v48, v47  }
0x6c: {  	v50 =	vpop (erf)  }
0x6d: {  	v0 =	vadd.f32 v50, v49  }
0x6e: {  	v51 =	vpop (erf)  }
0x6f: {  	v0 =	vadd.f32 v51, v0  }
0x70: {  	v52 =	vpop (erf)  }
0x71: {  	v0 =	vadd.f32 v52, v0  }
0x72: {  	v53 =	vpop (erf)  }
0x73: {  	v0 =	vadd.f32 v53, v0  }
0x74: {  	v54 =	vpop (erf)  }
0x75: {  	v0 =	vadd.f32 v54, v0;
	_ =	sdelay $0x1  }
0x76: {  	(erf) = vrcp.f32 v0;
	_ =	sdelay $0x4  }
0x77: {  	[tilespmem:s13+$0x2500] =	vst v7  }
0x78: {  	[tilespmem:s13+$0x2580] =	vst v11  }
0x79: {  	v2 =	vsel vm0, s17, v2;
	[tilespmem:s13+$0x2600] =	vst v14  }
0x7a: {  	v55 =	vsel vm3, v19, v6;
	[tilespmem:s13+$0x2400] =	vst v2  }
0x7b: {  	[tilespmem:s13+$0x2480] =	vst v55;
	v59 =	vnsel vm6, s17, v12;
	v60 =	vsel vm6, v16, v12;
	v0 =	vpop (erf)  }
0x7c: {  	v2 =	vsel vm4, v59, v17;
	[tilespmem:s13+$0x2680] =	vst v60;
	v10 =	vmul.f32 v0, v42  }
0x7d: {  	[tilespmem:s13+$0x2700] =	vst v2;
	v9 =	vmul.f32 v0, v45  }
0x7e: {  	v56 =	vmul.f32 v0, v48;
	[tilespmem:s13+$0x2000] =	vst v10  }
0x7f: {  	v1 =	vmul.f32 v0, v50;
	[tilespmem:s13+$0x2080] =	vst v9  }
0x80: {  	s12 =	sadd.s32 $0x1, s12;
	v57 =	vmul.f32 v0, v51;
	[tilespmem:s13+$0x2100] =	vst v56  }
0x81: {  	p0 =	sne.s32 s12, $0x8;
	v58 =	vmul.f32 v0, v52;
	[tilespmem:s13+$0x2180] =	vst v1  }
.Ltmp1:
0x82: {  	v61 =	vmul.f32 v0, v53;
	[tilespmem:s13+$0x2200] =	vst v57;
	(pc) =	sbr.rel @p0 .LBB2_2-.Ltmp1, $4  }
0x83: {  	v3 =	vsel vm1, v4, v3;
	v62 =	vnsel vm2, s14, v5;
	v0 =	vmul.f32 v0, v54;
	[tilespmem:s13+$0x2280] =	vst v58  }
0x84: {  	v63 =	vsel vm5, v62, v3;
	[tilespmem:s13+$0x2300] =	vst v61  }
0x85: {  	v1 =	vsel vm7, v8, v63;
	[tilespmem:s13+$0x2380] =	vst v0  }
0x86: {  	s11 =	sadd.s32 $0x10, s11;
	[tilespmem:s13+$0x2780] =	vst v1  }
0x87: {  	[hbm4b:s4+s2] =	stream.linear.scatter [tilespmem:s8], [sflag:$0x1], $0x400, $0x38;
	[tilespmem:$0x2800] =	vst v63  }
0x88: {  	s10 =	sadd.s32 $0x1, s10;
	_ =	swait.ge [sflag:s7], $0x400  }
0x89: {  	p0 =	sne.s32 s10, s6;
	[sflag:s7] =	ssyncset.done $0x0  }
.Ltmp2:
0x8a: {  	[sflag:s7] =	ssyncadd.s32 $0xFFFFFC00;
	(pc) =	sbr.rel @p0 .LBB2_1-.Ltmp2, $4  }
0x8b: {  	[hbm4b:s5+s2] =	stream.linear.scatter [tilespmem:s9], [sflag:$0x1], $0x400, $0x38;
	[tilespmem:$0x2800] =	vst v63  }
0x8c: {  	_ =	swait.ge [sflag:s7], $0x400  }
0x8d: {  	[sflag:s7] =	ssyncset.done $0x0  }
0x8e: {  	[sflag:s7] =	ssyncadd.s32 $0xFFFFFC00  }
0x8f: {  	_ =	sfence.sel $0x180000  }
0x90: {  	[bflag:$0x0] =	sbarrier.arrive $0xFFFF  }
0x91: {  	p0 =	sne.s32 s1, $0x0;
	_ =	strace $0x90000047  }
0x92: {  	s0 =	sadd.s32 @!p0 $0x100000, s0;
	[bflag:$0x2] =	sbarrier.arrive $0xFFFF  }
0x93: {  	[sflag:s0] =	ssyncadd.tile.s32 @!p0 $0x1;
	_ =	shalt  }
.Lfunc_end2:
_tile_overlayer_lowered:
.L_overlay_start_2:
0x94: {  	(tag) =	ssettag $0x2  }
0x95: {  	s0 =	rddreg [dreg:$0x0];
	s2 =	stileid.u32  }
0x96: {  	s1 =	rddreg [dreg:$0x1];
	p0 =	sne.s32 s2, $0x0  }
0x97: {  	s3 =	rddreg [dreg:$0x2];
	[bflag:$0x3] =	sbarrier.arrive $0xFFFF;
	s2 =	simm.s32 @!p0 $0x1C01  }
0x98: {  	[timem:s3], [sflag:s2] =	dma.local @!p0 [hbm:s0], s1  }
0x99: {  	s0 =	simm.s32 @!p0 $0x1  }
0x9a: {  	_ =	swait.ge @!p0 [sflag:s0], s1  }
0x9b: {  	s1 =	ssub.s32 @!p0 $0x0, s1;
	[sflag:s0] =	ssyncset.done @!p0 $0x0  }
0x9c: {  	[sflag:s0] =	ssyncadd.s32 @!p0 s1  }
0x9d: {  	[bflag:$0x3] =	sbarrier.arrive $0xFFFF  }
0x9e: {  	_ =	shalt  }

</sc_bundles>
